<compile_context>
chip_gen: v7x
topology: tpu7x:2x2x1
jax: 0.10.2.dev20260603
libtpu: 0.0.44.dev20260713+nightly
codegen_flags: <defaults>
</compile_context>

<pallas_src>
import functools

import jax
import jax.numpy as jnp
from jax import lax
from jax.experimental import pallas as pl
from jax.experimental.pallas import tpu as pltpu
from jax.experimental.pallas import tpu_sc as plsc

EMBED = 128
MAX_POS = 4096
TYPE_VOCAB = 2

NC, NS, LANES = 2, 16, 16
NW = NC * NS
CH = 128
ROW_UNROLL = 4
TBLK = 4096


def _combined_body(pos_ref, type_ref, out_ref):
    i = pl.program_id(0)
    t = i // (MAX_POS // TBLK)
    rows = type_ref[...]
    row = jnp.where(t == 0, rows[0:1, :], rows[1:2, :])
    out_ref[...] = pos_ref[...] + row


def _build_combined(pos_emb, type_emb):
    k = MAX_POS // TBLK
    return pl.pallas_call(
        _combined_body,
        grid=(TYPE_VOCAB * k,),
        in_specs=[
            pl.BlockSpec((TBLK, EMBED), lambda i: (i % k, 0)),
            pl.BlockSpec((TYPE_VOCAB, EMBED), lambda i: (0, 0)),
        ],
        out_specs=pl.BlockSpec((TBLK, EMBED), lambda i: (i, 0)),
        out_shape=jax.ShapeDtypeStruct((TYPE_VOCAB * MAX_POS, EMBED), jnp.float32),
    )(pos_emb, type_emb)


def _gather_sum(word_emb, comb_table, word_ids, pos_ids, type_ids):
    B, S = word_ids.shape
    n = B * S
    b_per_w = n // NW
    n_chunks = b_per_w // CH
    w_per_row = S // b_per_w
    mesh = plsc.VectorSubcoreMesh(core_axis_name="c", subcore_axis_name="s")

    @functools.partial(
        pl.kernel,
        mesh=mesh,
        out_type=jax.ShapeDtypeStruct((n, EMBED), jnp.float32),
        scratch_types=[
            pltpu.VMEM((CH,), jnp.int32),
            pltpu.VMEM((CH,), jnp.int32),
            pltpu.VMEM((CH,), jnp.int32),
            pltpu.VMEM((CH,), jnp.int32),
            pltpu.VMEM((CH,), jnp.int32),
            pltpu.VMEM((CH,), jnp.int32),
            pltpu.VMEM((CH, EMBED), jnp.float32),
            pltpu.VMEM((CH, EMBED), jnp.float32),
            pltpu.VMEM((CH, EMBED), jnp.float32),
            pltpu.VMEM((CH, EMBED), jnp.float32),
            pltpu.SemaphoreType.DMA,
            pltpu.SemaphoreType.DMA,
            pltpu.SemaphoreType.DMA,
            pltpu.SemaphoreType.DMA,
            pltpu.SemaphoreType.DMA,
            pltpu.SemaphoreType.DMA,
            pltpu.SemaphoreType.DMA,
            pltpu.SemaphoreType.DMA,
        ],
    )
    def k(word_hbm, comb_hbm, wid_hbm, pid_hbm, tid_hbm, out_hbm,
          wi0, wi1, pi0, pi1, ti0, ti1, a0, a1, b0, b1,
          si0, si1, ga0, ga1, gb0, gb1, so0, so1):
        wid = lax.axis_index("c") * NS + lax.axis_index("s")
        base = wid * b_per_w
        row = wid // w_per_row
        col0 = (wid % w_per_row) * b_per_w
        wi = (wi0, wi1)
        pi = (pi0, pi1)
        ti = (ti0, ti1)
        a = (a0, a1)
        b = (b0, b1)
        si = (si0, si1)
        ga = (ga0, ga1)
        gb = (gb0, gb1)
        so = (so0, so1)

        def start_ids(c):
            p = c % 2
            cols = pl.ds(col0 + c * CH, CH)
            return (
                pltpu.async_copy(wid_hbm.at[row, cols], wi[p], si[p]),
                pltpu.async_copy(pid_hbm.at[row, cols], pi[p], si[p]),
                pltpu.async_copy(tid_hbm.at[row, cols], ti[p], si[p]),
            )

        def combine_ids(c):
            p = c % 2
            pv, tv = pi[p], ti[p]
            for j in range(CH // LANES):
                s = pl.ds(j * LANES, LANES)
                pv[s] = tv[s] * MAX_POS + pv[s]

        def start_gathers(c):
            p = c % 2
            h = CH // 2
            lo, hi = pl.ds(0, h), pl.ds(h, h)
            return (
                pltpu.async_copy(word_hbm.at[wi[p].at[lo]], a[p].at[lo], ga[p]),
                pltpu.async_copy(word_hbm.at[wi[p].at[hi]], a[p].at[hi], ga[p]),
                pltpu.async_copy(comb_hbm.at[pi[p].at[lo]], b[p].at[lo], gb[p]),
                pltpu.async_copy(comb_hbm.at[pi[p].at[hi]], b[p].at[hi], gb[p]),
            )

        ids_pend = {0: start_ids(0)}
        for h in ids_pend.pop(0):
            h.wait()
        combine_ids(0)
        gat_pend = {0: start_gathers(0)}
        ids_pend[1] = start_ids(1)
        out_pend = {}

        for c in range(n_chunks):
            p = c % 2
            if c + 1 < n_chunks:
                for h in ids_pend.pop(c + 1):
                    h.wait()
                combine_ids(c + 1)
                if c - 1 >= 0:
                    out_pend.pop(c - 1).wait()
                gat_pend[c + 1] = start_gathers(c + 1)
            for h in gat_pend.pop(c):
                h.wait()
            if c + 2 < n_chunks:
                ids_pend[c + 2] = start_ids(c + 2)

            av, bv = a[p], b[p]

            @pl.loop(0, CH, step=ROW_UNROLL)
            def _(r):
                for rr in range(ROW_UNROLL):
                    for j in range(EMBED // LANES):
                        s = pl.ds(j * LANES, LANES)
                        plsc.addupdate(av.at[r + rr, s], bv[r + rr, s])

            out_pend[c] = pltpu.async_copy(
                av, out_hbm.at[pl.ds(base + c * CH, CH)], so[p])
        for c in sorted(out_pend):
            out_pend.pop(c).wait()

    return k(word_emb, comb_table, word_ids, pos_ids, type_ids)


def kernel(input_ids, token_type_ids, position_ids, word_emb, pos_emb, type_emb):
    B, S = input_ids.shape
    comb_table = _build_combined(pos_emb, type_emb)
    out = _gather_sum(word_emb, comb_table,
                      input_ids.astype(jnp.int32),
                      position_ids.astype(jnp.int32),
                      token_type_ids.astype(jnp.int32))
    return out.reshape(B, S, EMBED)

# --- scband reference (transcript-rebuilt; emitter-appended) ---
"""Pipeline reference for scband-my-electra-embeddings-84344567759396 (READ-ONLY COPY).

The authoritative reference and input builder live on the scoring server;
editing this copy changes nothing except your own understanding.
"""

import jax, jax.numpy as jnp
import numpy as np

VOCAB = 100000
EMBED = 128
MAX_POS = 4096
TYPE_VOCAB = 2
B, S = 4, 4096

def setup_inputs(seed: int = 0) -> dict:
    key = jax.random.key(seed)
    k1, k2, k3, k4, k5, k6 = jax.random.split(key, 6)
    input_ids = jax.random.randint(k1, (B, S), 0, VOCAB, dtype=jnp.int64 if jax.config.jax_enable_x64 else jnp.int32)
    token_type_ids = jax.random.randint(k2, (B, S), 0, TYPE_VOCAB, dtype=input_ids.dtype)
    position_ids = jax.random.randint(k3, (B, S), 0, MAX_POS, dtype=input_ids.dtype)
    word_emb = jax.random.normal(k4, (VOCAB, EMBED), dtype=jnp.float32) * 0.02
    pos_emb = jax.random.normal(k5, (MAX_POS, EMBED), dtype=jnp.float32) * 0.02
    type_emb = jax.random.normal(k6, (TYPE_VOCAB, EMBED), dtype=jnp.float32) * 0.02
    # padding_idx=0: zero out row 0 of word embeddings, matching nn.Embedding(padding_idx=0)
    word_emb = word_emb.at[0].set(0.0)
    return {"input_ids": input_ids, "token_type_ids": token_type_ids, "position_ids": position_ids,
            "word_emb": word_emb, "pos_emb": pos_emb, "type_emb": type_emb}

def reference(input_ids, token_type_ids, position_ids, word_emb, pos_emb, type_emb):
    inputs_embeds = jnp.take(word_emb, input_ids, axis=0)
    token_type_embeddings = jnp.take(type_emb, token_type_ids, axis=0)
    position_embeddings = jnp.take(pos_emb, position_ids, axis=0)
    embeddings = inputs_embeds + token_type_embeddings + position_embeddings
    return embeddings

if __name__ == "__main__":
    import jax
    _d = setup_inputs()
    print(jax.jit(kernel)(*tuple(_d.values())))

</pallas_src>

<mosaic_0001>
#map = affine_map<(d0, d1) -> (0, 0)>
module attributes {stable_mosaic.version = 14 : i64} {
  func.func @k(%arg0: i32, %arg1: i32, %arg2: memref<100000x128xf32, #tpu.memory_space<hbm>>, %arg3: memref<8192x128xf32, #tpu.memory_space<hbm>>, %arg4: memref<4x4096xi32, #tpu.memory_space<hbm>>, %arg5: memref<4x4096xi32, #tpu.memory_space<hbm>>, %arg6: memref<4x4096xi32, #tpu.memory_space<hbm>>, %arg7: memref<16384x128xf32, #tpu.memory_space<hbm>>, %arg8: memref<128xi32, #tpu.memory_space<vmem>>, %arg9: memref<128xi32, #tpu.memory_space<vmem>>, %arg10: memref<128xi32, #tpu.memory_space<vmem>>, %arg11: memref<128xi32, #tpu.memory_space<vmem>>, %arg12: memref<128xi32, #tpu.memory_space<vmem>>, %arg13: memref<128xi32, #tpu.memory_space<vmem>>, %arg14: memref<128x128xf32, #tpu.memory_space<vmem>>, %arg15: memref<128x128xf32, #tpu.memory_space<vmem>>, %arg16: memref<128x128xf32, #tpu.memory_space<vmem>>, %arg17: memref<128x128xf32, #tpu.memory_space<vmem>>, %arg18: memref<!tpu.dma_semaphore, #tpu.memory_space<semaphore_mem>>, %arg19: memref<!tpu.dma_semaphore, #tpu.memory_space<semaphore_mem>>, %arg20: memref<!tpu.dma_semaphore, #tpu.memory_space<semaphore_mem>>, %arg21: memref<!tpu.dma_semaphore, #tpu.memory_space<semaphore_mem>>, %arg22: memref<!tpu.dma_semaphore, #tpu.memory_space<semaphore_mem>>, %arg23: memref<!tpu.dma_semaphore, #tpu.memory_space<semaphore_mem>>, %arg24: memref<!tpu.dma_semaphore, #tpu.memory_space<semaphore_mem>>, %arg25: memref<!tpu.dma_semaphore, #tpu.memory_space<semaphore_mem>>) attributes {dimension_semantics = [#tpu.dimension_semantics<core_parallel>, #tpu.dimension_semantics<subcore_parallel>], iteration_bounds = array<i64: 2, 16>, scalar_prefetch = 0 : i64, scratch_operands = 18 : i64, tpu.core_type = #tpu.core_type<sc_vector_subcore>, window_params = [{transform_indices = #map}, {transform_indices = #map}, {transform_indices = #map}, {transform_indices = #map}, {transform_indices = #map}, {transform_indices = #map}]} {
    %mul3A = arith.constant 16 : i32
    %mul3A_0 = arith.muli %arg0, %mul3A : i32
    %add3A = arith.addi %mul3A_0, %arg1 : i32
    %mul3A_1 = arith.constant 512 : i32
    %mul3A_2 = arith.muli %add3A, %mul3A_1 : i32
    %jit3A = arith.constant 8 : i32
    %div3A = arith.divsi %add3A, %jit3A : i32
    %sign3A = arith.constant 0 : i32
    %sign3A_3 = arith.cmpi sgt, %add3A, %sign3A : i32
    %sign3A_4 = arith.extui %sign3A_3 : i1 to i32
    %sign3A_5 = arith.constant 0 : i32
    %sign3A_6 = arith.cmpi slt, %add3A, %sign3A_5 : i32
    %sign3A_7 = arith.extui %sign3A_6 : i1 to i32
    %sign3A_8 = arith.subi %sign3A_4, %sign3A_7 : i32
    %sign3A_9 = arith.constant 0 : i32
    %sign3A_10 = arith.cmpi sgt, %jit3A, %sign3A_9 : i32
    %sign3A_11 = arith.extui %sign3A_10 : i1 to i32
    %sign3A_12 = arith.constant 0 : i32
    %sign3A_13 = arith.cmpi slt, %jit3A, %sign3A_12 : i32
    %sign3A_14 = arith.extui %sign3A_13 : i1 to i32
    %sign3A_15 = arith.subi %sign3A_11, %sign3A_14 : i32
    %ne3A = arith.cmpi ne, %sign3A_8, %sign3A_15 : i32
    %rem3A = arith.remsi %add3A, %jit3A : i32
    %ne3A_16 = arith.constant 0 : i32
    %ne3A_17 = arith.cmpi ne, %rem3A, %ne3A_16 : i32
    %and3A = arith.andi %ne3A, %ne3A_17 : i1
    %sub3A = arith.constant 1 : i32
    %sub3A_18 = arith.subi %div3A, %sub3A : i32
    %select_n3A = arith.select %and3A, %sub3A_18, %div3A : i32
    %jit3A_19 = arith.constant 8 : i32
    %eq3A = arith.constant 0 : i32
    %eq3A_20 = arith.cmpi eq, %jit3A_19, %eq3A : i32
    %jit3A_21 = arith.constant 1 : i32
    %select_n3A_22 = arith.select %eq3A_20, %jit3A_21, %jit3A_19 : i32
    %rem3A_23 = arith.remsi %add3A, %select_n3A_22 : i32
    %ne3A_24 = arith.constant 0 : i32
    %ne3A_25 = arith.cmpi ne, %rem3A_23, %ne3A_24 : i32
    %lt3A = arith.constant 0 : i32
    %lt3A_26 = arith.cmpi slt, %rem3A_23, %lt3A : i32
    %lt3A_27 = arith.constant 0 : i32
    %lt3A_28 = arith.cmpi slt, %select_n3A_22, %lt3A_27 : i32
    %ne3A_29 = arith.xori %lt3A_26, %lt3A_28 : i1
    %and3A_30 = arith.andi %ne3A_29, %ne3A_25 : i1
    %add3A_31 = arith.addi %rem3A_23, %select_n3A_22 : i32
    %select_n3A_32 = arith.select %and3A_30, %add3A_31, %rem3A_23 : i32
    %mul3A_33 = arith.constant 512 : i32
    %mul3A_34 = arith.muli %select_n3A_32, %mul3A_33 : i32
    %add3A_35 = arith.constant 0 : i32
    %add3A_36 = arith.addi %mul3A_34, %add3A_35 : i32
    %dma_start3A = tpu.memref_slice %arg4[%select_n3A, %add3A_36] : memref<4x4096xi32, #tpu.memory_space<hbm>> -> memref<1x128xi32, #tpu.memory_space<hbm>>
    %dma_start3A_37 = tpu.memref_squeeze %dma_start3A : memref<1x128xi32, #tpu.memory_space<hbm>> -> memref<128xi32, #tpu.memory_space<hbm>>
    %dma_start3A_38 = tpu.memref_slice %arg4[%select_n3A, %add3A_36] : memref<4x4096xi32, #tpu.memory_space<hbm>> -> memref<1x128xi32, #tpu.memory_space<hbm>>
    %dma_start3A_39 = tpu.memref_squeeze %dma_start3A_38 : memref<1x128xi32, #tpu.memory_space<hbm>> -> memref<128xi32, #tpu.memory_space<hbm>>
    tpu.enqueue_dma source(%dma_start3A_39 : memref<128xi32, #tpu.memory_space<hbm>>) target(%arg8 : memref<128xi32, #tpu.memory_space<vmem>>) target_semaphore(%arg18 : memref<!tpu.dma_semaphore, #tpu.memory_space<semaphore_mem>>)
    %dma_start3A_40 = tpu.memref_slice %arg5[%select_n3A, %add3A_36] : memref<4x4096xi32, #tpu.memory_space<hbm>> -> memref<1x128xi32, #tpu.memory_space<hbm>>
    %dma_start3A_41 = tpu.memref_squeeze %dma_start3A_40 : memref<1x128xi32, #tpu.memory_space<hbm>> -> memref<128xi32, #tpu.memory_space<hbm>>
    %dma_start3A_42 = tpu.memref_slice %arg5[%select_n3A, %add3A_36] : memref<4x4096xi32, #tpu.memory_space<hbm>> -> memref<1x128xi32, #tpu.memory_space<hbm>>
    %dma_start3A_43 = tpu.memref_squeeze %dma_start3A_42 : memref<1x128xi32, #tpu.memory_space<hbm>> -> memref<128xi32, #tpu.memory_space<hbm>>
    tpu.enqueue_dma source(%dma_start3A_43 : memref<128xi32, #tpu.memory_space<hbm>>) target(%arg10 : memref<128xi32, #tpu.memory_space<vmem>>) target_semaphore(%arg18 : memref<!tpu.dma_semaphore, #tpu.memory_space<semaphore_mem>>)
    %dma_start3A_44 = tpu.memref_slice %arg6[%select_n3A, %add3A_36] : memref<4x4096xi32, #tpu.memory_space<hbm>> -> memref<1x128xi32, #tpu.memory_space<hbm>>
    %dma_start3A_45 = tpu.memref_squeeze %dma_start3A_44 : memref<1x128xi32, #tpu.memory_space<hbm>> -> memref<128xi32, #tpu.memory_space<hbm>>
    %dma_start3A_46 = tpu.memref_slice %arg6[%select_n3A, %add3A_36] : memref<4x4096xi32, #tpu.memory_space<hbm>> -> memref<1x128xi32, #tpu.memory_space<hbm>>
    %dma_start3A_47 = tpu.memref_squeeze %dma_start3A_46 : memref<1x128xi32, #tpu.memory_space<hbm>> -> memref<128xi32, #tpu.memory_space<hbm>>
    tpu.enqueue_dma source(%dma_start3A_47 : memref<128xi32, #tpu.memory_space<hbm>>) target(%arg12 : memref<128xi32, #tpu.memory_space<vmem>>) target_semaphore(%arg18 : memref<!tpu.dma_semaphore, #tpu.memory_space<semaphore_mem>>)
    %dma_wait3A = tpu.memref_slice %arg4[%select_n3A, %add3A_36] : memref<4x4096xi32, #tpu.memory_space<hbm>> -> memref<1x128xi32, #tpu.memory_space<hbm>>
    %dma_wait3A_48 = tpu.memref_squeeze %dma_wait3A : memref<1x128xi32, #tpu.memory_space<hbm>> -> memref<128xi32, #tpu.memory_space<hbm>>
    %dma_wait3A_49 = tpu.memref_slice %arg4[%select_n3A, %add3A_36] : memref<4x4096xi32, #tpu.memory_space<hbm>> -> memref<1x128xi32, #tpu.memory_space<hbm>>
    %dma_wait3A_50 = tpu.memref_squeeze %dma_wait3A_49 : memref<1x128xi32, #tpu.memory_space<hbm>> -> memref<128xi32, #tpu.memory_space<hbm>>
    tpu.wait_dma2 semaphore(%arg18 : memref<!tpu.dma_semaphore, #tpu.memory_space<semaphore_mem>>) src(%dma_wait3A_50 : memref<128xi32, #tpu.memory_space<hbm>>) dst(%arg8 : memref<128xi32, #tpu.memory_space<vmem>>)
    %dma_wait3A_51 = tpu.memref_slice %arg5[%select_n3A, %add3A_36] : memref<4x4096xi32, #tpu.memory_space<hbm>> -> memref<1x128xi32, #tpu.memory_space<hbm>>
    %dma_wait3A_52 = tpu.memref_squeeze %dma_wait3A_51 : memref<1x128xi32, #tpu.memory_space<hbm>> -> memref<128xi32, #tpu.memory_space<hbm>>
    %dma_wait3A_53 = tpu.memref_slice %arg5[%select_n3A, %add3A_36] : memref<4x4096xi32, #tpu.memory_space<hbm>> -> memref<1x128xi32, #tpu.memory_space<hbm>>
    %dma_wait3A_54 = tpu.memref_squeeze %dma_wait3A_53 : memref<1x128xi32, #tpu.memory_space<hbm>> -> memref<128xi32, #tpu.memory_space<hbm>>
    tpu.wait_dma2 semaphore(%arg18 : memref<!tpu.dma_semaphore, #tpu.memory_space<semaphore_mem>>) src(%dma_wait3A_54 : memref<128xi32, #tpu.memory_space<hbm>>) dst(%arg10 : memref<128xi32, #tpu.memory_space<vmem>>)
    %dma_wait3A_55 = tpu.memref_slice %arg6[%select_n3A, %add3A_36] : memref<4x4096xi32, #tpu.memory_space<hbm>> -> memref<1x128xi32, #tpu.memory_space<hbm>>
    %dma_wait3A_56 = tpu.memref_squeeze %dma_wait3A_55 : memref<1x128xi32, #tpu.memory_space<hbm>> -> memref<128xi32, #tpu.memory_space<hbm>>
    %dma_wait3A_57 = tpu.memref_slice %arg6[%select_n3A, %add3A_36] : memref<4x4096xi32, #tpu.memory_space<hbm>> -> memref<1x128xi32, #tpu.memory_space<hbm>>
    %dma_wait3A_58 = tpu.memref_squeeze %dma_wait3A_57 : memref<1x128xi32, #tpu.memory_space<hbm>> -> memref<128xi32, #tpu.memory_space<hbm>>
    tpu.wait_dma2 semaphore(%arg18 : memref<!tpu.dma_semaphore, #tpu.memory_space<semaphore_mem>>) src(%dma_wait3A_58 : memref<128xi32, #tpu.memory_space<hbm>>) dst(%arg12 : memref<128xi32, #tpu.memory_space<vmem>>)
    %get3A = arith.constant 0 : index
    %get3A_59 = tpu.vector_load %arg12[%get3A] {strides = array<i32>} : memref<128xi32, #tpu.memory_space<vmem>>, vector<16xi32>,
    %get3A_60 = vector.shape_cast %get3A_59 : vector<16xi32> to vector<16xi32>
    %mul3A_61 = arith.constant 4096 : i32
    %mul3A_62 = vector.broadcast %mul3A_61 : i32 to vector<16xi32>
    %mul3A_63 = arith.muli %get3A_60, %mul3A_62 : vector<16xi32>
    %get3A_64 = arith.constant 0 : index
    %get3A_65 = tpu.vector_load %arg10[%get3A_64] {strides = array<i32>} : memref<128xi32, #tpu.memory_space<vmem>>, vector<16xi32>,
    %get3A_66 = vector.shape_cast %get3A_65 : vector<16xi32> to vector<16xi32>
    %add3A_67 = arith.addi %mul3A_63, %get3A_66 : vector<16xi32>
    %swap3A = arith.constant 0 : index
    %swap3A_68 = tpu.vector_load %arg10[%swap3A] {strides = array<i32>} : memref<128xi32, #tpu.memory_space<vmem>>, vector<16xi32>,
    %swap3A_69 = vector.shape_cast %swap3A_68 : vector<16xi32> to vector<16xi32>
    %swap3A_70 = vector.shape_cast %add3A_67 : vector<16xi32> to vector<16xi32>
    tpu.vector_store %arg10[%swap3A], %swap3A_70 {strides = array<i32>} : memref<128xi32, #tpu.memory_space<vmem>>, vector<16xi32>,
    %get3A_71 = arith.constant 16 : index
    %get3A_72 = tpu.vector_load %arg12[%get3A_71] {strides = array<i32>} : memref<128xi32, #tpu.memory_space<vmem>>, vector<16xi32>,
    %get3A_73 = vector.shape_cast %get3A_72 : vector<16xi32> to vector<16xi32>
    %mul3A_74 = arith.constant 4096 : i32
    %mul3A_75 = vector.broadcast %mul3A_74 : i32 to vector<16xi32>
    %mul3A_76 = arith.muli %get3A_73, %mul3A_75 : vector<16xi32>
    %get3A_77 = arith.constant 16 : index
    %get3A_78 = tpu.vector_load %arg10[%get3A_77] {strides = array<i32>} : memref<128xi32, #tpu.memory_space<vmem>>, vector<16xi32>,
    %get3A_79 = vector.shape_cast %get3A_78 : vector<16xi32> to vector<16xi32>
    %add3A_80 = arith.addi %mul3A_76, %get3A_79 : vector<16xi32>
    %swap3A_81 = arith.constant 16 : index
    %swap3A_82 = tpu.vector_load %arg10[%swap3A_81] {strides = array<i32>} : memref<128xi32, #tpu.memory_space<vmem>>, vector<16xi32>,
    %swap3A_83 = vector.shape_cast %swap3A_82 : vector<16xi32> to vector<16xi32>
    %swap3A_84 = vector.shape_cast %add3A_80 : vector<16xi32> to vector<16xi32>
    tpu.vector_store %arg10[%swap3A_81], %swap3A_84 {strides = array<i32>} : memref<128xi32, #tpu.memory_space<vmem>>, vector<16xi32>,
    %get3A_85 = arith.constant 32 : index
    %get3A_86 = tpu.vector_load %arg12[%get3A_85] {strides = array<i32>} : memref<128xi32, #tpu.memory_space<vmem>>, vector<16xi32>,
    %get3A_87 = vector.shape_cast %get3A_86 : vector<16xi32> to vector<16xi32>
    %mul3A_88 = arith.constant 4096 : i32
    %mul3A_89 = vector.broadcast %mul3A_88 : i32 to vector<16xi32>
    %mul3A_90 = arith.muli %get3A_87, %mul3A_89 : vector<16xi32>
    %get3A_91 = arith.constant 32 : index
    %get3A_92 = tpu.vector_load %arg10[%get3A_91] {strides = array<i32>} : memref<128xi32, #tpu.memory_space<vmem>>, vector<16xi32>,
    %get3A_93 = vector.shape_cast %get3A_92 : vector<16xi32> to vector<16xi32>
    %add3A_94 = arith.addi %mul3A_90, %get3A_93 : vector<16xi32>
    %swap3A_95 = arith.constant 32 : index
    %swap3A_96 = tpu.vector_load %arg10[%swap3A_95] {strides = array<i32>} : memref<128xi32, #tpu.memory_space<vmem>>, vector<16xi32>,
    %swap3A_97 = vector.shape_cast %swap3A_96 : vector<16xi32> to vector<16xi32>
    %swap3A_98 = vector.shape_cast %add3A_94 : vector<16xi32> to vector<16xi32>
    tpu.vector_store %arg10[%swap3A_95], %swap3A_98 {strides = array<i32>} : memref<128xi32, #tpu.memory_space<vmem>>, vector<16xi32>,
    %get3A_99 = arith.constant 48 : index
    %get3A_100 = tpu.vector_load %arg12[%get3A_99] {strides = array<i32>} : memref<128xi32, #tpu.memory_space<vmem>>, vector<16xi32>,
    %get3A_101 = vector.shape_cast %get3A_100 : vector<16xi32> to vector<16xi32>
    %mul3A_102 = arith.constant 4096 : i32
    %mul3A_103 = vector.broadcast %mul3A_102 : i32 to vector<16xi32>
    %mul3A_104 = arith.muli %get3A_101, %mul3A_103 : vector<16xi32>
    %get3A_105 = arith.constant 48 : index
    %get3A_106 = tpu.vector_load %arg10[%get3A_105] {strides = array<i32>} : memref<128xi32, #tpu.memory_space<vmem>>, vector<16xi32>,
    %get3A_107 = vector.shape_cast %get3A_106 : vector<16xi32> to vector<16xi32>
    %add3A_108 = arith.addi %mul3A_104, %get3A_107 : vector<16xi32>
    %swap3A_109 = arith.constant 48 : index
    %swap3A_110 = tpu.vector_load %arg10[%swap3A_109] {strides = array<i32>} : memref<128xi32, #tpu.memory_space<vmem>>, vector<16xi32>,
    %swap3A_111 = vector.shape_cast %swap3A_110 : vector<16xi32> to vector<16xi32>
    %swap3A_112 = vector.shape_cast %add3A_108 : vector<16xi32> to vector<16xi32>
    tpu.vector_store %arg10[%swap3A_109], %swap3A_112 {strides = array<i32>} : memref<128xi32, #tpu.memory_space<vmem>>, vector<16xi32>,
    %get3A_113 = arith.constant 64 : index
    %get3A_114 = tpu.vector_load %arg12[%get3A_113] {strides = array<i32>} : memref<128xi32, #tpu.memory_space<vmem>>, vector<16xi32>,
    %get3A_115 = vector.shape_cast %get3A_114 : vector<16xi32> to vector<16xi32>
    %mul3A_116 = arith.constant 4096 : i32
    %mul3A_117 = vector.broadcast %mul3A_116 : i32 to vector<16xi32>
    %mul3A_118 = arith.muli %get3A_115, %mul3A_117 : vector<16xi32>
    %get3A_119 = arith.constant 64 : index
    %get3A_120 = tpu.vector_load %arg10[%get3A_119] {strides = array<i32>} : memref<128xi32, #tpu.memory_space<vmem>>, vector<16xi32>,
    %get3A_121 = vector.shape_cast %get3A_120 : vector<16xi32> to vector<16xi32>
    %add3A_122 = arith.addi %mul3A_118, %get3A_121 : vector<16xi32>
    %swap3A_123 = arith.constant 64 : index
    %swap3A_124 = tpu.vector_load %arg10[%swap3A_123] {strides = array<i32>} : memref<128xi32, #tpu.memory_space<vmem>>, vector<16xi32>,
    %swap3A_125 = vector.shape_cast %swap3A_124 : vector<16xi32> to vector<16xi32>
    %swap3A_126 = vector.shape_cast %add3A_122 : vector<16xi32> to vector<16xi32>
    tpu.vector_store %arg10[%swap3A_123], %swap3A_126 {strides = array<i32>} : memref<128xi32, #tpu.memory_space<vmem>>, vector<16xi32>,
    %get3A_127 = arith.constant 80 : index
    %get3A_128 = tpu.vector_load %arg12[%get3A_127] {strides = array<i32>} : memref<128xi32, #tpu.memory_space<vmem>>, vector<16xi32>,
    %get3A_129 = vector.shape_cast %get3A_128 : vector<16xi32> to vector<16xi32>
    %mul3A_130 = arith.constant 4096 : i32
    %mul3A_131 = vector.broadcast %mul3A_130 : i32 to vector<16xi32>
    %mul3A_132 = arith.muli %get3A_129, %mul3A_131 : vector<16xi32>
    %get3A_133 = arith.constant 80 : index
    %get3A_134 = tpu.vector_load %arg10[%get3A_133] {strides = array<i32>} : memref<128xi32, #tpu.memory_space<vmem>>, vector<16xi32>,
    %get3A_135 = vector.shape_cast %get3A_134 : vector<16xi32> to vector<16xi32>
    %add3A_136 = arith.addi %mul3A_132, %get3A_135 : vector<16xi32>
    %swap3A_137 = arith.constant 80 : index
    %swap3A_138 = tpu.vector_load %arg10[%swap3A_137] {strides = array<i32>} : memref<128xi32, #tpu.memory_space<vmem>>, vector<16xi32>,
    %swap3A_139 = vector.shape_cast %swap3A_138 : vector<16xi32> to vector<16xi32>
    %swap3A_140 = vector.shape_cast %add3A_136 : vector<16xi32> to vector<16xi32>
    tpu.vector_store %arg10[%swap3A_137], %swap3A_140 {strides = array<i32>} : memref<128xi32, #tpu.memory_space<vmem>>, vector<16xi32>,
    %get3A_141 = arith.constant 96 : index
    %get3A_142 = tpu.vector_load %arg12[%get3A_141] {strides = array<i32>} : memref<128xi32, #tpu.memory_space<vmem>>, vector<16xi32>,
    %get3A_143 = vector.shape_cast %get3A_142 : vector<16xi32> to vector<16xi32>
    %mul3A_144 = arith.constant 4096 : i32
    %mul3A_145 = vector.broadcast %mul3A_144 : i32 to vector<16xi32>
    %mul3A_146 = arith.muli %get3A_143, %mul3A_145 : vector<16xi32>
    %get3A_147 = arith.constant 96 : index
    %get3A_148 = tpu.vector_load %arg10[%get3A_147] {strides = array<i32>} : memref<128xi32, #tpu.memory_space<vmem>>, vector<16xi32>,
    %get3A_149 = vector.shape_cast %get3A_148 : vector<16xi32> to vector<16xi32>
    %add3A_150 = arith.addi %mul3A_146, %get3A_149 : vector<16xi32>
    %swap3A_151 = arith.constant 96 : index
    %swap3A_152 = tpu.vector_load %arg10[%swap3A_151] {strides = array<i32>} : memref<128xi32, #tpu.memory_space<vmem>>, vector<16xi32>,
    %swap3A_153 = vector.shape_cast %swap3A_152 : vector<16xi32> to vector<16xi32>
    %swap3A_154 = vector.shape_cast %add3A_150 : vector<16xi32> to vector<16xi32>
    tpu.vector_store %arg10[%swap3A_151], %swap3A_154 {strides = array<i32>} : memref<128xi32, #tpu.memory_space<vmem>>, vector<16xi32>,
    %get3A_155 = arith.constant 112 : index
    %get3A_156 = tpu.vector_load %arg12[%get3A_155] {strides = array<i32>} : memref<128xi32, #tpu.memory_space<vmem>>, vector<16xi32>,
    %get3A_157 = vector.shape_cast %get3A_156 : vector<16xi32> to vector<16xi32>
    %mul3A_158 = arith.constant 4096 : i32
    %mul3A_159 = vector.broadcast %mul3A_158 : i32 to vector<16xi32>
    %mul3A_160 = arith.muli %get3A_157, %mul3A_159 : vector<16xi32>
    %get3A_161 = arith.constant 112 : index
    %get3A_162 = tpu.vector_load %arg10[%get3A_161] {strides = array<i32>} : memref<128xi32, #tpu.memory_space<vmem>>, vector<16xi32>,
    %get3A_163 = vector.shape_cast %get3A_162 : vector<16xi32> to vector<16xi32>
    %add3A_164 = arith.addi %mul3A_160, %get3A_163 : vector<16xi32>
    %swap3A_165 = arith.constant 112 : index
    %swap3A_166 = tpu.vector_load %arg10[%swap3A_165] {strides = array<i32>} : memref<128xi32, #tpu.memory_space<vmem>>, vector<16xi32>,
    %swap3A_167 = vector.shape_cast %swap3A_166 : vector<16xi32> to vector<16xi32>
    %swap3A_168 = vector.shape_cast %add3A_164 : vector<16xi32> to vector<16xi32>
    tpu.vector_store %arg10[%swap3A_165], %swap3A_168 {strides = array<i32>} : memref<128xi32, #tpu.memory_space<vmem>>, vector<16xi32>,
    %dma_start3A_169 = arith.constant 0 : i32
    %dma_start3A_170 = arith.constant 0 : i32
    %dma_start3A_171 = tpu.memref_slice %arg14[%dma_start3A_169, %dma_start3A_170] : memref<128x128xf32, #tpu.memory_space<vmem>> -> memref<64x128xf32, #tpu.memory_space<vmem>>
    %dma_start3A_172 = arith.constant 0 : i32
    %dma_start3A_173 = tpu.memref_slice %arg8[%dma_start3A_172] : memref<128xi32, #tpu.memory_space<vmem>> -> memref<64xi32, #tpu.memory_space<vmem>>
    %dma_start3A_174 = arith.constant 0 : i32
    %dma_start3A_175 = arith.constant 0 : i32
    %dma_start3A_176 = tpu.memref_slice %arg2[%dma_start3A_174, %dma_start3A_175] : memref<100000x128xf32, #tpu.memory_space<hbm>> -> memref<100000x128xf32, #tpu.memory_space<hbm>>
    tpu.enqueue_indirect_dma source(%dma_start3A_176 : memref<100000x128xf32, #tpu.memory_space<hbm>>) target(%dma_start3A_171 : memref<64x128xf32, #tpu.memory_space<vmem>>) offsets(%dma_start3A_173 : memref<64xi32, #tpu.memory_space<vmem>>) semaphore(%arg20 : memref<!tpu.dma_semaphore, #tpu.memory_space<semaphore_mem>>)
    %dma_start3A_177 = arith.constant 64 : i32
    %dma_start3A_178 = arith.constant 0 : i32
    %dma_start3A_179 = tpu.memref_slice %arg14[%dma_start3A_177, %dma_start3A_178] : memref<128x128xf32, #tpu.memory_space<vmem>> -> memref<64x128xf32, #tpu.memory_space<vmem>>
    %dma_start3A_180 = arith.constant 64 : i32
    %dma_start3A_181 = tpu.memref_slice %arg8[%dma_start3A_180] : memref<128xi32, #tpu.memory_space<vmem>> -> memref<64xi32, #tpu.memory_space<vmem>>
    %dma_start3A_182 = arith.constant 0 : i32
    %dma_start3A_183 = arith.constant 0 : i32
    %dma_start3A_184 = tpu.memref_slice %arg2[%dma_start3A_182, %dma_start3A_183] : memref<100000x128xf32, #tpu.memory_space<hbm>> -> memref<100000x128xf32, #tpu.memory_space<hbm>>
    tpu.enqueue_indirect_dma source(%dma_start3A_184 : memref<100000x128xf32, #tpu.memory_space<hbm>>) target(%dma_start3A_179 : memref<64x128xf32, #tpu.memory_space<vmem>>) offsets(%dma_start3A_181 : memref<64xi32, #tpu.memory_space<vmem>>) semaphore(%arg20 : memref<!tpu.dma_semaphore, #tpu.memory_space<semaphore_mem>>)
    %dma_start3A_185 = arith.constant 0 : i32
    %dma_start3A_186 = arith.constant 0 : i32
    %dma_start3A_187 = tpu.memref_slice %arg16[%dma_start3A_185, %dma_start3A_186] : memref<128x128xf32, #tpu.memory_space<vmem>> -> memref<64x128xf32, #tpu.memory_space<vmem>>
    %dma_start3A_188 = arith.constant 0 : i32
    %dma_start3A_189 = tpu.memref_slice %arg10[%dma_start3A_188] : memref<128xi32, #tpu.memory_space<vmem>> -> memref<64xi32, #tpu.memory_space<vmem>>
    %dma_start3A_190 = arith.constant 0 : i32
    %dma_start3A_191 = arith.constant 0 : i32
    %dma_start3A_192 = tpu.memref_slice %arg3[%dma_start3A_190, %dma_start3A_191] : memref<8192x128xf32, #tpu.memory_space<hbm>> -> memref<8192x128xf32, #tpu.memory_space<hbm>>
    tpu.enqueue_indirect_dma source(%dma_start3A_192 : memref<8192x128xf32, #tpu.memory_space<hbm>>) target(%dma_start3A_187 : memref<64x128xf32, #tpu.memory_space<vmem>>) offsets(%dma_start3A_189 : memref<64xi32, #tpu.memory_space<vmem>>) semaphore(%arg22 : memref<!tpu.dma_semaphore, #tpu.memory_space<semaphore_mem>>)
    %dma_start3A_193 = arith.constant 64 : i32
    %dma_start3A_194 = arith.constant 0 : i32
    %dma_start3A_195 = tpu.memref_slice %arg16[%dma_start3A_193, %dma_start3A_194] : memref<128x128xf32, #tpu.memory_space<vmem>> -> memref<64x128xf32, #tpu.memory_space<vmem>>
    %dma_start3A_196 = arith.constant 64 : i32
    %dma_start3A_197 = tpu.memref_slice %arg10[%dma_start3A_196] : memref<128xi32, #tpu.memory_space<vmem>> -> memref<64xi32, #tpu.memory_space<vmem>>
    %dma_start3A_198 = arith.constant 0 : i32
    %dma_start3A_199 = arith.constant 0 : i32
    %dma_start3A_200 = tpu.memref_slice %arg3[%dma_start3A_198, %dma_start3A_199] : memref<8192x128xf32, #tpu.memory_space<hbm>> -> memref<8192x128xf32, #tpu.memory_space<hbm>>
    tpu.enqueue_indirect_dma source(%dma_start3A_200 : memref<8192x128xf32, #tpu.memory_space<hbm>>) target(%dma_start3A_195 : memref<64x128xf32, #tpu.memory_space<vmem>>) offsets(%dma_start3A_197 : memref<64xi32, #tpu.memory_space<vmem>>) semaphore(%arg22 : memref<!tpu.dma_semaphore, #tpu.memory_space<semaphore_mem>>)
    %add3A_201 = arith.constant 128 : i32
    %add3A_202 = arith.addi %mul3A_34, %add3A_201 : i32
    %dma_start3A_203 = tpu.memref_slice %arg4[%select_n3A, %add3A_202] : memref<4x4096xi32, #tpu.memory_space<hbm>> -> memref<1x128xi32, #tpu.memory_space<hbm>>
    %dma_start3A_204 = tpu.memref_squeeze %dma_start3A_203 : memref<1x128xi32, #tpu.memory_space<hbm>> -> memref<128xi32, #tpu.memory_space<hbm>>
    %dma_start3A_205 = tpu.memref_slice %arg4[%select_n3A, %add3A_202] : memref<4x4096xi32, #tpu.memory_space<hbm>> -> memref<1x128xi32, #tpu.memory_space<hbm>>
    %dma_start3A_206 = tpu.memref_squeeze %dma_start3A_205 : memref<1x128xi32, #tpu.memory_space<hbm>> -> memref<128xi32, #tpu.memory_space<hbm>>
    tpu.enqueue_dma source(%dma_start3A_206 : memref<128xi32, #tpu.memory_space<hbm>>) target(%arg9 : memref<128xi32, #tpu.memory_space<vmem>>) target_semaphore(%arg19 : memref<!tpu.dma_semaphore, #tpu.memory_space<semaphore_mem>>)
    %dma_start3A_207 = tpu.memref_slice %arg5[%select_n3A, %add3A_202] : memref<4x4096xi32, #tpu.memory_space<hbm>> -> memref<1x128xi32, #tpu.memory_space<hbm>>
    %dma_start3A_208 = tpu.memref_squeeze %dma_start3A_207 : memref<1x128xi32, #tpu.memory_space<hbm>> -> memref<128xi32, #tpu.memory_space<hbm>>
    %dma_start3A_209 = tpu.memref_slice %arg5[%select_n3A, %add3A_202] : memref<4x4096xi32, #tpu.memory_space<hbm>> -> memref<1x128xi32, #tpu.memory_space<hbm>>
    %dma_start3A_210 = tpu.memref_squeeze %dma_start3A_209 : memref<1x128xi32, #tpu.memory_space<hbm>> -> memref<128xi32, #tpu.memory_space<hbm>>
    tpu.enqueue_dma source(%dma_start3A_210 : memref<128xi32, #tpu.memory_space<hbm>>) target(%arg11 : memref<128xi32, #tpu.memory_space<vmem>>) target_semaphore(%arg19 : memref<!tpu.dma_semaphore, #tpu.memory_space<semaphore_mem>>)
    %dma_start3A_211 = tpu.memref_slice %arg6[%select_n3A, %add3A_202] : memref<4x4096xi32, #tpu.memory_space<hbm>> -> memref<1x128xi32, #tpu.memory_space<hbm>>
    %dma_start3A_212 = tpu.memref_squeeze %dma_start3A_211 : memref<1x128xi32, #tpu.memory_space<hbm>> -> memref<128xi32, #tpu.memory_space<hbm>>
    %dma_start3A_213 = tpu.memref_slice %arg6[%select_n3A, %add3A_202] : memref<4x4096xi32, #tpu.memory_space<hbm>> -> memref<1x128xi32, #tpu.memory_space<hbm>>
    %dma_start3A_214 = tpu.memref_squeeze %dma_start3A_213 : memref<1x128xi32, #tpu.memory_space<hbm>> -> memref<128xi32, #tpu.memory_space<hbm>>
    tpu.enqueue_dma source(%dma_start3A_214 : memref<128xi32, #tpu.memory_space<hbm>>) target(%arg13 : memref<128xi32, #tpu.memory_space<vmem>>) target_semaphore(%arg19 : memref<!tpu.dma_semaphore, #tpu.memory_space<semaphore_mem>>)
    %dma_wait3A_215 = tpu.memref_slice %arg4[%select_n3A, %add3A_202] : memref<4x4096xi32, #tpu.memory_space<hbm>> -> memref<1x128xi32, #tpu.memory_space<hbm>>
    %dma_wait3A_216 = tpu.memref_squeeze %dma_wait3A_215 : memref<1x128xi32, #tpu.memory_space<hbm>> -> memref<128xi32, #tpu.memory_space<hbm>>
    %dma_wait3A_217 = tpu.memref_slice %arg4[%select_n3A, %add3A_202] : memref<4x4096xi32, #tpu.memory_space<hbm>> -> memref<1x128xi32, #tpu.memory_space<hbm>>
    %dma_wait3A_218 = tpu.memref_squeeze %dma_wait3A_217 : memref<1x128xi32, #tpu.memory_space<hbm>> -> memref<128xi32, #tpu.memory_space<hbm>>
    tpu.wait_dma2 semaphore(%arg19 : memref<!tpu.dma_semaphore, #tpu.memory_space<semaphore_mem>>) src(%dma_wait3A_218 : memref<128xi32, #tpu.memory_space<hbm>>) dst(%arg9 : memref<128xi32, #tpu.memory_space<vmem>>)
    %dma_wait3A_219 = tpu.memref_slice %arg5[%select_n3A, %add3A_202] : memref<4x4096xi32, #tpu.memory_space<hbm>> -> memref<1x128xi32, #tpu.memory_space<hbm>>
    %dma_wait3A_220 = tpu.memref_squeeze %dma_wait3A_219 : memref<1x128xi32, #tpu.memory_space<hbm>> -> memref<128xi32, #tpu.memory_space<hbm>>
    %dma_wait3A_221 = tpu.memref_slice %arg5[%select_n3A, %add3A_202] : memref<4x4096xi32, #tpu.memory_space<hbm>> -> memref<1x128xi32, #tpu.memory_space<hbm>>
    %dma_wait3A_222 = tpu.memref_squeeze %dma_wait3A_221 : memref<1x128xi32, #tpu.memory_space<hbm>> -> memref<128xi32, #tpu.memory_space<hbm>>
    tpu.wait_dma2 semaphore(%arg19 : memref<!tpu.dma_semaphore, #tpu.memory_space<semaphore_mem>>) src(%dma_wait3A_222 : memref<128xi32, #tpu.memory_space<hbm>>) dst(%arg11 : memref<128xi32, #tpu.memory_space<vmem>>)
    %dma_wait3A_223 = tpu.memref_slice %arg6[%select_n3A, %add3A_202] : memref<4x4096xi32, #tpu.memory_space<hbm>> -> memref<1x128xi32, #tpu.memory_space<hbm>>
    %dma_wait3A_224 = tpu.memref_squeeze %dma_wait3A_223 : memref<1x128xi32, #tpu.memory_space<hbm>> -> memref<128xi32, #tpu.memory_space<hbm>>
    %dma_wait3A_225 = tpu.memref_slice %arg6[%select_n3A, %add3A_202] : memref<4x4096xi32, #tpu.memory_space<hbm>> -> memref<1x128xi32, #tpu.memory_space<hbm>>
    %dma_wait3A_226 = tpu.memref_squeeze %dma_wait3A_225 : memref<1x128xi32, #tpu.memory_space<hbm>> -> memref<128xi32, #tpu.memory_space<hbm>>
    tpu.wait_dma2 semaphore(%arg19 : memref<!tpu.dma_semaphore, #tpu.memory_space<semaphore_mem>>) src(%dma_wait3A_226 : memref<128xi32, #tpu.memory_space<hbm>>) dst(%arg13 : memref<128xi32, #tpu.memory_space<vmem>>)
    %get3A_227 = arith.constant 0 : index
    %get3A_228 = tpu.vector_load %arg13[%get3A_227] {strides = array<i32>} : memref<128xi32, #tpu.memory_space<vmem>>, vector<16xi32>,
    %get3A_229 = vector.shape_cast %get3A_228 : vector<16xi32> to vector<16xi32>
    %mul3A_230 = arith.constant 4096 : i32
    %mul3A_231 = vector.broadcast %mul3A_230 : i32 to vector<16xi32>
    %mul3A_232 = arith.muli %get3A_229, %mul3A_231 : vector<16xi32>
    %get3A_233 = arith.constant 0 : index
    %get3A_234 = tpu.vector_load %arg11[%get3A_233] {strides = array<i32>} : memref<128xi32, #tpu.memory_space<vmem>>, vector<16xi32>,
    %get3A_235 = vector.shape_cast %get3A_234 : vector<16xi32> to vector<16xi32>
    %add3A_236 = arith.addi %mul3A_232, %get3A_235 : vector<16xi32>
    %swap3A_237 = arith.constant 0 : index
    %swap3A_238 = tpu.vector_load %arg11[%swap3A_237] {strides = array<i32>} : memref<128xi32, #tpu.memory_space<vmem>>, vector<16xi32>,
    %swap3A_239 = vector.shape_cast %swap3A_238 : vector<16xi32> to vector<16xi32>
    %swap3A_240 = vector.shape_cast %add3A_236 : vector<16xi32> to vector<16xi32>
    tpu.vector_store %arg11[%swap3A_237], %swap3A_240 {strides = array<i32>} : memref<128xi32, #tpu.memory_space<vmem>>, vector<16xi32>,
    %get3A_241 = arith.constant 16 : index
    %get3A_242 = tpu.vector_load %arg13[%get3A_241] {strides = array<i32>} : memref<128xi32, #tpu.memory_space<vmem>>, vector<16xi32>,
    %get3A_243 = vector.shape_cast %get3A_242 : vector<16xi32> to vector<16xi32>
    %mul3A_244 = arith.constant 4096 : i32
    %mul3A_245 = vector.broadcast %mul3A_244 : i32 to vector<16xi32>
    %mul3A_246 = arith.muli %get3A_243, %mul3A_245 : vector<16xi32>
    %get3A_247 = arith.constant 16 : index
    %get3A_248 = tpu.vector_load %arg11[%get3A_247] {strides = array<i32>} : memref<128xi32, #tpu.memory_space<vmem>>, vector<16xi32>,
    %get3A_249 = vector.shape_cast %get3A_248 : vector<16xi32> to vector<16xi32>
    %add3A_250 = arith.addi %mul3A_246, %get3A_249 : vector<16xi32>
    %swap3A_251 = arith.constant 16 : index
    %swap3A_252 = tpu.vector_load %arg11[%swap3A_251] {strides = array<i32>} : memref<128xi32, #tpu.memory_space<vmem>>, vector<16xi32>,
    %swap3A_253 = vector.shape_cast %swap3A_252 : vector<16xi32> to vector<16xi32>
    %swap3A_254 = vector.shape_cast %add3A_250 : vector<16xi32> to vector<16xi32>
    tpu.vector_store %arg11[%swap3A_251], %swap3A_254 {strides = array<i32>} : memref<128xi32, #tpu.memory_space<vmem>>, vector<16xi32>,
    %get3A_255 = arith.constant 32 : index
    %get3A_256 = tpu.vector_load %arg13[%get3A_255] {strides = array<i32>} : memref<128xi32, #tpu.memory_space<vmem>>, vector<16xi32>,
    %get3A_257 = vector.shape_cast %get3A_256 : vector<16xi32> to vector<16xi32>
    %mul3A_258 = arith.constant 4096 : i32
    %mul3A_259 = vector.broadcast %mul3A_258 : i32 to vector<16xi32>
    %mul3A_260 = arith.muli %get3A_257, %mul3A_259 : vector<16xi32>
    %get3A_261 = arith.constant 32 : index
    %get3A_262 = tpu.vector_load %arg11[%get3A_261] {strides = array<i32>} : memref<128xi32, #tpu.memory_space<vmem>>, vector<16xi32>,
    %get3A_263 = vector.shape_cast %get3A_262 : vector<16xi32> to vector<16xi32>
    %add3A_264 = arith.addi %mul3A_260, %get3A_263 : vector<16xi32>
    %swap3A_265 = arith.constant 32 : index
    %swap3A_266 = tpu.vector_load %arg11[%swap3A_265] {strides = array<i32>} : memref<128xi32, #tpu.memory_space<vmem>>, vector<16xi32>,
    %swap3A_267 = vector.shape_cast %swap3A_266 : vector<16xi32> to vector<16xi32>
    %swap3A_268 = vector.shape_cast %add3A_264 : vector<16xi32> to vector<16xi32>
    tpu.vector_store %arg11[%swap3A_265], %swap3A_268 {strides = array<i32>} : memref<128xi32, #tpu.memory_space<vmem>>, vector<16xi32>,
    %get3A_269 = arith.constant 48 : index
    %get3A_270 = tpu.vector_load %arg13[%get3A_269] {strides = array<i32>} : memref<128xi32, #tpu.memory_space<vmem>>, vector<16xi32>,
    %get3A_271 = vector.shape_cast %get3A_270 : vector<16xi32> to vector<16xi32>
    %mul3A_272 = arith.constant 4096 : i32
    %mul3A_273 = vector.broadcast %mul3A_272 : i32 to vector<16xi32>
    %mul3A_274 = arith.muli %get3A_271, %mul3A_273 : vector<16xi32>
    %get3A_275 = arith.constant 48 : index
    %get3A_276 = tpu.vector_load %arg11[%get3A_275] {strides = array<i32>} : memref<128xi32, #tpu.memory_space<vmem>>, vector<16xi32>,
    %get3A_277 = vector.shape_cast %get3A_276 : vector<16xi32> to vector<16xi32>
    %add3A_278 = arith.addi %mul3A_274, %get3A_277 : vector<16xi32>
    %swap3A_279 = arith.constant 48 : index
    %swap3A_280 = tpu.vector_load %arg11[%swap3A_279] {strides = array<i32>} : memref<128xi32, #tpu.memory_space<vmem>>, vector<16xi32>,
    %swap3A_281 = vector.shape_cast %swap3A_280 : vector<16xi32> to vector<16xi32>
    %swap3A_282 = vector.shape_cast %add3A_278 : vector<16xi32> to vector<16xi32>
    tpu.vector_store %arg11[%swap3A_279], %swap3A_282 {strides = array<i32>} : memref<128xi32, #tpu.memory_space<vmem>>, vector<16xi32>,
    %get3A_283 = arith.constant 64 : index
    %get3A_284 = tpu.vector_load %arg13[%get3A_283] {strides = array<i32>} : memref<128xi32, #tpu.memory_space<vmem>>, vector<16xi32>,
    %get3A_285 = vector.shape_cast %get3A_284 : vector<16xi32> to vector<16xi32>
    %mul3A_286 = arith.constant 4096 : i32
    %mul3A_287 = vector.broadcast %mul3A_286 : i32 to vector<16xi32>
    %mul3A_288 = arith.muli %get3A_285, %mul3A_287 : vector<16xi32>
    %get3A_289 = arith.constant 64 : index
    %get3A_290 = tpu.vector_load %arg11[%get3A_289] {strides = array<i32>} : memref<128xi32, #tpu.memory_space<vmem>>, vector<16xi32>,
    %get3A_291 = vector.shape_cast %get3A_290 : vector<16xi32> to vector<16xi32>
    %add3A_292 = arith.addi %mul3A_288, %get3A_291 : vector<16xi32>
    %swap3A_293 = arith.constant 64 : index
    %swap3A_294 = tpu.vector_load %arg11[%swap3A_293] {strides = array<i32>} : memref<128xi32, #tpu.memory_space<vmem>>, vector<16xi32>,
    %swap3A_295 = vector.shape_cast %swap3A_294 : vector<16xi32> to vector<16xi32>
    %swap3A_296 = vector.shape_cast %add3A_292 : vector<16xi32> to vector<16xi32>
    tpu.vector_store %arg11[%swap3A_293], %swap3A_296 {strides = array<i32>} : memref<128xi32, #tpu.memory_space<vmem>>, vector<16xi32>,
    %get3A_297 = arith.constant 80 : index
    %get3A_298 = tpu.vector_load %arg13[%get3A_297] {strides = array<i32>} : memref<128xi32, #tpu.memory_space<vmem>>, vector<16xi32>,
    %get3A_299 = vector.shape_cast %get3A_298 : vector<16xi32> to vector<16xi32>
    %mul3A_300 = arith.constant 4096 : i32
    %mul3A_301 = vector.broadcast %mul3A_300 : i32 to vector<16xi32>
    %mul3A_302 = arith.muli %get3A_299, %mul3A_301 : vector<16xi32>
    %get3A_303 = arith.constant 80 : index
    %get3A_304 = tpu.vector_load %arg11[%get3A_303] {strides = array<i32>} : memref<128xi32, #tpu.memory_space<vmem>>, vector<16xi32>,
    %get3A_305 = vector.shape_cast %get3A_304 : vector<16xi32> to vector<16xi32>
    %add3A_306 = arith.addi %mul3A_302, %get3A_305 : vector<16xi32>
    %swap3A_307 = arith.constant 80 : index
    %swap3A_308 = tpu.vector_load %arg11[%swap3A_307] {strides = array<i32>} : memref<128xi32, #tpu.memory_space<vmem>>, vector<16xi32>,
    %swap3A_309 = vector.shape_cast %swap3A_308 : vector<16xi32> to vector<16xi32>
    %swap3A_310 = vector.shape_cast %add3A_306 : vector<16xi32> to vector<16xi32>
    tpu.vector_store %arg11[%swap3A_307], %swap3A_310 {strides = array<i32>} : memref<128xi32, #tpu.memory_space<vmem>>, vector<16xi32>,
    %get3A_311 = arith.constant 96 : index
    %get3A_312 = tpu.vector_load %arg13[%get3A_311] {strides = array<i32>} : memref<128xi32, #tpu.memory_space<vmem>>, vector<16xi32>,
    %get3A_313 = vector.shape_cast %get3A_312 : vector<16xi32> to vector<16xi32>
    %mul3A_314 = arith.constant 4096 : i32
    %mul3A_315 = vector.broadcast %mul3A_314 : i32 to vector<16xi32>
    %mul3A_316 = arith.muli %get3A_313, %mul3A_315 : vector<16xi32>
    %get3A_317 = arith.constant 96 : index
    %get3A_318 = tpu.vector_load %arg11[%get3A_317] {strides = array<i32>} : memref<128xi32, #tpu.memory_space<vmem>>, vector<16xi32>,
    %get3A_319 = vector.shape_cast %get3A_318 : vector<16xi32> to vector<16xi32>
    %add3A_320 = arith.addi %mul3A_316, %get3A_319 : vector<16xi32>
    %swap3A_321 = arith.constant 96 : index
    %swap3A_322 = tpu.vector_load %arg11[%swap3A_321] {strides = array<i32>} : memref<128xi32, #tpu.memory_space<vmem>>, vector<16xi32>,
    %swap3A_323 = vector.shape_cast %swap3A_322 : vector<16xi32> to vector<16xi32>
    %swap3A_324 = vector.shape_cast %add3A_320 : vector<16xi32> to vector<16xi32>
    tpu.vector_store %arg11[%swap3A_321], %swap3A_324 {strides = array<i32>} : memref<128xi32, #tpu.memory_space<vmem>>, vector<16xi32>,
    %get3A_325 = arith.constant 112 : index
    %get3A_326 = tpu.vector_load %arg13[%get3A_325] {strides = array<i32>} : memref<128xi32, #tpu.memory_space<vmem>>, vector<16xi32>,
    %get3A_327 = vector.shape_cast %get3A_326 : vector<16xi32> to vector<16xi32>
    %mul3A_328 = arith.constant 4096 : i32
    %mul3A_329 = vector.broadcast %mul3A_328 : i32 to vector<16xi32>
    %mul3A_330 = arith.muli %get3A_327, %mul3A_329 : vector<16xi32>
    %get3A_331 = arith.constant 112 : index
    %get3A_332 = tpu.vector_load %arg11[%get3A_331] {strides = array<i32>} : memref<128xi32, #tpu.memory_space<vmem>>, vector<16xi32>,
    %get3A_333 = vector.shape_cast %get3A_332 : vector<16xi32> to vector<16xi32>
    %add3A_334 = arith.addi %mul3A_330, %get3A_333 : vector<16xi32>
    %swap3A_335 = arith.constant 112 : index
    %swap3A_336 = tpu.vector_load %arg11[%swap3A_335] {strides = array<i32>} : memref<128xi32, #tpu.memory_space<vmem>>, vector<16xi32>,
    %swap3A_337 = vector.shape_cast %swap3A_336 : vector<16xi32> to vector<16xi32>
    %swap3A_338 = vector.shape_cast %add3A_334 : vector<16xi32> to vector<16xi32>
    tpu.vector_store %arg11[%swap3A_335], %swap3A_338 {strides = array<i32>} : memref<128xi32, #tpu.memory_space<vmem>>, vector<16xi32>,
    %dma_start3A_339 = arith.constant 0 : i32
    %dma_start3A_340 = arith.constant 0 : i32
    %dma_start3A_341 = tpu.memref_slice %arg15[%dma_start3A_339, %dma_start3A_340] : memref<128x128xf32, #tpu.memory_space<vmem>> -> memref<64x128xf32, #tpu.memory_space<vmem>>
    %dma_start3A_342 = arith.constant 0 : i32
    %dma_start3A_343 = tpu.memref_slice %arg9[%dma_start3A_342] : memref<128xi32, #tpu.memory_space<vmem>> -> memref<64xi32, #tpu.memory_space<vmem>>
    %dma_start3A_344 = arith.constant 0 : i32
    %dma_start3A_345 = arith.constant 0 : i32
    %dma_start3A_346 = tpu.memref_slice %arg2[%dma_start3A_344, %dma_start3A_345] : memref<100000x128xf32, #tpu.memory_space<hbm>> -> memref<100000x128xf32, #tpu.memory_space<hbm>>
    tpu.enqueue_indirect_dma source(%dma_start3A_346 : memref<100000x128xf32, #tpu.memory_space<hbm>>) target(%dma_start3A_341 : memref<64x128xf32, #tpu.memory_space<vmem>>) offsets(%dma_start3A_343 : memref<64xi32, #tpu.memory_space<vmem>>) semaphore(%arg21 : memref<!tpu.dma_semaphore, #tpu.memory_space<semaphore_mem>>)
    %dma_start3A_347 = arith.constant 64 : i32
    %dma_start3A_348 = arith.constant 0 : i32
    %dma_start3A_349 = tpu.memref_slice %arg15[%dma_start3A_347, %dma_start3A_348] : memref<128x128xf32, #tpu.memory_space<vmem>> -> memref<64x128xf32, #tpu.memory_space<vmem>>
    %dma_start3A_350 = arith.constant 64 : i32
    %dma_start3A_351 = tpu.memref_slice %arg9[%dma_start3A_350] : memref<128xi32, #tpu.memory_space<vmem>> -> memref<64xi32, #tpu.memory_space<vmem>>
    %dma_start3A_352 = arith.constant 0 : i32
    %dma_start3A_353 = arith.constant 0 : i32
    %dma_start3A_354 = tpu.memref_slice %arg2[%dma_start3A_352, %dma_start3A_353] : memref<100000x128xf32, #tpu.memory_space<hbm>> -> memref<100000x128xf32, #tpu.memory_space<hbm>>
    tpu.enqueue_indirect_dma source(%dma_start3A_354 : memref<100000x128xf32, #tpu.memory_space<hbm>>) target(%dma_start3A_349 : memref<64x128xf32, #tpu.memory_space<vmem>>) offsets(%dma_start3A_351 : memref<64xi32, #tpu.memory_space<vmem>>) semaphore(%arg21 : memref<!tpu.dma_semaphore, #tpu.memory_space<semaphore_mem>>)
    %dma_start3A_355 = arith.constant 0 : i32
    %dma_start3A_356 = arith.constant 0 : i32
    %dma_start3A_357 = tpu.memref_slice %arg17[%dma_start3A_355, %dma_start3A_356] : memref<128x128xf32, #tpu.memory_space<vmem>> -> memref<64x128xf32, #tpu.memory_space<vmem>>
    %dma_start3A_358 = arith.constant 0 : i32
    %dma_start3A_359 = tpu.memref_slice %arg11[%dma_start3A_358] : memref<128xi32, #tpu.memory_space<vmem>> -> memref<64xi32, #tpu.memory_space<vmem>>
    %dma_start3A_360 = arith.constant 0 : i32
    %dma_start3A_361 = arith.constant 0 : i32
    %dma_start3A_362 = tpu.memref_slice %arg3[%dma_start3A_360, %dma_start3A_361] : memref<8192x128xf32, #tpu.memory_space<hbm>> -> memref<8192x128xf32, #tpu.memory_space<hbm>>
    tpu.enqueue_indirect_dma source(%dma_start3A_362 : memref<8192x128xf32, #tpu.memory_space<hbm>>) target(%dma_start3A_357 : memref<64x128xf32, #tpu.memory_space<vmem>>) offsets(%dma_start3A_359 : memref<64xi32, #tpu.memory_space<vmem>>) semaphore(%arg23 : memref<!tpu.dma_semaphore, #tpu.memory_space<semaphore_mem>>)
    %dma_start3A_363 = arith.constant 64 : i32
    %dma_start3A_364 = arith.constant 0 : i32
    %dma_start3A_365 = tpu.memref_slice %arg17[%dma_start3A_363, %dma_start3A_364] : memref<128x128xf32, #tpu.memory_space<vmem>> -> memref<64x128xf32, #tpu.memory_space<vmem>>
    %dma_start3A_366 = arith.constant 64 : i32
    %dma_start3A_367 = tpu.memref_slice %arg11[%dma_start3A_366] : memref<128xi32, #tpu.memory_space<vmem>> -> memref<64xi32, #tpu.memory_space<vmem>>
    %dma_start3A_368 = arith.constant 0 : i32
    %dma_start3A_369 = arith.constant 0 : i32
    %dma_start3A_370 = tpu.memref_slice %arg3[%dma_start3A_368, %dma_start3A_369] : memref<8192x128xf32, #tpu.memory_space<hbm>> -> memref<8192x128xf32, #tpu.memory_space<hbm>>
    tpu.enqueue_indirect_dma source(%dma_start3A_370 : memref<8192x128xf32, #tpu.memory_space<hbm>>) target(%dma_start3A_365 : memref<64x128xf32, #tpu.memory_space<vmem>>) offsets(%dma_start3A_367 : memref<64xi32, #tpu.memory_space<vmem>>) semaphore(%arg23 : memref<!tpu.dma_semaphore, #tpu.memory_space<semaphore_mem>>)
    %dma_wait3A_371 = arith.constant 0 : i32
    %dma_wait3A_372 = arith.constant 0 : i32
    %dma_wait3A_373 = tpu.memref_slice %arg14[%dma_wait3A_371, %dma_wait3A_372] : memref<128x128xf32, #tpu.memory_space<vmem>> -> memref<64x128xf32, #tpu.memory_space<vmem>>
    %dma_wait3A_374 = arith.constant 0 : i32
    %dma_wait3A_375 = tpu.memref_slice %arg8[%dma_wait3A_374] : memref<128xi32, #tpu.memory_space<vmem>> -> memref<64xi32, #tpu.memory_space<vmem>>
    %dma_wait3A_376 = arith.constant 0 : i32
    %dma_wait3A_377 = arith.constant 0 : i32
    %dma_wait3A_378 = tpu.memref_slice %arg2[%dma_wait3A_376, %dma_wait3A_377] : memref<100000x128xf32, #tpu.memory_space<hbm>> -> memref<100000x128xf32, #tpu.memory_space<hbm>>
    tpu.wait_indirect_dma semaphore(%arg20 : memref<!tpu.dma_semaphore, #tpu.memory_space<semaphore_mem>>) src(%dma_wait3A_378 : memref<100000x128xf32, #tpu.memory_space<hbm>>) dst(%dma_wait3A_373 : memref<64x128xf32, #tpu.memory_space<vmem>>)
    %dma_wait3A_379 = arith.constant 64 : i32
    %dma_wait3A_380 = arith.constant 0 : i32
    %dma_wait3A_381 = tpu.memref_slice %arg14[%dma_wait3A_379, %dma_wait3A_380] : memref<128x128xf32, #tpu.memory_space<vmem>> -> memref<64x128xf32, #tpu.memory_space<vmem>>
    %dma_wait3A_382 = arith.constant 64 : i32
    %dma_wait3A_383 = tpu.memref_slice %arg8[%dma_wait3A_382] : memref<128xi32, #tpu.memory_space<vmem>> -> memref<64xi32, #tpu.memory_space<vmem>>
    %dma_wait3A_384 = arith.constant 0 : i32
    %dma_wait3A_385 = arith.constant 0 : i32
    %dma_wait3A_386 = tpu.memref_slice %arg2[%dma_wait3A_384, %dma_wait3A_385] : memref<100000x128xf32, #tpu.memory_space<hbm>> -> memref<100000x128xf32, #tpu.memory_space<hbm>>
    tpu.wait_indirect_dma semaphore(%arg20 : memref<!tpu.dma_semaphore, #tpu.memory_space<semaphore_mem>>) src(%dma_wait3A_386 : memref<100000x128xf32, #tpu.memory_space<hbm>>) dst(%dma_wait3A_381 : memref<64x128xf32, #tpu.memory_space<vmem>>)
    %dma_wait3A_387 = arith.constant 0 : i32
    %dma_wait3A_388 = arith.constant 0 : i32
    %dma_wait3A_389 = tpu.memref_slice %arg16[%dma_wait3A_387, %dma_wait3A_388] : memref<128x128xf32, #tpu.memory_space<vmem>> -> memref<64x128xf32, #tpu.memory_space<vmem>>
    %dma_wait3A_390 = arith.constant 0 : i32
    %dma_wait3A_391 = tpu.memref_slice %arg10[%dma_wait3A_390] : memref<128xi32, #tpu.memory_space<vmem>> -> memref<64xi32, #tpu.memory_space<vmem>>
    %dma_wait3A_392 = arith.constant 0 : i32
    %dma_wait3A_393 = arith.constant 0 : i32
    %dma_wait3A_394 = tpu.memref_slice %arg3[%dma_wait3A_392, %dma_wait3A_393] : memref<8192x128xf32, #tpu.memory_space<hbm>> -> memref<8192x128xf32, #tpu.memory_space<hbm>>
    tpu.wait_indirect_dma semaphore(%arg22 : memref<!tpu.dma_semaphore, #tpu.memory_space<semaphore_mem>>) src(%dma_wait3A_394 : memref<8192x128xf32, #tpu.memory_space<hbm>>) dst(%dma_wait3A_389 : memref<64x128xf32, #tpu.memory_space<vmem>>)
    %dma_wait3A_395 = arith.constant 64 : i32
    %dma_wait3A_396 = arith.constant 0 : i32
    %dma_wait3A_397 = tpu.memref_slice %arg16[%dma_wait3A_395, %dma_wait3A_396] : memref<128x128xf32, #tpu.memory_space<vmem>> -> memref<64x128xf32, #tpu.memory_space<vmem>>
    %dma_wait3A_398 = arith.constant 64 : i32
    %dma_wait3A_399 = tpu.memref_slice %arg10[%dma_wait3A_398] : memref<128xi32, #tpu.memory_space<vmem>> -> memref<64xi32, #tpu.memory_space<vmem>>
    %dma_wait3A_400 = arith.constant 0 : i32
    %dma_wait3A_401 = arith.constant 0 : i32
    %dma_wait3A_402 = tpu.memref_slice %arg3[%dma_wait3A_400, %dma_wait3A_401] : memref<8192x128xf32, #tpu.memory_space<hbm>> -> memref<8192x128xf32, #tpu.memory_space<hbm>>
    tpu.wait_indirect_dma semaphore(%arg22 : memref<!tpu.dma_semaphore, #tpu.memory_space<semaphore_mem>>) src(%dma_wait3A_402 : memref<8192x128xf32, #tpu.memory_space<hbm>>) dst(%dma_wait3A_397 : memref<64x128xf32, #tpu.memory_space<vmem>>)
    %add3A_403 = arith.constant 256 : i32
    %add3A_404 = arith.addi %mul3A_34, %add3A_403 : i32
    %dma_start3A_405 = tpu.memref_slice %arg4[%select_n3A, %add3A_404] : memref<4x4096xi32, #tpu.memory_space<hbm>> -> memref<1x128xi32, #tpu.memory_space<hbm>>
    %dma_start3A_406 = tpu.memref_squeeze %dma_start3A_405 : memref<1x128xi32, #tpu.memory_space<hbm>> -> memref<128xi32, #tpu.memory_space<hbm>>
    %dma_start3A_407 = tpu.memref_slice %arg4[%select_n3A, %add3A_404] : memref<4x4096xi32, #tpu.memory_space<hbm>> -> memref<1x128xi32, #tpu.memory_space<hbm>>
    %dma_start3A_408 = tpu.memref_squeeze %dma_start3A_407 : memref<1x128xi32, #tpu.memory_space<hbm>> -> memref<128xi32, #tpu.memory_space<hbm>>
    tpu.enqueue_dma source(%dma_start3A_408 : memref<128xi32, #tpu.memory_space<hbm>>) target(%arg8 : memref<128xi32, #tpu.memory_space<vmem>>) target_semaphore(%arg18 : memref<!tpu.dma_semaphore, #tpu.memory_space<semaphore_mem>>)
    %dma_start3A_409 = tpu.memref_slice %arg5[%select_n3A, %add3A_404] : memref<4x4096xi32, #tpu.memory_space<hbm>> -> memref<1x128xi32, #tpu.memory_space<hbm>>
    %dma_start3A_410 = tpu.memref_squeeze %dma_start3A_409 : memref<1x128xi32, #tpu.memory_space<hbm>> -> memref<128xi32, #tpu.memory_space<hbm>>
    %dma_start3A_411 = tpu.memref_slice %arg5[%select_n3A, %add3A_404] : memref<4x4096xi32, #tpu.memory_space<hbm>> -> memref<1x128xi32, #tpu.memory_space<hbm>>
    %dma_start3A_412 = tpu.memref_squeeze %dma_start3A_411 : memref<1x128xi32, #tpu.memory_space<hbm>> -> memref<128xi32, #tpu.memory_space<hbm>>
    tpu.enqueue_dma source(%dma_start3A_412 : memref<128xi32, #tpu.memory_space<hbm>>) target(%arg10 : memref<128xi32, #tpu.memory_space<vmem>>) target_semaphore(%arg18 : memref<!tpu.dma_semaphore, #tpu.memory_space<semaphore_mem>>)
    %dma_start3A_413 = tpu.memref_slice %arg6[%select_n3A, %add3A_404] : memref<4x4096xi32, #tpu.memory_space<hbm>> -> memref<1x128xi32, #tpu.memory_space<hbm>>
    %dma_start3A_414 = tpu.memref_squeeze %dma_start3A_413 : memref<1x128xi32, #tpu.memory_space<hbm>> -> memref<128xi32, #tpu.memory_space<hbm>>
    %dma_start3A_415 = tpu.memref_slice %arg6[%select_n3A, %add3A_404] : memref<4x4096xi32, #tpu.memory_space<hbm>> -> memref<1x128xi32, #tpu.memory_space<hbm>>
    %dma_start3A_416 = tpu.memref_squeeze %dma_start3A_415 : memref<1x128xi32, #tpu.memory_space<hbm>> -> memref<128xi32, #tpu.memory_space<hbm>>
    tpu.enqueue_dma source(%dma_start3A_416 : memref<128xi32, #tpu.memory_space<hbm>>) target(%arg12 : memref<128xi32, #tpu.memory_space<vmem>>) target_semaphore(%arg18 : memref<!tpu.dma_semaphore, #tpu.memory_space<semaphore_mem>>)
    %scan3A = arith.constant 0 : i32
    %scan3A_417 = arith.constant 32 : i32
    %scan3A_418 = arith.addi %scan3A, %scan3A_417 : i32
    %scan3A_419 = arith.constant 1 : i32
    scf.for %scan3A_898 = %scan3A to %scan3A_418 step %scan3A_419  : i32 {
      %mul3A_899 = arith.constant 4 : i32
      %mul3A_900 = arith.muli %scan3A_898, %mul3A_899 : i32
      %add3A_901 = arith.constant 0 : i32
      %add3A_902 = arith.addi %add3A_901, %mul3A_900 : i32
      %add3A_903 = arith.constant 0 : i32
      %add3A_904 = arith.addi %add3A_902, %add3A_903 : i32
      %add3A_905 = arith.constant 0 : i32
      %add3A_906 = arith.addi %add3A_902, %add3A_905 : i32
      %get3A_907 = arith.index_cast %add3A_906 : i32 to index
      %get3A_908 = arith.constant 0 : index
      %get3A_909 = tpu.vector_load %arg16[%get3A_907, %get3A_908] {strides = array<i32>} : memref<128x128xf32, #tpu.memory_space<vmem>>, vector<1x16xf32>,
      %get3A_910 = vector.shape_cast %get3A_909 : vector<1x16xf32> to vector<16xf32>
      %swap3A_911 = arith.index_cast %add3A_904 : i32 to index
      %swap3A_912 = arith.constant 0 : index
      %swap3A_913 = tpu.vector_load %arg14[%swap3A_911, %swap3A_912] {strides = array<i32>} : memref<128x128xf32, #tpu.memory_space<vmem>>, vector<1x16xf32>,
      %swap3A_914 = vector.shape_cast %swap3A_913 : vector<1x16xf32> to vector<16xf32>
      %swap3A_915 = vector.shape_cast %get3A_910 : vector<16xf32> to vector<1x16xf32>
      tpu.vector_store %arg14[%swap3A_911, %swap3A_912], %swap3A_915 {add = true, strides = array<i32>} : memref<128x128xf32, #tpu.memory_space<vmem>>, vector<1x16xf32>,
      %add3A_916 = arith.constant 0 : i32
      %add3A_917 = arith.addi %add3A_902, %add3A_916 : i32
      %add3A_918 = arith.constant 0 : i32
      %add3A_919 = arith.addi %add3A_902, %add3A_918 : i32
      %get3A_920 = arith.index_cast %add3A_919 : i32 to index
      %get3A_921 = arith.constant 16 : index
      %get3A_922 = tpu.vector_load %arg16[%get3A_920, %get3A_921] {strides = array<i32>} : memref<128x128xf32, #tpu.memory_space<vmem>>, vector<1x16xf32>,
      %get3A_923 = vector.shape_cast %get3A_922 : vector<1x16xf32> to vector<16xf32>
      %swap3A_924 = arith.index_cast %add3A_917 : i32 to index
      %swap3A_925 = arith.constant 16 : index
      %swap3A_926 = tpu.vector_load %arg14[%swap3A_924, %swap3A_925] {strides = array<i32>} : memref<128x128xf32, #tpu.memory_space<vmem>>, vector<1x16xf32>,
      %swap3A_927 = vector.shape_cast %swap3A_926 : vector<1x16xf32> to vector<16xf32>
      %swap3A_928 = vector.shape_cast %get3A_923 : vector<16xf32> to vector<1x16xf32>
      tpu.vector_store %arg14[%swap3A_924, %swap3A_925], %swap3A_928 {add = true, strides = array<i32>} : memref<128x128xf32, #tpu.memory_space<vmem>>, vector<1x16xf32>,
      %add3A_929 = arith.constant 0 : i32
      %add3A_930 = arith.addi %add3A_902, %add3A_929 : i32
      %add3A_931 = arith.constant 0 : i32
      %add3A_932 = arith.addi %add3A_902, %add3A_931 : i32
      %get3A_933 = arith.index_cast %add3A_932 : i32 to index
      %get3A_934 = arith.constant 32 : index
      %get3A_935 = tpu.vector_load %arg16[%get3A_933, %get3A_934] {strides = array<i32>} : memref<128x128xf32, #tpu.memory_space<vmem>>, vector<1x16xf32>,
      %get3A_936 = vector.shape_cast %get3A_935 : vector<1x16xf32> to vector<16xf32>
      %swap3A_937 = arith.index_cast %add3A_930 : i32 to index
      %swap3A_938 = arith.constant 32 : index
      %swap3A_939 = tpu.vector_load %arg14[%swap3A_937, %swap3A_938] {strides = array<i32>} : memref<128x128xf32, #tpu.memory_space<vmem>>, vector<1x16xf32>,
      %swap3A_940 = vector.shape_cast %swap3A_939 : vector<1x16xf32> to vector<16xf32>
      %swap3A_941 = vector.shape_cast %get3A_936 : vector<16xf32> to vector<1x16xf32>
      tpu.vector_store %arg14[%swap3A_937, %swap3A_938], %swap3A_941 {add = true, strides = array<i32>} : memref<128x128xf32, #tpu.memory_space<vmem>>, vector<1x16xf32>,
      %add3A_942 = arith.constant 0 : i32
      %add3A_943 = arith.addi %add3A_902, %add3A_942 : i32
      %add3A_944 = arith.constant 0 : i32
      %add3A_945 = arith.addi %add3A_902, %add3A_944 : i32
      %get3A_946 = arith.index_cast %add3A_945 : i32 to index
      %get3A_947 = arith.constant 48 : index
      %get3A_948 = tpu.vector_load %arg16[%get3A_946, %get3A_947] {strides = array<i32>} : memref<128x128xf32, #tpu.memory_space<vmem>>, vector<1x16xf32>,
      %get3A_949 = vector.shape_cast %get3A_948 : vector<1x16xf32> to vector<16xf32>
      %swap3A_950 = arith.index_cast %add3A_943 : i32 to index
      %swap3A_951 = arith.constant 48 : index
      %swap3A_952 = tpu.vector_load %arg14[%swap3A_950, %swap3A_951] {strides = array<i32>} : memref<128x128xf32, #tpu.memory_space<vmem>>, vector<1x16xf32>,
      %swap3A_953 = vector.shape_cast %swap3A_952 : vector<1x16xf32> to vector<16xf32>
      %swap3A_954 = vector.shape_cast %get3A_949 : vector<16xf32> to vector<1x16xf32>
      tpu.vector_store %arg14[%swap3A_950, %swap3A_951], %swap3A_954 {add = true, strides = array<i32>} : memref<128x128xf32, #tpu.memory_space<vmem>>, vector<1x16xf32>,
      %add3A_955 = arith.constant 0 : i32
      %add3A_956 = arith.addi %add3A_902, %add3A_955 : i32
      %add3A_957 = arith.constant 0 : i32
      %add3A_958 = arith.addi %add3A_902, %add3A_957 : i32
      %get3A_959 = arith.index_cast %add3A_958 : i32 to index
      %get3A_960 = arith.constant 64 : index
      %get3A_961 = tpu.vector_load %arg16[%get3A_959, %get3A_960] {strides = array<i32>} : memref<128x128xf32, #tpu.memory_space<vmem>>, vector<1x16xf32>,
      %get3A_962 = vector.shape_cast %get3A_961 : vector<1x16xf32> to vector<16xf32>
      %swap3A_963 = arith.index_cast %add3A_956 : i32 to index
      %swap3A_964 = arith.constant 64 : index
      %swap3A_965 = tpu.vector_load %arg14[%swap3A_963, %swap3A_964] {strides = array<i32>} : memref<128x128xf32, #tpu.memory_space<vmem>>, vector<1x16xf32>,
      %swap3A_966 = vector.shape_cast %swap3A_965 : vector<1x16xf32> to vector<16xf32>
      %swap3A_967 = vector.shape_cast %get3A_962 : vector<16xf32> to vector<1x16xf32>
      tpu.vector_store %arg14[%swap3A_963, %swap3A_964], %swap3A_967 {add = true, strides = array<i32>} : memref<128x128xf32, #tpu.memory_space<vmem>>, vector<1x16xf32>,
      %add3A_968 = arith.constant 0 : i32
      %add3A_969 = arith.addi %add3A_902, %add3A_968 : i32
      %add3A_970 = arith.constant 0 : i32
      %add3A_971 = arith.addi %add3A_902, %add3A_970 : i32
      %get3A_972 = arith.index_cast %add3A_971 : i32 to index
      %get3A_973 = arith.constant 80 : index
      %get3A_974 = tpu.vector_load %arg16[%get3A_972, %get3A_973] {strides = array<i32>} : memref<128x128xf32, #tpu.memory_space<vmem>>, vector<1x16xf32>,
      %get3A_975 = vector.shape_cast %get3A_974 : vector<1x16xf32> to vector<16xf32>
      %swap3A_976 = arith.index_cast %add3A_969 : i32 to index
      %swap3A_977 = arith.constant 80 : index
      %swap3A_978 = tpu.vector_load %arg14[%swap3A_976, %swap3A_977] {strides = array<i32>} : memref<128x128xf32, #tpu.memory_space<vmem>>, vector<1x16xf32>,
      %swap3A_979 = vector.shape_cast %swap3A_978 : vector<1x16xf32> to vector<16xf32>
      %swap3A_980 = vector.shape_cast %get3A_975 : vector<16xf32> to vector<1x16xf32>
      tpu.vector_store %arg14[%swap3A_976, %swap3A_977], %swap3A_980 {add = true, strides = array<i32>} : memref<128x128xf32, #tpu.memory_space<vmem>>, vector<1x16xf32>,
      %add3A_981 = arith.constant 0 : i32
      %add3A_982 = arith.addi %add3A_902, %add3A_981 : i32
      %add3A_983 = arith.constant 0 : i32
      %add3A_984 = arith.addi %add3A_902, %add3A_983 : i32
      %get3A_985 = arith.index_cast %add3A_984 : i32 to index
      %get3A_986 = arith.constant 96 : index
      %get3A_987 = tpu.vector_load %arg16[%get3A_985, %get3A_986] {strides = array<i32>} : memref<128x128xf32, #tpu.memory_space<vmem>>, vector<1x16xf32>,
      %get3A_988 = vector.shape_cast %get3A_987 : vector<1x16xf32> to vector<16xf32>
      %swap3A_989 = arith.index_cast %add3A_982 : i32 to index
      %swap3A_990 = arith.constant 96 : index
      %swap3A_991 = tpu.vector_load %arg14[%swap3A_989, %swap3A_990] {strides = array<i32>} : memref<128x128xf32, #tpu.memory_space<vmem>>, vector<1x16xf32>,
      %swap3A_992 = vector.shape_cast %swap3A_991 : vector<1x16xf32> to vector<16xf32>
      %swap3A_993 = vector.shape_cast %get3A_988 : vector<16xf32> to vector<1x16xf32>
      tpu.vector_store %arg14[%swap3A_989, %swap3A_990], %swap3A_993 {add = true, strides = array<i32>} : memref<128x128xf32, #tpu.memory_space<vmem>>, vector<1x16xf32>,
      %add3A_994 = arith.constant 0 : i32
      %add3A_995 = arith.addi %add3A_902, %add3A_994 : i32
      %add3A_996 = arith.constant 0 : i32
      %add3A_997 = arith.addi %add3A_902, %add3A_996 : i32
      %get3A_998 = arith.index_cast %add3A_997 : i32 to index
      %get3A_999 = arith.constant 112 : index
      %get3A_1000 = tpu.vector_load %arg16[%get3A_998, %get3A_999] {strides = array<i32>} : memref<128x128xf32, #tpu.memory_space<vmem>>, vector<1x16xf32>,
      %get3A_1001 = vector.shape_cast %get3A_1000 : vector<1x16xf32> to vector<16xf32>
      %swap3A_1002 = arith.index_cast %add3A_995 : i32 to index
      %swap3A_1003 = arith.constant 112 : index
      %swap3A_1004 = tpu.vector_load %arg14[%swap3A_1002, %swap3A_1003] {strides = array<i32>} : memref<128x128xf32, #tpu.memory_space<vmem>>, vector<1x16xf32>,
      %swap3A_1005 = vector.shape_cast %swap3A_1004 : vector<1x16xf32> to vector<16xf32>
      %swap3A_1006 = vector.shape_cast %get3A_1001 : vector<16xf32> to vector<1x16xf32>
      tpu.vector_store %arg14[%swap3A_1002, %swap3A_1003], %swap3A_1006 {add = true, strides = array<i32>} : memref<128x128xf32, #tpu.memory_space<vmem>>, vector<1x16xf32>,
      %add3A_1007 = arith.constant 1 : i32
      %add3A_1008 = arith.addi %add3A_902, %add3A_1007 : i32
      %add3A_1009 = arith.constant 1 : i32
      %add3A_1010 = arith.addi %add3A_902, %add3A_1009 : i32
      %get3A_1011 = arith.index_cast %add3A_1010 : i32 to index
      %get3A_1012 = arith.constant 0 : index
      %get3A_1013 = tpu.vector_load %arg16[%get3A_1011, %get3A_1012] {strides = array<i32>} : memref<128x128xf32, #tpu.memory_space<vmem>>, vector<1x16xf32>,
      %get3A_1014 = vector.shape_cast %get3A_1013 : vector<1x16xf32> to vector<16xf32>
      %swap3A_1015 = arith.index_cast %add3A_1008 : i32 to index
      %swap3A_1016 = arith.constant 0 : index
      %swap3A_1017 = tpu.vector_load %arg14[%swap3A_1015, %swap3A_1016] {strides = array<i32>} : memref<128x128xf32, #tpu.memory_space<vmem>>, vector<1x16xf32>,
      %swap3A_1018 = vector.shape_cast %swap3A_1017 : vector<1x16xf32> to vector<16xf32>
      %swap3A_1019 = vector.shape_cast %get3A_1014 : vector<16xf32> to vector<1x16xf32>
      tpu.vector_store %arg14[%swap3A_1015, %swap3A_1016], %swap3A_1019 {add = true, strides = array<i32>} : memref<128x128xf32, #tpu.memory_space<vmem>>, vector<1x16xf32>,
      %add3A_1020 = arith.constant 1 : i32
      %add3A_1021 = arith.addi %add3A_902, %add3A_1020 : i32
      %add3A_1022 = arith.constant 1 : i32
      %add3A_1023 = arith.addi %add3A_902, %add3A_1022 : i32
      %get3A_1024 = arith.index_cast %add3A_1023 : i32 to index
      %get3A_1025 = arith.constant 16 : index
      %get3A_1026 = tpu.vector_load %arg16[%get3A_1024, %get3A_1025] {strides = array<i32>} : memref<128x128xf32, #tpu.memory_space<vmem>>, vector<1x16xf32>,
      %get3A_1027 = vector.shape_cast %get3A_1026 : vector<1x16xf32> to vector<16xf32>
      %swap3A_1028 = arith.index_cast %add3A_1021 : i32 to index
      %swap3A_1029 = arith.constant 16 : index
      %swap3A_1030 = tpu.vector_load %arg14[%swap3A_1028, %swap3A_1029] {strides = array<i32>} : memref<128x128xf32, #tpu.memory_space<vmem>>, vector<1x16xf32>,
      %swap3A_1031 = vector.shape_cast %swap3A_1030 : vector<1x16xf32> to vector<16xf32>
      %swap3A_1032 = vector.shape_cast %get3A_1027 : vector<16xf32> to vector<1x16xf32>
      tpu.vector_store %arg14[%swap3A_1028, %swap3A_1029], %swap3A_1032 {add = true, strides = array<i32>} : memref<128x128xf32, #tpu.memory_space<vmem>>, vector<1x16xf32>,
      %add3A_1033 = arith.constant 1 : i32
      %add3A_1034 = arith.addi %add3A_902, %add3A_1033 : i32
      %add3A_1035 = arith.constant 1 : i32
      %add3A_1036 = arith.addi %add3A_902, %add3A_1035 : i32
      %get3A_1037 = arith.index_cast %add3A_1036 : i32 to index
      %get3A_1038 = arith.constant 32 : index
      %get3A_1039 = tpu.vector_load %arg16[%get3A_1037, %get3A_1038] {strides = array<i32>} : memref<128x128xf32, #tpu.memory_space<vmem>>, vector<1x16xf32>,
      %get3A_1040 = vector.shape_cast %get3A_1039 : vector<1x16xf32> to vector<16xf32>
      %swap3A_1041 = arith.index_cast %add3A_1034 : i32 to index
      %swap3A_1042 = arith.constant 32 : index
      %swap3A_1043 = tpu.vector_load %arg14[%swap3A_1041, %swap3A_1042] {strides = array<i32>} : memref<128x128xf32, #tpu.memory_space<vmem>>, vector<1x16xf32>,
      %swap3A_1044 = vector.shape_cast %swap3A_1043 : vector<1x16xf32> to vector<16xf32>
      %swap3A_1045 = vector.shape_cast %get3A_1040 : vector<16xf32> to vector<1x16xf32>
      tpu.vector_store %arg14[%swap3A_1041, %swap3A_1042], %swap3A_1045 {add = true, strides = array<i32>} : memref<128x128xf32, #tpu.memory_space<vmem>>, vector<1x16xf32>,
      %add3A_1046 = arith.constant 1 : i32
      %add3A_1047 = arith.addi %add3A_902, %add3A_1046 : i32
      %add3A_1048 = arith.constant 1 : i32
      %add3A_1049 = arith.addi %add3A_902, %add3A_1048 : i32
      %get3A_1050 = arith.index_cast %add3A_1049 : i32 to index
      %get3A_1051 = arith.constant 48 : index
      %get3A_1052 = tpu.vector_load %arg16[%get3A_1050, %get3A_1051] {strides = array<i32>} : memref<128x128xf32, #tpu.memory_space<vmem>>, vector<1x16xf32>,
      %get3A_1053 = vector.shape_cast %get3A_1052 : vector<1x16xf32> to vector<16xf32>
      %swap3A_1054 = arith.index_cast %add3A_1047 : i32 to index
      %swap3A_1055 = arith.constant 48 : index
      %swap3A_1056 = tpu.vector_load %arg14[%swap3A_1054, %swap3A_1055] {strides = array<i32>} : memref<128x128xf32, #tpu.memory_space<vmem>>, vector<1x16xf32>,
      %swap3A_1057 = vector.shape_cast %swap3A_1056 : vector<1x16xf32> to vector<16xf32>
      %swap3A_1058 = vector.shape_cast %get3A_1053 : vector<16xf32> to vector<1x16xf32>
      tpu.vector_store %arg14[%swap3A_1054, %swap3A_1055], %swap3A_1058 {add = true, strides = array<i32>} : memref<128x128xf32, #tpu.memory_space<vmem>>, vector<1x16xf32>,
      %add3A_1059 = arith.constant 1 : i32
      %add3A_1060 = arith.addi %add3A_902, %add3A_1059 : i32
      %add3A_1061 = arith.constant 1 : i32
      %add3A_1062 = arith.addi %add3A_902, %add3A_1061 : i32
      %get3A_1063 = arith.index_cast %add3A_1062 : i32 to index
      %get3A_1064 = arith.constant 64 : index
      %get3A_1065 = tpu.vector_load %arg16[%get3A_1063, %get3A_1064] {strides = array<i32>} : memref<128x128xf32, #tpu.memory_space<vmem>>, vector<1x16xf32>,
      %get3A_1066 = vector.shape_cast %get3A_1065 : vector<1x16xf32> to vector<16xf32>
      %swap3A_1067 = arith.index_cast %add3A_1060 : i32 to index
      %swap3A_1068 = arith.constant 64 : index
      %swap3A_1069 = tpu.vector_load %arg14[%swap3A_1067, %swap3A_1068] {strides = array<i32>} : memref<128x128xf32, #tpu.memory_space<vmem>>, vector<1x16xf32>,
      %swap3A_1070 = vector.shape_cast %swap3A_1069 : vector<1x16xf32> to vector<16xf32>
      %swap3A_1071 = vector.shape_cast %get3A_1066 : vector<16xf32> to vector<1x16xf32>
      tpu.vector_store %arg14[%swap3A_1067, %swap3A_1068], %swap3A_1071 {add = true, strides = array<i32>} : memref<128x128xf32, #tpu.memory_space<vmem>>, vector<1x16xf32>,
      %add3A_1072 = arith.constant 1 : i32
      %add3A_1073 = arith.addi %add3A_902, %add3A_1072 : i32
      %add3A_1074 = arith.constant 1 : i32
      %add3A_1075 = arith.addi %add3A_902, %add3A_1074 : i32
      %get3A_1076 = arith.index_cast %add3A_1075 : i32 to index
      %get3A_1077 = arith.constant 80 : index
      %get3A_1078 = tpu.vector_load %arg16[%get3A_1076, %get3A_1077] {strides = array<i32>} : memref<128x128xf32, #tpu.memory_space<vmem>>, vector<1x16xf32>,
      %get3A_1079 = vector.shape_cast %get3A_1078 : vector<1x16xf32> to vector<16xf32>
      %swap3A_1080 = arith.index_cast %add3A_1073 : i32 to index
      %swap3A_1081 = arith.constant 80 : index
      %swap3A_1082 = tpu.vector_load %arg14[%swap3A_1080, %swap3A_1081] {strides = array<i32>} : memref<128x128xf32, #tpu.memory_space<vmem>>, vector<1x16xf32>,
      %swap3A_1083 = vector.shape_cast %swap3A_1082 : vector<1x16xf32> to vector<16xf32>
      %swap3A_1084 = vector.shape_cast %get3A_1079 : vector<16xf32> to vector<1x16xf32>
      tpu.vector_store %arg14[%swap3A_1080, %swap3A_1081], %swap3A_1084 {add = true, strides = array<i32>} : memref<128x128xf32, #tpu.memory_space<vmem>>, vector<1x16xf32>,
      %add3A_1085 = arith.constant 1 : i32
      %add3A_1086 = arith.addi %add3A_902, %add3A_1085 : i32
      %add3A_1087 = arith.constant 1 : i32
      %add3A_1088 = arith.addi %add3A_902, %add3A_1087 : i32
      %get3A_1089 = arith.index_cast %add3A_1088 : i32 to index
      %get3A_1090 = arith.constant 96 : index
      %get3A_1091 = tpu.vector_load %arg16[%get3A_1089, %get3A_1090] {strides = array<i32>} : memref<128x128xf32, #tpu.memory_space<vmem>>, vector<1x16xf32>,
      %get3A_1092 = vector.shape_cast %get3A_1091 : vector<1x16xf32> to vector<16xf32>
      %swap3A_1093 = arith.index_cast %add3A_1086 : i32 to index
      %swap3A_1094 = arith.constant 96 : index
      %swap3A_1095 = tpu.vector_load %arg14[%swap3A_1093, %swap3A_1094] {strides = array<i32>} : memref<128x128xf32, #tpu.memory_space<vmem>>, vector<1x16xf32>,
      %swap3A_1096 = vector.shape_cast %swap3A_1095 : vector<1x16xf32> to vector<16xf32>
      %swap3A_1097 = vector.shape_cast %get3A_1092 : vector<16xf32> to vector<1x16xf32>
      tpu.vector_store %arg14[%swap3A_1093, %swap3A_1094], %swap3A_1097 {add = true, strides = array<i32>} : memref<128x128xf32, #tpu.memory_space<vmem>>, vector<1x16xf32>,
      %add3A_1098 = arith.constant 1 : i32
      %add3A_1099 = arith.addi %add3A_902, %add3A_1098 : i32
      %add3A_1100 = arith.constant 1 : i32
      %add3A_1101 = arith.addi %add3A_902, %add3A_1100 : i32
      %get3A_1102 = arith.index_cast %add3A_1101 : i32 to index
      %get3A_1103 = arith.constant 112 : index
      %get3A_1104 = tpu.vector_load %arg16[%get3A_1102, %get3A_1103] {strides = array<i32>} : memref<128x128xf32, #tpu.memory_space<vmem>>, vector<1x16xf32>,
      %get3A_1105 = vector.shape_cast %get3A_1104 : vector<1x16xf32> to vector<16xf32>
      %swap3A_1106 = arith.index_cast %add3A_1099 : i32 to index
      %swap3A_1107 = arith.constant 112 : index
      %swap3A_1108 = tpu.vector_load %arg14[%swap3A_1106, %swap3A_1107] {strides = array<i32>} : memref<128x128xf32, #tpu.memory_space<vmem>>, vector<1x16xf32>,
      %swap3A_1109 = vector.shape_cast %swap3A_1108 : vector<1x16xf32> to vector<16xf32>
      %swap3A_1110 = vector.shape_cast %get3A_1105 : vector<16xf32> to vector<1x16xf32>
      tpu.vector_store %arg14[%swap3A_1106, %swap3A_1107], %swap3A_1110 {add = true, strides = array<i32>} : memref<128x128xf32, #tpu.memory_space<vmem>>, vector<1x16xf32>,
      %add3A_1111 = arith.constant 2 : i32
      %add3A_1112 = arith.addi %add3A_902, %add3A_1111 : i32
      %add3A_1113 = arith.constant 2 : i32
      %add3A_1114 = arith.addi %add3A_902, %add3A_1113 : i32
      %get3A_1115 = arith.index_cast %add3A_1114 : i32 to index
      %get3A_1116 = arith.constant 0 : index
      %get3A_1117 = tpu.vector_load %arg16[%get3A_1115, %get3A_1116] {strides = array<i32>} : memref<128x128xf32, #tpu.memory_space<vmem>>, vector<1x16xf32>,
      %get3A_1118 = vector.shape_cast %get3A_1117 : vector<1x16xf32> to vector<16xf32>
      %swap3A_1119 = arith.index_cast %add3A_1112 : i32 to index
      %swap3A_1120 = arith.constant 0 : index
      %swap3A_1121 = tpu.vector_load %arg14[%swap3A_1119, %swap3A_1120] {strides = array<i32>} : memref<128x128xf32, #tpu.memory_space<vmem>>, vector<1x16xf32>,
      %swap3A_1122 = vector.shape_cast %swap3A_1121 : vector<1x16xf32> to vector<16xf32>
      %swap3A_1123 = vector.shape_cast %get3A_1118 : vector<16xf32> to vector<1x16xf32>
      tpu.vector_store %arg14[%swap3A_1119, %swap3A_1120], %swap3A_1123 {add = true, strides = array<i32>} : memref<128x128xf32, #tpu.memory_space<vmem>>, vector<1x16xf32>,
      %add3A_1124 = arith.constant 2 : i32
      %add3A_1125 = arith.addi %add3A_902, %add3A_1124 : i32
      %add3A_1126 = arith.constant 2 : i32
      %add3A_1127 = arith.addi %add3A_902, %add3A_1126 : i32
      %get3A_1128 = arith.index_cast %add3A_1127 : i32 to index
      %get3A_1129 = arith.constant 16 : index
      %get3A_1130 = tpu.vector_load %arg16[%get3A_1128, %get3A_1129] {strides = array<i32>} : memref<128x128xf32, #tpu.memory_space<vmem>>, vector<1x16xf32>,
      %get3A_1131 = vector.shape_cast %get3A_1130 : vector<1x16xf32> to vector<16xf32>
      %swap3A_1132 = arith.index_cast %add3A_1125 : i32 to index
      %swap3A_1133 = arith.constant 16 : index
      %swap3A_1134 = tpu.vector_load %arg14[%swap3A_1132, %swap3A_1133] {strides = array<i32>} : memref<128x128xf32, #tpu.memory_space<vmem>>, vector<1x16xf32>,
      %swap3A_1135 = vector.shape_cast %swap3A_1134 : vector<1x16xf32> to vector<16xf32>
      %swap3A_1136 = vector.shape_cast %get3A_1131 : vector<16xf32> to vector<1x16xf32>
      tpu.vector_store %arg14[%swap3A_1132, %swap3A_1133], %swap3A_1136 {add = true, strides = array<i32>} : memref<128x128xf32, #tpu.memory_space<vmem>>, vector<1x16xf32>,
      %add3A_1137 = arith.constant 2 : i32
      %add3A_1138 = arith.addi %add3A_902, %add3A_1137 : i32
      %add3A_1139 = arith.constant 2 : i32
      %add3A_1140 = arith.addi %add3A_902, %add3A_1139 : i32
      %get3A_1141 = arith.index_cast %add3A_1140 : i32 to index
      %get3A_1142 = arith.constant 32 : index
      %get3A_1143 = tpu.vector_load %arg16[%get3A_1141, %get3A_1142] {strides = array<i32>} : memref<128x128xf32, #tpu.memory_space<vmem>>, vector<1x16xf32>,
      %get3A_1144 = vector.shape_cast %get3A_1143 : vector<1x16xf32> to vector<16xf32>
      %swap3A_1145 = arith.index_cast %add3A_1138 : i32 to index
      %swap3A_1146 = arith.constant 32 : index
      %swap3A_1147 = tpu.vector_load %arg14[%swap3A_1145, %swap3A_1146] {strides = array<i32>} : memref<128x128xf32, #tpu.memory_space<vmem>>, vector<1x16xf32>,
      %swap3A_1148 = vector.shape_cast %swap3A_1147 : vector<1x16xf32> to vector<16xf32>
      %swap3A_1149 = vector.shape_cast %get3A_1144 : vector<16xf32> to vector<1x16xf32>
      tpu.vector_store %arg14[%swap3A_1145, %swap3A_1146], %swap3A_1149 {add = true, strides = array<i32>} : memref<128x128xf32, #tpu.memory_space<vmem>>, vector<1x16xf32>,
      %add3A_1150 = arith.constant 2 : i32
      %add3A_1151 = arith.addi %add3A_902, %add3A_1150 : i32
      %add3A_1152 = arith.constant 2 : i32
      %add3A_1153 = arith.addi %add3A_902, %add3A_1152 : i32
      %get3A_1154 = arith.index_cast %add3A_1153 : i32 to index
      %get3A_1155 = arith.constant 48 : index
      %get3A_1156 = tpu.vector_load %arg16[%get3A_1154, %get3A_1155] {strides = array<i32>} : memref<128x128xf32, #tpu.memory_space<vmem>>, vector<1x16xf32>,
      %get3A_1157 = vector.shape_cast %get3A_1156 : vector<1x16xf32> to vector<16xf32>
      %swap3A_1158 = arith.index_cast %add3A_1151 : i32 to index
      %swap3A_1159 = arith.constant 48 : index
      %swap3A_1160 = tpu.vector_load %arg14[%swap3A_1158, %swap3A_1159] {strides = array<i32>} : memref<128x128xf32, #tpu.memory_space<vmem>>, vector<1x16xf32>,
      %swap3A_1161 = vector.shape_cast %swap3A_1160 : vector<1x16xf32> to vector<16xf32>
      %swap3A_1162 = vector.shape_cast %get3A_1157 : vector<16xf32> to vector<1x16xf32>
      tpu.vector_store %arg14[%swap3A_1158, %swap3A_1159], %swap3A_1162 {add = true, strides = array<i32>} : memref<128x128xf32, #tpu.memory_space<vmem>>, vector<1x16xf32>,
      %add3A_1163 = arith.constant 2 : i32
      %add3A_1164 = arith.addi %add3A_902, %add3A_1163 : i32
      %add3A_1165 = arith.constant 2 : i32
      %add3A_1166 = arith.addi %add3A_902, %add3A_1165 : i32
      %get3A_1167 = arith.index_cast %add3A_1166 : i32 to index
      %get3A_1168 = arith.constant 64 : index
      %get3A_1169 = tpu.vector_load %arg16[%get3A_1167, %get3A_1168] {strides = array<i32>} : memref<128x128xf32, #tpu.memory_space<vmem>>, vector<1x16xf32>,
      %get3A_1170 = vector.shape_cast %get3A_1169 : vector<1x16xf32> to vector<16xf32>
      %swap3A_1171 = arith.index_cast %add3A_1164 : i32 to index
      %swap3A_1172 = arith.constant 64 : index
      %swap3A_1173 = tpu.vector_load %arg14[%swap3A_1171, %swap3A_1172] {strides = array<i32>} : memref<128x128xf32, #tpu.memory_space<vmem>>, vector<1x16xf32>,
      %swap3A_1174 = vector.shape_cast %swap3A_1173 : vector<1x16xf32> to vector<16xf32>
      %swap3A_1175 = vector.shape_cast %get3A_1170 : vector<16xf32> to vector<1x16xf32>
      tpu.vector_store %arg14[%swap3A_1171, %swap3A_1172], %swap3A_1175 {add = true, strides = array<i32>} : memref<128x128xf32, #tpu.memory_space<vmem>>, vector<1x16xf32>,
      %add3A_1176 = arith.constant 2 : i32
      %add3A_1177 = arith.addi %add3A_902, %add3A_1176 : i32
      %add3A_1178 = arith.constant 2 : i32
      %add3A_1179 = arith.addi %add3A_902, %add3A_1178 : i32
      %get3A_1180 = arith.index_cast %add3A_1179 : i32 to index
      %get3A_1181 = arith.constant 80 : index
      %get3A_1182 = tpu.vector_load %arg16[%get3A_1180, %get3A_1181] {strides = array<i32>} : memref<128x128xf32, #tpu.memory_space<vmem>>, vector<1x16xf32>,
      %get3A_1183 = vector.shape_cast %get3A_1182 : vector<1x16xf32> to vector<16xf32>
      %swap3A_1184 = arith.index_cast %add3A_1177 : i32 to index
      %swap3A_1185 = arith.constant 80 : index
      %swap3A_1186 = tpu.vector_load %arg14[%swap3A_1184, %swap3A_1185] {strides = array<i32>} : memref<128x128xf32, #tpu.memory_space<vmem>>, vector<1x16xf32>,
      %swap3A_1187 = vector.shape_cast %swap3A_1186 : vector<1x16xf32> to vector<16xf32>
      %swap3A_1188 = vector.shape_cast %get3A_1183 : vector<16xf32> to vector<1x16xf32>
      tpu.vector_store %arg14[%swap3A_1184, %swap3A_1185], %swap3A_1188 {add = true, strides = array<i32>} : memref<128x128xf32, #tpu.memory_space<vmem>>, vector<1x16xf32>,
      %add3A_1189 = arith.constant 2 : i32
      %add3A_1190 = arith.addi %add3A_902, %add3A_1189 : i32
      %add3A_1191 = arith.constant 2 : i32
      %add3A_1192 = arith.addi %add3A_902, %add3A_1191 : i32
      %get3A_1193 = arith.index_cast %add3A_1192 : i32 to index
      %get3A_1194 = arith.constant 96 : index
      %get3A_1195 = tpu.vector_load %arg16[%get3A_1193, %get3A_1194] {strides = array<i32>} : memref<128x128xf32, #tpu.memory_space<vmem>>, vector<1x16xf32>,
      %get3A_1196 = vector.shape_cast %get3A_1195 : vector<1x16xf32> to vector<16xf32>
      %swap3A_1197 = arith.index_cast %add3A_1190 : i32 to index
      %swap3A_1198 = arith.constant 96 : index
      %swap3A_1199 = tpu.vector_load %arg14[%swap3A_1197, %swap3A_1198] {strides = array<i32>} : memref<128x128xf32, #tpu.memory_space<vmem>>, vector<1x16xf32>,
      %swap3A_1200 = vector.shape_cast %swap3A_1199 : vector<1x16xf32> to vector<16xf32>
      %swap3A_1201 = vector.shape_cast %get3A_1196 : vector<16xf32> to vector<1x16xf32>
      tpu.vector_store %arg14[%swap3A_1197, %swap3A_1198], %swap3A_1201 {add = true, strides = array<i32>} : memref<128x128xf32, #tpu.memory_space<vmem>>, vector<1x16xf32>,
      %add3A_1202 = arith.constant 2 : i32
      %add3A_1203 = arith.addi %add3A_902, %add3A_1202 : i32
      %add3A_1204 = arith.constant 2 : i32
      %add3A_1205 = arith.addi %add3A_902, %add3A_1204 : i32
      %get3A_1206 = arith.index_cast %add3A_1205 : i32 to index
      %get3A_1207 = arith.constant 112 : index
      %get3A_1208 = tpu.vector_load %arg16[%get3A_1206, %get3A_1207] {strides = array<i32>} : memref<128x128xf32, #tpu.memory_space<vmem>>, vector<1x16xf32>,
      %get3A_1209 = vector.shape_cast %get3A_1208 : vector<1x16xf32> to vector<16xf32>
      %swap3A_1210 = arith.index_cast %add3A_1203 : i32 to index
      %swap3A_1211 = arith.constant 112 : index
      %swap3A_1212 = tpu.vector_load %arg14[%swap3A_1210, %swap3A_1211] {strides = array<i32>} : memref<128x128xf32, #tpu.memory_space<vmem>>, vector<1x16xf32>,
      %swap3A_1213 = vector.shape_cast %swap3A_1212 : vector<1x16xf32> to vector<16xf32>
      %swap3A_1214 = vector.shape_cast %get3A_1209 : vector<16xf32> to vector<1x16xf32>
      tpu.vector_store %arg14[%swap3A_1210, %swap3A_1211], %swap3A_1214 {add = true, strides = array<i32>} : memref<128x128xf32, #tpu.memory_space<vmem>>, vector<1x16xf32>,
      %add3A_1215 = arith.constant 3 : i32
      %add3A_1216 = arith.addi %add3A_902, %add3A_1215 : i32
      %add3A_1217 = arith.constant 3 : i32
      %add3A_1218 = arith.addi %add3A_902, %add3A_1217 : i32
      %get3A_1219 = arith.index_cast %add3A_1218 : i32 to index
      %get3A_1220 = arith.constant 0 : index
      %get3A_1221 = tpu.vector_load %arg16[%get3A_1219, %get3A_1220] {strides = array<i32>} : memref<128x128xf32, #tpu.memory_space<vmem>>, vector<1x16xf32>,
      %get3A_1222 = vector.shape_cast %get3A_1221 : vector<1x16xf32> to vector<16xf32>
      %swap3A_1223 = arith.index_cast %add3A_1216 : i32 to index
      %swap3A_1224 = arith.constant 0 : index
      %swap3A_1225 = tpu.vector_load %arg14[%swap3A_1223, %swap3A_1224] {strides = array<i32>} : memref<128x128xf32, #tpu.memory_space<vmem>>, vector<1x16xf32>,
      %swap3A_1226 = vector.shape_cast %swap3A_1225 : vector<1x16xf32> to vector<16xf32>
      %swap3A_1227 = vector.shape_cast %get3A_1222 : vector<16xf32> to vector<1x16xf32>
      tpu.vector_store %arg14[%swap3A_1223, %swap3A_1224], %swap3A_1227 {add = true, strides = array<i32>} : memref<128x128xf32, #tpu.memory_space<vmem>>, vector<1x16xf32>,
      %add3A_1228 = arith.constant 3 : i32
      %add3A_1229 = arith.addi %add3A_902, %add3A_1228 : i32
      %add3A_1230 = arith.constant 3 : i32
      %add3A_1231 = arith.addi %add3A_902, %add3A_1230 : i32
      %get3A_1232 = arith.index_cast %add3A_1231 : i32 to index
      %get3A_1233 = arith.constant 16 : index
      %get3A_1234 = tpu.vector_load %arg16[%get3A_1232, %get3A_1233] {strides = array<i32>} : memref<128x128xf32, #tpu.memory_space<vmem>>, vector<1x16xf32>,
      %get3A_1235 = vector.shape_cast %get3A_1234 : vector<1x16xf32> to vector<16xf32>
      %swap3A_1236 = arith.index_cast %add3A_1229 : i32 to index
      %swap3A_1237 = arith.constant 16 : index
      %swap3A_1238 = tpu.vector_load %arg14[%swap3A_1236, %swap3A_1237] {strides = array<i32>} : memref<128x128xf32, #tpu.memory_space<vmem>>, vector<1x16xf32>,
      %swap3A_1239 = vector.shape_cast %swap3A_1238 : vector<1x16xf32> to vector<16xf32>
      %swap3A_1240 = vector.shape_cast %get3A_1235 : vector<16xf32> to vector<1x16xf32>
      tpu.vector_store %arg14[%swap3A_1236, %swap3A_1237], %swap3A_1240 {add = true, strides = array<i32>} : memref<128x128xf32, #tpu.memory_space<vmem>>, vector<1x16xf32>,
      %add3A_1241 = arith.constant 3 : i32
      %add3A_1242 = arith.addi %add3A_902, %add3A_1241 : i32
      %add3A_1243 = arith.constant 3 : i32
      %add3A_1244 = arith.addi %add3A_902, %add3A_1243 : i32
      %get3A_1245 = arith.index_cast %add3A_1244 : i32 to index
      %get3A_1246 = arith.constant 32 : index
      %get3A_1247 = tpu.vector_load %arg16[%get3A_1245, %get3A_1246] {strides = array<i32>} : memref<128x128xf32, #tpu.memory_space<vmem>>, vector<1x16xf32>,
      %get3A_1248 = vector.shape_cast %get3A_1247 : vector<1x16xf32> to vector<16xf32>
      %swap3A_1249 = arith.index_cast %add3A_1242 : i32 to index
      %swap3A_1250 = arith.constant 32 : index
      %swap3A_1251 = tpu.vector_load %arg14[%swap3A_1249, %swap3A_1250] {strides = array<i32>} : memref<128x128xf32, #tpu.memory_space<vmem>>, vector<1x16xf32>,
      %swap3A_1252 = vector.shape_cast %swap3A_1251 : vector<1x16xf32> to vector<16xf32>
      %swap3A_1253 = vector.shape_cast %get3A_1248 : vector<16xf32> to vector<1x16xf32>
      tpu.vector_store %arg14[%swap3A_1249, %swap3A_1250], %swap3A_1253 {add = true, strides = array<i32>} : memref<128x128xf32, #tpu.memory_space<vmem>>, vector<1x16xf32>,
      %add3A_1254 = arith.constant 3 : i32
      %add3A_1255 = arith.addi %add3A_902, %add3A_1254 : i32
      %add3A_1256 = arith.constant 3 : i32
      %add3A_1257 = arith.addi %add3A_902, %add3A_1256 : i32
      %get3A_1258 = arith.index_cast %add3A_1257 : i32 to index
      %get3A_1259 = arith.constant 48 : index
      %get3A_1260 = tpu.vector_load %arg16[%get3A_1258, %get3A_1259] {strides = array<i32>} : memref<128x128xf32, #tpu.memory_space<vmem>>, vector<1x16xf32>,
      %get3A_1261 = vector.shape_cast %get3A_1260 : vector<1x16xf32> to vector<16xf32>
      %swap3A_1262 = arith.index_cast %add3A_1255 : i32 to index
      %swap3A_1263 = arith.constant 48 : index
      %swap3A_1264 = tpu.vector_load %arg14[%swap3A_1262, %swap3A_1263] {strides = array<i32>} : memref<128x128xf32, #tpu.memory_space<vmem>>, vector<1x16xf32>,
      %swap3A_1265 = vector.shape_cast %swap3A_1264 : vector<1x16xf32> to vector<16xf32>
      %swap3A_1266 = vector.shape_cast %get3A_1261 : vector<16xf32> to vector<1x16xf32>
      tpu.vector_store %arg14[%swap3A_1262, %swap3A_1263], %swap3A_1266 {add = true, strides = array<i32>} : memref<128x128xf32, #tpu.memory_space<vmem>>, vector<1x16xf32>,
      %add3A_1267 = arith.constant 3 : i32
      %add3A_1268 = arith.addi %add3A_902, %add3A_1267 : i32
      %add3A_1269 = arith.constant 3 : i32
      %add3A_1270 = arith.addi %add3A_902, %add3A_1269 : i32
      %get3A_1271 = arith.index_cast %add3A_1270 : i32 to index
      %get3A_1272 = arith.constant 64 : index
      %get3A_1273 = tpu.vector_load %arg16[%get3A_1271, %get3A_1272] {strides = array<i32>} : memref<128x128xf32, #tpu.memory_space<vmem>>, vector<1x16xf32>,
      %get3A_1274 = vector.shape_cast %get3A_1273 : vector<1x16xf32> to vector<16xf32>
      %swap3A_1275 = arith.index_cast %add3A_1268 : i32 to index
      %swap3A_1276 = arith.constant 64 : index
      %swap3A_1277 = tpu.vector_load %arg14[%swap3A_1275, %swap3A_1276] {strides = array<i32>} : memref<128x128xf32, #tpu.memory_space<vmem>>, vector<1x16xf32>,
      %swap3A_1278 = vector.shape_cast %swap3A_1277 : vector<1x16xf32> to vector<16xf32>
      %swap3A_1279 = vector.shape_cast %get3A_1274 : vector<16xf32> to vector<1x16xf32>
      tpu.vector_store %arg14[%swap3A_1275, %swap3A_1276], %swap3A_1279 {add = true, strides = array<i32>} : memref<128x128xf32, #tpu.memory_space<vmem>>, vector<1x16xf32>,
      %add3A_1280 = arith.constant 3 : i32
      %add3A_1281 = arith.addi %add3A_902, %add3A_1280 : i32
      %add3A_1282 = arith.constant 3 : i32
      %add3A_1283 = arith.addi %add3A_902, %add3A_1282 : i32
      %get3A_1284 = arith.index_cast %add3A_1283 : i32 to index
      %get3A_1285 = arith.constant 80 : index
      %get3A_1286 = tpu.vector_load %arg16[%get3A_1284, %get3A_1285] {strides = array<i32>} : memref<128x128xf32, #tpu.memory_space<vmem>>, vector<1x16xf32>,
      %get3A_1287 = vector.shape_cast %get3A_1286 : vector<1x16xf32> to vector<16xf32>
      %swap3A_1288 = arith.index_cast %add3A_1281 : i32 to index
      %swap3A_1289 = arith.constant 80 : index
      %swap3A_1290 = tpu.vector_load %arg14[%swap3A_1288, %swap3A_1289] {strides = array<i32>} : memref<128x128xf32, #tpu.memory_space<vmem>>, vector<1x16xf32>,
      %swap3A_1291 = vector.shape_cast %swap3A_1290 : vector<1x16xf32> to vector<16xf32>
      %swap3A_1292 = vector.shape_cast %get3A_1287 : vector<16xf32> to vector<1x16xf32>
      tpu.vector_store %arg14[%swap3A_1288, %swap3A_1289], %swap3A_1292 {add = true, strides = array<i32>} : memref<128x128xf32, #tpu.memory_space<vmem>>, vector<1x16xf32>,
      %add3A_1293 = arith.constant 3 : i32
      %add3A_1294 = arith.addi %add3A_902, %add3A_1293 : i32
      %add3A_1295 = arith.constant 3 : i32
      %add3A_1296 = arith.addi %add3A_902, %add3A_1295 : i32
      %get3A_1297 = arith.index_cast %add3A_1296 : i32 to index
      %get3A_1298 = arith.constant 96 : index
      %get3A_1299 = tpu.vector_load %arg16[%get3A_1297, %get3A_1298] {strides = array<i32>} : memref<128x128xf32, #tpu.memory_space<vmem>>, vector<1x16xf32>,
      %get3A_1300 = vector.shape_cast %get3A_1299 : vector<1x16xf32> to vector<16xf32>
      %swap3A_1301 = arith.index_cast %add3A_1294 : i32 to index
      %swap3A_1302 = arith.constant 96 : index
      %swap3A_1303 = tpu.vector_load %arg14[%swap3A_1301, %swap3A_1302] {strides = array<i32>} : memref<128x128xf32, #tpu.memory_space<vmem>>, vector<1x16xf32>,
      %swap3A_1304 = vector.shape_cast %swap3A_1303 : vector<1x16xf32> to vector<16xf32>
      %swap3A_1305 = vector.shape_cast %get3A_1300 : vector<16xf32> to vector<1x16xf32>
      tpu.vector_store %arg14[%swap3A_1301, %swap3A_1302], %swap3A_1305 {add = true, strides = array<i32>} : memref<128x128xf32, #tpu.memory_space<vmem>>, vector<1x16xf32>,
      %add3A_1306 = arith.constant 3 : i32
      %add3A_1307 = arith.addi %add3A_902, %add3A_1306 : i32
      %add3A_1308 = arith.constant 3 : i32
      %add3A_1309 = arith.addi %add3A_902, %add3A_1308 : i32
      %get3A_1310 = arith.index_cast %add3A_1309 : i32 to index
      %get3A_1311 = arith.constant 112 : index
      %get3A_1312 = tpu.vector_load %arg16[%get3A_1310, %get3A_1311] {strides = array<i32>} : memref<128x128xf32, #tpu.memory_space<vmem>>, vector<1x16xf32>,
      %get3A_1313 = vector.shape_cast %get3A_1312 : vector<1x16xf32> to vector<16xf32>
      %swap3A_1314 = arith.index_cast %add3A_1307 : i32 to index
      %swap3A_1315 = arith.constant 112 : index
      %swap3A_1316 = tpu.vector_load %arg14[%swap3A_1314, %swap3A_1315] {strides = array<i32>} : memref<128x128xf32, #tpu.memory_space<vmem>>, vector<1x16xf32>,
      %swap3A_1317 = vector.shape_cast %swap3A_1316 : vector<1x16xf32> to vector<16xf32>
      %swap3A_1318 = vector.shape_cast %get3A_1313 : vector<16xf32> to vector<1x16xf32>
      tpu.vector_store %arg14[%swap3A_1314, %swap3A_1315], %swap3A_1318 {add = true, strides = array<i32>} : memref<128x128xf32, #tpu.memory_space<vmem>>, vector<1x16xf32>,
    }
    %scan3A_420 = arith.constant 32 : i32
    %add3A_421 = arith.constant 0 : i32
    %add3A_422 = arith.addi %mul3A_2, %add3A_421 : i32
    %dma_start3A_423 = arith.constant 0 : i32
    %dma_start3A_424 = tpu.memref_slice %arg7[%add3A_422, %dma_start3A_423] : memref<16384x128xf32, #tpu.memory_space<hbm>> -> memref<128x128xf32, #tpu.memory_space<hbm>>
    %dma_start3A_425 = arith.constant 0 : i32
    %dma_start3A_426 = tpu.memref_slice %arg7[%add3A_422, %dma_start3A_425] : memref<16384x128xf32, #tpu.memory_space<hbm>> -> memref<128x128xf32, #tpu.memory_space<hbm>>
    tpu.enqueue_dma source(%arg14 : memref<128x128xf32, #tpu.memory_space<vmem>>) target(%dma_start3A_426 : memref<128x128xf32, #tpu.memory_space<hbm>>) target_semaphore(%arg24 : memref<!tpu.dma_semaphore, #tpu.memory_space<semaphore_mem>>)
    %dma_wait3A_427 = tpu.memref_slice %arg4[%select_n3A, %add3A_404] : memref<4x4096xi32, #tpu.memory_space<hbm>> -> memref<1x128xi32, #tpu.memory_space<hbm>>
    %dma_wait3A_428 = tpu.memref_squeeze %dma_wait3A_427 : memref<1x128xi32, #tpu.memory_space<hbm>> -> memref<128xi32, #tpu.memory_space<hbm>>
    %dma_wait3A_429 = tpu.memref_slice %arg4[%select_n3A, %add3A_404] : memref<4x4096xi32, #tpu.memory_space<hbm>> -> memref<1x128xi32, #tpu.memory_space<hbm>>
    %dma_wait3A_430 = tpu.memref_squeeze %dma_wait3A_429 : memref<1x128xi32, #tpu.memory_space<hbm>> -> memref<128xi32, #tpu.memory_space<hbm>>
    tpu.wait_dma2 semaphore(%arg18 : memref<!tpu.dma_semaphore, #tpu.memory_space<semaphore_mem>>) src(%dma_wait3A_430 : memref<128xi32, #tpu.memory_space<hbm>>) dst(%arg8 : memref<128xi32, #tpu.memory_space<vmem>>)
    %dma_wait3A_431 = tpu.memref_slice %arg5[%select_n3A, %add3A_404] : memref<4x4096xi32, #tpu.memory_space<hbm>> -> memref<1x128xi32, #tpu.memory_space<hbm>>
    %dma_wait3A_432 = tpu.memref_squeeze %dma_wait3A_431 : memref<1x128xi32, #tpu.memory_space<hbm>> -> memref<128xi32, #tpu.memory_space<hbm>>
    %dma_wait3A_433 = tpu.memref_slice %arg5[%select_n3A, %add3A_404] : memref<4x4096xi32, #tpu.memory_space<hbm>> -> memref<1x128xi32, #tpu.memory_space<hbm>>
    %dma_wait3A_434 = tpu.memref_squeeze %dma_wait3A_433 : memref<1x128xi32, #tpu.memory_space<hbm>> -> memref<128xi32, #tpu.memory_space<hbm>>
    tpu.wait_dma2 semaphore(%arg18 : memref<!tpu.dma_semaphore, #tpu.memory_space<semaphore_mem>>) src(%dma_wait3A_434 : memref<128xi32, #tpu.memory_space<hbm>>) dst(%arg10 : memref<128xi32, #tpu.memory_space<vmem>>)
    %dma_wait3A_435 = tpu.memref_slice %arg6[%select_n3A, %add3A_404] : memref<4x4096xi32, #tpu.memory_space<hbm>> -> memref<1x128xi32, #tpu.memory_space<hbm>>
    %dma_wait3A_436 = tpu.memref_squeeze %dma_wait3A_435 : memref<1x128xi32, #tpu.memory_space<hbm>> -> memref<128xi32, #tpu.memory_space<hbm>>
    %dma_wait3A_437 = tpu.memref_slice %arg6[%select_n3A, %add3A_404] : memref<4x4096xi32, #tpu.memory_space<hbm>> -> memref<1x128xi32, #tpu.memory_space<hbm>>
    %dma_wait3A_438 = tpu.memref_squeeze %dma_wait3A_437 : memref<1x128xi32, #tpu.memory_space<hbm>> -> memref<128xi32, #tpu.memory_space<hbm>>
    tpu.wait_dma2 semaphore(%arg18 : memref<!tpu.dma_semaphore, #tpu.memory_space<semaphore_mem>>) src(%dma_wait3A_438 : memref<128xi32, #tpu.memory_space<hbm>>) dst(%arg12 : memref<128xi32, #tpu.memory_space<vmem>>)
    %get3A_439 = arith.constant 0 : index
    %get3A_440 = tpu.vector_load %arg12[%get3A_439] {strides = array<i32>} : memref<128xi32, #tpu.memory_space<vmem>>, vector<16xi32>,
    %get3A_441 = vector.shape_cast %get3A_440 : vector<16xi32> to vector<16xi32>
    %mul3A_442 = arith.constant 4096 : i32
    %mul3A_443 = vector.broadcast %mul3A_442 : i32 to vector<16xi32>
    %mul3A_444 = arith.muli %get3A_441, %mul3A_443 : vector<16xi32>
    %get3A_445 = arith.constant 0 : index
    %get3A_446 = tpu.vector_load %arg10[%get3A_445] {strides = array<i32>} : memref<128xi32, #tpu.memory_space<vmem>>, vector<16xi32>,
    %get3A_447 = vector.shape_cast %get3A_446 : vector<16xi32> to vector<16xi32>
    %add3A_448 = arith.addi %mul3A_444, %get3A_447 : vector<16xi32>
    %swap3A_449 = arith.constant 0 : index
    %swap3A_450 = tpu.vector_load %arg10[%swap3A_449] {strides = array<i32>} : memref<128xi32, #tpu.memory_space<vmem>>, vector<16xi32>,
    %swap3A_451 = vector.shape_cast %swap3A_450 : vector<16xi32> to vector<16xi32>
    %swap3A_452 = vector.shape_cast %add3A_448 : vector<16xi32> to vector<16xi32>
    tpu.vector_store %arg10[%swap3A_449], %swap3A_452 {strides = array<i32>} : memref<128xi32, #tpu.memory_space<vmem>>, vector<16xi32>,
    %get3A_453 = arith.constant 16 : index
    %get3A_454 = tpu.vector_load %arg12[%get3A_453] {strides = array<i32>} : memref<128xi32, #tpu.memory_space<vmem>>, vector<16xi32>,
    %get3A_455 = vector.shape_cast %get3A_454 : vector<16xi32> to vector<16xi32>
    %mul3A_456 = arith.constant 4096 : i32
    %mul3A_457 = vector.broadcast %mul3A_456 : i32 to vector<16xi32>
    %mul3A_458 = arith.muli %get3A_455, %mul3A_457 : vector<16xi32>
    %get3A_459 = arith.constant 16 : index
    %get3A_460 = tpu.vector_load %arg10[%get3A_459] {strides = array<i32>} : memref<128xi32, #tpu.memory_space<vmem>>, vector<16xi32>,
    %get3A_461 = vector.shape_cast %get3A_460 : vector<16xi32> to vector<16xi32>
    %add3A_462 = arith.addi %mul3A_458, %get3A_461 : vector<16xi32>
    %swap3A_463 = arith.constant 16 : index
    %swap3A_464 = tpu.vector_load %arg10[%swap3A_463] {strides = array<i32>} : memref<128xi32, #tpu.memory_space<vmem>>, vector<16xi32>,
    %swap3A_465 = vector.shape_cast %swap3A_464 : vector<16xi32> to vector<16xi32>
    %swap3A_466 = vector.shape_cast %add3A_462 : vector<16xi32> to vector<16xi32>
    tpu.vector_store %arg10[%swap3A_463], %swap3A_466 {strides = array<i32>} : memref<128xi32, #tpu.memory_space<vmem>>, vector<16xi32>,
    %get3A_467 = arith.constant 32 : index
    %get3A_468 = tpu.vector_load %arg12[%get3A_467] {strides = array<i32>} : memref<128xi32, #tpu.memory_space<vmem>>, vector<16xi32>,
    %get3A_469 = vector.shape_cast %get3A_468 : vector<16xi32> to vector<16xi32>
    %mul3A_470 = arith.constant 4096 : i32
    %mul3A_471 = vector.broadcast %mul3A_470 : i32 to vector<16xi32>
    %mul3A_472 = arith.muli %get3A_469, %mul3A_471 : vector<16xi32>
    %get3A_473 = arith.constant 32 : index
    %get3A_474 = tpu.vector_load %arg10[%get3A_473] {strides = array<i32>} : memref<128xi32, #tpu.memory_space<vmem>>, vector<16xi32>,
    %get3A_475 = vector.shape_cast %get3A_474 : vector<16xi32> to vector<16xi32>
    %add3A_476 = arith.addi %mul3A_472, %get3A_475 : vector<16xi32>
    %swap3A_477 = arith.constant 32 : index
    %swap3A_478 = tpu.vector_load %arg10[%swap3A_477] {strides = array<i32>} : memref<128xi32, #tpu.memory_space<vmem>>, vector<16xi32>,
    %swap3A_479 = vector.shape_cast %swap3A_478 : vector<16xi32> to vector<16xi32>
    %swap3A_480 = vector.shape_cast %add3A_476 : vector<16xi32> to vector<16xi32>
    tpu.vector_store %arg10[%swap3A_477], %swap3A_480 {strides = array<i32>} : memref<128xi32, #tpu.memory_space<vmem>>, vector<16xi32>,
    %get3A_481 = arith.constant 48 : index
    %get3A_482 = tpu.vector_load %arg12[%get3A_481] {strides = array<i32>} : memref<128xi32, #tpu.memory_space<vmem>>, vector<16xi32>,
    %get3A_483 = vector.shape_cast %get3A_482 : vector<16xi32> to vector<16xi32>
    %mul3A_484 = arith.constant 4096 : i32
    %mul3A_485 = vector.broadcast %mul3A_484 : i32 to vector<16xi32>
    %mul3A_486 = arith.muli %get3A_483, %mul3A_485 : vector<16xi32>
    %get3A_487 = arith.constant 48 : index
    %get3A_488 = tpu.vector_load %arg10[%get3A_487] {strides = array<i32>} : memref<128xi32, #tpu.memory_space<vmem>>, vector<16xi32>,
    %get3A_489 = vector.shape_cast %get3A_488 : vector<16xi32> to vector<16xi32>
    %add3A_490 = arith.addi %mul3A_486, %get3A_489 : vector<16xi32>
    %swap3A_491 = arith.constant 48 : index
    %swap3A_492 = tpu.vector_load %arg10[%swap3A_491] {strides = array<i32>} : memref<128xi32, #tpu.memory_space<vmem>>, vector<16xi32>,
    %swap3A_493 = vector.shape_cast %swap3A_492 : vector<16xi32> to vector<16xi32>
    %swap3A_494 = vector.shape_cast %add3A_490 : vector<16xi32> to vector<16xi32>
    tpu.vector_store %arg10[%swap3A_491], %swap3A_494 {strides = array<i32>} : memref<128xi32, #tpu.memory_space<vmem>>, vector<16xi32>,
    %get3A_495 = arith.constant 64 : index
    %get3A_496 = tpu.vector_load %arg12[%get3A_495] {strides = array<i32>} : memref<128xi32, #tpu.memory_space<vmem>>, vector<16xi32>,
    %get3A_497 = vector.shape_cast %get3A_496 : vector<16xi32> to vector<16xi32>
    %mul3A_498 = arith.constant 4096 : i32
    %mul3A_499 = vector.broadcast %mul3A_498 : i32 to vector<16xi32>
    %mul3A_500 = arith.muli %get3A_497, %mul3A_499 : vector<16xi32>
    %get3A_501 = arith.constant 64 : index
    %get3A_502 = tpu.vector_load %arg10[%get3A_501] {strides = array<i32>} : memref<128xi32, #tpu.memory_space<vmem>>, vector<16xi32>,
    %get3A_503 = vector.shape_cast %get3A_502 : vector<16xi32> to vector<16xi32>
    %add3A_504 = arith.addi %mul3A_500, %get3A_503 : vector<16xi32>
    %swap3A_505 = arith.constant 64 : index
    %swap3A_506 = tpu.vector_load %arg10[%swap3A_505] {strides = array<i32>} : memref<128xi32, #tpu.memory_space<vmem>>, vector<16xi32>,
    %swap3A_507 = vector.shape_cast %swap3A_506 : vector<16xi32> to vector<16xi32>
    %swap3A_508 = vector.shape_cast %add3A_504 : vector<16xi32> to vector<16xi32>
    tpu.vector_store %arg10[%swap3A_505], %swap3A_508 {strides = array<i32>} : memref<128xi32, #tpu.memory_space<vmem>>, vector<16xi32>,
    %get3A_509 = arith.constant 80 : index
    %get3A_510 = tpu.vector_load %arg12[%get3A_509] {strides = array<i32>} : memref<128xi32, #tpu.memory_space<vmem>>, vector<16xi32>,
    %get3A_511 = vector.shape_cast %get3A_510 : vector<16xi32> to vector<16xi32>
    %mul3A_512 = arith.constant 4096 : i32
    %mul3A_513 = vector.broadcast %mul3A_512 : i32 to vector<16xi32>
    %mul3A_514 = arith.muli %get3A_511, %mul3A_513 : vector<16xi32>
    %get3A_515 = arith.constant 80 : index
    %get3A_516 = tpu.vector_load %arg10[%get3A_515] {strides = array<i32>} : memref<128xi32, #tpu.memory_space<vmem>>, vector<16xi32>,
    %get3A_517 = vector.shape_cast %get3A_516 : vector<16xi32> to vector<16xi32>
    %add3A_518 = arith.addi %mul3A_514, %get3A_517 : vector<16xi32>
    %swap3A_519 = arith.constant 80 : index
    %swap3A_520 = tpu.vector_load %arg10[%swap3A_519] {strides = array<i32>} : memref<128xi32, #tpu.memory_space<vmem>>, vector<16xi32>,
    %swap3A_521 = vector.shape_cast %swap3A_520 : vector<16xi32> to vector<16xi32>
    %swap3A_522 = vector.shape_cast %add3A_518 : vector<16xi32> to vector<16xi32>
    tpu.vector_store %arg10[%swap3A_519], %swap3A_522 {strides = array<i32>} : memref<128xi32, #tpu.memory_space<vmem>>, vector<16xi32>,
    %get3A_523 = arith.constant 96 : index
    %get3A_524 = tpu.vector_load %arg12[%get3A_523] {strides = array<i32>} : memref<128xi32, #tpu.memory_space<vmem>>, vector<16xi32>,
    %get3A_525 = vector.shape_cast %get3A_524 : vector<16xi32> to vector<16xi32>
    %mul3A_526 = arith.constant 4096 : i32
    %mul3A_527 = vector.broadcast %mul3A_526 : i32 to vector<16xi32>
    %mul3A_528 = arith.muli %get3A_525, %mul3A_527 : vector<16xi32>
    %get3A_529 = arith.constant 96 : index
    %get3A_530 = tpu.vector_load %arg10[%get3A_529] {strides = array<i32>} : memref<128xi32, #tpu.memory_space<vmem>>, vector<16xi32>,
    %get3A_531 = vector.shape_cast %get3A_530 : vector<16xi32> to vector<16xi32>
    %add3A_532 = arith.addi %mul3A_528, %get3A_531 : vector<16xi32>
    %swap3A_533 = arith.constant 96 : index
    %swap3A_534 = tpu.vector_load %arg10[%swap3A_533] {strides = array<i32>} : memref<128xi32, #tpu.memory_space<vmem>>, vector<16xi32>,
    %swap3A_535 = vector.shape_cast %swap3A_534 : vector<16xi32> to vector<16xi32>
    %swap3A_536 = vector.shape_cast %add3A_532 : vector<16xi32> to vector<16xi32>
    tpu.vector_store %arg10[%swap3A_533], %swap3A_536 {strides = array<i32>} : memref<128xi32, #tpu.memory_space<vmem>>, vector<16xi32>,
    %get3A_537 = arith.constant 112 : index
    %get3A_538 = tpu.vector_load %arg12[%get3A_537] {strides = array<i32>} : memref<128xi32, #tpu.memory_space<vmem>>, vector<16xi32>,
    %get3A_539 = vector.shape_cast %get3A_538 : vector<16xi32> to vector<16xi32>
    %mul3A_540 = arith.constant 4096 : i32
    %mul3A_541 = vector.broadcast %mul3A_540 : i32 to vector<16xi32>
    %mul3A_542 = arith.muli %get3A_539, %mul3A_541 : vector<16xi32>
    %get3A_543 = arith.constant 112 : index
    %get3A_544 = tpu.vector_load %arg10[%get3A_543] {strides = array<i32>} : memref<128xi32, #tpu.memory_space<vmem>>, vector<16xi32>,
    %get3A_545 = vector.shape_cast %get3A_544 : vector<16xi32> to vector<16xi32>
    %add3A_546 = arith.addi %mul3A_542, %get3A_545 : vector<16xi32>
    %swap3A_547 = arith.constant 112 : index
    %swap3A_548 = tpu.vector_load %arg10[%swap3A_547] {strides = array<i32>} : memref<128xi32, #tpu.memory_space<vmem>>, vector<16xi32>,
    %swap3A_549 = vector.shape_cast %swap3A_548 : vector<16xi32> to vector<16xi32>
    %swap3A_550 = vector.shape_cast %add3A_546 : vector<16xi32> to vector<16xi32>
    tpu.vector_store %arg10[%swap3A_547], %swap3A_550 {strides = array<i32>} : memref<128xi32, #tpu.memory_space<vmem>>, vector<16xi32>,
    %dma_wait3A_551 = arith.constant 0 : i32
    %dma_wait3A_552 = tpu.memref_slice %arg7[%add3A_422, %dma_wait3A_551] : memref<16384x128xf32, #tpu.memory_space<hbm>> -> memref<128x128xf32, #tpu.memory_space<hbm>>
    %dma_wait3A_553 = arith.constant 0 : i32
    %dma_wait3A_554 = tpu.memref_slice %arg7[%add3A_422, %dma_wait3A_553] : memref<16384x128xf32, #tpu.memory_space<hbm>> -> memref<128x128xf32, #tpu.memory_space<hbm>>
    tpu.wait_dma2 semaphore(%arg24 : memref<!tpu.dma_semaphore, #tpu.memory_space<semaphore_mem>>) src(%arg14 : memref<128x128xf32, #tpu.memory_space<vmem>>) dst(%dma_wait3A_554 : memref<128x128xf32, #tpu.memory_space<hbm>>)
    %dma_start3A_555 = arith.constant 0 : i32
    %dma_start3A_556 = arith.constant 0 : i32
    %dma_start3A_557 = tpu.memref_slice %arg14[%dma_start3A_555, %dma_start3A_556] : memref<128x128xf32, #tpu.memory_space<vmem>> -> memref<64x128xf32, #tpu.memory_space<vmem>>
    %dma_start3A_558 = arith.constant 0 : i32
    %dma_start3A_559 = tpu.memref_slice %arg8[%dma_start3A_558] : memref<128xi32, #tpu.memory_space<vmem>> -> memref<64xi32, #tpu.memory_space<vmem>>
    %dma_start3A_560 = arith.constant 0 : i32
    %dma_start3A_561 = arith.constant 0 : i32
    %dma_start3A_562 = tpu.memref_slice %arg2[%dma_start3A_560, %dma_start3A_561] : memref<100000x128xf32, #tpu.memory_space<hbm>> -> memref<100000x128xf32, #tpu.memory_space<hbm>>
    tpu.enqueue_indirect_dma source(%dma_start3A_562 : memref<100000x128xf32, #tpu.memory_space<hbm>>) target(%dma_start3A_557 : memref<64x128xf32, #tpu.memory_space<vmem>>) offsets(%dma_start3A_559 : memref<64xi32, #tpu.memory_space<vmem>>) semaphore(%arg20 : memref<!tpu.dma_semaphore, #tpu.memory_space<semaphore_mem>>)
    %dma_start3A_563 = arith.constant 64 : i32
    %dma_start3A_564 = arith.constant 0 : i32
    %dma_start3A_565 = tpu.memref_slice %arg14[%dma_start3A_563, %dma_start3A_564] : memref<128x128xf32, #tpu.memory_space<vmem>> -> memref<64x128xf32, #tpu.memory_space<vmem>>
    %dma_start3A_566 = arith.constant 64 : i32
    %dma_start3A_567 = tpu.memref_slice %arg8[%dma_start3A_566] : memref<128xi32, #tpu.memory_space<vmem>> -> memref<64xi32, #tpu.memory_space<vmem>>
    %dma_start3A_568 = arith.constant 0 : i32
    %dma_start3A_569 = arith.constant 0 : i32
    %dma_start3A_570 = tpu.memref_slice %arg2[%dma_start3A_568, %dma_start3A_569] : memref<100000x128xf32, #tpu.memory_space<hbm>> -> memref<100000x128xf32, #tpu.memory_space<hbm>>
    tpu.enqueue_indirect_dma source(%dma_start3A_570 : memref<100000x128xf32, #tpu.memory_space<hbm>>) target(%dma_start3A_565 : memref<64x128xf32, #tpu.memory_space<vmem>>) offsets(%dma_start3A_567 : memref<64xi32, #tpu.memory_space<vmem>>) semaphore(%arg20 : memref<!tpu.dma_semaphore, #tpu.memory_space<semaphore_mem>>)
    %dma_start3A_571 = arith.constant 0 : i32
    %dma_start3A_572 = arith.constant 0 : i32
    %dma_start3A_573 = tpu.memref_slice %arg16[%dma_start3A_571, %dma_start3A_572] : memref<128x128xf32, #tpu.memory_space<vmem>> -> memref<64x128xf32, #tpu.memory_space<vmem>>
    %dma_start3A_574 = arith.constant 0 : i32
    %dma_start3A_575 = tpu.memref_slice %arg10[%dma_start3A_574] : memref<128xi32, #tpu.memory_space<vmem>> -> memref<64xi32, #tpu.memory_space<vmem>>
    %dma_start3A_576 = arith.constant 0 : i32
    %dma_start3A_577 = arith.constant 0 : i32
    %dma_start3A_578 = tpu.memref_slice %arg3[%dma_start3A_576, %dma_start3A_577] : memref<8192x128xf32, #tpu.memory_space<hbm>> -> memref<8192x128xf32, #tpu.memory_space<hbm>>
    tpu.enqueue_indirect_dma source(%dma_start3A_578 : memref<8192x128xf32, #tpu.memory_space<hbm>>) target(%dma_start3A_573 : memref<64x128xf32, #tpu.memory_space<vmem>>) offsets(%dma_start3A_575 : memref<64xi32, #tpu.memory_space<vmem>>) semaphore(%arg22 : memref<!tpu.dma_semaphore, #tpu.memory_space<semaphore_mem>>)
    %dma_start3A_579 = arith.constant 64 : i32
    %dma_start3A_580 = arith.constant 0 : i32
    %dma_start3A_581 = tpu.memref_slice %arg16[%dma_start3A_579, %dma_start3A_580] : memref<128x128xf32, #tpu.memory_space<vmem>> -> memref<64x128xf32, #tpu.memory_space<vmem>>
    %dma_start3A_582 = arith.constant 64 : i32
    %dma_start3A_583 = tpu.memref_slice %arg10[%dma_start3A_582] : memref<128xi32, #tpu.memory_space<vmem>> -> memref<64xi32, #tpu.memory_space<vmem>>
    %dma_start3A_584 = arith.constant 0 : i32
    %dma_start3A_585 = arith.constant 0 : i32
    %dma_start3A_586 = tpu.memref_slice %arg3[%dma_start3A_584, %dma_start3A_585] : memref<8192x128xf32, #tpu.memory_space<hbm>> -> memref<8192x128xf32, #tpu.memory_space<hbm>>
    tpu.enqueue_indirect_dma source(%dma_start3A_586 : memref<8192x128xf32, #tpu.memory_space<hbm>>) target(%dma_start3A_581 : memref<64x128xf32, #tpu.memory_space<vmem>>) offsets(%dma_start3A_583 : memref<64xi32, #tpu.memory_space<vmem>>) semaphore(%arg22 : memref<!tpu.dma_semaphore, #tpu.memory_space<semaphore_mem>>)
    %dma_wait3A_587 = arith.constant 0 : i32
    %dma_wait3A_588 = arith.constant 0 : i32
    %dma_wait3A_589 = tpu.memref_slice %arg15[%dma_wait3A_587, %dma_wait3A_588] : memref<128x128xf32, #tpu.memory_space<vmem>> -> memref<64x128xf32, #tpu.memory_space<vmem>>
    %dma_wait3A_590 = arith.constant 0 : i32
    %dma_wait3A_591 = tpu.memref_slice %arg9[%dma_wait3A_590] : memref<128xi32, #tpu.memory_space<vmem>> -> memref<64xi32, #tpu.memory_space<vmem>>
    %dma_wait3A_592 = arith.constant 0 : i32
    %dma_wait3A_593 = arith.constant 0 : i32
    %dma_wait3A_594 = tpu.memref_slice %arg2[%dma_wait3A_592, %dma_wait3A_593] : memref<100000x128xf32, #tpu.memory_space<hbm>> -> memref<100000x128xf32, #tpu.memory_space<hbm>>
    tpu.wait_indirect_dma semaphore(%arg21 : memref<!tpu.dma_semaphore, #tpu.memory_space<semaphore_mem>>) src(%dma_wait3A_594 : memref<100000x128xf32, #tpu.memory_space<hbm>>) dst(%dma_wait3A_589 : memref<64x128xf32, #tpu.memory_space<vmem>>)
    %dma_wait3A_595 = arith.constant 64 : i32
    %dma_wait3A_596 = arith.constant 0 : i32
    %dma_wait3A_597 = tpu.memref_slice %arg15[%dma_wait3A_595, %dma_wait3A_596] : memref<128x128xf32, #tpu.memory_space<vmem>> -> memref<64x128xf32, #tpu.memory_space<vmem>>
    %dma_wait3A_598 = arith.constant 64 : i32
    %dma_wait3A_599 = tpu.memref_slice %arg9[%dma_wait3A_598] : memref<128xi32, #tpu.memory_space<vmem>> -> memref<64xi32, #tpu.memory_space<vmem>>
    %dma_wait3A_600 = arith.constant 0 : i32
    %dma_wait3A_601 = arith.constant 0 : i32
    %dma_wait3A_602 = tpu.memref_slice %arg2[%dma_wait3A_600, %dma_wait3A_601] : memref<100000x128xf32, #tpu.memory_space<hbm>> -> memref<100000x128xf32, #tpu.memory_space<hbm>>
    tpu.wait_indirect_dma semaphore(%arg21 : memref<!tpu.dma_semaphore, #tpu.memory_space<semaphore_mem>>) src(%dma_wait3A_602 : memref<100000x128xf32, #tpu.memory_space<hbm>>) dst(%dma_wait3A_597 : memref<64x128xf32, #tpu.memory_space<vmem>>)
    %dma_wait3A_603 = arith.constant 0 : i32
    %dma_wait3A_604 = arith.constant 0 : i32
    %dma_wait3A_605 = tpu.memref_slice %arg17[%dma_wait3A_603, %dma_wait3A_604] : memref<128x128xf32, #tpu.memory_space<vmem>> -> memref<64x128xf32, #tpu.memory_space<vmem>>
    %dma_wait3A_606 = arith.constant 0 : i32
    %dma_wait3A_607 = tpu.memref_slice %arg11[%dma_wait3A_606] : memref<128xi32, #tpu.memory_space<vmem>> -> memref<64xi32, #tpu.memory_space<vmem>>
    %dma_wait3A_608 = arith.constant 0 : i32
    %dma_wait3A_609 = arith.constant 0 : i32
    %dma_wait3A_610 = tpu.memref_slice %arg3[%dma_wait3A_608, %dma_wait3A_609] : memref<8192x128xf32, #tpu.memory_space<hbm>> -> memref<8192x128xf32, #tpu.memory_space<hbm>>
    tpu.wait_indirect_dma semaphore(%arg23 : memref<!tpu.dma_semaphore, #tpu.memory_space<semaphore_mem>>) src(%dma_wait3A_610 : memref<8192x128xf32, #tpu.memory_space<hbm>>) dst(%dma_wait3A_605 : memref<64x128xf32, #tpu.memory_space<vmem>>)
    %dma_wait3A_611 = arith.constant 64 : i32
    %dma_wait3A_612 = arith.constant 0 : i32
    %dma_wait3A_613 = tpu.memref_slice %arg17[%dma_wait3A_611, %dma_wait3A_612] : memref<128x128xf32, #tpu.memory_space<vmem>> -> memref<64x128xf32, #tpu.memory_space<vmem>>
    %dma_wait3A_614 = arith.constant 64 : i32
    %dma_wait3A_615 = tpu.memref_slice %arg11[%dma_wait3A_614] : memref<128xi32, #tpu.memory_space<vmem>> -> memref<64xi32, #tpu.memory_space<vmem>>
    %dma_wait3A_616 = arith.constant 0 : i32
    %dma_wait3A_617 = arith.constant 0 : i32
    %dma_wait3A_618 = tpu.memref_slice %arg3[%dma_wait3A_616, %dma_wait3A_617] : memref<8192x128xf32, #tpu.memory_space<hbm>> -> memref<8192x128xf32, #tpu.memory_space<hbm>>
    tpu.wait_indirect_dma semaphore(%arg23 : memref<!tpu.dma_semaphore, #tpu.memory_space<semaphore_mem>>) src(%dma_wait3A_618 : memref<8192x128xf32, #tpu.memory_space<hbm>>) dst(%dma_wait3A_613 : memref<64x128xf32, #tpu.memory_space<vmem>>)
    %add3A_619 = arith.constant 384 : i32
    %add3A_620 = arith.addi %mul3A_34, %add3A_619 : i32
    %dma_start3A_621 = tpu.memref_slice %arg4[%select_n3A, %add3A_620] : memref<4x4096xi32, #tpu.memory_space<hbm>> -> memref<1x128xi32, #tpu.memory_space<hbm>>
    %dma_start3A_622 = tpu.memref_squeeze %dma_start3A_621 : memref<1x128xi32, #tpu.memory_space<hbm>> -> memref<128xi32, #tpu.memory_space<hbm>>
    %dma_start3A_623 = tpu.memref_slice %arg4[%select_n3A, %add3A_620] : memref<4x4096xi32, #tpu.memory_space<hbm>> -> memref<1x128xi32, #tpu.memory_space<hbm>>
    %dma_start3A_624 = tpu.memref_squeeze %dma_start3A_623 : memref<1x128xi32, #tpu.memory_space<hbm>> -> memref<128xi32, #tpu.memory_space<hbm>>
    tpu.enqueue_dma source(%dma_start3A_624 : memref<128xi32, #tpu.memory_space<hbm>>) target(%arg9 : memref<128xi32, #tpu.memory_space<vmem>>) target_semaphore(%arg19 : memref<!tpu.dma_semaphore, #tpu.memory_space<semaphore_mem>>)
    %dma_start3A_625 = tpu.memref_slice %arg5[%select_n3A, %add3A_620] : memref<4x4096xi32, #tpu.memory_space<hbm>> -> memref<1x128xi32, #tpu.memory_space<hbm>>
    %dma_start3A_626 = tpu.memref_squeeze %dma_start3A_625 : memref<1x128xi32, #tpu.memory_space<hbm>> -> memref<128xi32, #tpu.memory_space<hbm>>
    %dma_start3A_627 = tpu.memref_slice %arg5[%select_n3A, %add3A_620] : memref<4x4096xi32, #tpu.memory_space<hbm>> -> memref<1x128xi32, #tpu.memory_space<hbm>>
    %dma_start3A_628 = tpu.memref_squeeze %dma_start3A_627 : memref<1x128xi32, #tpu.memory_space<hbm>> -> memref<128xi32, #tpu.memory_space<hbm>>
    tpu.enqueue_dma source(%dma_start3A_628 : memref<128xi32, #tpu.memory_space<hbm>>) target(%arg11 : memref<128xi32, #tpu.memory_space<vmem>>) target_semaphore(%arg19 : memref<!tpu.dma_semaphore, #tpu.memory_space<semaphore_mem>>)
    %dma_start3A_629 = tpu.memref_slice %arg6[%select_n3A, %add3A_620] : memref<4x4096xi32, #tpu.memory_space<hbm>> -> memref<1x128xi32, #tpu.memory_space<hbm>>
    %dma_start3A_630 = tpu.memref_squeeze %dma_start3A_629 : memref<1x128xi32, #tpu.memory_space<hbm>> -> memref<128xi32, #tpu.memory_space<hbm>>
    %dma_start3A_631 = tpu.memref_slice %arg6[%select_n3A, %add3A_620] : memref<4x4096xi32, #tpu.memory_space<hbm>> -> memref<1x128xi32, #tpu.memory_space<hbm>>
    %dma_start3A_632 = tpu.memref_squeeze %dma_start3A_631 : memref<1x128xi32, #tpu.memory_space<hbm>> -> memref<128xi32, #tpu.memory_space<hbm>>
    tpu.enqueue_dma source(%dma_start3A_632 : memref<128xi32, #tpu.memory_space<hbm>>) target(%arg13 : memref<128xi32, #tpu.memory_space<vmem>>) target_semaphore(%arg19 : memref<!tpu.dma_semaphore, #tpu.memory_space<semaphore_mem>>)
    %scan3A_633 = arith.constant 0 : i32
    %scan3A_634 = arith.constant 32 : i32
    %scan3A_635 = arith.addi %scan3A_633, %scan3A_634 : i32
    %scan3A_636 = arith.constant 1 : i32
    scf.for %scan3A_898 = %scan3A_633 to %scan3A_635 step %scan3A_636  : i32 {
      %mul3A_899 = arith.constant 4 : i32
      %mul3A_900 = arith.muli %scan3A_898, %mul3A_899 : i32
      %add3A_901 = arith.constant 0 : i32
      %add3A_902 = arith.addi %add3A_901, %mul3A_900 : i32
      %add3A_903 = arith.constant 0 : i32
      %add3A_904 = arith.addi %add3A_902, %add3A_903 : i32
      %add3A_905 = arith.constant 0 : i32
      %add3A_906 = arith.addi %add3A_902, %add3A_905 : i32
      %get3A_907 = arith.index_cast %add3A_906 : i32 to index
      %get3A_908 = arith.constant 0 : index
      %get3A_909 = tpu.vector_load %arg17[%get3A_907, %get3A_908] {strides = array<i32>} : memref<128x128xf32, #tpu.memory_space<vmem>>, vector<1x16xf32>,
      %get3A_910 = vector.shape_cast %get3A_909 : vector<1x16xf32> to vector<16xf32>
      %swap3A_911 = arith.index_cast %add3A_904 : i32 to index
      %swap3A_912 = arith.constant 0 : index
      %swap3A_913 = tpu.vector_load %arg15[%swap3A_911, %swap3A_912] {strides = array<i32>} : memref<128x128xf32, #tpu.memory_space<vmem>>, vector<1x16xf32>,
      %swap3A_914 = vector.shape_cast %swap3A_913 : vector<1x16xf32> to vector<16xf32>
      %swap3A_915 = vector.shape_cast %get3A_910 : vector<16xf32> to vector<1x16xf32>
      tpu.vector_store %arg15[%swap3A_911, %swap3A_912], %swap3A_915 {add = true, strides = array<i32>} : memref<128x128xf32, #tpu.memory_space<vmem>>, vector<1x16xf32>,
      %add3A_916 = arith.constant 0 : i32
      %add3A_917 = arith.addi %add3A_902, %add3A_916 : i32
      %add3A_918 = arith.constant 0 : i32
      %add3A_919 = arith.addi %add3A_902, %add3A_918 : i32
      %get3A_920 = arith.index_cast %add3A_919 : i32 to index
      %get3A_921 = arith.constant 16 : index
      %get3A_922 = tpu.vector_load %arg17[%get3A_920, %get3A_921] {strides = array<i32>} : memref<128x128xf32, #tpu.memory_space<vmem>>, vector<1x16xf32>,
      %get3A_923 = vector.shape_cast %get3A_922 : vector<1x16xf32> to vector<16xf32>
      %swap3A_924 = arith.index_cast %add3A_917 : i32 to index
      %swap3A_925 = arith.constant 16 : index
      %swap3A_926 = tpu.vector_load %arg15[%swap3A_924, %swap3A_925] {strides = array<i32>} : memref<128x128xf32, #tpu.memory_space<vmem>>, vector<1x16xf32>,
      %swap3A_927 = vector.shape_cast %swap3A_926 : vector<1x16xf32> to vector<16xf32>
      %swap3A_928 = vector.shape_cast %get3A_923 : vector<16xf32> to vector<1x16xf32>
      tpu.vector_store %arg15[%swap3A_924, %swap3A_925], %swap3A_928 {add = true, strides = array<i32>} : memref<128x128xf32, #tpu.memory_space<vmem>>, vector<1x16xf32>,
      %add3A_929 = arith.constant 0 : i32
      %add3A_930 = arith.addi %add3A_902, %add3A_929 : i32
      %add3A_931 = arith.constant 0 : i32
      %add3A_932 = arith.addi %add3A_902, %add3A_931 : i32
      %get3A_933 = arith.index_cast %add3A_932 : i32 to index
      %get3A_934 = arith.constant 32 : index
      %get3A_935 = tpu.vector_load %arg17[%get3A_933, %get3A_934] {strides = array<i32>} : memref<128x128xf32, #tpu.memory_space<vmem>>, vector<1x16xf32>,
      %get3A_936 = vector.shape_cast %get3A_935 : vector<1x16xf32> to vector<16xf32>
      %swap3A_937 = arith.index_cast %add3A_930 : i32 to index
      %swap3A_938 = arith.constant 32 : index
      %swap3A_939 = tpu.vector_load %arg15[%swap3A_937, %swap3A_938] {strides = array<i32>} : memref<128x128xf32, #tpu.memory_space<vmem>>, vector<1x16xf32>,
      %swap3A_940 = vector.shape_cast %swap3A_939 : vector<1x16xf32> to vector<16xf32>
      %swap3A_941 = vector.shape_cast %get3A_936 : vector<16xf32> to vector<1x16xf32>
      tpu.vector_store %arg15[%swap3A_937, %swap3A_938], %swap3A_941 {add = true, strides = array<i32>} : memref<128x128xf32, #tpu.memory_space<vmem>>, vector<1x16xf32>,
      %add3A_942 = arith.constant 0 : i32
      %add3A_943 = arith.addi %add3A_902, %add3A_942 : i32
      %add3A_944 = arith.constant 0 : i32
      %add3A_945 = arith.addi %add3A_902, %add3A_944 : i32
      %get3A_946 = arith.index_cast %add3A_945 : i32 to index
      %get3A_947 = arith.constant 48 : index
      %get3A_948 = tpu.vector_load %arg17[%get3A_946, %get3A_947] {strides = array<i32>} : memref<128x128xf32, #tpu.memory_space<vmem>>, vector<1x16xf32>,
      %get3A_949 = vector.shape_cast %get3A_948 : vector<1x16xf32> to vector<16xf32>
      %swap3A_950 = arith.index_cast %add3A_943 : i32 to index
      %swap3A_951 = arith.constant 48 : index
      %swap3A_952 = tpu.vector_load %arg15[%swap3A_950, %swap3A_951] {strides = array<i32>} : memref<128x128xf32, #tpu.memory_space<vmem>>, vector<1x16xf32>,
      %swap3A_953 = vector.shape_cast %swap3A_952 : vector<1x16xf32> to vector<16xf32>
      %swap3A_954 = vector.shape_cast %get3A_949 : vector<16xf32> to vector<1x16xf32>
      tpu.vector_store %arg15[%swap3A_950, %swap3A_951], %swap3A_954 {add = true, strides = array<i32>} : memref<128x128xf32, #tpu.memory_space<vmem>>, vector<1x16xf32>,
      %add3A_955 = arith.constant 0 : i32
      %add3A_956 = arith.addi %add3A_902, %add3A_955 : i32
      %add3A_957 = arith.constant 0 : i32
      %add3A_958 = arith.addi %add3A_902, %add3A_957 : i32
      %get3A_959 = arith.index_cast %add3A_958 : i32 to index
      %get3A_960 = arith.constant 64 : index
      %get3A_961 = tpu.vector_load %arg17[%get3A_959, %get3A_960] {strides = array<i32>} : memref<128x128xf32, #tpu.memory_space<vmem>>, vector<1x16xf32>,
      %get3A_962 = vector.shape_cast %get3A_961 : vector<1x16xf32> to vector<16xf32>
      %swap3A_963 = arith.index_cast %add3A_956 : i32 to index
      %swap3A_964 = arith.constant 64 : index
      %swap3A_965 = tpu.vector_load %arg15[%swap3A_963, %swap3A_964] {strides = array<i32>} : memref<128x128xf32, #tpu.memory_space<vmem>>, vector<1x16xf32>,
      %swap3A_966 = vector.shape_cast %swap3A_965 : vector<1x16xf32> to vector<16xf32>
      %swap3A_967 = vector.shape_cast %get3A_962 : vector<16xf32> to vector<1x16xf32>
      tpu.vector_store %arg15[%swap3A_963, %swap3A_964], %swap3A_967 {add = true, strides = array<i32>} : memref<128x128xf32, #tpu.memory_space<vmem>>, vector<1x16xf32>,
      %add3A_968 = arith.constant 0 : i32
      %add3A_969 = arith.addi %add3A_902, %add3A_968 : i32
      %add3A_970 = arith.constant 0 : i32
      %add3A_971 = arith.addi %add3A_902, %add3A_970 : i32
      %get3A_972 = arith.index_cast %add3A_971 : i32 to index
      %get3A_973 = arith.constant 80 : index
      %get3A_974 = tpu.vector_load %arg17[%get3A_972, %get3A_973] {strides = array<i32>} : memref<128x128xf32, #tpu.memory_space<vmem>>, vector<1x16xf32>,
      %get3A_975 = vector.shape_cast %get3A_974 : vector<1x16xf32> to vector<16xf32>
      %swap3A_976 = arith.index_cast %add3A_969 : i32 to index
      %swap3A_977 = arith.constant 80 : index
      %swap3A_978 = tpu.vector_load %arg15[%swap3A_976, %swap3A_977] {strides = array<i32>} : memref<128x128xf32, #tpu.memory_space<vmem>>, vector<1x16xf32>,
      %swap3A_979 = vector.shape_cast %swap3A_978 : vector<1x16xf32> to vector<16xf32>
      %swap3A_980 = vector.shape_cast %get3A_975 : vector<16xf32> to vector<1x16xf32>
      tpu.vector_store %arg15[%swap3A_976, %swap3A_977], %swap3A_980 {add = true, strides = array<i32>} : memref<128x128xf32, #tpu.memory_space<vmem>>, vector<1x16xf32>,
      %add3A_981 = arith.constant 0 : i32
      %add3A_982 = arith.addi %add3A_902, %add3A_981 : i32
      %add3A_983 = arith.constant 0 : i32
      %add3A_984 = arith.addi %add3A_902, %add3A_983 : i32
      %get3A_985 = arith.index_cast %add3A_984 : i32 to index
      %get3A_986 = arith.constant 96 : index
      %get3A_987 = tpu.vector_load %arg17[%get3A_985, %get3A_986] {strides = array<i32>} : memref<128x128xf32, #tpu.memory_space<vmem>>, vector<1x16xf32>,
      %get3A_988 = vector.shape_cast %get3A_987 : vector<1x16xf32> to vector<16xf32>
      %swap3A_989 = arith.index_cast %add3A_982 : i32 to index
      %swap3A_990 = arith.constant 96 : index
      %swap3A_991 = tpu.vector_load %arg15[%swap3A_989, %swap3A_990] {strides = array<i32>} : memref<128x128xf32, #tpu.memory_space<vmem>>, vector<1x16xf32>,
      %swap3A_992 = vector.shape_cast %swap3A_991 : vector<1x16xf32> to vector<16xf32>
      %swap3A_993 = vector.shape_cast %get3A_988 : vector<16xf32> to vector<1x16xf32>
      tpu.vector_store %arg15[%swap3A_989, %swap3A_990], %swap3A_993 {add = true, strides = array<i32>} : memref<128x128xf32, #tpu.memory_space<vmem>>, vector<1x16xf32>,
      %add3A_994 = arith.constant 0 : i32
      %add3A_995 = arith.addi %add3A_902, %add3A_994 : i32
      %add3A_996 = arith.constant 0 : i32
      %add3A_997 = arith.addi %add3A_902, %add3A_996 : i32
      %get3A_998 = arith.index_cast %add3A_997 : i32 to index
      %get3A_999 = arith.constant 112 : index
      %get3A_1000 = tpu.vector_load %arg17[%get3A_998, %get3A_999] {strides = array<i32>} : memref<128x128xf32, #tpu.memory_space<vmem>>, vector<1x16xf32>,
      %get3A_1001 = vector.shape_cast %get3A_1000 : vector<1x16xf32> to vector<16xf32>
      %swap3A_1002 = arith.index_cast %add3A_995 : i32 to index
      %swap3A_1003 = arith.constant 112 : index
      %swap3A_1004 = tpu.vector_load %arg15[%swap3A_1002, %swap3A_1003] {strides = array<i32>} : memref<128x128xf32, #tpu.memory_space<vmem>>, vector<1x16xf32>,
      %swap3A_1005 = vector.shape_cast %swap3A_1004 : vector<1x16xf32> to vector<16xf32>
      %swap3A_1006 = vector.shape_cast %get3A_1001 : vector<16xf32> to vector<1x16xf32>
      tpu.vector_store %arg15[%swap3A_1002, %swap3A_1003], %swap3A_1006 {add = true, strides = array<i32>} : memref<128x128xf32, #tpu.memory_space<vmem>>, vector<1x16xf32>,
      %add3A_1007 = arith.constant 1 : i32
      %add3A_1008 = arith.addi %add3A_902, %add3A_1007 : i32
      %add3A_1009 = arith.constant 1 : i32
      %add3A_1010 = arith.addi %add3A_902, %add3A_1009 : i32
      %get3A_1011 = arith.index_cast %add3A_1010 : i32 to index
      %get3A_1012 = arith.constant 0 : index
      %get3A_1013 = tpu.vector_load %arg17[%get3A_1011, %get3A_1012] {strides = array<i32>} : memref<128x128xf32, #tpu.memory_space<vmem>>, vector<1x16xf32>,
      %get3A_1014 = vector.shape_cast %get3A_1013 : vector<1x16xf32> to vector<16xf32>
      %swap3A_1015 = arith.index_cast %add3A_1008 : i32 to index
      %swap3A_1016 = arith.constant 0 : index
      %swap3A_1017 = tpu.vector_load %arg15[%swap3A_1015, %swap3A_1016] {strides = array<i32>} : memref<128x128xf32, #tpu.memory_space<vmem>>, vector<1x16xf32>,
      %swap3A_1018 = vector.shape_cast %swap3A_1017 : vector<1x16xf32> to vector<16xf32>
      %swap3A_1019 = vector.shape_cast %get3A_1014 : vector<16xf32> to vector<1x16xf32>
      tpu.vector_store %arg15[%swap3A_1015, %swap3A_1016], %swap3A_1019 {add = true, strides = array<i32>} : memref<128x128xf32, #tpu.memory_space<vmem>>, vector<1x16xf32>,
      %add3A_1020 = arith.constant 1 : i32
      %add3A_1021 = arith.addi %add3A_902, %add3A_1020 : i32
      %add3A_1022 = arith.constant 1 : i32
      %add3A_1023 = arith.addi %add3A_902, %add3A_1022 : i32
      %get3A_1024 = arith.index_cast %add3A_1023 : i32 to index
      %get3A_1025 = arith.constant 16 : index
      %get3A_1026 = tpu.vector_load %arg17[%get3A_1024, %get3A_1025] {strides = array<i32>} : memref<128x128xf32, #tpu.memory_space<vmem>>, vector<1x16xf32>,
      %get3A_1027 = vector.shape_cast %get3A_1026 : vector<1x16xf32> to vector<16xf32>
      %swap3A_1028 = arith.index_cast %add3A_1021 : i32 to index
      %swap3A_1029 = arith.constant 16 : index
      %swap3A_1030 = tpu.vector_load %arg15[%swap3A_1028, %swap3A_1029] {strides = array<i32>} : memref<128x128xf32, #tpu.memory_space<vmem>>, vector<1x16xf32>,
      %swap3A_1031 = vector.shape_cast %swap3A_1030 : vector<1x16xf32> to vector<16xf32>
      %swap3A_1032 = vector.shape_cast %get3A_1027 : vector<16xf32> to vector<1x16xf32>
      tpu.vector_store %arg15[%swap3A_1028, %swap3A_1029], %swap3A_1032 {add = true, strides = array<i32>} : memref<128x128xf32, #tpu.memory_space<vmem>>, vector<1x16xf32>,
      %add3A_1033 = arith.constant 1 : i32
      %add3A_1034 = arith.addi %add3A_902, %add3A_1033 : i32
      %add3A_1035 = arith.constant 1 : i32
      %add3A_1036 = arith.addi %add3A_902, %add3A_1035 : i32
      %get3A_1037 = arith.index_cast %add3A_1036 : i32 to index
      %get3A_1038 = arith.constant 32 : index
      %get3A_1039 = tpu.vector_load %arg17[%get3A_1037, %get3A_1038] {strides = array<i32>} : memref<128x128xf32, #tpu.memory_space<vmem>>, vector<1x16xf32>,
      %get3A_1040 = vector.shape_cast %get3A_1039 : vector<1x16xf32> to vector<16xf32>
      %swap3A_1041 = arith.index_cast %add3A_1034 : i32 to index
      %swap3A_1042 = arith.constant 32 : index
      %swap3A_1043 = tpu.vector_load %arg15[%swap3A_1041, %swap3A_1042] {strides = array<i32>} : memref<128x128xf32, #tpu.memory_space<vmem>>, vector<1x16xf32>,
      %swap3A_1044 = vector.shape_cast %swap3A_1043 : vector<1x16xf32> to vector<16xf32>
      %swap3A_1045 = vector.shape_cast %get3A_1040 : vector<16xf32> to vector<1x16xf32>
      tpu.vector_store %arg15[%swap3A_1041, %swap3A_1042], %swap3A_1045 {add = true, strides = array<i32>} : memref<128x128xf32, #tpu.memory_space<vmem>>, vector<1x16xf32>,
      %add3A_1046 = arith.constant 1 : i32
      %add3A_1047 = arith.addi %add3A_902, %add3A_1046 : i32
      %add3A_1048 = arith.constant 1 : i32
      %add3A_1049 = arith.addi %add3A_902, %add3A_1048 : i32
      %get3A_1050 = arith.index_cast %add3A_1049 : i32 to index
      %get3A_1051 = arith.constant 48 : index
      %get3A_1052 = tpu.vector_load %arg17[%get3A_1050, %get3A_1051] {strides = array<i32>} : memref<128x128xf32, #tpu.memory_space<vmem>>, vector<1x16xf32>,
      %get3A_1053 = vector.shape_cast %get3A_1052 : vector<1x16xf32> to vector<16xf32>
      %swap3A_1054 = arith.index_cast %add3A_1047 : i32 to index
      %swap3A_1055 = arith.constant 48 : index
      %swap3A_1056 = tpu.vector_load %arg15[%swap3A_1054, %swap3A_1055] {strides = array<i32>} : memref<128x128xf32, #tpu.memory_space<vmem>>, vector<1x16xf32>,
      %swap3A_1057 = vector.shape_cast %swap3A_1056 : vector<1x16xf32> to vector<16xf32>
      %swap3A_1058 = vector.shape_cast %get3A_1053 : vector<16xf32> to vector<1x16xf32>
      tpu.vector_store %arg15[%swap3A_1054, %swap3A_1055], %swap3A_1058 {add = true, strides = array<i32>} : memref<128x128xf32, #tpu.memory_space<vmem>>, vector<1x16xf32>,
      %add3A_1059 = arith.constant 1 : i32
      %add3A_1060 = arith.addi %add3A_902, %add3A_1059 : i32
      %add3A_1061 = arith.constant 1 : i32
      %add3A_1062 = arith.addi %add3A_902, %add3A_1061 : i32
      %get3A_1063 = arith.index_cast %add3A_1062 : i32 to index
      %get3A_1064 = arith.constant 64 : index
      %get3A_1065 = tpu.vector_load %arg17[%get3A_1063, %get3A_1064] {strides = array<i32>} : memref<128x128xf32, #tpu.memory_space<vmem>>, vector<1x16xf32>,
      %get3A_1066 = vector.shape_cast %get3A_1065 : vector<1x16xf32> to vector<16xf32>
      %swap3A_1067 = arith.index_cast %add3A_1060 : i32 to index
      %swap3A_1068 = arith.constant 64 : index
      %swap3A_1069 = tpu.vector_load %arg15[%swap3A_1067, %swap3A_1068] {strides = array<i32>} : memref<128x128xf32, #tpu.memory_space<vmem>>, vector<1x16xf32>,
      %swap3A_1070 = vector.shape_cast %swap3A_1069 : vector<1x16xf32> to vector<16xf32>
      %swap3A_1071 = vector.shape_cast %get3A_1066 : vector<16xf32> to vector<1x16xf32>
      tpu.vector_store %arg15[%swap3A_1067, %swap3A_1068], %swap3A_1071 {add = true, strides = array<i32>} : memref<128x128xf32, #tpu.memory_space<vmem>>, vector<1x16xf32>,
      %add3A_1072 = arith.constant 1 : i32
      %add3A_1073 = arith.addi %add3A_902, %add3A_1072 : i32
      %add3A_1074 = arith.constant 1 : i32
      %add3A_1075 = arith.addi %add3A_902, %add3A_1074 : i32
      %get3A_1076 = arith.index_cast %add3A_1075 : i32 to index
      %get3A_1077 = arith.constant 80 : index
      %get3A_1078 = tpu.vector_load %arg17[%get3A_1076, %get3A_1077] {strides = array<i32>} : memref<128x128xf32, #tpu.memory_space<vmem>>, vector<1x16xf32>,
      %get3A_1079 = vector.shape_cast %get3A_1078 : vector<1x16xf32> to vector<16xf32>
      %swap3A_1080 = arith.index_cast %add3A_1073 : i32 to index
      %swap3A_1081 = arith.constant 80 : index
      %swap3A_1082 = tpu.vector_load %arg15[%swap3A_1080, %swap3A_1081] {strides = array<i32>} : memref<128x128xf32, #tpu.memory_space<vmem>>, vector<1x16xf32>,
      %swap3A_1083 = vector.shape_cast %swap3A_1082 : vector<1x16xf32> to vector<16xf32>
      %swap3A_1084 = vector.shape_cast %get3A_1079 : vector<16xf32> to vector<1x16xf32>
      tpu.vector_store %arg15[%swap3A_1080, %swap3A_1081], %swap3A_1084 {add = true, strides = array<i32>} : memref<128x128xf32, #tpu.memory_space<vmem>>, vector<1x16xf32>,
      %add3A_1085 = arith.constant 1 : i32
      %add3A_1086 = arith.addi %add3A_902, %add3A_1085 : i32
      %add3A_1087 = arith.constant 1 : i32
      %add3A_1088 = arith.addi %add3A_902, %add3A_1087 : i32
      %get3A_1089 = arith.index_cast %add3A_1088 : i32 to index
      %get3A_1090 = arith.constant 96 : index
      %get3A_1091 = tpu.vector_load %arg17[%get3A_1089, %get3A_1090] {strides = array<i32>} : memref<128x128xf32, #tpu.memory_space<vmem>>, vector<1x16xf32>,
      %get3A_1092 = vector.shape_cast %get3A_1091 : vector<1x16xf32> to vector<16xf32>
      %swap3A_1093 = arith.index_cast %add3A_1086 : i32 to index
      %swap3A_1094 = arith.constant 96 : index
      %swap3A_1095 = tpu.vector_load %arg15[%swap3A_1093, %swap3A_1094] {strides = array<i32>} : memref<128x128xf32, #tpu.memory_space<vmem>>, vector<1x16xf32>,
      %swap3A_1096 = vector.shape_cast %swap3A_1095 : vector<1x16xf32> to vector<16xf32>
      %swap3A_1097 = vector.shape_cast %get3A_1092 : vector<16xf32> to vector<1x16xf32>
      tpu.vector_store %arg15[%swap3A_1093, %swap3A_1094], %swap3A_1097 {add = true, strides = array<i32>} : memref<128x128xf32, #tpu.memory_space<vmem>>, vector<1x16xf32>,
      %add3A_1098 = arith.constant 1 : i32
      %add3A_1099 = arith.addi %add3A_902, %add3A_1098 : i32
      %add3A_1100 = arith.constant 1 : i32
      %add3A_1101 = arith.addi %add3A_902, %add3A_1100 : i32
      %get3A_1102 = arith.index_cast %add3A_1101 : i32 to index
      %get3A_1103 = arith.constant 112 : index
      %get3A_1104 = tpu.vector_load %arg17[%get3A_1102, %get3A_1103] {strides = array<i32>} : memref<128x128xf32, #tpu.memory_space<vmem>>, vector<1x16xf32>,
      %get3A_1105 = vector.shape_cast %get3A_1104 : vector<1x16xf32> to vector<16xf32>
      %swap3A_1106 = arith.index_cast %add3A_1099 : i32 to index
      %swap3A_1107 = arith.constant 112 : index
      %swap3A_1108 = tpu.vector_load %arg15[%swap3A_1106, %swap3A_1107] {strides = array<i32>} : memref<128x128xf32, #tpu.memory_space<vmem>>, vector<1x16xf32>,
      %swap3A_1109 = vector.shape_cast %swap3A_1108 : vector<1x16xf32> to vector<16xf32>
      %swap3A_1110 = vector.shape_cast %get3A_1105 : vector<16xf32> to vector<1x16xf32>
      tpu.vector_store %arg15[%swap3A_1106, %swap3A_1107], %swap3A_1110 {add = true, strides = array<i32>} : memref<128x128xf32, #tpu.memory_space<vmem>>, vector<1x16xf32>,
      %add3A_1111 = arith.constant 2 : i32
      %add3A_1112 = arith.addi %add3A_902, %add3A_1111 : i32
      %add3A_1113 = arith.constant 2 : i32
      %add3A_1114 = arith.addi %add3A_902, %add3A_1113 : i32
      %get3A_1115 = arith.index_cast %add3A_1114 : i32 to index
      %get3A_1116 = arith.constant 0 : index
      %get3A_1117 = tpu.vector_load %arg17[%get3A_1115, %get3A_1116] {strides = array<i32>} : memref<128x128xf32, #tpu.memory_space<vmem>>, vector<1x16xf32>,
      %get3A_1118 = vector.shape_cast %get3A_1117 : vector<1x16xf32> to vector<16xf32>
      %swap3A_1119 = arith.index_cast %add3A_1112 : i32 to index
      %swap3A_1120 = arith.constant 0 : index
      %swap3A_1121 = tpu.vector_load %arg15[%swap3A_1119, %swap3A_1120] {strides = array<i32>} : memref<128x128xf32, #tpu.memory_space<vmem>>, vector<1x16xf32>,
      %swap3A_1122 = vector.shape_cast %swap3A_1121 : vector<1x16xf32> to vector<16xf32>
      %swap3A_1123 = vector.shape_cast %get3A_1118 : vector<16xf32> to vector<1x16xf32>
      tpu.vector_store %arg15[%swap3A_1119, %swap3A_1120], %swap3A_1123 {add = true, strides = array<i32>} : memref<128x128xf32, #tpu.memory_space<vmem>>, vector<1x16xf32>,
      %add3A_1124 = arith.constant 2 : i32
      %add3A_1125 = arith.addi %add3A_902, %add3A_1124 : i32
      %add3A_1126 = arith.constant 2 : i32
      %add3A_1127 = arith.addi %add3A_902, %add3A_1126 : i32
      %get3A_1128 = arith.index_cast %add3A_1127 : i32 to index
      %get3A_1129 = arith.constant 16 : index
      %get3A_1130 = tpu.vector_load %arg17[%get3A_1128, %get3A_1129] {strides = array<i32>} : memref<128x128xf32, #tpu.memory_space<vmem>>, vector<1x16xf32>,
      %get3A_1131 = vector.shape_cast %get3A_1130 : vector<1x16xf32> to vector<16xf32>
      %swap3A_1132 = arith.index_cast %add3A_1125 : i32 to index
      %swap3A_1133 = arith.constant 16 : index
      %swap3A_1134 = tpu.vector_load %arg15[%swap3A_1132, %swap3A_1133] {strides = array<i32>} : memref<128x128xf32, #tpu.memory_space<vmem>>, vector<1x16xf32>,
      %swap3A_1135 = vector.shape_cast %swap3A_1134 : vector<1x16xf32> to vector<16xf32>
      %swap3A_1136 = vector.shape_cast %get3A_1131 : vector<16xf32> to vector<1x16xf32>
      tpu.vector_store %arg15[%swap3A_1132, %swap3A_1133], %swap3A_1136 {add = true, strides = array<i32>} : memref<128x128xf32, #tpu.memory_space<vmem>>, vector<1x16xf32>,
      %add3A_1137 = arith.constant 2 : i32
      %add3A_1138 = arith.addi %add3A_902, %add3A_1137 : i32
      %add3A_1139 = arith.constant 2 : i32
      %add3A_1140 = arith.addi %add3A_902, %add3A_1139 : i32
      %get3A_1141 = arith.index_cast %add3A_1140 : i32 to index
      %get3A_1142 = arith.constant 32 : index
      %get3A_1143 = tpu.vector_load %arg17[%get3A_1141, %get3A_1142] {strides = array<i32>} : memref<128x128xf32, #tpu.memory_space<vmem>>, vector<1x16xf32>,
      %get3A_1144 = vector.shape_cast %get3A_1143 : vector<1x16xf32> to vector<16xf32>
      %swap3A_1145 = arith.index_cast %add3A_1138 : i32 to index
      %swap3A_1146 = arith.constant 32 : index
      %swap3A_1147 = tpu.vector_load %arg15[%swap3A_1145, %swap3A_1146] {strides = array<i32>} : memref<128x128xf32, #tpu.memory_space<vmem>>, vector<1x16xf32>,
      %swap3A_1148 = vector.shape_cast %swap3A_1147 : vector<1x16xf32> to vector<16xf32>
      %swap3A_1149 = vector.shape_cast %get3A_1144 : vector<16xf32> to vector<1x16xf32>
      tpu.vector_store %arg15[%swap3A_1145, %swap3A_1146], %swap3A_1149 {add = true, strides = array<i32>} : memref<128x128xf32, #tpu.memory_space<vmem>>, vector<1x16xf32>,
      %add3A_1150 = arith.constant 2 : i32
      %add3A_1151 = arith.addi %add3A_902, %add3A_1150 : i32
      %add3A_1152 = arith.constant 2 : i32
      %add3A_1153 = arith.addi %add3A_902, %add3A_1152 : i32
      %get3A_1154 = arith.index_cast %add3A_1153 : i32 to index
      %get3A_1155 = arith.constant 48 : index
      %get3A_1156 = tpu.vector_load %arg17[%get3A_1154, %get3A_1155] {strides = array<i32>} : memref<128x128xf32, #tpu.memory_space<vmem>>, vector<1x16xf32>,
      %get3A_1157 = vector.shape_cast %get3A_1156 : vector<1x16xf32> to vector<16xf32>
      %swap3A_1158 = arith.index_cast %add3A_1151 : i32 to index
      %swap3A_1159 = arith.constant 48 : index
      %swap3A_1160 = tpu.vector_load %arg15[%swap3A_1158, %swap3A_1159] {strides = array<i32>} : memref<128x128xf32, #tpu.memory_space<vmem>>, vector<1x16xf32>,
      %swap3A_1161 = vector.shape_cast %swap3A_1160 : vector<1x16xf32> to vector<16xf32>
      %swap3A_1162 = vector.shape_cast %get3A_1157 : vector<16xf32> to vector<1x16xf32>
      tpu.vector_store %arg15[%swap3A_1158, %swap3A_1159], %swap3A_1162 {add = true, strides = array<i32>} : memref<128x128xf32, #tpu.memory_space<vmem>>, vector<1x16xf32>,
      %add3A_1163 = arith.constant 2 : i32
      %add3A_1164 = arith.addi %add3A_902, %add3A_1163 : i32
      %add3A_1165 = arith.constant 2 : i32
      %add3A_1166 = arith.addi %add3A_902, %add3A_1165 : i32
      %get3A_1167 = arith.index_cast %add3A_1166 : i32 to index
      %get3A_1168 = arith.constant 64 : index
      %get3A_1169 = tpu.vector_load %arg17[%get3A_1167, %get3A_1168] {strides = array<i32>} : memref<128x128xf32, #tpu.memory_space<vmem>>, vector<1x16xf32>,
      %get3A_1170 = vector.shape_cast %get3A_1169 : vector<1x16xf32> to vector<16xf32>
      %swap3A_1171 = arith.index_cast %add3A_1164 : i32 to index
      %swap3A_1172 = arith.constant 64 : index
      %swap3A_1173 = tpu.vector_load %arg15[%swap3A_1171, %swap3A_1172] {strides = array<i32>} : memref<128x128xf32, #tpu.memory_space<vmem>>, vector<1x16xf32>,
      %swap3A_1174 = vector.shape_cast %swap3A_1173 : vector<1x16xf32> to vector<16xf32>
      %swap3A_1175 = vector.shape_cast %get3A_1170 : vector<16xf32> to vector<1x16xf32>
      tpu.vector_store %arg15[%swap3A_1171, %swap3A_1172], %swap3A_1175 {add = true, strides = array<i32>} : memref<128x128xf32, #tpu.memory_space<vmem>>, vector<1x16xf32>,
      %add3A_1176 = arith.constant 2 : i32
      %add3A_1177 = arith.addi %add3A_902, %add3A_1176 : i32
      %add3A_1178 = arith.constant 2 : i32
      %add3A_1179 = arith.addi %add3A_902, %add3A_1178 : i32
      %get3A_1180 = arith.index_cast %add3A_1179 : i32 to index
      %get3A_1181 = arith.constant 80 : index
      %get3A_1182 = tpu.vector_load %arg17[%get3A_1180, %get3A_1181] {strides = array<i32>} : memref<128x128xf32, #tpu.memory_space<vmem>>, vector<1x16xf32>,
      %get3A_1183 = vector.shape_cast %get3A_1182 : vector<1x16xf32> to vector<16xf32>
      %swap3A_1184 = arith.index_cast %add3A_1177 : i32 to index
      %swap3A_1185 = arith.constant 80 : index
      %swap3A_1186 = tpu.vector_load %arg15[%swap3A_1184, %swap3A_1185] {strides = array<i32>} : memref<128x128xf32, #tpu.memory_space<vmem>>, vector<1x16xf32>,
      %swap3A_1187 = vector.shape_cast %swap3A_1186 : vector<1x16xf32> to vector<16xf32>
      %swap3A_1188 = vector.shape_cast %get3A_1183 : vector<16xf32> to vector<1x16xf32>
      tpu.vector_store %arg15[%swap3A_1184, %swap3A_1185], %swap3A_1188 {add = true, strides = array<i32>} : memref<128x128xf32, #tpu.memory_space<vmem>>, vector<1x16xf32>,
      %add3A_1189 = arith.constant 2 : i32
      %add3A_1190 = arith.addi %add3A_902, %add3A_1189 : i32
      %add3A_1191 = arith.constant 2 : i32
      %add3A_1192 = arith.addi %add3A_902, %add3A_1191 : i32
      %get3A_1193 = arith.index_cast %add3A_1192 : i32 to index
      %get3A_1194 = arith.constant 96 : index
      %get3A_1195 = tpu.vector_load %arg17[%get3A_1193, %get3A_1194] {strides = array<i32>} : memref<128x128xf32, #tpu.memory_space<vmem>>, vector<1x16xf32>,
      %get3A_1196 = vector.shape_cast %get3A_1195 : vector<1x16xf32> to vector<16xf32>
      %swap3A_1197 = arith.index_cast %add3A_1190 : i32 to index
      %swap3A_1198 = arith.constant 96 : index
      %swap3A_1199 = tpu.vector_load %arg15[%swap3A_1197, %swap3A_1198] {strides = array<i32>} : memref<128x128xf32, #tpu.memory_space<vmem>>, vector<1x16xf32>,
      %swap3A_1200 = vector.shape_cast %swap3A_1199 : vector<1x16xf32> to vector<16xf32>
      %swap3A_1201 = vector.shape_cast %get3A_1196 : vector<16xf32> to vector<1x16xf32>
      tpu.vector_store %arg15[%swap3A_1197, %swap3A_1198], %swap3A_1201 {add = true, strides = array<i32>} : memref<128x128xf32, #tpu.memory_space<vmem>>, vector<1x16xf32>,
      %add3A_1202 = arith.constant 2 : i32
      %add3A_1203 = arith.addi %add3A_902, %add3A_1202 : i32
      %add3A_1204 = arith.constant 2 : i32
      %add3A_1205 = arith.addi %add3A_902, %add3A_1204 : i32
      %get3A_1206 = arith.index_cast %add3A_1205 : i32 to index
      %get3A_1207 = arith.constant 112 : index
      %get3A_1208 = tpu.vector_load %arg17[%get3A_1206, %get3A_1207] {strides = array<i32>} : memref<128x128xf32, #tpu.memory_space<vmem>>, vector<1x16xf32>,
      %get3A_1209 = vector.shape_cast %get3A_1208 : vector<1x16xf32> to vector<16xf32>
      %swap3A_1210 = arith.index_cast %add3A_1203 : i32 to index
      %swap3A_1211 = arith.constant 112 : index
      %swap3A_1212 = tpu.vector_load %arg15[%swap3A_1210, %swap3A_1211] {strides = array<i32>} : memref<128x128xf32, #tpu.memory_space<vmem>>, vector<1x16xf32>,
      %swap3A_1213 = vector.shape_cast %swap3A_1212 : vector<1x16xf32> to vector<16xf32>
      %swap3A_1214 = vector.shape_cast %get3A_1209 : vector<16xf32> to vector<1x16xf32>
      tpu.vector_store %arg15[%swap3A_1210, %swap3A_1211], %swap3A_1214 {add = true, strides = array<i32>} : memref<128x128xf32, #tpu.memory_space<vmem>>, vector<1x16xf32>,
      %add3A_1215 = arith.constant 3 : i32
      %add3A_1216 = arith.addi %add3A_902, %add3A_1215 : i32
      %add3A_1217 = arith.constant 3 : i32
      %add3A_1218 = arith.addi %add3A_902, %add3A_1217 : i32
      %get3A_1219 = arith.index_cast %add3A_1218 : i32 to index
      %get3A_1220 = arith.constant 0 : index
      %get3A_1221 = tpu.vector_load %arg17[%get3A_1219, %get3A_1220] {strides = array<i32>} : memref<128x128xf32, #tpu.memory_space<vmem>>, vector<1x16xf32>,
      %get3A_1222 = vector.shape_cast %get3A_1221 : vector<1x16xf32> to vector<16xf32>
      %swap3A_1223 = arith.index_cast %add3A_1216 : i32 to index
      %swap3A_1224 = arith.constant 0 : index
      %swap3A_1225 = tpu.vector_load %arg15[%swap3A_1223, %swap3A_1224] {strides = array<i32>} : memref<128x128xf32, #tpu.memory_space<vmem>>, vector<1x16xf32>,
      %swap3A_1226 = vector.shape_cast %swap3A_1225 : vector<1x16xf32> to vector<16xf32>
      %swap3A_1227 = vector.shape_cast %get3A_1222 : vector<16xf32> to vector<1x16xf32>
      tpu.vector_store %arg15[%swap3A_1223, %swap3A_1224], %swap3A_1227 {add = true, strides = array<i32>} : memref<128x128xf32, #tpu.memory_space<vmem>>, vector<1x16xf32>,
      %add3A_1228 = arith.constant 3 : i32
      %add3A_1229 = arith.addi %add3A_902, %add3A_1228 : i32
      %add3A_1230 = arith.constant 3 : i32
      %add3A_1231 = arith.addi %add3A_902, %add3A_1230 : i32
      %get3A_1232 = arith.index_cast %add3A_1231 : i32 to index
      %get3A_1233 = arith.constant 16 : index
      %get3A_1234 = tpu.vector_load %arg17[%get3A_1232, %get3A_1233] {strides = array<i32>} : memref<128x128xf32, #tpu.memory_space<vmem>>, vector<1x16xf32>,
      %get3A_1235 = vector.shape_cast %get3A_1234 : vector<1x16xf32> to vector<16xf32>
      %swap3A_1236 = arith.index_cast %add3A_1229 : i32 to index
      %swap3A_1237 = arith.constant 16 : index
      %swap3A_1238 = tpu.vector_load %arg15[%swap3A_1236, %swap3A_1237] {strides = array<i32>} : memref<128x128xf32, #tpu.memory_space<vmem>>, vector<1x16xf32>,
      %swap3A_1239 = vector.shape_cast %swap3A_1238 : vector<1x16xf32> to vector<16xf32>
      %swap3A_1240 = vector.shape_cast %get3A_1235 : vector<16xf32> to vector<1x16xf32>
      tpu.vector_store %arg15[%swap3A_1236, %swap3A_1237], %swap3A_1240 {add = true, strides = array<i32>} : memref<128x128xf32, #tpu.memory_space<vmem>>, vector<1x16xf32>,
      %add3A_1241 = arith.constant 3 : i32
      %add3A_1242 = arith.addi %add3A_902, %add3A_1241 : i32
      %add3A_1243 = arith.constant 3 : i32
      %add3A_1244 = arith.addi %add3A_902, %add3A_1243 : i32
      %get3A_1245 = arith.index_cast %add3A_1244 : i32 to index
      %get3A_1246 = arith.constant 32 : index
      %get3A_1247 = tpu.vector_load %arg17[%get3A_1245, %get3A_1246] {strides = array<i32>} : memref<128x128xf32, #tpu.memory_space<vmem>>, vector<1x16xf32>,
      %get3A_1248 = vector.shape_cast %get3A_1247 : vector<1x16xf32> to vector<16xf32>
      %swap3A_1249 = arith.index_cast %add3A_1242 : i32 to index
      %swap3A_1250 = arith.constant 32 : index
      %swap3A_1251 = tpu.vector_load %arg15[%swap3A_1249, %swap3A_1250] {strides = array<i32>} : memref<128x128xf32, #tpu.memory_space<vmem>>, vector<1x16xf32>,
      %swap3A_1252 = vector.shape_cast %swap3A_1251 : vector<1x16xf32> to vector<16xf32>
      %swap3A_1253 = vector.shape_cast %get3A_1248 : vector<16xf32> to vector<1x16xf32>
      tpu.vector_store %arg15[%swap3A_1249, %swap3A_1250], %swap3A_1253 {add = true, strides = array<i32>} : memref<128x128xf32, #tpu.memory_space<vmem>>, vector<1x16xf32>,
      %add3A_1254 = arith.constant 3 : i32
      %add3A_1255 = arith.addi %add3A_902, %add3A_1254 : i32
      %add3A_1256 = arith.constant 3 : i32
      %add3A_1257 = arith.addi %add3A_902, %add3A_1256 : i32
      %get3A_1258 = arith.index_cast %add3A_1257 : i32 to index
      %get3A_1259 = arith.constant 48 : index
      %get3A_1260 = tpu.vector_load %arg17[%get3A_1258, %get3A_1259] {strides = array<i32>} : memref<128x128xf32, #tpu.memory_space<vmem>>, vector<1x16xf32>,
      %get3A_1261 = vector.shape_cast %get3A_1260 : vector<1x16xf32> to vector<16xf32>
      %swap3A_1262 = arith.index_cast %add3A_1255 : i32 to index
      %swap3A_1263 = arith.constant 48 : index
      %swap3A_1264 = tpu.vector_load %arg15[%swap3A_1262, %swap3A_1263] {strides = array<i32>} : memref<128x128xf32, #tpu.memory_space<vmem>>, vector<1x16xf32>,
      %swap3A_1265 = vector.shape_cast %swap3A_1264 : vector<1x16xf32> to vector<16xf32>
      %swap3A_1266 = vector.shape_cast %get3A_1261 : vector<16xf32> to vector<1x16xf32>
      tpu.vector_store %arg15[%swap3A_1262, %swap3A_1263], %swap3A_1266 {add = true, strides = array<i32>} : memref<128x128xf32, #tpu.memory_space<vmem>>, vector<1x16xf32>,
      %add3A_1267 = arith.constant 3 : i32
      %add3A_1268 = arith.addi %add3A_902, %add3A_1267 : i32
      %add3A_1269 = arith.constant 3 : i32
      %add3A_1270 = arith.addi %add3A_902, %add3A_1269 : i32
      %get3A_1271 = arith.index_cast %add3A_1270 : i32 to index
      %get3A_1272 = arith.constant 64 : index
      %get3A_1273 = tpu.vector_load %arg17[%get3A_1271, %get3A_1272] {strides = array<i32>} : memref<128x128xf32, #tpu.memory_space<vmem>>, vector<1x16xf32>,
      %get3A_1274 = vector.shape_cast %get3A_1273 : vector<1x16xf32> to vector<16xf32>
      %swap3A_1275 = arith.index_cast %add3A_1268 : i32 to index
      %swap3A_1276 = arith.constant 64 : index
      %swap3A_1277 = tpu.vector_load %arg15[%swap3A_1275, %swap3A_1276] {strides = array<i32>} : memref<128x128xf32, #tpu.memory_space<vmem>>, vector<1x16xf32>,
      %swap3A_1278 = vector.shape_cast %swap3A_1277 : vector<1x16xf32> to vector<16xf32>
      %swap3A_1279 = vector.shape_cast %get3A_1274 : vector<16xf32> to vector<1x16xf32>
      tpu.vector_store %arg15[%swap3A_1275, %swap3A_1276], %swap3A_1279 {add = true, strides = array<i32>} : memref<128x128xf32, #tpu.memory_space<vmem>>, vector<1x16xf32>,
      %add3A_1280 = arith.constant 3 : i32
      %add3A_1281 = arith.addi %add3A_902, %add3A_1280 : i32
      %add3A_1282 = arith.constant 3 : i32
      %add3A_1283 = arith.addi %add3A_902, %add3A_1282 : i32
      %get3A_1284 = arith.index_cast %add3A_1283 : i32 to index
      %get3A_1285 = arith.constant 80 : index
      %get3A_1286 = tpu.vector_load %arg17[%get3A_1284, %get3A_1285] {strides = array<i32>} : memref<128x128xf32, #tpu.memory_space<vmem>>, vector<1x16xf32>,
      %get3A_1287 = vector.shape_cast %get3A_1286 : vector<1x16xf32> to vector<16xf32>
      %swap3A_1288 = arith.index_cast %add3A_1281 : i32 to index
      %swap3A_1289 = arith.constant 80 : index
      %swap3A_1290 = tpu.vector_load %arg15[%swap3A_1288, %swap3A_1289] {strides = array<i32>} : memref<128x128xf32, #tpu.memory_space<vmem>>, vector<1x16xf32>,
      %swap3A_1291 = vector.shape_cast %swap3A_1290 : vector<1x16xf32> to vector<16xf32>
      %swap3A_1292 = vector.shape_cast %get3A_1287 : vector<16xf32> to vector<1x16xf32>
      tpu.vector_store %arg15[%swap3A_1288, %swap3A_1289], %swap3A_1292 {add = true, strides = array<i32>} : memref<128x128xf32, #tpu.memory_space<vmem>>, vector<1x16xf32>,
      %add3A_1293 = arith.constant 3 : i32
      %add3A_1294 = arith.addi %add3A_902, %add3A_1293 : i32
      %add3A_1295 = arith.constant 3 : i32
      %add3A_1296 = arith.addi %add3A_902, %add3A_1295 : i32
      %get3A_1297 = arith.index_cast %add3A_1296 : i32 to index
      %get3A_1298 = arith.constant 96 : index
      %get3A_1299 = tpu.vector_load %arg17[%get3A_1297, %get3A_1298] {strides = array<i32>} : memref<128x128xf32, #tpu.memory_space<vmem>>, vector<1x16xf32>,
      %get3A_1300 = vector.shape_cast %get3A_1299 : vector<1x16xf32> to vector<16xf32>
      %swap3A_1301 = arith.index_cast %add3A_1294 : i32 to index
      %swap3A_1302 = arith.constant 96 : index
      %swap3A_1303 = tpu.vector_load %arg15[%swap3A_1301, %swap3A_1302] {strides = array<i32>} : memref<128x128xf32, #tpu.memory_space<vmem>>, vector<1x16xf32>,
      %swap3A_1304 = vector.shape_cast %swap3A_1303 : vector<1x16xf32> to vector<16xf32>
      %swap3A_1305 = vector.shape_cast %get3A_1300 : vector<16xf32> to vector<1x16xf32>
      tpu.vector_store %arg15[%swap3A_1301, %swap3A_1302], %swap3A_1305 {add = true, strides = array<i32>} : memref<128x128xf32, #tpu.memory_space<vmem>>, vector<1x16xf32>,
      %add3A_1306 = arith.constant 3 : i32
      %add3A_1307 = arith.addi %add3A_902, %add3A_1306 : i32
      %add3A_1308 = arith.constant 3 : i32
      %add3A_1309 = arith.addi %add3A_902, %add3A_1308 : i32
      %get3A_1310 = arith.index_cast %add3A_1309 : i32 to index
      %get3A_1311 = arith.constant 112 : index
      %get3A_1312 = tpu.vector_load %arg17[%get3A_1310, %get3A_1311] {strides = array<i32>} : memref<128x128xf32, #tpu.memory_space<vmem>>, vector<1x16xf32>,
      %get3A_1313 = vector.shape_cast %get3A_1312 : vector<1x16xf32> to vector<16xf32>
      %swap3A_1314 = arith.index_cast %add3A_1307 : i32 to index
      %swap3A_1315 = arith.constant 112 : index
      %swap3A_1316 = tpu.vector_load %arg15[%swap3A_1314, %swap3A_1315] {strides = array<i32>} : memref<128x128xf32, #tpu.memory_space<vmem>>, vector<1x16xf32>,
      %swap3A_1317 = vector.shape_cast %swap3A_1316 : vector<1x16xf32> to vector<16xf32>
      %swap3A_1318 = vector.shape_cast %get3A_1313 : vector<16xf32> to vector<1x16xf32>
      tpu.vector_store %arg15[%swap3A_1314, %swap3A_1315], %swap3A_1318 {add = true, strides = array<i32>} : memref<128x128xf32, #tpu.memory_space<vmem>>, vector<1x16xf32>,
    }
    %scan3A_637 = arith.constant 32 : i32
    %add3A_638 = arith.constant 128 : i32
    %add3A_639 = arith.addi %mul3A_2, %add3A_638 : i32
    %dma_start3A_640 = arith.constant 0 : i32
    %dma_start3A_641 = tpu.memref_slice %arg7[%add3A_639, %dma_start3A_640] : memref<16384x128xf32, #tpu.memory_space<hbm>> -> memref<128x128xf32, #tpu.memory_space<hbm>>
    %dma_start3A_642 = arith.constant 0 : i32
    %dma_start3A_643 = tpu.memref_slice %arg7[%add3A_639, %dma_start3A_642] : memref<16384x128xf32, #tpu.memory_space<hbm>> -> memref<128x128xf32, #tpu.memory_space<hbm>>
    tpu.enqueue_dma source(%arg15 : memref<128x128xf32, #tpu.memory_space<vmem>>) target(%dma_start3A_643 : memref<128x128xf32, #tpu.memory_space<hbm>>) target_semaphore(%arg25 : memref<!tpu.dma_semaphore, #tpu.memory_space<semaphore_mem>>)
    %dma_wait3A_644 = tpu.memref_slice %arg4[%select_n3A, %add3A_620] : memref<4x4096xi32, #tpu.memory_space<hbm>> -> memref<1x128xi32, #tpu.memory_space<hbm>>
    %dma_wait3A_645 = tpu.memref_squeeze %dma_wait3A_644 : memref<1x128xi32, #tpu.memory_space<hbm>> -> memref<128xi32, #tpu.memory_space<hbm>>
    %dma_wait3A_646 = tpu.memref_slice %arg4[%select_n3A, %add3A_620] : memref<4x4096xi32, #tpu.memory_space<hbm>> -> memref<1x128xi32, #tpu.memory_space<hbm>>
    %dma_wait3A_647 = tpu.memref_squeeze %dma_wait3A_646 : memref<1x128xi32, #tpu.memory_space<hbm>> -> memref<128xi32, #tpu.memory_space<hbm>>
    tpu.wait_dma2 semaphore(%arg19 : memref<!tpu.dma_semaphore, #tpu.memory_space<semaphore_mem>>) src(%dma_wait3A_647 : memref<128xi32, #tpu.memory_space<hbm>>) dst(%arg9 : memref<128xi32, #tpu.memory_space<vmem>>)
    %dma_wait3A_648 = tpu.memref_slice %arg5[%select_n3A, %add3A_620] : memref<4x4096xi32, #tpu.memory_space<hbm>> -> memref<1x128xi32, #tpu.memory_space<hbm>>
    %dma_wait3A_649 = tpu.memref_squeeze %dma_wait3A_648 : memref<1x128xi32, #tpu.memory_space<hbm>> -> memref<128xi32, #tpu.memory_space<hbm>>
    %dma_wait3A_650 = tpu.memref_slice %arg5[%select_n3A, %add3A_620] : memref<4x4096xi32, #tpu.memory_space<hbm>> -> memref<1x128xi32, #tpu.memory_space<hbm>>
    %dma_wait3A_651 = tpu.memref_squeeze %dma_wait3A_650 : memref<1x128xi32, #tpu.memory_space<hbm>> -> memref<128xi32, #tpu.memory_space<hbm>>
    tpu.wait_dma2 semaphore(%arg19 : memref<!tpu.dma_semaphore, #tpu.memory_space<semaphore_mem>>) src(%dma_wait3A_651 : memref<128xi32, #tpu.memory_space<hbm>>) dst(%arg11 : memref<128xi32, #tpu.memory_space<vmem>>)
    %dma_wait3A_652 = tpu.memref_slice %arg6[%select_n3A, %add3A_620] : memref<4x4096xi32, #tpu.memory_space<hbm>> -> memref<1x128xi32, #tpu.memory_space<hbm>>
    %dma_wait3A_653 = tpu.memref_squeeze %dma_wait3A_652 : memref<1x128xi32, #tpu.memory_space<hbm>> -> memref<128xi32, #tpu.memory_space<hbm>>
    %dma_wait3A_654 = tpu.memref_slice %arg6[%select_n3A, %add3A_620] : memref<4x4096xi32, #tpu.memory_space<hbm>> -> memref<1x128xi32, #tpu.memory_space<hbm>>
    %dma_wait3A_655 = tpu.memref_squeeze %dma_wait3A_654 : memref<1x128xi32, #tpu.memory_space<hbm>> -> memref<128xi32, #tpu.memory_space<hbm>>
    tpu.wait_dma2 semaphore(%arg19 : memref<!tpu.dma_semaphore, #tpu.memory_space<semaphore_mem>>) src(%dma_wait3A_655 : memref<128xi32, #tpu.memory_space<hbm>>) dst(%arg13 : memref<128xi32, #tpu.memory_space<vmem>>)
    %get3A_656 = arith.constant 0 : index
    %get3A_657 = tpu.vector_load %arg13[%get3A_656] {strides = array<i32>} : memref<128xi32, #tpu.memory_space<vmem>>, vector<16xi32>,
    %get3A_658 = vector.shape_cast %get3A_657 : vector<16xi32> to vector<16xi32>
    %mul3A_659 = arith.constant 4096 : i32
    %mul3A_660 = vector.broadcast %mul3A_659 : i32 to vector<16xi32>
    %mul3A_661 = arith.muli %get3A_658, %mul3A_660 : vector<16xi32>
    %get3A_662 = arith.constant 0 : index
    %get3A_663 = tpu.vector_load %arg11[%get3A_662] {strides = array<i32>} : memref<128xi32, #tpu.memory_space<vmem>>, vector<16xi32>,
    %get3A_664 = vector.shape_cast %get3A_663 : vector<16xi32> to vector<16xi32>
    %add3A_665 = arith.addi %mul3A_661, %get3A_664 : vector<16xi32>
    %swap3A_666 = arith.constant 0 : index
    %swap3A_667 = tpu.vector_load %arg11[%swap3A_666] {strides = array<i32>} : memref<128xi32, #tpu.memory_space<vmem>>, vector<16xi32>,
    %swap3A_668 = vector.shape_cast %swap3A_667 : vector<16xi32> to vector<16xi32>
    %swap3A_669 = vector.shape_cast %add3A_665 : vector<16xi32> to vector<16xi32>
    tpu.vector_store %arg11[%swap3A_666], %swap3A_669 {strides = array<i32>} : memref<128xi32, #tpu.memory_space<vmem>>, vector<16xi32>,
    %get3A_670 = arith.constant 16 : index
    %get3A_671 = tpu.vector_load %arg13[%get3A_670] {strides = array<i32>} : memref<128xi32, #tpu.memory_space<vmem>>, vector<16xi32>,
    %get3A_672 = vector.shape_cast %get3A_671 : vector<16xi32> to vector<16xi32>
    %mul3A_673 = arith.constant 4096 : i32
    %mul3A_674 = vector.broadcast %mul3A_673 : i32 to vector<16xi32>
    %mul3A_675 = arith.muli %get3A_672, %mul3A_674 : vector<16xi32>
    %get3A_676 = arith.constant 16 : index
    %get3A_677 = tpu.vector_load %arg11[%get3A_676] {strides = array<i32>} : memref<128xi32, #tpu.memory_space<vmem>>, vector<16xi32>,
    %get3A_678 = vector.shape_cast %get3A_677 : vector<16xi32> to vector<16xi32>
    %add3A_679 = arith.addi %mul3A_675, %get3A_678 : vector<16xi32>
    %swap3A_680 = arith.constant 16 : index
    %swap3A_681 = tpu.vector_load %arg11[%swap3A_680] {strides = array<i32>} : memref<128xi32, #tpu.memory_space<vmem>>, vector<16xi32>,
    %swap3A_682 = vector.shape_cast %swap3A_681 : vector<16xi32> to vector<16xi32>
    %swap3A_683 = vector.shape_cast %add3A_679 : vector<16xi32> to vector<16xi32>
    tpu.vector_store %arg11[%swap3A_680], %swap3A_683 {strides = array<i32>} : memref<128xi32, #tpu.memory_space<vmem>>, vector<16xi32>,
    %get3A_684 = arith.constant 32 : index
    %get3A_685 = tpu.vector_load %arg13[%get3A_684] {strides = array<i32>} : memref<128xi32, #tpu.memory_space<vmem>>, vector<16xi32>,
    %get3A_686 = vector.shape_cast %get3A_685 : vector<16xi32> to vector<16xi32>
    %mul3A_687 = arith.constant 4096 : i32
    %mul3A_688 = vector.broadcast %mul3A_687 : i32 to vector<16xi32>
    %mul3A_689 = arith.muli %get3A_686, %mul3A_688 : vector<16xi32>
    %get3A_690 = arith.constant 32 : index
    %get3A_691 = tpu.vector_load %arg11[%get3A_690] {strides = array<i32>} : memref<128xi32, #tpu.memory_space<vmem>>, vector<16xi32>,
    %get3A_692 = vector.shape_cast %get3A_691 : vector<16xi32> to vector<16xi32>
    %add3A_693 = arith.addi %mul3A_689, %get3A_692 : vector<16xi32>
    %swap3A_694 = arith.constant 32 : index
    %swap3A_695 = tpu.vector_load %arg11[%swap3A_694] {strides = array<i32>} : memref<128xi32, #tpu.memory_space<vmem>>, vector<16xi32>,
    %swap3A_696 = vector.shape_cast %swap3A_695 : vector<16xi32> to vector<16xi32>
    %swap3A_697 = vector.shape_cast %add3A_693 : vector<16xi32> to vector<16xi32>
    tpu.vector_store %arg11[%swap3A_694], %swap3A_697 {strides = array<i32>} : memref<128xi32, #tpu.memory_space<vmem>>, vector<16xi32>,
    %get3A_698 = arith.constant 48 : index
    %get3A_699 = tpu.vector_load %arg13[%get3A_698] {strides = array<i32>} : memref<128xi32, #tpu.memory_space<vmem>>, vector<16xi32>,
    %get3A_700 = vector.shape_cast %get3A_699 : vector<16xi32> to vector<16xi32>
    %mul3A_701 = arith.constant 4096 : i32
    %mul3A_702 = vector.broadcast %mul3A_701 : i32 to vector<16xi32>
    %mul3A_703 = arith.muli %get3A_700, %mul3A_702 : vector<16xi32>
    %get3A_704 = arith.constant 48 : index
    %get3A_705 = tpu.vector_load %arg11[%get3A_704] {strides = array<i32>} : memref<128xi32, #tpu.memory_space<vmem>>, vector<16xi32>,
    %get3A_706 = vector.shape_cast %get3A_705 : vector<16xi32> to vector<16xi32>
    %add3A_707 = arith.addi %mul3A_703, %get3A_706 : vector<16xi32>
    %swap3A_708 = arith.constant 48 : index
    %swap3A_709 = tpu.vector_load %arg11[%swap3A_708] {strides = array<i32>} : memref<128xi32, #tpu.memory_space<vmem>>, vector<16xi32>,
    %swap3A_710 = vector.shape_cast %swap3A_709 : vector<16xi32> to vector<16xi32>
    %swap3A_711 = vector.shape_cast %add3A_707 : vector<16xi32> to vector<16xi32>
    tpu.vector_store %arg11[%swap3A_708], %swap3A_711 {strides = array<i32>} : memref<128xi32, #tpu.memory_space<vmem>>, vector<16xi32>,
    %get3A_712 = arith.constant 64 : index
    %get3A_713 = tpu.vector_load %arg13[%get3A_712] {strides = array<i32>} : memref<128xi32, #tpu.memory_space<vmem>>, vector<16xi32>,
    %get3A_714 = vector.shape_cast %get3A_713 : vector<16xi32> to vector<16xi32>
    %mul3A_715 = arith.constant 4096 : i32
    %mul3A_716 = vector.broadcast %mul3A_715 : i32 to vector<16xi32>
    %mul3A_717 = arith.muli %get3A_714, %mul3A_716 : vector<16xi32>
    %get3A_718 = arith.constant 64 : index
    %get3A_719 = tpu.vector_load %arg11[%get3A_718] {strides = array<i32>} : memref<128xi32, #tpu.memory_space<vmem>>, vector<16xi32>,
    %get3A_720 = vector.shape_cast %get3A_719 : vector<16xi32> to vector<16xi32>
    %add3A_721 = arith.addi %mul3A_717, %get3A_720 : vector<16xi32>
    %swap3A_722 = arith.constant 64 : index
    %swap3A_723 = tpu.vector_load %arg11[%swap3A_722] {strides = array<i32>} : memref<128xi32, #tpu.memory_space<vmem>>, vector<16xi32>,
    %swap3A_724 = vector.shape_cast %swap3A_723 : vector<16xi32> to vector<16xi32>
    %swap3A_725 = vector.shape_cast %add3A_721 : vector<16xi32> to vector<16xi32>
    tpu.vector_store %arg11[%swap3A_722], %swap3A_725 {strides = array<i32>} : memref<128xi32, #tpu.memory_space<vmem>>, vector<16xi32>,
    %get3A_726 = arith.constant 80 : index
    %get3A_727 = tpu.vector_load %arg13[%get3A_726] {strides = array<i32>} : memref<128xi32, #tpu.memory_space<vmem>>, vector<16xi32>,
    %get3A_728 = vector.shape_cast %get3A_727 : vector<16xi32> to vector<16xi32>
    %mul3A_729 = arith.constant 4096 : i32
    %mul3A_730 = vector.broadcast %mul3A_729 : i32 to vector<16xi32>
    %mul3A_731 = arith.muli %get3A_728, %mul3A_730 : vector<16xi32>
    %get3A_732 = arith.constant 80 : index
    %get3A_733 = tpu.vector_load %arg11[%get3A_732] {strides = array<i32>} : memref<128xi32, #tpu.memory_space<vmem>>, vector<16xi32>,
    %get3A_734 = vector.shape_cast %get3A_733 : vector<16xi32> to vector<16xi32>
    %add3A_735 = arith.addi %mul3A_731, %get3A_734 : vector<16xi32>
    %swap3A_736 = arith.constant 80 : index
    %swap3A_737 = tpu.vector_load %arg11[%swap3A_736] {strides = array<i32>} : memref<128xi32, #tpu.memory_space<vmem>>, vector<16xi32>,
    %swap3A_738 = vector.shape_cast %swap3A_737 : vector<16xi32> to vector<16xi32>
    %swap3A_739 = vector.shape_cast %add3A_735 : vector<16xi32> to vector<16xi32>
    tpu.vector_store %arg11[%swap3A_736], %swap3A_739 {strides = array<i32>} : memref<128xi32, #tpu.memory_space<vmem>>, vector<16xi32>,
    %get3A_740 = arith.constant 96 : index
    %get3A_741 = tpu.vector_load %arg13[%get3A_740] {strides = array<i32>} : memref<128xi32, #tpu.memory_space<vmem>>, vector<16xi32>,
    %get3A_742 = vector.shape_cast %get3A_741 : vector<16xi32> to vector<16xi32>
    %mul3A_743 = arith.constant 4096 : i32
    %mul3A_744 = vector.broadcast %mul3A_743 : i32 to vector<16xi32>
    %mul3A_745 = arith.muli %get3A_742, %mul3A_744 : vector<16xi32>
    %get3A_746 = arith.constant 96 : index
    %get3A_747 = tpu.vector_load %arg11[%get3A_746] {strides = array<i32>} : memref<128xi32, #tpu.memory_space<vmem>>, vector<16xi32>,
    %get3A_748 = vector.shape_cast %get3A_747 : vector<16xi32> to vector<16xi32>
    %add3A_749 = arith.addi %mul3A_745, %get3A_748 : vector<16xi32>
    %swap3A_750 = arith.constant 96 : index
    %swap3A_751 = tpu.vector_load %arg11[%swap3A_750] {strides = array<i32>} : memref<128xi32, #tpu.memory_space<vmem>>, vector<16xi32>,
    %swap3A_752 = vector.shape_cast %swap3A_751 : vector<16xi32> to vector<16xi32>
    %swap3A_753 = vector.shape_cast %add3A_749 : vector<16xi32> to vector<16xi32>
    tpu.vector_store %arg11[%swap3A_750], %swap3A_753 {strides = array<i32>} : memref<128xi32, #tpu.memory_space<vmem>>, vector<16xi32>,
    %get3A_754 = arith.constant 112 : index
    %get3A_755 = tpu.vector_load %arg13[%get3A_754] {strides = array<i32>} : memref<128xi32, #tpu.memory_space<vmem>>, vector<16xi32>,
    %get3A_756 = vector.shape_cast %get3A_755 : vector<16xi32> to vector<16xi32>
    %mul3A_757 = arith.constant 4096 : i32
    %mul3A_758 = vector.broadcast %mul3A_757 : i32 to vector<16xi32>
    %mul3A_759 = arith.muli %get3A_756, %mul3A_758 : vector<16xi32>
    %get3A_760 = arith.constant 112 : index
    %get3A_761 = tpu.vector_load %arg11[%get3A_760] {strides = array<i32>} : memref<128xi32, #tpu.memory_space<vmem>>, vector<16xi32>,
    %get3A_762 = vector.shape_cast %get3A_761 : vector<16xi32> to vector<16xi32>
    %add3A_763 = arith.addi %mul3A_759, %get3A_762 : vector<16xi32>
    %swap3A_764 = arith.constant 112 : index
    %swap3A_765 = tpu.vector_load %arg11[%swap3A_764] {strides = array<i32>} : memref<128xi32, #tpu.memory_space<vmem>>, vector<16xi32>,
    %swap3A_766 = vector.shape_cast %swap3A_765 : vector<16xi32> to vector<16xi32>
    %swap3A_767 = vector.shape_cast %add3A_763 : vector<16xi32> to vector<16xi32>
    tpu.vector_store %arg11[%swap3A_764], %swap3A_767 {strides = array<i32>} : memref<128xi32, #tpu.memory_space<vmem>>, vector<16xi32>,
    %dma_wait3A_768 = arith.constant 0 : i32
    %dma_wait3A_769 = tpu.memref_slice %arg7[%add3A_639, %dma_wait3A_768] : memref<16384x128xf32, #tpu.memory_space<hbm>> -> memref<128x128xf32, #tpu.memory_space<hbm>>
    %dma_wait3A_770 = arith.constant 0 : i32
    %dma_wait3A_771 = tpu.memref_slice %arg7[%add3A_639, %dma_wait3A_770] : memref<16384x128xf32, #tpu.memory_space<hbm>> -> memref<128x128xf32, #tpu.memory_space<hbm>>
    tpu.wait_dma2 semaphore(%arg25 : memref<!tpu.dma_semaphore, #tpu.memory_space<semaphore_mem>>) src(%arg15 : memref<128x128xf32, #tpu.memory_space<vmem>>) dst(%dma_wait3A_771 : memref<128x128xf32, #tpu.memory_space<hbm>>)
    %dma_start3A_772 = arith.constant 0 : i32
    %dma_start3A_773 = arith.constant 0 : i32
    %dma_start3A_774 = tpu.memref_slice %arg15[%dma_start3A_772, %dma_start3A_773] : memref<128x128xf32, #tpu.memory_space<vmem>> -> memref<64x128xf32, #tpu.memory_space<vmem>>
    %dma_start3A_775 = arith.constant 0 : i32
    %dma_start3A_776 = tpu.memref_slice %arg9[%dma_start3A_775] : memref<128xi32, #tpu.memory_space<vmem>> -> memref<64xi32, #tpu.memory_space<vmem>>
    %dma_start3A_777 = arith.constant 0 : i32
    %dma_start3A_778 = arith.constant 0 : i32
    %dma_start3A_779 = tpu.memref_slice %arg2[%dma_start3A_777, %dma_start3A_778] : memref<100000x128xf32, #tpu.memory_space<hbm>> -> memref<100000x128xf32, #tpu.memory_space<hbm>>
    tpu.enqueue_indirect_dma source(%dma_start3A_779 : memref<100000x128xf32, #tpu.memory_space<hbm>>) target(%dma_start3A_774 : memref<64x128xf32, #tpu.memory_space<vmem>>) offsets(%dma_start3A_776 : memref<64xi32, #tpu.memory_space<vmem>>) semaphore(%arg21 : memref<!tpu.dma_semaphore, #tpu.memory_space<semaphore_mem>>)
    %dma_start3A_780 = arith.constant 64 : i32
    %dma_start3A_781 = arith.constant 0 : i32
    %dma_start3A_782 = tpu.memref_slice %arg15[%dma_start3A_780, %dma_start3A_781] : memref<128x128xf32, #tpu.memory_space<vmem>> -> memref<64x128xf32, #tpu.memory_space<vmem>>
    %dma_start3A_783 = arith.constant 64 : i32
    %dma_start3A_784 = tpu.memref_slice %arg9[%dma_start3A_783] : memref<128xi32, #tpu.memory_space<vmem>> -> memref<64xi32, #tpu.memory_space<vmem>>
    %dma_start3A_785 = arith.constant 0 : i32
    %dma_start3A_786 = arith.constant 0 : i32
    %dma_start3A_787 = tpu.memref_slice %arg2[%dma_start3A_785, %dma_start3A_786] : memref<100000x128xf32, #tpu.memory_space<hbm>> -> memref<100000x128xf32, #tpu.memory_space<hbm>>
    tpu.enqueue_indirect_dma source(%dma_start3A_787 : memref<100000x128xf32, #tpu.memory_space<hbm>>) target(%dma_start3A_782 : memref<64x128xf32, #tpu.memory_space<vmem>>) offsets(%dma_start3A_784 : memref<64xi32, #tpu.memory_space<vmem>>) semaphore(%arg21 : memref<!tpu.dma_semaphore, #tpu.memory_space<semaphore_mem>>)
    %dma_start3A_788 = arith.constant 0 : i32
    %dma_start3A_789 = arith.constant 0 : i32
    %dma_start3A_790 = tpu.memref_slice %arg17[%dma_start3A_788, %dma_start3A_789] : memref<128x128xf32, #tpu.memory_space<vmem>> -> memref<64x128xf32, #tpu.memory_space<vmem>>
    %dma_start3A_791 = arith.constant 0 : i32
    %dma_start3A_792 = tpu.memref_slice %arg11[%dma_start3A_791] : memref<128xi32, #tpu.memory_space<vmem>> -> memref<64xi32, #tpu.memory_space<vmem>>
    %dma_start3A_793 = arith.constant 0 : i32
    %dma_start3A_794 = arith.constant 0 : i32
    %dma_start3A_795 = tpu.memref_slice %arg3[%dma_start3A_793, %dma_start3A_794] : memref<8192x128xf32, #tpu.memory_space<hbm>> -> memref<8192x128xf32, #tpu.memory_space<hbm>>
    tpu.enqueue_indirect_dma source(%dma_start3A_795 : memref<8192x128xf32, #tpu.memory_space<hbm>>) target(%dma_start3A_790 : memref<64x128xf32, #tpu.memory_space<vmem>>) offsets(%dma_start3A_792 : memref<64xi32, #tpu.memory_space<vmem>>) semaphore(%arg23 : memref<!tpu.dma_semaphore, #tpu.memory_space<semaphore_mem>>)
    %dma_start3A_796 = arith.constant 64 : i32
    %dma_start3A_797 = arith.constant 0 : i32
    %dma_start3A_798 = tpu.memref_slice %arg17[%dma_start3A_796, %dma_start3A_797] : memref<128x128xf32, #tpu.memory_space<vmem>> -> memref<64x128xf32, #tpu.memory_space<vmem>>
    %dma_start3A_799 = arith.constant 64 : i32
    %dma_start3A_800 = tpu.memref_slice %arg11[%dma_start3A_799] : memref<128xi32, #tpu.memory_space<vmem>> -> memref<64xi32, #tpu.memory_space<vmem>>
    %dma_start3A_801 = arith.constant 0 : i32
    %dma_start3A_802 = arith.constant 0 : i32
    %dma_start3A_803 = tpu.memref_slice %arg3[%dma_start3A_801, %dma_start3A_802] : memref<8192x128xf32, #tpu.memory_space<hbm>> -> memref<8192x128xf32, #tpu.memory_space<hbm>>
    tpu.enqueue_indirect_dma source(%dma_start3A_803 : memref<8192x128xf32, #tpu.memory_space<hbm>>) target(%dma_start3A_798 : memref<64x128xf32, #tpu.memory_space<vmem>>) offsets(%dma_start3A_800 : memref<64xi32, #tpu.memory_space<vmem>>) semaphore(%arg23 : memref<!tpu.dma_semaphore, #tpu.memory_space<semaphore_mem>>)
    %dma_wait3A_804 = arith.constant 0 : i32
    %dma_wait3A_805 = arith.constant 0 : i32
    %dma_wait3A_806 = tpu.memref_slice %arg14[%dma_wait3A_804, %dma_wait3A_805] : memref<128x128xf32, #tpu.memory_space<vmem>> -> memref<64x128xf32, #tpu.memory_space<vmem>>
    %dma_wait3A_807 = arith.constant 0 : i32
    %dma_wait3A_808 = tpu.memref_slice %arg8[%dma_wait3A_807] : memref<128xi32, #tpu.memory_space<vmem>> -> memref<64xi32, #tpu.memory_space<vmem>>
    %dma_wait3A_809 = arith.constant 0 : i32
    %dma_wait3A_810 = arith.constant 0 : i32
    %dma_wait3A_811 = tpu.memref_slice %arg2[%dma_wait3A_809, %dma_wait3A_810] : memref<100000x128xf32, #tpu.memory_space<hbm>> -> memref<100000x128xf32, #tpu.memory_space<hbm>>
    tpu.wait_indirect_dma semaphore(%arg20 : memref<!tpu.dma_semaphore, #tpu.memory_space<semaphore_mem>>) src(%dma_wait3A_811 : memref<100000x128xf32, #tpu.memory_space<hbm>>) dst(%dma_wait3A_806 : memref<64x128xf32, #tpu.memory_space<vmem>>)
    %dma_wait3A_812 = arith.constant 64 : i32
    %dma_wait3A_813 = arith.constant 0 : i32
    %dma_wait3A_814 = tpu.memref_slice %arg14[%dma_wait3A_812, %dma_wait3A_813] : memref<128x128xf32, #tpu.memory_space<vmem>> -> memref<64x128xf32, #tpu.memory_space<vmem>>
    %dma_wait3A_815 = arith.constant 64 : i32
    %dma_wait3A_816 = tpu.memref_slice %arg8[%dma_wait3A_815] : memref<128xi32, #tpu.memory_space<vmem>> -> memref<64xi32, #tpu.memory_space<vmem>>
    %dma_wait3A_817 = arith.constant 0 : i32
    %dma_wait3A_818 = arith.constant 0 : i32
    %dma_wait3A_819 = tpu.memref_slice %arg2[%dma_wait3A_817, %dma_wait3A_818] : memref<100000x128xf32, #tpu.memory_space<hbm>> -> memref<100000x128xf32, #tpu.memory_space<hbm>>
    tpu.wait_indirect_dma semaphore(%arg20 : memref<!tpu.dma_semaphore, #tpu.memory_space<semaphore_mem>>) src(%dma_wait3A_819 : memref<100000x128xf32, #tpu.memory_space<hbm>>) dst(%dma_wait3A_814 : memref<64x128xf32, #tpu.memory_space<vmem>>)
    %dma_wait3A_820 = arith.constant 0 : i32
    %dma_wait3A_821 = arith.constant 0 : i32
    %dma_wait3A_822 = tpu.memref_slice %arg16[%dma_wait3A_820, %dma_wait3A_821] : memref<128x128xf32, #tpu.memory_space<vmem>> -> memref<64x128xf32, #tpu.memory_space<vmem>>
    %dma_wait3A_823 = arith.constant 0 : i32
    %dma_wait3A_824 = tpu.memref_slice %arg10[%dma_wait3A_823] : memref<128xi32, #tpu.memory_space<vmem>> -> memref<64xi32, #tpu.memory_space<vmem>>
    %dma_wait3A_825 = arith.constant 0 : i32
    %dma_wait3A_826 = arith.constant 0 : i32
    %dma_wait3A_827 = tpu.memref_slice %arg3[%dma_wait3A_825, %dma_wait3A_826] : memref<8192x128xf32, #tpu.memory_space<hbm>> -> memref<8192x128xf32, #tpu.memory_space<hbm>>
    tpu.wait_indirect_dma semaphore(%arg22 : memref<!tpu.dma_semaphore, #tpu.memory_space<semaphore_mem>>) src(%dma_wait3A_827 : memref<8192x128xf32, #tpu.memory_space<hbm>>) dst(%dma_wait3A_822 : memref<64x128xf32, #tpu.memory_space<vmem>>)
    %dma_wait3A_828 = arith.constant 64 : i32
    %dma_wait3A_829 = arith.constant 0 : i32
    %dma_wait3A_830 = tpu.memref_slice %arg16[%dma_wait3A_828, %dma_wait3A_829] : memref<128x128xf32, #tpu.memory_space<vmem>> -> memref<64x128xf32, #tpu.memory_space<vmem>>
    %dma_wait3A_831 = arith.constant 64 : i32
    %dma_wait3A_832 = tpu.memref_slice %arg10[%dma_wait3A_831] : memref<128xi32, #tpu.memory_space<vmem>> -> memref<64xi32, #tpu.memory_space<vmem>>
    %dma_wait3A_833 = arith.constant 0 : i32
    %dma_wait3A_834 = arith.constant 0 : i32
    %dma_wait3A_835 = tpu.memref_slice %arg3[%dma_wait3A_833, %dma_wait3A_834] : memref<8192x128xf32, #tpu.memory_space<hbm>> -> memref<8192x128xf32, #tpu.memory_space<hbm>>
    tpu.wait_indirect_dma semaphore(%arg22 : memref<!tpu.dma_semaphore, #tpu.memory_space<semaphore_mem>>) src(%dma_wait3A_835 : memref<8192x128xf32, #tpu.memory_space<hbm>>) dst(%dma_wait3A_830 : memref<64x128xf32, #tpu.memory_space<vmem>>)
    %scan3A_836 = arith.constant 0 : i32
    %scan3A_837 = arith.constant 32 : i32
    %scan3A_838 = arith.addi %scan3A_836, %scan3A_837 : i32
    %scan3A_839 = arith.constant 1 : i32
    scf.for %scan3A_898 = %scan3A_836 to %scan3A_838 step %scan3A_839  : i32 {
      %mul3A_899 = arith.constant 4 : i32
      %mul3A_900 = arith.muli %scan3A_898, %mul3A_899 : i32
      %add3A_901 = arith.constant 0 : i32
      %add3A_902 = arith.addi %add3A_901, %mul3A_900 : i32
      %add3A_903 = arith.constant 0 : i32
      %add3A_904 = arith.addi %add3A_902, %add3A_903 : i32
      %add3A_905 = arith.constant 0 : i32
      %add3A_906 = arith.addi %add3A_902, %add3A_905 : i32
      %get3A_907 = arith.index_cast %add3A_906 : i32 to index
      %get3A_908 = arith.constant 0 : index
      %get3A_909 = tpu.vector_load %arg16[%get3A_907, %get3A_908] {strides = array<i32>} : memref<128x128xf32, #tpu.memory_space<vmem>>, vector<1x16xf32>,
      %get3A_910 = vector.shape_cast %get3A_909 : vector<1x16xf32> to vector<16xf32>
      %swap3A_911 = arith.index_cast %add3A_904 : i32 to index
      %swap3A_912 = arith.constant 0 : index
      %swap3A_913 = tpu.vector_load %arg14[%swap3A_911, %swap3A_912] {strides = array<i32>} : memref<128x128xf32, #tpu.memory_space<vmem>>, vector<1x16xf32>,
      %swap3A_914 = vector.shape_cast %swap3A_913 : vector<1x16xf32> to vector<16xf32>
      %swap3A_915 = vector.shape_cast %get3A_910 : vector<16xf32> to vector<1x16xf32>
      tpu.vector_store %arg14[%swap3A_911, %swap3A_912], %swap3A_915 {add = true, strides = array<i32>} : memref<128x128xf32, #tpu.memory_space<vmem>>, vector<1x16xf32>,
      %add3A_916 = arith.constant 0 : i32
      %add3A_917 = arith.addi %add3A_902, %add3A_916 : i32
      %add3A_918 = arith.constant 0 : i32
      %add3A_919 = arith.addi %add3A_902, %add3A_918 : i32
      %get3A_920 = arith.index_cast %add3A_919 : i32 to index
      %get3A_921 = arith.constant 16 : index
      %get3A_922 = tpu.vector_load %arg16[%get3A_920, %get3A_921] {strides = array<i32>} : memref<128x128xf32, #tpu.memory_space<vmem>>, vector<1x16xf32>,
      %get3A_923 = vector.shape_cast %get3A_922 : vector<1x16xf32> to vector<16xf32>
      %swap3A_924 = arith.index_cast %add3A_917 : i32 to index
      %swap3A_925 = arith.constant 16 : index
      %swap3A_926 = tpu.vector_load %arg14[%swap3A_924, %swap3A_925] {strides = array<i32>} : memref<128x128xf32, #tpu.memory_space<vmem>>, vector<1x16xf32>,
      %swap3A_927 = vector.shape_cast %swap3A_926 : vector<1x16xf32> to vector<16xf32>
      %swap3A_928 = vector.shape_cast %get3A_923 : vector<16xf32> to vector<1x16xf32>
      tpu.vector_store %arg14[%swap3A_924, %swap3A_925], %swap3A_928 {add = true, strides = array<i32>} : memref<128x128xf32, #tpu.memory_space<vmem>>, vector<1x16xf32>,
      %add3A_929 = arith.constant 0 : i32
      %add3A_930 = arith.addi %add3A_902, %add3A_929 : i32
      %add3A_931 = arith.constant 0 : i32
      %add3A_932 = arith.addi %add3A_902, %add3A_931 : i32
      %get3A_933 = arith.index_cast %add3A_932 : i32 to index
      %get3A_934 = arith.constant 32 : index
      %get3A_935 = tpu.vector_load %arg16[%get3A_933, %get3A_934] {strides = array<i32>} : memref<128x128xf32, #tpu.memory_space<vmem>>, vector<1x16xf32>,
      %get3A_936 = vector.shape_cast %get3A_935 : vector<1x16xf32> to vector<16xf32>
      %swap3A_937 = arith.index_cast %add3A_930 : i32 to index
      %swap3A_938 = arith.constant 32 : index
      %swap3A_939 = tpu.vector_load %arg14[%swap3A_937, %swap3A_938] {strides = array<i32>} : memref<128x128xf32, #tpu.memory_space<vmem>>, vector<1x16xf32>,
      %swap3A_940 = vector.shape_cast %swap3A_939 : vector<1x16xf32> to vector<16xf32>
      %swap3A_941 = vector.shape_cast %get3A_936 : vector<16xf32> to vector<1x16xf32>
      tpu.vector_store %arg14[%swap3A_937, %swap3A_938], %swap3A_941 {add = true, strides = array<i32>} : memref<128x128xf32, #tpu.memory_space<vmem>>, vector<1x16xf32>,
      %add3A_942 = arith.constant 0 : i32
      %add3A_943 = arith.addi %add3A_902, %add3A_942 : i32
      %add3A_944 = arith.constant 0 : i32
      %add3A_945 = arith.addi %add3A_902, %add3A_944 : i32
      %get3A_946 = arith.index_cast %add3A_945 : i32 to index
      %get3A_947 = arith.constant 48 : index
      %get3A_948 = tpu.vector_load %arg16[%get3A_946, %get3A_947] {strides = array<i32>} : memref<128x128xf32, #tpu.memory_space<vmem>>, vector<1x16xf32>,
      %get3A_949 = vector.shape_cast %get3A_948 : vector<1x16xf32> to vector<16xf32>
      %swap3A_950 = arith.index_cast %add3A_943 : i32 to index
      %swap3A_951 = arith.constant 48 : index
      %swap3A_952 = tpu.vector_load %arg14[%swap3A_950, %swap3A_951] {strides = array<i32>} : memref<128x128xf32, #tpu.memory_space<vmem>>, vector<1x16xf32>,
      %swap3A_953 = vector.shape_cast %swap3A_952 : vector<1x16xf32> to vector<16xf32>
      %swap3A_954 = vector.shape_cast %get3A_949 : vector<16xf32> to vector<1x16xf32>
      tpu.vector_store %arg14[%swap3A_950, %swap3A_951], %swap3A_954 {add = true, strides = array<i32>} : memref<128x128xf32, #tpu.memory_space<vmem>>, vector<1x16xf32>,
      %add3A_955 = arith.constant 0 : i32
      %add3A_956 = arith.addi %add3A_902, %add3A_955 : i32
      %add3A_957 = arith.constant 0 : i32
      %add3A_958 = arith.addi %add3A_902, %add3A_957 : i32
      %get3A_959 = arith.index_cast %add3A_958 : i32 to index
      %get3A_960 = arith.constant 64 : index
      %get3A_961 = tpu.vector_load %arg16[%get3A_959, %get3A_960] {strides = array<i32>} : memref<128x128xf32, #tpu.memory_space<vmem>>, vector<1x16xf32>,
      %get3A_962 = vector.shape_cast %get3A_961 : vector<1x16xf32> to vector<16xf32>
      %swap3A_963 = arith.index_cast %add3A_956 : i32 to index
      %swap3A_964 = arith.constant 64 : index
      %swap3A_965 = tpu.vector_load %arg14[%swap3A_963, %swap3A_964] {strides = array<i32>} : memref<128x128xf32, #tpu.memory_space<vmem>>, vector<1x16xf32>,
      %swap3A_966 = vector.shape_cast %swap3A_965 : vector<1x16xf32> to vector<16xf32>
      %swap3A_967 = vector.shape_cast %get3A_962 : vector<16xf32> to vector<1x16xf32>
      tpu.vector_store %arg14[%swap3A_963, %swap3A_964], %swap3A_967 {add = true, strides = array<i32>} : memref<128x128xf32, #tpu.memory_space<vmem>>, vector<1x16xf32>,
      %add3A_968 = arith.constant 0 : i32
      %add3A_969 = arith.addi %add3A_902, %add3A_968 : i32
      %add3A_970 = arith.constant 0 : i32
      %add3A_971 = arith.addi %add3A_902, %add3A_970 : i32
      %get3A_972 = arith.index_cast %add3A_971 : i32 to index
      %get3A_973 = arith.constant 80 : index
      %get3A_974 = tpu.vector_load %arg16[%get3A_972, %get3A_973] {strides = array<i32>} : memref<128x128xf32, #tpu.memory_space<vmem>>, vector<1x16xf32>,
      %get3A_975 = vector.shape_cast %get3A_974 : vector<1x16xf32> to vector<16xf32>
      %swap3A_976 = arith.index_cast %add3A_969 : i32 to index
      %swap3A_977 = arith.constant 80 : index
      %swap3A_978 = tpu.vector_load %arg14[%swap3A_976, %swap3A_977] {strides = array<i32>} : memref<128x128xf32, #tpu.memory_space<vmem>>, vector<1x16xf32>,
      %swap3A_979 = vector.shape_cast %swap3A_978 : vector<1x16xf32> to vector<16xf32>
      %swap3A_980 = vector.shape_cast %get3A_975 : vector<16xf32> to vector<1x16xf32>
      tpu.vector_store %arg14[%swap3A_976, %swap3A_977], %swap3A_980 {add = true, strides = array<i32>} : memref<128x128xf32, #tpu.memory_space<vmem>>, vector<1x16xf32>,
      %add3A_981 = arith.constant 0 : i32
      %add3A_982 = arith.addi %add3A_902, %add3A_981 : i32
      %add3A_983 = arith.constant 0 : i32
      %add3A_984 = arith.addi %add3A_902, %add3A_983 : i32
      %get3A_985 = arith.index_cast %add3A_984 : i32 to index
      %get3A_986 = arith.constant 96 : index
      %get3A_987 = tpu.vector_load %arg16[%get3A_985, %get3A_986] {strides = array<i32>} : memref<128x128xf32, #tpu.memory_space<vmem>>, vector<1x16xf32>,
      %get3A_988 = vector.shape_cast %get3A_987 : vector<1x16xf32> to vector<16xf32>
      %swap3A_989 = arith.index_cast %add3A_982 : i32 to index
      %swap3A_990 = arith.constant 96 : index
      %swap3A_991 = tpu.vector_load %arg14[%swap3A_989, %swap3A_990] {strides = array<i32>} : memref<128x128xf32, #tpu.memory_space<vmem>>, vector<1x16xf32>,
      %swap3A_992 = vector.shape_cast %swap3A_991 : vector<1x16xf32> to vector<16xf32>
      %swap3A_993 = vector.shape_cast %get3A_988 : vector<16xf32> to vector<1x16xf32>
      tpu.vector_store %arg14[%swap3A_989, %swap3A_990], %swap3A_993 {add = true, strides = array<i32>} : memref<128x128xf32, #tpu.memory_space<vmem>>, vector<1x16xf32>,
      %add3A_994 = arith.constant 0 : i32
      %add3A_995 = arith.addi %add3A_902, %add3A_994 : i32
      %add3A_996 = arith.constant 0 : i32
      %add3A_997 = arith.addi %add3A_902, %add3A_996 : i32
      %get3A_998 = arith.index_cast %add3A_997 : i32 to index
      %get3A_999 = arith.constant 112 : index
      %get3A_1000 = tpu.vector_load %arg16[%get3A_998, %get3A_999] {strides = array<i32>} : memref<128x128xf32, #tpu.memory_space<vmem>>, vector<1x16xf32>,
      %get3A_1001 = vector.shape_cast %get3A_1000 : vector<1x16xf32> to vector<16xf32>
      %swap3A_1002 = arith.index_cast %add3A_995 : i32 to index
      %swap3A_1003 = arith.constant 112 : index
      %swap3A_1004 = tpu.vector_load %arg14[%swap3A_1002, %swap3A_1003] {strides = array<i32>} : memref<128x128xf32, #tpu.memory_space<vmem>>, vector<1x16xf32>,
      %swap3A_1005 = vector.shape_cast %swap3A_1004 : vector<1x16xf32> to vector<16xf32>
      %swap3A_1006 = vector.shape_cast %get3A_1001 : vector<16xf32> to vector<1x16xf32>
      tpu.vector_store %arg14[%swap3A_1002, %swap3A_1003], %swap3A_1006 {add = true, strides = array<i32>} : memref<128x128xf32, #tpu.memory_space<vmem>>, vector<1x16xf32>,
      %add3A_1007 = arith.constant 1 : i32
      %add3A_1008 = arith.addi %add3A_902, %add3A_1007 : i32
      %add3A_1009 = arith.constant 1 : i32
      %add3A_1010 = arith.addi %add3A_902, %add3A_1009 : i32
      %get3A_1011 = arith.index_cast %add3A_1010 : i32 to index
      %get3A_1012 = arith.constant 0 : index
      %get3A_1013 = tpu.vector_load %arg16[%get3A_1011, %get3A_1012] {strides = array<i32>} : memref<128x128xf32, #tpu.memory_space<vmem>>, vector<1x16xf32>,
      %get3A_1014 = vector.shape_cast %get3A_1013 : vector<1x16xf32> to vector<16xf32>
      %swap3A_1015 = arith.index_cast %add3A_1008 : i32 to index
      %swap3A_1016 = arith.constant 0 : index
      %swap3A_1017 = tpu.vector_load %arg14[%swap3A_1015, %swap3A_1016] {strides = array<i32>} : memref<128x128xf32, #tpu.memory_space<vmem>>, vector<1x16xf32>,
      %swap3A_1018 = vector.shape_cast %swap3A_1017 : vector<1x16xf32> to vector<16xf32>
      %swap3A_1019 = vector.shape_cast %get3A_1014 : vector<16xf32> to vector<1x16xf32>
      tpu.vector_store %arg14[%swap3A_1015, %swap3A_1016], %swap3A_1019 {add = true, strides = array<i32>} : memref<128x128xf32, #tpu.memory_space<vmem>>, vector<1x16xf32>,
      %add3A_1020 = arith.constant 1 : i32
      %add3A_1021 = arith.addi %add3A_902, %add3A_1020 : i32
      %add3A_1022 = arith.constant 1 : i32
      %add3A_1023 = arith.addi %add3A_902, %add3A_1022 : i32
      %get3A_1024 = arith.index_cast %add3A_1023 : i32 to index
      %get3A_1025 = arith.constant 16 : index
      %get3A_1026 = tpu.vector_load %arg16[%get3A_1024, %get3A_1025] {strides = array<i32>} : memref<128x128xf32, #tpu.memory_space<vmem>>, vector<1x16xf32>,
      %get3A_1027 = vector.shape_cast %get3A_1026 : vector<1x16xf32> to vector<16xf32>
      %swap3A_1028 = arith.index_cast %add3A_1021 : i32 to index
      %swap3A_1029 = arith.constant 16 : index
      %swap3A_1030 = tpu.vector_load %arg14[%swap3A_1028, %swap3A_1029] {strides = array<i32>} : memref<128x128xf32, #tpu.memory_space<vmem>>, vector<1x16xf32>,
      %swap3A_1031 = vector.shape_cast %swap3A_1030 : vector<1x16xf32> to vector<16xf32>
      %swap3A_1032 = vector.shape_cast %get3A_1027 : vector<16xf32> to vector<1x16xf32>
      tpu.vector_store %arg14[%swap3A_1028, %swap3A_1029], %swap3A_1032 {add = true, strides = array<i32>} : memref<128x128xf32, #tpu.memory_space<vmem>>, vector<1x16xf32>,
      %add3A_1033 = arith.constant 1 : i32
      %add3A_1034 = arith.addi %add3A_902, %add3A_1033 : i32
      %add3A_1035 = arith.constant 1 : i32
      %add3A_1036 = arith.addi %add3A_902, %add3A_1035 : i32
      %get3A_1037 = arith.index_cast %add3A_1036 : i32 to index
      %get3A_1038 = arith.constant 32 : index
      %get3A_1039 = tpu.vector_load %arg16[%get3A_1037, %get3A_1038] {strides = array<i32>} : memref<128x128xf32, #tpu.memory_space<vmem>>, vector<1x16xf32>,
      %get3A_1040 = vector.shape_cast %get3A_1039 : vector<1x16xf32> to vector<16xf32>
      %swap3A_1041 = arith.index_cast %add3A_1034 : i32 to index
      %swap3A_1042 = arith.constant 32 : index
      %swap3A_1043 = tpu.vector_load %arg14[%swap3A_1041, %swap3A_1042] {strides = array<i32>} : memref<128x128xf32, #tpu.memory_space<vmem>>, vector<1x16xf32>,
      %swap3A_1044 = vector.shape_cast %swap3A_1043 : vector<1x16xf32> to vector<16xf32>
      %swap3A_1045 = vector.shape_cast %get3A_1040 : vector<16xf32> to vector<1x16xf32>
      tpu.vector_store %arg14[%swap3A_1041, %swap3A_1042], %swap3A_1045 {add = true, strides = array<i32>} : memref<128x128xf32, #tpu.memory_space<vmem>>, vector<1x16xf32>,
      %add3A_1046 = arith.constant 1 : i32
      %add3A_1047 = arith.addi %add3A_902, %add3A_1046 : i32
      %add3A_1048 = arith.constant 1 : i32
      %add3A_1049 = arith.addi %add3A_902, %add3A_1048 : i32
      %get3A_1050 = arith.index_cast %add3A_1049 : i32 to index
      %get3A_1051 = arith.constant 48 : index
      %get3A_1052 = tpu.vector_load %arg16[%get3A_1050, %get3A_1051] {strides = array<i32>} : memref<128x128xf32, #tpu.memory_space<vmem>>, vector<1x16xf32>,
      %get3A_1053 = vector.shape_cast %get3A_1052 : vector<1x16xf32> to vector<16xf32>
      %swap3A_1054 = arith.index_cast %add3A_1047 : i32 to index
      %swap3A_1055 = arith.constant 48 : index
      %swap3A_1056 = tpu.vector_load %arg14[%swap3A_1054, %swap3A_1055] {strides = array<i32>} : memref<128x128xf32, #tpu.memory_space<vmem>>, vector<1x16xf32>,
      %swap3A_1057 = vector.shape_cast %swap3A_1056 : vector<1x16xf32> to vector<16xf32>
      %swap3A_1058 = vector.shape_cast %get3A_1053 : vector<16xf32> to vector<1x16xf32>
      tpu.vector_store %arg14[%swap3A_1054, %swap3A_1055], %swap3A_1058 {add = true, strides = array<i32>} : memref<128x128xf32, #tpu.memory_space<vmem>>, vector<1x16xf32>,
      %add3A_1059 = arith.constant 1 : i32
      %add3A_1060 = arith.addi %add3A_902, %add3A_1059 : i32
      %add3A_1061 = arith.constant 1 : i32
      %add3A_1062 = arith.addi %add3A_902, %add3A_1061 : i32
      %get3A_1063 = arith.index_cast %add3A_1062 : i32 to index
      %get3A_1064 = arith.constant 64 : index
      %get3A_1065 = tpu.vector_load %arg16[%get3A_1063, %get3A_1064] {strides = array<i32>} : memref<128x128xf32, #tpu.memory_space<vmem>>, vector<1x16xf32>,
      %get3A_1066 = vector.shape_cast %get3A_1065 : vector<1x16xf32> to vector<16xf32>
      %swap3A_1067 = arith.index_cast %add3A_1060 : i32 to index
      %swap3A_1068 = arith.constant 64 : index
      %swap3A_1069 = tpu.vector_load %arg14[%swap3A_1067, %swap3A_1068] {strides = array<i32>} : memref<128x128xf32, #tpu.memory_space<vmem>>, vector<1x16xf32>,
      %swap3A_1070 = vector.shape_cast %swap3A_1069 : vector<1x16xf32> to vector<16xf32>
      %swap3A_1071 = vector.shape_cast %get3A_1066 : vector<16xf32> to vector<1x16xf32>
      tpu.vector_store %arg14[%swap3A_1067, %swap3A_1068], %swap3A_1071 {add = true, strides = array<i32>} : memref<128x128xf32, #tpu.memory_space<vmem>>, vector<1x16xf32>,
      %add3A_1072 = arith.constant 1 : i32
      %add3A_1073 = arith.addi %add3A_902, %add3A_1072 : i32
      %add3A_1074 = arith.constant 1 : i32
      %add3A_1075 = arith.addi %add3A_902, %add3A_1074 : i32
      %get3A_1076 = arith.index_cast %add3A_1075 : i32 to index
      %get3A_1077 = arith.constant 80 : index
      %get3A_1078 = tpu.vector_load %arg16[%get3A_1076, %get3A_1077] {strides = array<i32>} : memref<128x128xf32, #tpu.memory_space<vmem>>, vector<1x16xf32>,
      %get3A_1079 = vector.shape_cast %get3A_1078 : vector<1x16xf32> to vector<16xf32>
      %swap3A_1080 = arith.index_cast %add3A_1073 : i32 to index
      %swap3A_1081 = arith.constant 80 : index
      %swap3A_1082 = tpu.vector_load %arg14[%swap3A_1080, %swap3A_1081] {strides = array<i32>} : memref<128x128xf32, #tpu.memory_space<vmem>>, vector<1x16xf32>,
      %swap3A_1083 = vector.shape_cast %swap3A_1082 : vector<1x16xf32> to vector<16xf32>
      %swap3A_1084 = vector.shape_cast %get3A_1079 : vector<16xf32> to vector<1x16xf32>
      tpu.vector_store %arg14[%swap3A_1080, %swap3A_1081], %swap3A_1084 {add = true, strides = array<i32>} : memref<128x128xf32, #tpu.memory_space<vmem>>, vector<1x16xf32>,
      %add3A_1085 = arith.constant 1 : i32
      %add3A_1086 = arith.addi %add3A_902, %add3A_1085 : i32
      %add3A_1087 = arith.constant 1 : i32
      %add3A_1088 = arith.addi %add3A_902, %add3A_1087 : i32
      %get3A_1089 = arith.index_cast %add3A_1088 : i32 to index
      %get3A_1090 = arith.constant 96 : index
      %get3A_1091 = tpu.vector_load %arg16[%get3A_1089, %get3A_1090] {strides = array<i32>} : memref<128x128xf32, #tpu.memory_space<vmem>>, vector<1x16xf32>,
      %get3A_1092 = vector.shape_cast %get3A_1091 : vector<1x16xf32> to vector<16xf32>
      %swap3A_1093 = arith.index_cast %add3A_1086 : i32 to index
      %swap3A_1094 = arith.constant 96 : index
      %swap3A_1095 = tpu.vector_load %arg14[%swap3A_1093, %swap3A_1094] {strides = array<i32>} : memref<128x128xf32, #tpu.memory_space<vmem>>, vector<1x16xf32>,
      %swap3A_1096 = vector.shape_cast %swap3A_1095 : vector<1x16xf32> to vector<16xf32>
      %swap3A_1097 = vector.shape_cast %get3A_1092 : vector<16xf32> to vector<1x16xf32>
      tpu.vector_store %arg14[%swap3A_1093, %swap3A_1094], %swap3A_1097 {add = true, strides = array<i32>} : memref<128x128xf32, #tpu.memory_space<vmem>>, vector<1x16xf32>,
      %add3A_1098 = arith.constant 1 : i32
      %add3A_1099 = arith.addi %add3A_902, %add3A_1098 : i32
      %add3A_1100 = arith.constant 1 : i32
      %add3A_1101 = arith.addi %add3A_902, %add3A_1100 : i32
      %get3A_1102 = arith.index_cast %add3A_1101 : i32 to index
      %get3A_1103 = arith.constant 112 : index
      %get3A_1104 = tpu.vector_load %arg16[%get3A_1102, %get3A_1103] {strides = array<i32>} : memref<128x128xf32, #tpu.memory_space<vmem>>, vector<1x16xf32>,
      %get3A_1105 = vector.shape_cast %get3A_1104 : vector<1x16xf32> to vector<16xf32>
      %swap3A_1106 = arith.index_cast %add3A_1099 : i32 to index
      %swap3A_1107 = arith.constant 112 : index
      %swap3A_1108 = tpu.vector_load %arg14[%swap3A_1106, %swap3A_1107] {strides = array<i32>} : memref<128x128xf32, #tpu.memory_space<vmem>>, vector<1x16xf32>,
      %swap3A_1109 = vector.shape_cast %swap3A_1108 : vector<1x16xf32> to vector<16xf32>
      %swap3A_1110 = vector.shape_cast %get3A_1105 : vector<16xf32> to vector<1x16xf32>
      tpu.vector_store %arg14[%swap3A_1106, %swap3A_1107], %swap3A_1110 {add = true, strides = array<i32>} : memref<128x128xf32, #tpu.memory_space<vmem>>, vector<1x16xf32>,
      %add3A_1111 = arith.constant 2 : i32
      %add3A_1112 = arith.addi %add3A_902, %add3A_1111 : i32
      %add3A_1113 = arith.constant 2 : i32
      %add3A_1114 = arith.addi %add3A_902, %add3A_1113 : i32
      %get3A_1115 = arith.index_cast %add3A_1114 : i32 to index
      %get3A_1116 = arith.constant 0 : index
      %get3A_1117 = tpu.vector_load %arg16[%get3A_1115, %get3A_1116] {strides = array<i32>} : memref<128x128xf32, #tpu.memory_space<vmem>>, vector<1x16xf32>,
      %get3A_1118 = vector.shape_cast %get3A_1117 : vector<1x16xf32> to vector<16xf32>
      %swap3A_1119 = arith.index_cast %add3A_1112 : i32 to index
      %swap3A_1120 = arith.constant 0 : index
      %swap3A_1121 = tpu.vector_load %arg14[%swap3A_1119, %swap3A_1120] {strides = array<i32>} : memref<128x128xf32, #tpu.memory_space<vmem>>, vector<1x16xf32>,
      %swap3A_1122 = vector.shape_cast %swap3A_1121 : vector<1x16xf32> to vector<16xf32>
      %swap3A_1123 = vector.shape_cast %get3A_1118 : vector<16xf32> to vector<1x16xf32>
      tpu.vector_store %arg14[%swap3A_1119, %swap3A_1120], %swap3A_1123 {add = true, strides = array<i32>} : memref<128x128xf32, #tpu.memory_space<vmem>>, vector<1x16xf32>,
      %add3A_1124 = arith.constant 2 : i32
      %add3A_1125 = arith.addi %add3A_902, %add3A_1124 : i32
      %add3A_1126 = arith.constant 2 : i32
      %add3A_1127 = arith.addi %add3A_902, %add3A_1126 : i32
      %get3A_1128 = arith.index_cast %add3A_1127 : i32 to index
      %get3A_1129 = arith.constant 16 : index
      %get3A_1130 = tpu.vector_load %arg16[%get3A_1128, %get3A_1129] {strides = array<i32>} : memref<128x128xf32, #tpu.memory_space<vmem>>, vector<1x16xf32>,
      %get3A_1131 = vector.shape_cast %get3A_1130 : vector<1x16xf32> to vector<16xf32>
      %swap3A_1132 = arith.index_cast %add3A_1125 : i32 to index
      %swap3A_1133 = arith.constant 16 : index
      %swap3A_1134 = tpu.vector_load %arg14[%swap3A_1132, %swap3A_1133] {strides = array<i32>} : memref<128x128xf32, #tpu.memory_space<vmem>>, vector<1x16xf32>,
      %swap3A_1135 = vector.shape_cast %swap3A_1134 : vector<1x16xf32> to vector<16xf32>
      %swap3A_1136 = vector.shape_cast %get3A_1131 : vector<16xf32> to vector<1x16xf32>
      tpu.vector_store %arg14[%swap3A_1132, %swap3A_1133], %swap3A_1136 {add = true, strides = array<i32>} : memref<128x128xf32, #tpu.memory_space<vmem>>, vector<1x16xf32>,
      %add3A_1137 = arith.constant 2 : i32
      %add3A_1138 = arith.addi %add3A_902, %add3A_1137 : i32
      %add3A_1139 = arith.constant 2 : i32
      %add3A_1140 = arith.addi %add3A_902, %add3A_1139 : i32
      %get3A_1141 = arith.index_cast %add3A_1140 : i32 to index
      %get3A_1142 = arith.constant 32 : index
      %get3A_1143 = tpu.vector_load %arg16[%get3A_1141, %get3A_1142] {strides = array<i32>} : memref<128x128xf32, #tpu.memory_space<vmem>>, vector<1x16xf32>,
      %get3A_1144 = vector.shape_cast %get3A_1143 : vector<1x16xf32> to vector<16xf32>
      %swap3A_1145 = arith.index_cast %add3A_1138 : i32 to index
      %swap3A_1146 = arith.constant 32 : index
      %swap3A_1147 = tpu.vector_load %arg14[%swap3A_1145, %swap3A_1146] {strides = array<i32>} : memref<128x128xf32, #tpu.memory_space<vmem>>, vector<1x16xf32>,
      %swap3A_1148 = vector.shape_cast %swap3A_1147 : vector<1x16xf32> to vector<16xf32>
      %swap3A_1149 = vector.shape_cast %get3A_1144 : vector<16xf32> to vector<1x16xf32>
      tpu.vector_store %arg14[%swap3A_1145, %swap3A_1146], %swap3A_1149 {add = true, strides = array<i32>} : memref<128x128xf32, #tpu.memory_space<vmem>>, vector<1x16xf32>,
      %add3A_1150 = arith.constant 2 : i32
      %add3A_1151 = arith.addi %add3A_902, %add3A_1150 : i32
      %add3A_1152 = arith.constant 2 : i32
      %add3A_1153 = arith.addi %add3A_902, %add3A_1152 : i32
      %get3A_1154 = arith.index_cast %add3A_1153 : i32 to index
      %get3A_1155 = arith.constant 48 : index
      %get3A_1156 = tpu.vector_load %arg16[%get3A_1154, %get3A_1155] {strides = array<i32>} : memref<128x128xf32, #tpu.memory_space<vmem>>, vector<1x16xf32>,
      %get3A_1157 = vector.shape_cast %get3A_1156 : vector<1x16xf32> to vector<16xf32>
      %swap3A_1158 = arith.index_cast %add3A_1151 : i32 to index
      %swap3A_1159 = arith.constant 48 : index
      %swap3A_1160 = tpu.vector_load %arg14[%swap3A_1158, %swap3A_1159] {strides = array<i32>} : memref<128x128xf32, #tpu.memory_space<vmem>>, vector<1x16xf32>,
      %swap3A_1161 = vector.shape_cast %swap3A_1160 : vector<1x16xf32> to vector<16xf32>
      %swap3A_1162 = vector.shape_cast %get3A_1157 : vector<16xf32> to vector<1x16xf32>
      tpu.vector_store %arg14[%swap3A_1158, %swap3A_1159], %swap3A_1162 {add = true, strides = array<i32>} : memref<128x128xf32, #tpu.memory_space<vmem>>, vector<1x16xf32>,
      %add3A_1163 = arith.constant 2 : i32
      %add3A_1164 = arith.addi %add3A_902, %add3A_1163 : i32
      %add3A_1165 = arith.constant 2 : i32
      %add3A_1166 = arith.addi %add3A_902, %add3A_1165 : i32
      %get3A_1167 = arith.index_cast %add3A_1166 : i32 to index
      %get3A_1168 = arith.constant 64 : index
      %get3A_1169 = tpu.vector_load %arg16[%get3A_1167, %get3A_1168] {strides = array<i32>} : memref<128x128xf32, #tpu.memory_space<vmem>>, vector<1x16xf32>,
      %get3A_1170 = vector.shape_cast %get3A_1169 : vector<1x16xf32> to vector<16xf32>
      %swap3A_1171 = arith.index_cast %add3A_1164 : i32 to index
      %swap3A_1172 = arith.constant 64 : index
      %swap3A_1173 = tpu.vector_load %arg14[%swap3A_1171, %swap3A_1172] {strides = array<i32>} : memref<128x128xf32, #tpu.memory_space<vmem>>, vector<1x16xf32>,
      %swap3A_1174 = vector.shape_cast %swap3A_1173 : vector<1x16xf32> to vector<16xf32>
      %swap3A_1175 = vector.shape_cast %get3A_1170 : vector<16xf32> to vector<1x16xf32>
      tpu.vector_store %arg14[%swap3A_1171, %swap3A_1172], %swap3A_1175 {add = true, strides = array<i32>} : memref<128x128xf32, #tpu.memory_space<vmem>>, vector<1x16xf32>,
      %add3A_1176 = arith.constant 2 : i32
      %add3A_1177 = arith.addi %add3A_902, %add3A_1176 : i32
      %add3A_1178 = arith.constant 2 : i32
      %add3A_1179 = arith.addi %add3A_902, %add3A_1178 : i32
      %get3A_1180 = arith.index_cast %add3A_1179 : i32 to index
      %get3A_1181 = arith.constant 80 : index
      %get3A_1182 = tpu.vector_load %arg16[%get3A_1180, %get3A_1181] {strides = array<i32>} : memref<128x128xf32, #tpu.memory_space<vmem>>, vector<1x16xf32>,
      %get3A_1183 = vector.shape_cast %get3A_1182 : vector<1x16xf32> to vector<16xf32>
      %swap3A_1184 = arith.index_cast %add3A_1177 : i32 to index
      %swap3A_1185 = arith.constant 80 : index
      %swap3A_1186 = tpu.vector_load %arg14[%swap3A_1184, %swap3A_1185] {strides = array<i32>} : memref<128x128xf32, #tpu.memory_space<vmem>>, vector<1x16xf32>,
      %swap3A_1187 = vector.shape_cast %swap3A_1186 : vector<1x16xf32> to vector<16xf32>
      %swap3A_1188 = vector.shape_cast %get3A_1183 : vector<16xf32> to vector<1x16xf32>
      tpu.vector_store %arg14[%swap3A_1184, %swap3A_1185], %swap3A_1188 {add = true, strides = array<i32>} : memref<128x128xf32, #tpu.memory_space<vmem>>, vector<1x16xf32>,
      %add3A_1189 = arith.constant 2 : i32
      %add3A_1190 = arith.addi %add3A_902, %add3A_1189 : i32
      %add3A_1191 = arith.constant 2 : i32
      %add3A_1192 = arith.addi %add3A_902, %add3A_1191 : i32
      %get3A_1193 = arith.index_cast %add3A_1192 : i32 to index
      %get3A_1194 = arith.constant 96 : index
      %get3A_1195 = tpu.vector_load %arg16[%get3A_1193, %get3A_1194] {strides = array<i32>} : memref<128x128xf32, #tpu.memory_space<vmem>>, vector<1x16xf32>,
      %get3A_1196 = vector.shape_cast %get3A_1195 : vector<1x16xf32> to vector<16xf32>
      %swap3A_1197 = arith.index_cast %add3A_1190 : i32 to index
      %swap3A_1198 = arith.constant 96 : index
      %swap3A_1199 = tpu.vector_load %arg14[%swap3A_1197, %swap3A_1198] {strides = array<i32>} : memref<128x128xf32, #tpu.memory_space<vmem>>, vector<1x16xf32>,
      %swap3A_1200 = vector.shape_cast %swap3A_1199 : vector<1x16xf32> to vector<16xf32>
      %swap3A_1201 = vector.shape_cast %get3A_1196 : vector<16xf32> to vector<1x16xf32>
      tpu.vector_store %arg14[%swap3A_1197, %swap3A_1198], %swap3A_1201 {add = true, strides = array<i32>} : memref<128x128xf32, #tpu.memory_space<vmem>>, vector<1x16xf32>,
      %add3A_1202 = arith.constant 2 : i32
      %add3A_1203 = arith.addi %add3A_902, %add3A_1202 : i32
      %add3A_1204 = arith.constant 2 : i32
      %add3A_1205 = arith.addi %add3A_902, %add3A_1204 : i32
      %get3A_1206 = arith.index_cast %add3A_1205 : i32 to index
      %get3A_1207 = arith.constant 112 : index
      %get3A_1208 = tpu.vector_load %arg16[%get3A_1206, %get3A_1207] {strides = array<i32>} : memref<128x128xf32, #tpu.memory_space<vmem>>, vector<1x16xf32>,
      %get3A_1209 = vector.shape_cast %get3A_1208 : vector<1x16xf32> to vector<16xf32>
      %swap3A_1210 = arith.index_cast %add3A_1203 : i32 to index
      %swap3A_1211 = arith.constant 112 : index
      %swap3A_1212 = tpu.vector_load %arg14[%swap3A_1210, %swap3A_1211] {strides = array<i32>} : memref<128x128xf32, #tpu.memory_space<vmem>>, vector<1x16xf32>,
      %swap3A_1213 = vector.shape_cast %swap3A_1212 : vector<1x16xf32> to vector<16xf32>
      %swap3A_1214 = vector.shape_cast %get3A_1209 : vector<16xf32> to vector<1x16xf32>
      tpu.vector_store %arg14[%swap3A_1210, %swap3A_1211], %swap3A_1214 {add = true, strides = array<i32>} : memref<128x128xf32, #tpu.memory_space<vmem>>, vector<1x16xf32>,
      %add3A_1215 = arith.constant 3 : i32
      %add3A_1216 = arith.addi %add3A_902, %add3A_1215 : i32
      %add3A_1217 = arith.constant 3 : i32
      %add3A_1218 = arith.addi %add3A_902, %add3A_1217 : i32
      %get3A_1219 = arith.index_cast %add3A_1218 : i32 to index
      %get3A_1220 = arith.constant 0 : index
      %get3A_1221 = tpu.vector_load %arg16[%get3A_1219, %get3A_1220] {strides = array<i32>} : memref<128x128xf32, #tpu.memory_space<vmem>>, vector<1x16xf32>,
      %get3A_1222 = vector.shape_cast %get3A_1221 : vector<1x16xf32> to vector<16xf32>
      %swap3A_1223 = arith.index_cast %add3A_1216 : i32 to index
      %swap3A_1224 = arith.constant 0 : index
      %swap3A_1225 = tpu.vector_load %arg14[%swap3A_1223, %swap3A_1224] {strides = array<i32>} : memref<128x128xf32, #tpu.memory_space<vmem>>, vector<1x16xf32>,
      %swap3A_1226 = vector.shape_cast %swap3A_1225 : vector<1x16xf32> to vector<16xf32>
      %swap3A_1227 = vector.shape_cast %get3A_1222 : vector<16xf32> to vector<1x16xf32>
      tpu.vector_store %arg14[%swap3A_1223, %swap3A_1224], %swap3A_1227 {add = true, strides = array<i32>} : memref<128x128xf32, #tpu.memory_space<vmem>>, vector<1x16xf32>,
      %add3A_1228 = arith.constant 3 : i32
      %add3A_1229 = arith.addi %add3A_902, %add3A_1228 : i32
      %add3A_1230 = arith.constant 3 : i32
      %add3A_1231 = arith.addi %add3A_902, %add3A_1230 : i32
      %get3A_1232 = arith.index_cast %add3A_1231 : i32 to index
      %get3A_1233 = arith.constant 16 : index
      %get3A_1234 = tpu.vector_load %arg16[%get3A_1232, %get3A_1233] {strides = array<i32>} : memref<128x128xf32, #tpu.memory_space<vmem>>, vector<1x16xf32>,
      %get3A_1235 = vector.shape_cast %get3A_1234 : vector<1x16xf32> to vector<16xf32>
      %swap3A_1236 = arith.index_cast %add3A_1229 : i32 to index
      %swap3A_1237 = arith.constant 16 : index
      %swap3A_1238 = tpu.vector_load %arg14[%swap3A_1236, %swap3A_1237] {strides = array<i32>} : memref<128x128xf32, #tpu.memory_space<vmem>>, vector<1x16xf32>,
      %swap3A_1239 = vector.shape_cast %swap3A_1238 : vector<1x16xf32> to vector<16xf32>
      %swap3A_1240 = vector.shape_cast %get3A_1235 : vector<16xf32> to vector<1x16xf32>
      tpu.vector_store %arg14[%swap3A_1236, %swap3A_1237], %swap3A_1240 {add = true, strides = array<i32>} : memref<128x128xf32, #tpu.memory_space<vmem>>, vector<1x16xf32>,
      %add3A_1241 = arith.constant 3 : i32
      %add3A_1242 = arith.addi %add3A_902, %add3A_1241 : i32
      %add3A_1243 = arith.constant 3 : i32
      %add3A_1244 = arith.addi %add3A_902, %add3A_1243 : i32
      %get3A_1245 = arith.index_cast %add3A_1244 : i32 to index
      %get3A_1246 = arith.constant 32 : index
      %get3A_1247 = tpu.vector_load %arg16[%get3A_1245, %get3A_1246] {strides = array<i32>} : memref<128x128xf32, #tpu.memory_space<vmem>>, vector<1x16xf32>,
      %get3A_1248 = vector.shape_cast %get3A_1247 : vector<1x16xf32> to vector<16xf32>
      %swap3A_1249 = arith.index_cast %add3A_1242 : i32 to index
      %swap3A_1250 = arith.constant 32 : index
      %swap3A_1251 = tpu.vector_load %arg14[%swap3A_1249, %swap3A_1250] {strides = array<i32>} : memref<128x128xf32, #tpu.memory_space<vmem>>, vector<1x16xf32>,
      %swap3A_1252 = vector.shape_cast %swap3A_1251 : vector<1x16xf32> to vector<16xf32>
      %swap3A_1253 = vector.shape_cast %get3A_1248 : vector<16xf32> to vector<1x16xf32>
      tpu.vector_store %arg14[%swap3A_1249, %swap3A_1250], %swap3A_1253 {add = true, strides = array<i32>} : memref<128x128xf32, #tpu.memory_space<vmem>>, vector<1x16xf32>,
      %add3A_1254 = arith.constant 3 : i32
      %add3A_1255 = arith.addi %add3A_902, %add3A_1254 : i32
      %add3A_1256 = arith.constant 3 : i32
      %add3A_1257 = arith.addi %add3A_902, %add3A_1256 : i32
      %get3A_1258 = arith.index_cast %add3A_1257 : i32 to index
      %get3A_1259 = arith.constant 48 : index
      %get3A_1260 = tpu.vector_load %arg16[%get3A_1258, %get3A_1259] {strides = array<i32>} : memref<128x128xf32, #tpu.memory_space<vmem>>, vector<1x16xf32>,
      %get3A_1261 = vector.shape_cast %get3A_1260 : vector<1x16xf32> to vector<16xf32>
      %swap3A_1262 = arith.index_cast %add3A_1255 : i32 to index
      %swap3A_1263 = arith.constant 48 : index
      %swap3A_1264 = tpu.vector_load %arg14[%swap3A_1262, %swap3A_1263] {strides = array<i32>} : memref<128x128xf32, #tpu.memory_space<vmem>>, vector<1x16xf32>,
      %swap3A_1265 = vector.shape_cast %swap3A_1264 : vector<1x16xf32> to vector<16xf32>
      %swap3A_1266 = vector.shape_cast %get3A_1261 : vector<16xf32> to vector<1x16xf32>
      tpu.vector_store %arg14[%swap3A_1262, %swap3A_1263], %swap3A_1266 {add = true, strides = array<i32>} : memref<128x128xf32, #tpu.memory_space<vmem>>, vector<1x16xf32>,
      %add3A_1267 = arith.constant 3 : i32
      %add3A_1268 = arith.addi %add3A_902, %add3A_1267 : i32
      %add3A_1269 = arith.constant 3 : i32
      %add3A_1270 = arith.addi %add3A_902, %add3A_1269 : i32
      %get3A_1271 = arith.index_cast %add3A_1270 : i32 to index
      %get3A_1272 = arith.constant 64 : index
      %get3A_1273 = tpu.vector_load %arg16[%get3A_1271, %get3A_1272] {strides = array<i32>} : memref<128x128xf32, #tpu.memory_space<vmem>>, vector<1x16xf32>,
      %get3A_1274 = vector.shape_cast %get3A_1273 : vector<1x16xf32> to vector<16xf32>
      %swap3A_1275 = arith.index_cast %add3A_1268 : i32 to index
      %swap3A_1276 = arith.constant 64 : index
      %swap3A_1277 = tpu.vector_load %arg14[%swap3A_1275, %swap3A_1276] {strides = array<i32>} : memref<128x128xf32, #tpu.memory_space<vmem>>, vector<1x16xf32>,
      %swap3A_1278 = vector.shape_cast %swap3A_1277 : vector<1x16xf32> to vector<16xf32>
      %swap3A_1279 = vector.shape_cast %get3A_1274 : vector<16xf32> to vector<1x16xf32>
      tpu.vector_store %arg14[%swap3A_1275, %swap3A_1276], %swap3A_1279 {add = true, strides = array<i32>} : memref<128x128xf32, #tpu.memory_space<vmem>>, vector<1x16xf32>,
      %add3A_1280 = arith.constant 3 : i32
      %add3A_1281 = arith.addi %add3A_902, %add3A_1280 : i32
      %add3A_1282 = arith.constant 3 : i32
      %add3A_1283 = arith.addi %add3A_902, %add3A_1282 : i32
      %get3A_1284 = arith.index_cast %add3A_1283 : i32 to index
      %get3A_1285 = arith.constant 80 : index
      %get3A_1286 = tpu.vector_load %arg16[%get3A_1284, %get3A_1285] {strides = array<i32>} : memref<128x128xf32, #tpu.memory_space<vmem>>, vector<1x16xf32>,
      %get3A_1287 = vector.shape_cast %get3A_1286 : vector<1x16xf32> to vector<16xf32>
      %swap3A_1288 = arith.index_cast %add3A_1281 : i32 to index
      %swap3A_1289 = arith.constant 80 : index
      %swap3A_1290 = tpu.vector_load %arg14[%swap3A_1288, %swap3A_1289] {strides = array<i32>} : memref<128x128xf32, #tpu.memory_space<vmem>>, vector<1x16xf32>,
      %swap3A_1291 = vector.shape_cast %swap3A_1290 : vector<1x16xf32> to vector<16xf32>
      %swap3A_1292 = vector.shape_cast %get3A_1287 : vector<16xf32> to vector<1x16xf32>
      tpu.vector_store %arg14[%swap3A_1288, %swap3A_1289], %swap3A_1292 {add = true, strides = array<i32>} : memref<128x128xf32, #tpu.memory_space<vmem>>, vector<1x16xf32>,
      %add3A_1293 = arith.constant 3 : i32
      %add3A_1294 = arith.addi %add3A_902, %add3A_1293 : i32
      %add3A_1295 = arith.constant 3 : i32
      %add3A_1296 = arith.addi %add3A_902, %add3A_1295 : i32
      %get3A_1297 = arith.index_cast %add3A_1296 : i32 to index
      %get3A_1298 = arith.constant 96 : index
      %get3A_1299 = tpu.vector_load %arg16[%get3A_1297, %get3A_1298] {strides = array<i32>} : memref<128x128xf32, #tpu.memory_space<vmem>>, vector<1x16xf32>,
      %get3A_1300 = vector.shape_cast %get3A_1299 : vector<1x16xf32> to vector<16xf32>
      %swap3A_1301 = arith.index_cast %add3A_1294 : i32 to index
      %swap3A_1302 = arith.constant 96 : index
      %swap3A_1303 = tpu.vector_load %arg14[%swap3A_1301, %swap3A_1302] {strides = array<i32>} : memref<128x128xf32, #tpu.memory_space<vmem>>, vector<1x16xf32>,
      %swap3A_1304 = vector.shape_cast %swap3A_1303 : vector<1x16xf32> to vector<16xf32>
      %swap3A_1305 = vector.shape_cast %get3A_1300 : vector<16xf32> to vector<1x16xf32>
      tpu.vector_store %arg14[%swap3A_1301, %swap3A_1302], %swap3A_1305 {add = true, strides = array<i32>} : memref<128x128xf32, #tpu.memory_space<vmem>>, vector<1x16xf32>,
      %add3A_1306 = arith.constant 3 : i32
      %add3A_1307 = arith.addi %add3A_902, %add3A_1306 : i32
      %add3A_1308 = arith.constant 3 : i32
      %add3A_1309 = arith.addi %add3A_902, %add3A_1308 : i32
      %get3A_1310 = arith.index_cast %add3A_1309 : i32 to index
      %get3A_1311 = arith.constant 112 : index
      %get3A_1312 = tpu.vector_load %arg16[%get3A_1310, %get3A_1311] {strides = array<i32>} : memref<128x128xf32, #tpu.memory_space<vmem>>, vector<1x16xf32>,
      %get3A_1313 = vector.shape_cast %get3A_1312 : vector<1x16xf32> to vector<16xf32>
      %swap3A_1314 = arith.index_cast %add3A_1307 : i32 to index
      %swap3A_1315 = arith.constant 112 : index
      %swap3A_1316 = tpu.vector_load %arg14[%swap3A_1314, %swap3A_1315] {strides = array<i32>} : memref<128x128xf32, #tpu.memory_space<vmem>>, vector<1x16xf32>,
      %swap3A_1317 = vector.shape_cast %swap3A_1316 : vector<1x16xf32> to vector<16xf32>
      %swap3A_1318 = vector.shape_cast %get3A_1313 : vector<16xf32> to vector<1x16xf32>
      tpu.vector_store %arg14[%swap3A_1314, %swap3A_1315], %swap3A_1318 {add = true, strides = array<i32>} : memref<128x128xf32, #tpu.memory_space<vmem>>, vector<1x16xf32>,
    }
    %scan3A_840 = arith.constant 32 : i32
    %add3A_841 = arith.constant 256 : i32
    %add3A_842 = arith.addi %mul3A_2, %add3A_841 : i32
    %dma_start3A_843 = arith.constant 0 : i32
    %dma_start3A_844 = tpu.memref_slice %arg7[%add3A_842, %dma_start3A_843] : memref<16384x128xf32, #tpu.memory_space<hbm>> -> memref<128x128xf32, #tpu.memory_space<hbm>>
    %dma_start3A_845 = arith.constant 0 : i32
    %dma_start3A_846 = tpu.memref_slice %arg7[%add3A_842, %dma_start3A_845] : memref<16384x128xf32, #tpu.memory_space<hbm>> -> memref<128x128xf32, #tpu.memory_space<hbm>>
    tpu.enqueue_dma source(%arg14 : memref<128x128xf32, #tpu.memory_space<vmem>>) target(%dma_start3A_846 : memref<128x128xf32, #tpu.memory_space<hbm>>) target_semaphore(%arg24 : memref<!tpu.dma_semaphore, #tpu.memory_space<semaphore_mem>>)
    %dma_wait3A_847 = arith.constant 0 : i32
    %dma_wait3A_848 = arith.constant 0 : i32
    %dma_wait3A_849 = tpu.memref_slice %arg15[%dma_wait3A_847, %dma_wait3A_848] : memref<128x128xf32, #tpu.memory_space<vmem>> -> memref<64x128xf32, #tpu.memory_space<vmem>>
    %dma_wait3A_850 = arith.constant 0 : i32
    %dma_wait3A_851 = tpu.memref_slice %arg9[%dma_wait3A_850] : memref<128xi32, #tpu.memory_space<vmem>> -> memref<64xi32, #tpu.memory_space<vmem>>
    %dma_wait3A_852 = arith.constant 0 : i32
    %dma_wait3A_853 = arith.constant 0 : i32
    %dma_wait3A_854 = tpu.memref_slice %arg2[%dma_wait3A_852, %dma_wait3A_853] : memref<100000x128xf32, #tpu.memory_space<hbm>> -> memref<100000x128xf32, #tpu.memory_space<hbm>>
    tpu.wait_indirect_dma semaphore(%arg21 : memref<!tpu.dma_semaphore, #tpu.memory_space<semaphore_mem>>) src(%dma_wait3A_854 : memref<100000x128xf32, #tpu.memory_space<hbm>>) dst(%dma_wait3A_849 : memref<64x128xf32, #tpu.memory_space<vmem>>)
    %dma_wait3A_855 = arith.constant 64 : i32
    %dma_wait3A_856 = arith.constant 0 : i32
    %dma_wait3A_857 = tpu.memref_slice %arg15[%dma_wait3A_855, %dma_wait3A_856] : memref<128x128xf32, #tpu.memory_space<vmem>> -> memref<64x128xf32, #tpu.memory_space<vmem>>
    %dma_wait3A_858 = arith.constant 64 : i32
    %dma_wait3A_859 = tpu.memref_slice %arg9[%dma_wait3A_858] : memref<128xi32, #tpu.memory_space<vmem>> -> memref<64xi32, #tpu.memory_space<vmem>>
    %dma_wait3A_860 = arith.constant 0 : i32
    %dma_wait3A_861 = arith.constant 0 : i32
    %dma_wait3A_862 = tpu.memref_slice %arg2[%dma_wait3A_860, %dma_wait3A_861] : memref<100000x128xf32, #tpu.memory_space<hbm>> -> memref<100000x128xf32, #tpu.memory_space<hbm>>
    tpu.wait_indirect_dma semaphore(%arg21 : memref<!tpu.dma_semaphore, #tpu.memory_space<semaphore_mem>>) src(%dma_wait3A_862 : memref<100000x128xf32, #tpu.memory_space<hbm>>) dst(%dma_wait3A_857 : memref<64x128xf32, #tpu.memory_space<vmem>>)
    %dma_wait3A_863 = arith.constant 0 : i32
    %dma_wait3A_864 = arith.constant 0 : i32
    %dma_wait3A_865 = tpu.memref_slice %arg17[%dma_wait3A_863, %dma_wait3A_864] : memref<128x128xf32, #tpu.memory_space<vmem>> -> memref<64x128xf32, #tpu.memory_space<vmem>>
    %dma_wait3A_866 = arith.constant 0 : i32
    %dma_wait3A_867 = tpu.memref_slice %arg11[%dma_wait3A_866] : memref<128xi32, #tpu.memory_space<vmem>> -> memref<64xi32, #tpu.memory_space<vmem>>
    %dma_wait3A_868 = arith.constant 0 : i32
    %dma_wait3A_869 = arith.constant 0 : i32
    %dma_wait3A_870 = tpu.memref_slice %arg3[%dma_wait3A_868, %dma_wait3A_869] : memref<8192x128xf32, #tpu.memory_space<hbm>> -> memref<8192x128xf32, #tpu.memory_space<hbm>>
    tpu.wait_indirect_dma semaphore(%arg23 : memref<!tpu.dma_semaphore, #tpu.memory_space<semaphore_mem>>) src(%dma_wait3A_870 : memref<8192x128xf32, #tpu.memory_space<hbm>>) dst(%dma_wait3A_865 : memref<64x128xf32, #tpu.memory_space<vmem>>)
    %dma_wait3A_871 = arith.constant 64 : i32
    %dma_wait3A_872 = arith.constant 0 : i32
    %dma_wait3A_873 = tpu.memref_slice %arg17[%dma_wait3A_871, %dma_wait3A_872] : memref<128x128xf32, #tpu.memory_space<vmem>> -> memref<64x128xf32, #tpu.memory_space<vmem>>
    %dma_wait3A_874 = arith.constant 64 : i32
    %dma_wait3A_875 = tpu.memref_slice %arg11[%dma_wait3A_874] : memref<128xi32, #tpu.memory_space<vmem>> -> memref<64xi32, #tpu.memory_space<vmem>>
    %dma_wait3A_876 = arith.constant 0 : i32
    %dma_wait3A_877 = arith.constant 0 : i32
    %dma_wait3A_878 = tpu.memref_slice %arg3[%dma_wait3A_876, %dma_wait3A_877] : memref<8192x128xf32, #tpu.memory_space<hbm>> -> memref<8192x128xf32, #tpu.memory_space<hbm>>
    tpu.wait_indirect_dma semaphore(%arg23 : memref<!tpu.dma_semaphore, #tpu.memory_space<semaphore_mem>>) src(%dma_wait3A_878 : memref<8192x128xf32, #tpu.memory_space<hbm>>) dst(%dma_wait3A_873 : memref<64x128xf32, #tpu.memory_space<vmem>>)
    %scan3A_879 = arith.constant 0 : i32
    %scan3A_880 = arith.constant 32 : i32
    %scan3A_881 = arith.addi %scan3A_879, %scan3A_880 : i32
    %scan3A_882 = arith.constant 1 : i32
    scf.for %scan3A_898 = %scan3A_879 to %scan3A_881 step %scan3A_882  : i32 {
      %mul3A_899 = arith.constant 4 : i32
      %mul3A_900 = arith.muli %scan3A_898, %mul3A_899 : i32
      %add3A_901 = arith.constant 0 : i32
      %add3A_902 = arith.addi %add3A_901, %mul3A_900 : i32
      %add3A_903 = arith.constant 0 : i32
      %add3A_904 = arith.addi %add3A_902, %add3A_903 : i32
      %add3A_905 = arith.constant 0 : i32
      %add3A_906 = arith.addi %add3A_902, %add3A_905 : i32
      %get3A_907 = arith.index_cast %add3A_906 : i32 to index
      %get3A_908 = arith.constant 0 : index
      %get3A_909 = tpu.vector_load %arg17[%get3A_907, %get3A_908] {strides = array<i32>} : memref<128x128xf32, #tpu.memory_space<vmem>>, vector<1x16xf32>,
      %get3A_910 = vector.shape_cast %get3A_909 : vector<1x16xf32> to vector<16xf32>
      %swap3A_911 = arith.index_cast %add3A_904 : i32 to index
      %swap3A_912 = arith.constant 0 : index
      %swap3A_913 = tpu.vector_load %arg15[%swap3A_911, %swap3A_912] {strides = array<i32>} : memref<128x128xf32, #tpu.memory_space<vmem>>, vector<1x16xf32>,
      %swap3A_914 = vector.shape_cast %swap3A_913 : vector<1x16xf32> to vector<16xf32>
      %swap3A_915 = vector.shape_cast %get3A_910 : vector<16xf32> to vector<1x16xf32>
      tpu.vector_store %arg15[%swap3A_911, %swap3A_912], %swap3A_915 {add = true, strides = array<i32>} : memref<128x128xf32, #tpu.memory_space<vmem>>, vector<1x16xf32>,
      %add3A_916 = arith.constant 0 : i32
      %add3A_917 = arith.addi %add3A_902, %add3A_916 : i32
      %add3A_918 = arith.constant 0 : i32
      %add3A_919 = arith.addi %add3A_902, %add3A_918 : i32
      %get3A_920 = arith.index_cast %add3A_919 : i32 to index
      %get3A_921 = arith.constant 16 : index
      %get3A_922 = tpu.vector_load %arg17[%get3A_920, %get3A_921] {strides = array<i32>} : memref<128x128xf32, #tpu.memory_space<vmem>>, vector<1x16xf32>,
      %get3A_923 = vector.shape_cast %get3A_922 : vector<1x16xf32> to vector<16xf32>
      %swap3A_924 = arith.index_cast %add3A_917 : i32 to index
      %swap3A_925 = arith.constant 16 : index
      %swap3A_926 = tpu.vector_load %arg15[%swap3A_924, %swap3A_925] {strides = array<i32>} : memref<128x128xf32, #tpu.memory_space<vmem>>, vector<1x16xf32>,
      %swap3A_927 = vector.shape_cast %swap3A_926 : vector<1x16xf32> to vector<16xf32>
      %swap3A_928 = vector.shape_cast %get3A_923 : vector<16xf32> to vector<1x16xf32>
      tpu.vector_store %arg15[%swap3A_924, %swap3A_925], %swap3A_928 {add = true, strides = array<i32>} : memref<128x128xf32, #tpu.memory_space<vmem>>, vector<1x16xf32>,
      %add3A_929 = arith.constant 0 : i32
      %add3A_930 = arith.addi %add3A_902, %add3A_929 : i32
      %add3A_931 = arith.constant 0 : i32
      %add3A_932 = arith.addi %add3A_902, %add3A_931 : i32
      %get3A_933 = arith.index_cast %add3A_932 : i32 to index
      %get3A_934 = arith.constant 32 : index
      %get3A_935 = tpu.vector_load %arg17[%get3A_933, %get3A_934] {strides = array<i32>} : memref<128x128xf32, #tpu.memory_space<vmem>>, vector<1x16xf32>,
      %get3A_936 = vector.shape_cast %get3A_935 : vector<1x16xf32> to vector<16xf32>
      %swap3A_937 = arith.index_cast %add3A_930 : i32 to index
      %swap3A_938 = arith.constant 32 : index
      %swap3A_939 = tpu.vector_load %arg15[%swap3A_937, %swap3A_938] {strides = array<i32>} : memref<128x128xf32, #tpu.memory_space<vmem>>, vector<1x16xf32>,
      %swap3A_940 = vector.shape_cast %swap3A_939 : vector<1x16xf32> to vector<16xf32>
      %swap3A_941 = vector.shape_cast %get3A_936 : vector<16xf32> to vector<1x16xf32>
      tpu.vector_store %arg15[%swap3A_937, %swap3A_938], %swap3A_941 {add = true, strides = array<i32>} : memref<128x128xf32, #tpu.memory_space<vmem>>, vector<1x16xf32>,
      %add3A_942 = arith.constant 0 : i32
      %add3A_943 = arith.addi %add3A_902, %add3A_942 : i32
      %add3A_944 = arith.constant 0 : i32
      %add3A_945 = arith.addi %add3A_902, %add3A_944 : i32
      %get3A_946 = arith.index_cast %add3A_945 : i32 to index
      %get3A_947 = arith.constant 48 : index
      %get3A_948 = tpu.vector_load %arg17[%get3A_946, %get3A_947] {strides = array<i32>} : memref<128x128xf32, #tpu.memory_space<vmem>>, vector<1x16xf32>,
      %get3A_949 = vector.shape_cast %get3A_948 : vector<1x16xf32> to vector<16xf32>
      %swap3A_950 = arith.index_cast %add3A_943 : i32 to index
      %swap3A_951 = arith.constant 48 : index
      %swap3A_952 = tpu.vector_load %arg15[%swap3A_950, %swap3A_951] {strides = array<i32>} : memref<128x128xf32, #tpu.memory_space<vmem>>, vector<1x16xf32>,
      %swap3A_953 = vector.shape_cast %swap3A_952 : vector<1x16xf32> to vector<16xf32>
      %swap3A_954 = vector.shape_cast %get3A_949 : vector<16xf32> to vector<1x16xf32>
      tpu.vector_store %arg15[%swap3A_950, %swap3A_951], %swap3A_954 {add = true, strides = array<i32>} : memref<128x128xf32, #tpu.memory_space<vmem>>, vector<1x16xf32>,
      %add3A_955 = arith.constant 0 : i32
      %add3A_956 = arith.addi %add3A_902, %add3A_955 : i32
      %add3A_957 = arith.constant 0 : i32
      %add3A_958 = arith.addi %add3A_902, %add3A_957 : i32
      %get3A_959 = arith.index_cast %add3A_958 : i32 to index
      %get3A_960 = arith.constant 64 : index
      %get3A_961 = tpu.vector_load %arg17[%get3A_959, %get3A_960] {strides = array<i32>} : memref<128x128xf32, #tpu.memory_space<vmem>>, vector<1x16xf32>,
      %get3A_962 = vector.shape_cast %get3A_961 : vector<1x16xf32> to vector<16xf32>
      %swap3A_963 = arith.index_cast %add3A_956 : i32 to index
      %swap3A_964 = arith.constant 64 : index
      %swap3A_965 = tpu.vector_load %arg15[%swap3A_963, %swap3A_964] {strides = array<i32>} : memref<128x128xf32, #tpu.memory_space<vmem>>, vector<1x16xf32>,
      %swap3A_966 = vector.shape_cast %swap3A_965 : vector<1x16xf32> to vector<16xf32>
      %swap3A_967 = vector.shape_cast %get3A_962 : vector<16xf32> to vector<1x16xf32>
      tpu.vector_store %arg15[%swap3A_963, %swap3A_964], %swap3A_967 {add = true, strides = array<i32>} : memref<128x128xf32, #tpu.memory_space<vmem>>, vector<1x16xf32>,
      %add3A_968 = arith.constant 0 : i32
      %add3A_969 = arith.addi %add3A_902, %add3A_968 : i32
      %add3A_970 = arith.constant 0 : i32
      %add3A_971 = arith.addi %add3A_902, %add3A_970 : i32
      %get3A_972 = arith.index_cast %add3A_971 : i32 to index
      %get3A_973 = arith.constant 80 : index
      %get3A_974 = tpu.vector_load %arg17[%get3A_972, %get3A_973] {strides = array<i32>} : memref<128x128xf32, #tpu.memory_space<vmem>>, vector<1x16xf32>,
      %get3A_975 = vector.shape_cast %get3A_974 : vector<1x16xf32> to vector<16xf32>
      %swap3A_976 = arith.index_cast %add3A_969 : i32 to index
      %swap3A_977 = arith.constant 80 : index
      %swap3A_978 = tpu.vector_load %arg15[%swap3A_976, %swap3A_977] {strides = array<i32>} : memref<128x128xf32, #tpu.memory_space<vmem>>, vector<1x16xf32>,
      %swap3A_979 = vector.shape_cast %swap3A_978 : vector<1x16xf32> to vector<16xf32>
      %swap3A_980 = vector.shape_cast %get3A_975 : vector<16xf32> to vector<1x16xf32>
      tpu.vector_store %arg15[%swap3A_976, %swap3A_977], %swap3A_980 {add = true, strides = array<i32>} : memref<128x128xf32, #tpu.memory_space<vmem>>, vector<1x16xf32>,
      %add3A_981 = arith.constant 0 : i32
      %add3A_982 = arith.addi %add3A_902, %add3A_981 : i32
      %add3A_983 = arith.constant 0 : i32
      %add3A_984 = arith.addi %add3A_902, %add3A_983 : i32
      %get3A_985 = arith.index_cast %add3A_984 : i32 to index
      %get3A_986 = arith.constant 96 : index
      %get3A_987 = tpu.vector_load %arg17[%get3A_985, %get3A_986] {strides = array<i32>} : memref<128x128xf32, #tpu.memory_space<vmem>>, vector<1x16xf32>,
      %get3A_988 = vector.shape_cast %get3A_987 : vector<1x16xf32> to vector<16xf32>
      %swap3A_989 = arith.index_cast %add3A_982 : i32 to index
      %swap3A_990 = arith.constant 96 : index
      %swap3A_991 = tpu.vector_load %arg15[%swap3A_989, %swap3A_990] {strides = array<i32>} : memref<128x128xf32, #tpu.memory_space<vmem>>, vector<1x16xf32>,
      %swap3A_992 = vector.shape_cast %swap3A_991 : vector<1x16xf32> to vector<16xf32>
      %swap3A_993 = vector.shape_cast %get3A_988 : vector<16xf32> to vector<1x16xf32>
      tpu.vector_store %arg15[%swap3A_989, %swap3A_990], %swap3A_993 {add = true, strides = array<i32>} : memref<128x128xf32, #tpu.memory_space<vmem>>, vector<1x16xf32>,
      %add3A_994 = arith.constant 0 : i32
      %add3A_995 = arith.addi %add3A_902, %add3A_994 : i32
      %add3A_996 = arith.constant 0 : i32
      %add3A_997 = arith.addi %add3A_902, %add3A_996 : i32
      %get3A_998 = arith.index_cast %add3A_997 : i32 to index
      %get3A_999 = arith.constant 112 : index
      %get3A_1000 = tpu.vector_load %arg17[%get3A_998, %get3A_999] {strides = array<i32>} : memref<128x128xf32, #tpu.memory_space<vmem>>, vector<1x16xf32>,
      %get3A_1001 = vector.shape_cast %get3A_1000 : vector<1x16xf32> to vector<16xf32>
      %swap3A_1002 = arith.index_cast %add3A_995 : i32 to index
      %swap3A_1003 = arith.constant 112 : index
      %swap3A_1004 = tpu.vector_load %arg15[%swap3A_1002, %swap3A_1003] {strides = array<i32>} : memref<128x128xf32, #tpu.memory_space<vmem>>, vector<1x16xf32>,
      %swap3A_1005 = vector.shape_cast %swap3A_1004 : vector<1x16xf32> to vector<16xf32>
      %swap3A_1006 = vector.shape_cast %get3A_1001 : vector<16xf32> to vector<1x16xf32>
      tpu.vector_store %arg15[%swap3A_1002, %swap3A_1003], %swap3A_1006 {add = true, strides = array<i32>} : memref<128x128xf32, #tpu.memory_space<vmem>>, vector<1x16xf32>,
      %add3A_1007 = arith.constant 1 : i32
      %add3A_1008 = arith.addi %add3A_902, %add3A_1007 : i32
      %add3A_1009 = arith.constant 1 : i32
      %add3A_1010 = arith.addi %add3A_902, %add3A_1009 : i32
      %get3A_1011 = arith.index_cast %add3A_1010 : i32 to index
      %get3A_1012 = arith.constant 0 : index
      %get3A_1013 = tpu.vector_load %arg17[%get3A_1011, %get3A_1012] {strides = array<i32>} : memref<128x128xf32, #tpu.memory_space<vmem>>, vector<1x16xf32>,
      %get3A_1014 = vector.shape_cast %get3A_1013 : vector<1x16xf32> to vector<16xf32>
      %swap3A_1015 = arith.index_cast %add3A_1008 : i32 to index
      %swap3A_1016 = arith.constant 0 : index
      %swap3A_1017 = tpu.vector_load %arg15[%swap3A_1015, %swap3A_1016] {strides = array<i32>} : memref<128x128xf32, #tpu.memory_space<vmem>>, vector<1x16xf32>,
      %swap3A_1018 = vector.shape_cast %swap3A_1017 : vector<1x16xf32> to vector<16xf32>
      %swap3A_1019 = vector.shape_cast %get3A_1014 : vector<16xf32> to vector<1x16xf32>
      tpu.vector_store %arg15[%swap3A_1015, %swap3A_1016], %swap3A_1019 {add = true, strides = array<i32>} : memref<128x128xf32, #tpu.memory_space<vmem>>, vector<1x16xf32>,
      %add3A_1020 = arith.constant 1 : i32
      %add3A_1021 = arith.addi %add3A_902, %add3A_1020 : i32
      %add3A_1022 = arith.constant 1 : i32
      %add3A_1023 = arith.addi %add3A_902, %add3A_1022 : i32
      %get3A_1024 = arith.index_cast %add3A_1023 : i32 to index
      %get3A_1025 = arith.constant 16 : index
      %get3A_1026 = tpu.vector_load %arg17[%get3A_1024, %get3A_1025] {strides = array<i32>} : memref<128x128xf32, #tpu.memory_space<vmem>>, vector<1x16xf32>,
      %get3A_1027 = vector.shape_cast %get3A_1026 : vector<1x16xf32> to vector<16xf32>
      %swap3A_1028 = arith.index_cast %add3A_1021 : i32 to index
      %swap3A_1029 = arith.constant 16 : index
      %swap3A_1030 = tpu.vector_load %arg15[%swap3A_1028, %swap3A_1029] {strides = array<i32>} : memref<128x128xf32, #tpu.memory_space<vmem>>, vector<1x16xf32>,
      %swap3A_1031 = vector.shape_cast %swap3A_1030 : vector<1x16xf32> to vector<16xf32>
      %swap3A_1032 = vector.shape_cast %get3A_1027 : vector<16xf32> to vector<1x16xf32>
      tpu.vector_store %arg15[%swap3A_1028, %swap3A_1029], %swap3A_1032 {add = true, strides = array<i32>} : memref<128x128xf32, #tpu.memory_space<vmem>>, vector<1x16xf32>,
      %add3A_1033 = arith.constant 1 : i32
      %add3A_1034 = arith.addi %add3A_902, %add3A_1033 : i32
      %add3A_1035 = arith.constant 1 : i32
      %add3A_1036 = arith.addi %add3A_902, %add3A_1035 : i32
      %get3A_1037 = arith.index_cast %add3A_1036 : i32 to index
      %get3A_1038 = arith.constant 32 : index
      %get3A_1039 = tpu.vector_load %arg17[%get3A_1037, %get3A_1038] {strides = array<i32>} : memref<128x128xf32, #tpu.memory_space<vmem>>, vector<1x16xf32>,
      %get3A_1040 = vector.shape_cast %get3A_1039 : vector<1x16xf32> to vector<16xf32>
      %swap3A_1041 = arith.index_cast %add3A_1034 : i32 to index
      %swap3A_1042 = arith.constant 32 : index
      %swap3A_1043 = tpu.vector_load %arg15[%swap3A_1041, %swap3A_1042] {strides = array<i32>} : memref<128x128xf32, #tpu.memory_space<vmem>>, vector<1x16xf32>,
      %swap3A_1044 = vector.shape_cast %swap3A_1043 : vector<1x16xf32> to vector<16xf32>
      %swap3A_1045 = vector.shape_cast %get3A_1040 : vector<16xf32> to vector<1x16xf32>
      tpu.vector_store %arg15[%swap3A_1041, %swap3A_1042], %swap3A_1045 {add = true, strides = array<i32>} : memref<128x128xf32, #tpu.memory_space<vmem>>, vector<1x16xf32>,
      %add3A_1046 = arith.constant 1 : i32
      %add3A_1047 = arith.addi %add3A_902, %add3A_1046 : i32
      %add3A_1048 = arith.constant 1 : i32
      %add3A_1049 = arith.addi %add3A_902, %add3A_1048 : i32
      %get3A_1050 = arith.index_cast %add3A_1049 : i32 to index
      %get3A_1051 = arith.constant 48 : index
      %get3A_1052 = tpu.vector_load %arg17[%get3A_1050, %get3A_1051] {strides = array<i32>} : memref<128x128xf32, #tpu.memory_space<vmem>>, vector<1x16xf32>,
      %get3A_1053 = vector.shape_cast %get3A_1052 : vector<1x16xf32> to vector<16xf32>
      %swap3A_1054 = arith.index_cast %add3A_1047 : i32 to index
      %swap3A_1055 = arith.constant 48 : index
      %swap3A_1056 = tpu.vector_load %arg15[%swap3A_1054, %swap3A_1055] {strides = array<i32>} : memref<128x128xf32, #tpu.memory_space<vmem>>, vector<1x16xf32>,
      %swap3A_1057 = vector.shape_cast %swap3A_1056 : vector<1x16xf32> to vector<16xf32>
      %swap3A_1058 = vector.shape_cast %get3A_1053 : vector<16xf32> to vector<1x16xf32>
      tpu.vector_store %arg15[%swap3A_1054, %swap3A_1055], %swap3A_1058 {add = true, strides = array<i32>} : memref<128x128xf32, #tpu.memory_space<vmem>>, vector<1x16xf32>,
      %add3A_1059 = arith.constant 1 : i32
      %add3A_1060 = arith.addi %add3A_902, %add3A_1059 : i32
      %add3A_1061 = arith.constant 1 : i32
      %add3A_1062 = arith.addi %add3A_902, %add3A_1061 : i32
      %get3A_1063 = arith.index_cast %add3A_1062 : i32 to index
      %get3A_1064 = arith.constant 64 : index
      %get3A_1065 = tpu.vector_load %arg17[%get3A_1063, %get3A_1064] {strides = array<i32>} : memref<128x128xf32, #tpu.memory_space<vmem>>, vector<1x16xf32>,
      %get3A_1066 = vector.shape_cast %get3A_1065 : vector<1x16xf32> to vector<16xf32>
      %swap3A_1067 = arith.index_cast %add3A_1060 : i32 to index
      %swap3A_1068 = arith.constant 64 : index
      %swap3A_1069 = tpu.vector_load %arg15[%swap3A_1067, %swap3A_1068] {strides = array<i32>} : memref<128x128xf32, #tpu.memory_space<vmem>>, vector<1x16xf32>,
      %swap3A_1070 = vector.shape_cast %swap3A_1069 : vector<1x16xf32> to vector<16xf32>
      %swap3A_1071 = vector.shape_cast %get3A_1066 : vector<16xf32> to vector<1x16xf32>
      tpu.vector_store %arg15[%swap3A_1067, %swap3A_1068], %swap3A_1071 {add = true, strides = array<i32>} : memref<128x128xf32, #tpu.memory_space<vmem>>, vector<1x16xf32>,
      %add3A_1072 = arith.constant 1 : i32
      %add3A_1073 = arith.addi %add3A_902, %add3A_1072 : i32
      %add3A_1074 = arith.constant 1 : i32
      %add3A_1075 = arith.addi %add3A_902, %add3A_1074 : i32
      %get3A_1076 = arith.index_cast %add3A_1075 : i32 to index
      %get3A_1077 = arith.constant 80 : index
      %get3A_1078 = tpu.vector_load %arg17[%get3A_1076, %get3A_1077] {strides = array<i32>} : memref<128x128xf32, #tpu.memory_space<vmem>>, vector<1x16xf32>,
      %get3A_1079 = vector.shape_cast %get3A_1078 : vector<1x16xf32> to vector<16xf32>
      %swap3A_1080 = arith.index_cast %add3A_1073 : i32 to index
      %swap3A_1081 = arith.constant 80 : index
      %swap3A_1082 = tpu.vector_load %arg15[%swap3A_1080, %swap3A_1081] {strides = array<i32>} : memref<128x128xf32, #tpu.memory_space<vmem>>, vector<1x16xf32>,
      %swap3A_1083 = vector.shape_cast %swap3A_1082 : vector<1x16xf32> to vector<16xf32>
      %swap3A_1084 = vector.shape_cast %get3A_1079 : vector<16xf32> to vector<1x16xf32>
      tpu.vector_store %arg15[%swap3A_1080, %swap3A_1081], %swap3A_1084 {add = true, strides = array<i32>} : memref<128x128xf32, #tpu.memory_space<vmem>>, vector<1x16xf32>,
      %add3A_1085 = arith.constant 1 : i32
      %add3A_1086 = arith.addi %add3A_902, %add3A_1085 : i32
      %add3A_1087 = arith.constant 1 : i32
      %add3A_1088 = arith.addi %add3A_902, %add3A_1087 : i32
      %get3A_1089 = arith.index_cast %add3A_1088 : i32 to index
      %get3A_1090 = arith.constant 96 : index
      %get3A_1091 = tpu.vector_load %arg17[%get3A_1089, %get3A_1090] {strides = array<i32>} : memref<128x128xf32, #tpu.memory_space<vmem>>, vector<1x16xf32>,
      %get3A_1092 = vector.shape_cast %get3A_1091 : vector<1x16xf32> to vector<16xf32>
      %swap3A_1093 = arith.index_cast %add3A_1086 : i32 to index
      %swap3A_1094 = arith.constant 96 : index
      %swap3A_1095 = tpu.vector_load %arg15[%swap3A_1093, %swap3A_1094] {strides = array<i32>} : memref<128x128xf32, #tpu.memory_space<vmem>>, vector<1x16xf32>,
      %swap3A_1096 = vector.shape_cast %swap3A_1095 : vector<1x16xf32> to vector<16xf32>
      %swap3A_1097 = vector.shape_cast %get3A_1092 : vector<16xf32> to vector<1x16xf32>
      tpu.vector_store %arg15[%swap3A_1093, %swap3A_1094], %swap3A_1097 {add = true, strides = array<i32>} : memref<128x128xf32, #tpu.memory_space<vmem>>, vector<1x16xf32>,
      %add3A_1098 = arith.constant 1 : i32
      %add3A_1099 = arith.addi %add3A_902, %add3A_1098 : i32
      %add3A_1100 = arith.constant 1 : i32
      %add3A_1101 = arith.addi %add3A_902, %add3A_1100 : i32
      %get3A_1102 = arith.index_cast %add3A_1101 : i32 to index
      %get3A_1103 = arith.constant 112 : index
      %get3A_1104 = tpu.vector_load %arg17[%get3A_1102, %get3A_1103] {strides = array<i32>} : memref<128x128xf32, #tpu.memory_space<vmem>>, vector<1x16xf32>,
      %get3A_1105 = vector.shape_cast %get3A_1104 : vector<1x16xf32> to vector<16xf32>
      %swap3A_1106 = arith.index_cast %add3A_1099 : i32 to index
      %swap3A_1107 = arith.constant 112 : index
      %swap3A_1108 = tpu.vector_load %arg15[%swap3A_1106, %swap3A_1107] {strides = array<i32>} : memref<128x128xf32, #tpu.memory_space<vmem>>, vector<1x16xf32>,
      %swap3A_1109 = vector.shape_cast %swap3A_1108 : vector<1x16xf32> to vector<16xf32>
      %swap3A_1110 = vector.shape_cast %get3A_1105 : vector<16xf32> to vector<1x16xf32>
      tpu.vector_store %arg15[%swap3A_1106, %swap3A_1107], %swap3A_1110 {add = true, strides = array<i32>} : memref<128x128xf32, #tpu.memory_space<vmem>>, vector<1x16xf32>,
      %add3A_1111 = arith.constant 2 : i32
      %add3A_1112 = arith.addi %add3A_902, %add3A_1111 : i32
      %add3A_1113 = arith.constant 2 : i32
      %add3A_1114 = arith.addi %add3A_902, %add3A_1113 : i32
      %get3A_1115 = arith.index_cast %add3A_1114 : i32 to index
      %get3A_1116 = arith.constant 0 : index
      %get3A_1117 = tpu.vector_load %arg17[%get3A_1115, %get3A_1116] {strides = array<i32>} : memref<128x128xf32, #tpu.memory_space<vmem>>, vector<1x16xf32>,
      %get3A_1118 = vector.shape_cast %get3A_1117 : vector<1x16xf32> to vector<16xf32>
      %swap3A_1119 = arith.index_cast %add3A_1112 : i32 to index
      %swap3A_1120 = arith.constant 0 : index
      %swap3A_1121 = tpu.vector_load %arg15[%swap3A_1119, %swap3A_1120] {strides = array<i32>} : memref<128x128xf32, #tpu.memory_space<vmem>>, vector<1x16xf32>,
      %swap3A_1122 = vector.shape_cast %swap3A_1121 : vector<1x16xf32> to vector<16xf32>
      %swap3A_1123 = vector.shape_cast %get3A_1118 : vector<16xf32> to vector<1x16xf32>
      tpu.vector_store %arg15[%swap3A_1119, %swap3A_1120], %swap3A_1123 {add = true, strides = array<i32>} : memref<128x128xf32, #tpu.memory_space<vmem>>, vector<1x16xf32>,
      %add3A_1124 = arith.constant 2 : i32
      %add3A_1125 = arith.addi %add3A_902, %add3A_1124 : i32
      %add3A_1126 = arith.constant 2 : i32
      %add3A_1127 = arith.addi %add3A_902, %add3A_1126 : i32
      %get3A_1128 = arith.index_cast %add3A_1127 : i32 to index
      %get3A_1129 = arith.constant 16 : index
      %get3A_1130 = tpu.vector_load %arg17[%get3A_1128, %get3A_1129] {strides = array<i32>} : memref<128x128xf32, #tpu.memory_space<vmem>>, vector<1x16xf32>,
      %get3A_1131 = vector.shape_cast %get3A_1130 : vector<1x16xf32> to vector<16xf32>
      %swap3A_1132 = arith.index_cast %add3A_1125 : i32 to index
      %swap3A_1133 = arith.constant 16 : index
      %swap3A_1134 = tpu.vector_load %arg15[%swap3A_1132, %swap3A_1133] {strides = array<i32>} : memref<128x128xf32, #tpu.memory_space<vmem>>, vector<1x16xf32>,
      %swap3A_1135 = vector.shape_cast %swap3A_1134 : vector<1x16xf32> to vector<16xf32>
      %swap3A_1136 = vector.shape_cast %get3A_1131 : vector<16xf32> to vector<1x16xf32>
      tpu.vector_store %arg15[%swap3A_1132, %swap3A_1133], %swap3A_1136 {add = true, strides = array<i32>} : memref<128x128xf32, #tpu.memory_space<vmem>>, vector<1x16xf32>,
      %add3A_1137 = arith.constant 2 : i32
      %add3A_1138 = arith.addi %add3A_902, %add3A_1137 : i32
      %add3A_1139 = arith.constant 2 : i32
      %add3A_1140 = arith.addi %add3A_902, %add3A_1139 : i32
      %get3A_1141 = arith.index_cast %add3A_1140 : i32 to index
      %get3A_1142 = arith.constant 32 : index
      %get3A_1143 = tpu.vector_load %arg17[%get3A_1141, %get3A_1142] {strides = array<i32>} : memref<128x128xf32, #tpu.memory_space<vmem>>, vector<1x16xf32>,
      %get3A_1144 = vector.shape_cast %get3A_1143 : vector<1x16xf32> to vector<16xf32>
      %swap3A_1145 = arith.index_cast %add3A_1138 : i32 to index
      %swap3A_1146 = arith.constant 32 : index
      %swap3A_1147 = tpu.vector_load %arg15[%swap3A_1145, %swap3A_1146] {strides = array<i32>} : memref<128x128xf32, #tpu.memory_space<vmem>>, vector<1x16xf32>,
      %swap3A_1148 = vector.shape_cast %swap3A_1147 : vector<1x16xf32> to vector<16xf32>
      %swap3A_1149 = vector.shape_cast %get3A_1144 : vector<16xf32> to vector<1x16xf32>
      tpu.vector_store %arg15[%swap3A_1145, %swap3A_1146], %swap3A_1149 {add = true, strides = array<i32>} : memref<128x128xf32, #tpu.memory_space<vmem>>, vector<1x16xf32>,
      %add3A_1150 = arith.constant 2 : i32
      %add3A_1151 = arith.addi %add3A_902, %add3A_1150 : i32
      %add3A_1152 = arith.constant 2 : i32
      %add3A_1153 = arith.addi %add3A_902, %add3A_1152 : i32
      %get3A_1154 = arith.index_cast %add3A_1153 : i32 to index
      %get3A_1155 = arith.constant 48 : index
      %get3A_1156 = tpu.vector_load %arg17[%get3A_1154, %get3A_1155] {strides = array<i32>} : memref<128x128xf32, #tpu.memory_space<vmem>>, vector<1x16xf32>,
      %get3A_1157 = vector.shape_cast %get3A_1156 : vector<1x16xf32> to vector<16xf32>
      %swap3A_1158 = arith.index_cast %add3A_1151 : i32 to index
      %swap3A_1159 = arith.constant 48 : index
      %swap3A_1160 = tpu.vector_load %arg15[%swap3A_1158, %swap3A_1159] {strides = array<i32>} : memref<128x128xf32, #tpu.memory_space<vmem>>, vector<1x16xf32>,
      %swap3A_1161 = vector.shape_cast %swap3A_1160 : vector<1x16xf32> to vector<16xf32>
      %swap3A_1162 = vector.shape_cast %get3A_1157 : vector<16xf32> to vector<1x16xf32>
      tpu.vector_store %arg15[%swap3A_1158, %swap3A_1159], %swap3A_1162 {add = true, strides = array<i32>} : memref<128x128xf32, #tpu.memory_space<vmem>>, vector<1x16xf32>,
      %add3A_1163 = arith.constant 2 : i32
      %add3A_1164 = arith.addi %add3A_902, %add3A_1163 : i32
      %add3A_1165 = arith.constant 2 : i32
      %add3A_1166 = arith.addi %add3A_902, %add3A_1165 : i32
      %get3A_1167 = arith.index_cast %add3A_1166 : i32 to index
      %get3A_1168 = arith.constant 64 : index
      %get3A_1169 = tpu.vector_load %arg17[%get3A_1167, %get3A_1168] {strides = array<i32>} : memref<128x128xf32, #tpu.memory_space<vmem>>, vector<1x16xf32>,
      %get3A_1170 = vector.shape_cast %get3A_1169 : vector<1x16xf32> to vector<16xf32>
      %swap3A_1171 = arith.index_cast %add3A_1164 : i32 to index
      %swap3A_1172 = arith.constant 64 : index
      %swap3A_1173 = tpu.vector_load %arg15[%swap3A_1171, %swap3A_1172] {strides = array<i32>} : memref<128x128xf32, #tpu.memory_space<vmem>>, vector<1x16xf32>,
      %swap3A_1174 = vector.shape_cast %swap3A_1173 : vector<1x16xf32> to vector<16xf32>
      %swap3A_1175 = vector.shape_cast %get3A_1170 : vector<16xf32> to vector<1x16xf32>
      tpu.vector_store %arg15[%swap3A_1171, %swap3A_1172], %swap3A_1175 {add = true, strides = array<i32>} : memref<128x128xf32, #tpu.memory_space<vmem>>, vector<1x16xf32>,
      %add3A_1176 = arith.constant 2 : i32
      %add3A_1177 = arith.addi %add3A_902, %add3A_1176 : i32
      %add3A_1178 = arith.constant 2 : i32
      %add3A_1179 = arith.addi %add3A_902, %add3A_1178 : i32
      %get3A_1180 = arith.index_cast %add3A_1179 : i32 to index
      %get3A_1181 = arith.constant 80 : index
      %get3A_1182 = tpu.vector_load %arg17[%get3A_1180, %get3A_1181] {strides = array<i32>} : memref<128x128xf32, #tpu.memory_space<vmem>>, vector<1x16xf32>,
      %get3A_1183 = vector.shape_cast %get3A_1182 : vector<1x16xf32> to vector<16xf32>
      %swap3A_1184 = arith.index_cast %add3A_1177 : i32 to index
      %swap3A_1185 = arith.constant 80 : index
      %swap3A_1186 = tpu.vector_load %arg15[%swap3A_1184, %swap3A_1185] {strides = array<i32>} : memref<128x128xf32, #tpu.memory_space<vmem>>, vector<1x16xf32>,
      %swap3A_1187 = vector.shape_cast %swap3A_1186 : vector<1x16xf32> to vector<16xf32>
      %swap3A_1188 = vector.shape_cast %get3A_1183 : vector<16xf32> to vector<1x16xf32>
      tpu.vector_store %arg15[%swap3A_1184, %swap3A_1185], %swap3A_1188 {add = true, strides = array<i32>} : memref<128x128xf32, #tpu.memory_space<vmem>>, vector<1x16xf32>,
      %add3A_1189 = arith.constant 2 : i32
      %add3A_1190 = arith.addi %add3A_902, %add3A_1189 : i32
      %add3A_1191 = arith.constant 2 : i32
      %add3A_1192 = arith.addi %add3A_902, %add3A_1191 : i32
      %get3A_1193 = arith.index_cast %add3A_1192 : i32 to index
      %get3A_1194 = arith.constant 96 : index
      %get3A_1195 = tpu.vector_load %arg17[%get3A_1193, %get3A_1194] {strides = array<i32>} : memref<128x128xf32, #tpu.memory_space<vmem>>, vector<1x16xf32>,
      %get3A_1196 = vector.shape_cast %get3A_1195 : vector<1x16xf32> to vector<16xf32>
      %swap3A_1197 = arith.index_cast %add3A_1190 : i32 to index
      %swap3A_1198 = arith.constant 96 : index
      %swap3A_1199 = tpu.vector_load %arg15[%swap3A_1197, %swap3A_1198] {strides = array<i32>} : memref<128x128xf32, #tpu.memory_space<vmem>>, vector<1x16xf32>,
      %swap3A_1200 = vector.shape_cast %swap3A_1199 : vector<1x16xf32> to vector<16xf32>
      %swap3A_1201 = vector.shape_cast %get3A_1196 : vector<16xf32> to vector<1x16xf32>
      tpu.vector_store %arg15[%swap3A_1197, %swap3A_1198], %swap3A_1201 {add = true, strides = array<i32>} : memref<128x128xf32, #tpu.memory_space<vmem>>, vector<1x16xf32>,
      %add3A_1202 = arith.constant 2 : i32
      %add3A_1203 = arith.addi %add3A_902, %add3A_1202 : i32
      %add3A_1204 = arith.constant 2 : i32
      %add3A_1205 = arith.addi %add3A_902, %add3A_1204 : i32
      %get3A_1206 = arith.index_cast %add3A_1205 : i32 to index
      %get3A_1207 = arith.constant 112 : index
      %get3A_1208 = tpu.vector_load %arg17[%get3A_1206, %get3A_1207] {strides = array<i32>} : memref<128x128xf32, #tpu.memory_space<vmem>>, vector<1x16xf32>,
      %get3A_1209 = vector.shape_cast %get3A_1208 : vector<1x16xf32> to vector<16xf32>
      %swap3A_1210 = arith.index_cast %add3A_1203 : i32 to index
      %swap3A_1211 = arith.constant 112 : index
      %swap3A_1212 = tpu.vector_load %arg15[%swap3A_1210, %swap3A_1211] {strides = array<i32>} : memref<128x128xf32, #tpu.memory_space<vmem>>, vector<1x16xf32>,
      %swap3A_1213 = vector.shape_cast %swap3A_1212 : vector<1x16xf32> to vector<16xf32>
      %swap3A_1214 = vector.shape_cast %get3A_1209 : vector<16xf32> to vector<1x16xf32>
      tpu.vector_store %arg15[%swap3A_1210, %swap3A_1211], %swap3A_1214 {add = true, strides = array<i32>} : memref<128x128xf32, #tpu.memory_space<vmem>>, vector<1x16xf32>,
      %add3A_1215 = arith.constant 3 : i32
      %add3A_1216 = arith.addi %add3A_902, %add3A_1215 : i32
      %add3A_1217 = arith.constant 3 : i32
      %add3A_1218 = arith.addi %add3A_902, %add3A_1217 : i32
      %get3A_1219 = arith.index_cast %add3A_1218 : i32 to index
      %get3A_1220 = arith.constant 0 : index
      %get3A_1221 = tpu.vector_load %arg17[%get3A_1219, %get3A_1220] {strides = array<i32>} : memref<128x128xf32, #tpu.memory_space<vmem>>, vector<1x16xf32>,
      %get3A_1222 = vector.shape_cast %get3A_1221 : vector<1x16xf32> to vector<16xf32>
      %swap3A_1223 = arith.index_cast %add3A_1216 : i32 to index
      %swap3A_1224 = arith.constant 0 : index
      %swap3A_1225 = tpu.vector_load %arg15[%swap3A_1223, %swap3A_1224] {strides = array<i32>} : memref<128x128xf32, #tpu.memory_space<vmem>>, vector<1x16xf32>,
      %swap3A_1226 = vector.shape_cast %swap3A_1225 : vector<1x16xf32> to vector<16xf32>
      %swap3A_1227 = vector.shape_cast %get3A_1222 : vector<16xf32> to vector<1x16xf32>
      tpu.vector_store %arg15[%swap3A_1223, %swap3A_1224], %swap3A_1227 {add = true, strides = array<i32>} : memref<128x128xf32, #tpu.memory_space<vmem>>, vector<1x16xf32>,
      %add3A_1228 = arith.constant 3 : i32
      %add3A_1229 = arith.addi %add3A_902, %add3A_1228 : i32
      %add3A_1230 = arith.constant 3 : i32
      %add3A_1231 = arith.addi %add3A_902, %add3A_1230 : i32
      %get3A_1232 = arith.index_cast %add3A_1231 : i32 to index
      %get3A_1233 = arith.constant 16 : index
      %get3A_1234 = tpu.vector_load %arg17[%get3A_1232, %get3A_1233] {strides = array<i32>} : memref<128x128xf32, #tpu.memory_space<vmem>>, vector<1x16xf32>,
      %get3A_1235 = vector.shape_cast %get3A_1234 : vector<1x16xf32> to vector<16xf32>
      %swap3A_1236 = arith.index_cast %add3A_1229 : i32 to index
      %swap3A_1237 = arith.constant 16 : index
      %swap3A_1238 = tpu.vector_load %arg15[%swap3A_1236, %swap3A_1237] {strides = array<i32>} : memref<128x128xf32, #tpu.memory_space<vmem>>, vector<1x16xf32>,
      %swap3A_1239 = vector.shape_cast %swap3A_1238 : vector<1x16xf32> to vector<16xf32>
      %swap3A_1240 = vector.shape_cast %get3A_1235 : vector<16xf32> to vector<1x16xf32>
      tpu.vector_store %arg15[%swap3A_1236, %swap3A_1237], %swap3A_1240 {add = true, strides = array<i32>} : memref<128x128xf32, #tpu.memory_space<vmem>>, vector<1x16xf32>,
      %add3A_1241 = arith.constant 3 : i32
      %add3A_1242 = arith.addi %add3A_902, %add3A_1241 : i32
      %add3A_1243 = arith.constant 3 : i32
      %add3A_1244 = arith.addi %add3A_902, %add3A_1243 : i32
      %get3A_1245 = arith.index_cast %add3A_1244 : i32 to index
      %get3A_1246 = arith.constant 32 : index
      %get3A_1247 = tpu.vector_load %arg17[%get3A_1245, %get3A_1246] {strides = array<i32>} : memref<128x128xf32, #tpu.memory_space<vmem>>, vector<1x16xf32>,
      %get3A_1248 = vector.shape_cast %get3A_1247 : vector<1x16xf32> to vector<16xf32>
      %swap3A_1249 = arith.index_cast %add3A_1242 : i32 to index
      %swap3A_1250 = arith.constant 32 : index
      %swap3A_1251 = tpu.vector_load %arg15[%swap3A_1249, %swap3A_1250] {strides = array<i32>} : memref<128x128xf32, #tpu.memory_space<vmem>>, vector<1x16xf32>,
      %swap3A_1252 = vector.shape_cast %swap3A_1251 : vector<1x16xf32> to vector<16xf32>
      %swap3A_1253 = vector.shape_cast %get3A_1248 : vector<16xf32> to vector<1x16xf32>
      tpu.vector_store %arg15[%swap3A_1249, %swap3A_1250], %swap3A_1253 {add = true, strides = array<i32>} : memref<128x128xf32, #tpu.memory_space<vmem>>, vector<1x16xf32>,
      %add3A_1254 = arith.constant 3 : i32
      %add3A_1255 = arith.addi %add3A_902, %add3A_1254 : i32
      %add3A_1256 = arith.constant 3 : i32
      %add3A_1257 = arith.addi %add3A_902, %add3A_1256 : i32
      %get3A_1258 = arith.index_cast %add3A_1257 : i32 to index
      %get3A_1259 = arith.constant 48 : index
      %get3A_1260 = tpu.vector_load %arg17[%get3A_1258, %get3A_1259] {strides = array<i32>} : memref<128x128xf32, #tpu.memory_space<vmem>>, vector<1x16xf32>,
      %get3A_1261 = vector.shape_cast %get3A_1260 : vector<1x16xf32> to vector<16xf32>
      %swap3A_1262 = arith.index_cast %add3A_1255 : i32 to index
      %swap3A_1263 = arith.constant 48 : index
      %swap3A_1264 = tpu.vector_load %arg15[%swap3A_1262, %swap3A_1263] {strides = array<i32>} : memref<128x128xf32, #tpu.memory_space<vmem>>, vector<1x16xf32>,
      %swap3A_1265 = vector.shape_cast %swap3A_1264 : vector<1x16xf32> to vector<16xf32>
      %swap3A_1266 = vector.shape_cast %get3A_1261 : vector<16xf32> to vector<1x16xf32>
      tpu.vector_store %arg15[%swap3A_1262, %swap3A_1263], %swap3A_1266 {add = true, strides = array<i32>} : memref<128x128xf32, #tpu.memory_space<vmem>>, vector<1x16xf32>,
      %add3A_1267 = arith.constant 3 : i32
      %add3A_1268 = arith.addi %add3A_902, %add3A_1267 : i32
      %add3A_1269 = arith.constant 3 : i32
      %add3A_1270 = arith.addi %add3A_902, %add3A_1269 : i32
      %get3A_1271 = arith.index_cast %add3A_1270 : i32 to index
      %get3A_1272 = arith.constant 64 : index
      %get3A_1273 = tpu.vector_load %arg17[%get3A_1271, %get3A_1272] {strides = array<i32>} : memref<128x128xf32, #tpu.memory_space<vmem>>, vector<1x16xf32>,
      %get3A_1274 = vector.shape_cast %get3A_1273 : vector<1x16xf32> to vector<16xf32>
      %swap3A_1275 = arith.index_cast %add3A_1268 : i32 to index
      %swap3A_1276 = arith.constant 64 : index
      %swap3A_1277 = tpu.vector_load %arg15[%swap3A_1275, %swap3A_1276] {strides = array<i32>} : memref<128x128xf32, #tpu.memory_space<vmem>>, vector<1x16xf32>,
      %swap3A_1278 = vector.shape_cast %swap3A_1277 : vector<1x16xf32> to vector<16xf32>
      %swap3A_1279 = vector.shape_cast %get3A_1274 : vector<16xf32> to vector<1x16xf32>
      tpu.vector_store %arg15[%swap3A_1275, %swap3A_1276], %swap3A_1279 {add = true, strides = array<i32>} : memref<128x128xf32, #tpu.memory_space<vmem>>, vector<1x16xf32>,
      %add3A_1280 = arith.constant 3 : i32
      %add3A_1281 = arith.addi %add3A_902, %add3A_1280 : i32
      %add3A_1282 = arith.constant 3 : i32
      %add3A_1283 = arith.addi %add3A_902, %add3A_1282 : i32
      %get3A_1284 = arith.index_cast %add3A_1283 : i32 to index
      %get3A_1285 = arith.constant 80 : index
      %get3A_1286 = tpu.vector_load %arg17[%get3A_1284, %get3A_1285] {strides = array<i32>} : memref<128x128xf32, #tpu.memory_space<vmem>>, vector<1x16xf32>,
      %get3A_1287 = vector.shape_cast %get3A_1286 : vector<1x16xf32> to vector<16xf32>
      %swap3A_1288 = arith.index_cast %add3A_1281 : i32 to index
      %swap3A_1289 = arith.constant 80 : index
      %swap3A_1290 = tpu.vector_load %arg15[%swap3A_1288, %swap3A_1289] {strides = array<i32>} : memref<128x128xf32, #tpu.memory_space<vmem>>, vector<1x16xf32>,
      %swap3A_1291 = vector.shape_cast %swap3A_1290 : vector<1x16xf32> to vector<16xf32>
      %swap3A_1292 = vector.shape_cast %get3A_1287 : vector<16xf32> to vector<1x16xf32>
      tpu.vector_store %arg15[%swap3A_1288, %swap3A_1289], %swap3A_1292 {add = true, strides = array<i32>} : memref<128x128xf32, #tpu.memory_space<vmem>>, vector<1x16xf32>,
      %add3A_1293 = arith.constant 3 : i32
      %add3A_1294 = arith.addi %add3A_902, %add3A_1293 : i32
      %add3A_1295 = arith.constant 3 : i32
      %add3A_1296 = arith.addi %add3A_902, %add3A_1295 : i32
      %get3A_1297 = arith.index_cast %add3A_1296 : i32 to index
      %get3A_1298 = arith.constant 96 : index
      %get3A_1299 = tpu.vector_load %arg17[%get3A_1297, %get3A_1298] {strides = array<i32>} : memref<128x128xf32, #tpu.memory_space<vmem>>, vector<1x16xf32>,
      %get3A_1300 = vector.shape_cast %get3A_1299 : vector<1x16xf32> to vector<16xf32>
      %swap3A_1301 = arith.index_cast %add3A_1294 : i32 to index
      %swap3A_1302 = arith.constant 96 : index
      %swap3A_1303 = tpu.vector_load %arg15[%swap3A_1301, %swap3A_1302] {strides = array<i32>} : memref<128x128xf32, #tpu.memory_space<vmem>>, vector<1x16xf32>,
      %swap3A_1304 = vector.shape_cast %swap3A_1303 : vector<1x16xf32> to vector<16xf32>
      %swap3A_1305 = vector.shape_cast %get3A_1300 : vector<16xf32> to vector<1x16xf32>
      tpu.vector_store %arg15[%swap3A_1301, %swap3A_1302], %swap3A_1305 {add = true, strides = array<i32>} : memref<128x128xf32, #tpu.memory_space<vmem>>, vector<1x16xf32>,
      %add3A_1306 = arith.constant 3 : i32
      %add3A_1307 = arith.addi %add3A_902, %add3A_1306 : i32
      %add3A_1308 = arith.constant 3 : i32
      %add3A_1309 = arith.addi %add3A_902, %add3A_1308 : i32
      %get3A_1310 = arith.index_cast %add3A_1309 : i32 to index
      %get3A_1311 = arith.constant 112 : index
      %get3A_1312 = tpu.vector_load %arg17[%get3A_1310, %get3A_1311] {strides = array<i32>} : memref<128x128xf32, #tpu.memory_space<vmem>>, vector<1x16xf32>,
      %get3A_1313 = vector.shape_cast %get3A_1312 : vector<1x16xf32> to vector<16xf32>
      %swap3A_1314 = arith.index_cast %add3A_1307 : i32 to index
      %swap3A_1315 = arith.constant 112 : index
      %swap3A_1316 = tpu.vector_load %arg15[%swap3A_1314, %swap3A_1315] {strides = array<i32>} : memref<128x128xf32, #tpu.memory_space<vmem>>, vector<1x16xf32>,
      %swap3A_1317 = vector.shape_cast %swap3A_1316 : vector<1x16xf32> to vector<16xf32>
      %swap3A_1318 = vector.shape_cast %get3A_1313 : vector<16xf32> to vector<1x16xf32>
      tpu.vector_store %arg15[%swap3A_1314, %swap3A_1315], %swap3A_1318 {add = true, strides = array<i32>} : memref<128x128xf32, #tpu.memory_space<vmem>>, vector<1x16xf32>,
    }
    %scan3A_883 = arith.constant 32 : i32
    %add3A_884 = arith.constant 384 : i32
    %add3A_885 = arith.addi %mul3A_2, %add3A_884 : i32
    %dma_start3A_886 = arith.constant 0 : i32
    %dma_start3A_887 = tpu.memref_slice %arg7[%add3A_885, %dma_start3A_886] : memref<16384x128xf32, #tpu.memory_space<hbm>> -> memref<128x128xf32, #tpu.memory_space<hbm>>
    %dma_start3A_888 = arith.constant 0 : i32
    %dma_start3A_889 = tpu.memref_slice %arg7[%add3A_885, %dma_start3A_888] : memref<16384x128xf32, #tpu.memory_space<hbm>> -> memref<128x128xf32, #tpu.memory_space<hbm>>
    tpu.enqueue_dma source(%arg15 : memref<128x128xf32, #tpu.memory_space<vmem>>) target(%dma_start3A_889 : memref<128x128xf32, #tpu.memory_space<hbm>>) target_semaphore(%arg25 : memref<!tpu.dma_semaphore, #tpu.memory_space<semaphore_mem>>)
    %dma_wait3A_890 = arith.constant 0 : i32
    %dma_wait3A_891 = tpu.memref_slice %arg7[%add3A_842, %dma_wait3A_890] : memref<16384x128xf32, #tpu.memory_space<hbm>> -> memref<128x128xf32, #tpu.memory_space<hbm>>
    %dma_wait3A_892 = arith.constant 0 : i32
    %dma_wait3A_893 = tpu.memref_slice %arg7[%add3A_842, %dma_wait3A_892] : memref<16384x128xf32, #tpu.memory_space<hbm>> -> memref<128x128xf32, #tpu.memory_space<hbm>>
    tpu.wait_dma2 semaphore(%arg24 : memref<!tpu.dma_semaphore, #tpu.memory_space<semaphore_mem>>) src(%arg14 : memref<128x128xf32, #tpu.memory_space<vmem>>) dst(%dma_wait3A_893 : memref<128x128xf32, #tpu.memory_space<hbm>>)
    %dma_wait3A_894 = arith.constant 0 : i32
    %dma_wait3A_895 = tpu.memref_slice %arg7[%add3A_885, %dma_wait3A_894] : memref<16384x128xf32, #tpu.memory_space<hbm>> -> memref<128x128xf32, #tpu.memory_space<hbm>>
    %dma_wait3A_896 = arith.constant 0 : i32
    %dma_wait3A_897 = tpu.memref_slice %arg7[%add3A_885, %dma_wait3A_896] : memref<16384x128xf32, #tpu.memory_space<hbm>> -> memref<128x128xf32, #tpu.memory_space<hbm>>
    tpu.wait_dma2 semaphore(%arg25 : memref<!tpu.dma_semaphore, #tpu.memory_space<semaphore_mem>>) src(%arg15 : memref<128x128xf32, #tpu.memory_space<vmem>>) dst(%dma_wait3A_897 : memref<128x128xf32, #tpu.memory_space<hbm>>)
    return
  }
}

module attributes {stable_mosaic.version = 14 : i64} {
  func.func @_combined_body(%arg0: i32, %arg1: memref<4096x128xf32, #tpu.memory_space<vmem>>, %arg2: memref<2x128xf32, #tpu.memory_space<vmem>>, %arg3: memref<4096x128xf32, #tpu.memory_space<vmem>>) attributes {dimension_semantics = [#tpu.dimension_semantics<arbitrary>], iteration_bounds = array<i64: 2>, scalar_prefetch = 0 : i64, scratch_operands = 0 : i64, tpu.core_type = #tpu.core_type<tc>, window_params = [{transform_indices = @transform_0, window_bounds = array<i64: 4096, 128>}, {pipeline_mode = #tpu.pipeline_mode<synchronous>, transform_indices = @transform_1, window_bounds = array<i64: 2, 128>}, {transform_indices = @transform_2, window_bounds = array<i64: 4096, 128>}]} {
    %jit3A = arith.constant 1 : i32
    %div3A = arith.divsi %arg0, %jit3A : i32
    %sign3A = arith.constant 0 : i32
    %sign3A_0 = arith.cmpi sgt, %arg0, %sign3A : i32
    %sign3A_1 = arith.extui %sign3A_0 : i1 to i32
    %sign3A_2 = arith.constant 0 : i32
    %sign3A_3 = arith.cmpi slt, %arg0, %sign3A_2 : i32
    %sign3A_4 = arith.extui %sign3A_3 : i1 to i32
    %sign3A_5 = arith.subi %sign3A_1, %sign3A_4 : i32
    %sign3A_6 = arith.constant 0 : i32
    %sign3A_7 = arith.cmpi sgt, %jit3A, %sign3A_6 : i32
    %sign3A_8 = arith.extui %sign3A_7 : i1 to i32
    %sign3A_9 = arith.constant 0 : i32
    %sign3A_10 = arith.cmpi slt, %jit3A, %sign3A_9 : i32
    %sign3A_11 = arith.extui %sign3A_10 : i1 to i32
    %sign3A_12 = arith.subi %sign3A_8, %sign3A_11 : i32
    %ne3A = arith.cmpi ne, %sign3A_5, %sign3A_12 : i32
    %rem3A = arith.remsi %arg0, %jit3A : i32
    %ne3A_13 = arith.constant 0 : i32
    %ne3A_14 = arith.cmpi ne, %rem3A, %ne3A_13 : i32
    %and3A = arith.andi %ne3A, %ne3A_14 : i1
    %sub3A = arith.constant 1 : i32
    %sub3A_15 = arith.subi %div3A, %sub3A : i32
    %select_n3A = arith.select %and3A, %sub3A_15, %div3A : i32
    %get3A = arith.constant 0 : index
    %get3A_16 = arith.constant 0 : index
    %get3A_17 = vector.load %arg2[%get3A, %get3A_16] : memref<2x128xf32, #tpu.memory_space<vmem>>, vector<2x128xf32>
    %eq3A = arith.constant 0 : i32
    %eq3A_18 = arith.cmpi eq, %select_n3A, %eq3A : i32
    %slice3A = vector.extract_strided_slice %get3A_17 {offsets = [0, 0], sizes = [1, 128], strides = [1, 1]} : vector<2x128xf32> to vector<1x128xf32>
    %slice3A_19 = vector.extract_strided_slice %get3A_17 {offsets = [1, 0], sizes = [1, 128], strides = [1, 1]} : vector<2x128xf32> to vector<1x128xf32>
    %select_n3A_20 = arith.select %eq3A_18, %slice3A, %slice3A_19 : vector<1x128xf32>
    %get3A_21 = arith.constant 0 : index
    %get3A_22 = arith.constant 0 : index
    %get3A_23 = vector.load %arg1[%get3A_21, %get3A_22] : memref<4096x128xf32, #tpu.memory_space<vmem>>, vector<4096x128xf32>
    %add3A = vector.broadcast %select_n3A_20 : vector<1x128xf32> to vector<4096x128xf32>
    %add3A_24 = arith.addf %get3A_23, %add3A : vector<4096x128xf32>
    %swap3A = arith.constant 0 : index
    %swap3A_25 = arith.constant 0 : index
    %swap3A_26 = vector.load %arg3[%swap3A, %swap3A_25] : memref<4096x128xf32, #tpu.memory_space<vmem>>, vector<4096x128xf32>
    tpu.vector_store %arg3[%swap3A, %swap3A_25], %add3A_24 {strides = array<i32>} : memref<4096x128xf32, #tpu.memory_space<vmem>>, vector<4096x128xf32>,
    return
  }
  func.func @transform_0(%arg0: i32) -> (i32, i32) {
    %jit3A = arith.constant 1 : i32
    %eq3A = arith.constant 0 : i32
    %eq3A_0 = arith.cmpi eq, %jit3A, %eq3A : i32
    %jit3A_1 = arith.constant 1 : i32
    %select_n3A = arith.select %eq3A_0, %jit3A_1, %jit3A : i32
    %rem3A = arith.remsi %arg0, %select_n3A : i32
    %ne3A = arith.constant 0 : i32
    %ne3A_2 = arith.cmpi ne, %rem3A, %ne3A : i32
    %lt3A = arith.constant 0 : i32
    %lt3A_3 = arith.cmpi slt, %rem3A, %lt3A : i32
    %lt3A_4 = arith.constant 0 : i32
    %lt3A_5 = arith.cmpi slt, %select_n3A, %lt3A_4 : i32
    %ne3A_6 = arith.xori %lt3A_3, %lt3A_5 : i1
    %and3A = arith.andi %ne3A_6, %ne3A_2 : i1
    %add3A = arith.addi %rem3A, %select_n3A : i32
    %select_n3A_7 = arith.select %and3A, %add3A, %rem3A : i32
    %c0_i32 = arith.constant 0 : i32
    %c0_i32_8 = arith.constant 0 : i32
    return %select_n3A_7, %c0_i32 : i32, i32
  }
  func.func @transform_1(%arg0: i32) -> (i32, i32) {
    %c0_i32 = arith.constant 0 : i32
    %c0_i32_0 = arith.constant 0 : i32
    %c0_i32_1 = arith.constant 0 : i32
    return %c0_i32, %c0_i32_0 : i32, i32
  }
  func.func @transform_2(%arg0: i32) -> (i32, i32) {
    %c0_i32 = arith.constant 0 : i32
    %c0_i32_0 = arith.constant 0 : i32
    return %arg0, %c0_i32 : i32, i32
  }
}

</mosaic_0001>

<sc_bundles>
// kernel: kernel.4.cloned.1.call-start
scs
__scs_entry_jumppad:
0x0: {  	(pc) =	sbr.rel $0x88, $3  }
0x1: {  	(tag) =	ssettag $0x0;
	lr =	simm.s32 $0x1  }
0x2: {  	[smem:$0x3F9B] =	sst lr;
	_ =	strace $0xD0000000  }
0x3: {  	_ = 	snop  }
0x4: {  	_ = 	snop  }
0x5: {  	_ = 	snop  }
0x6: {  	_ = 	snop  }
0x7: {  	_ = 	snop  }
__scs_overlays_trampoline_lowered:
0x8: {  	[smem:$0x3FAA] =	sst s0  }
0x9: {  	[smem:$0x3FAB] =	sst s1  }
0xa: {  	[smem:$0x3FAC] =	sst s2  }
0xb: {  	[smem:$0x3FAD] =	sst s3  }
0xc: {  	[smem:$0x3FAE] =	sst s4  }
0xd: {  	[smem:$0x3FAF] =	sst s5  }
0xe: {  	[smem:$0x3FB0] =	sst s6  }
0xf: {  	[smem:$0x3FB1] =	sst s7  }
0x10: {  	[smem:$0x3FB2] =	sst s8  }
0x11: {  	[smem:$0x3FB3] =	sst s9;
	s0 =	simm.s32 @!p0 $0x0  }
0x12: {  	s1 =	sld [smem:$0x3F99];
	s0 =	simm.s32 @p0 $0x1  }
0x13: {  	[smem:$0x3FB4] =	sst s0;
	s0 =	simm.s32 @!p1 $0x0  }
0x14: {  	s2 =	sld [smem:$0x3F98];
	s0 =	simm.s32 @p1 $0x1  }
0x15: {  	[smem:$0x3FB5] =	sst s0;
	s0 =	simm.s32 @!p2 $0x0  }
0x16: {  	s3 =	sld [smem:$0x3FDB];
	s0 =	simm.s32 @p2 $0x1  }
0x17: {  	s4 =	simm.s32 $0x1BF5;
	[smem:$0x3FB7] =	sst s0  }
0x18: {  	s0 =	sld [smem:$0x3F9A];
	_ =	swait.ge [sflag:s4], $0x0  }
0x19: {  	s7 =	sld [smem:$0x3F9B]  }
0x1a: {  	s8 =	sadd.s32 $0xFFFFE003, lr  }
0x1b: {  	s9 =	sadd.s32 $0xFFFFFEF7, lr;
	s5 =	simm.s32 $0xFFFFFFFF;
	p2 =	slt.u32 s8, $0xFFFFF086  }
0x1c: {  	p1 =	slt.u32 s9, $0xF7A;
	s5 =	simm.s32 @!p2 $0x0  }
0x1d: {  	s5 =	simm.s32 @p1 $0x1;
	p0 =	seq.s32 s7, s2  }
0x1e: {  	s7 =	smul.u32 @!p0 $0xF7A, s2;
	p2 =	seq.s32 @!p0 s5, $0x0  }
0x1f: {  	s9 =	smul.u32 $0xF7A, s1;
	s8 =	simm.s32 @!p0 $0x1BF5;
	p2 =	por !p2, p0  }
0x20: {  	[sflag:s8] =	ssyncset.s32 @!p0 $0xFFFFF086;
	s6 =	sadd.s32 @!p0 s3, s7;
	s7 =	simm.s32 @!p0 $0x108  }
0x21: {  	s3 =	sadd.s32 s3, s9;
	s6 =	sadd.s32 @!p0 $0x88, s6;
	s7 =	simm.s32 @p2 $0x1082  }
0x22: {  	[simem:s7], [sflag:s8] =	dma.local @!p0 [hbm:s6], $0xF7A  }
0x23: {  	s9 =	sor.u32 $0xD0000000, s2;
	s6 =	simm.s32 $0x108;
	_ =	swait.ge @!p0 [sflag:s8], $0x0  }
0x24: {  	s3 =	sadd.s32 $0x88, s3;
	s6 =	simm.s32 @!p1 $0x1082;
	[sflag:s4] =	ssyncset.s32 $0xFFFFF086  }
0x25: {  	[simem:s6], [sflag:s4] =	dma.local [hbm:s3], $0xF7A  }
0x26: {  	[smem:$0x3F9B] =	sst s1;
	(tag) =	ssettag s2;
	_ =	strace s9  }
0x27: {  	s1 =	sld [smem:$0x3FAB]  }
0x28: {  	s2 =	sld [smem:$0x3FAC]  }
0x29: {  	s4 =	sld [smem:$0x3FAE]  }
0x2a: {  	p0 =	seq.s32 s5, $0x0;
	s5 =	sld [smem:$0x3FAF]  }
0x2b: {  	s6 =	sld [smem:$0x3FB0]  }
0x2c: {  	s7 =	sld [smem:$0x3FB1]  }
0x2d: {  	s3 =	simm.s32 $0x108;
	s8 =	sld [smem:$0x3FB2]  }
0x2e: {  	s3 =	simm.s32 @!p0 $0x1082;
	s9 =	sld [smem:$0x3FB3]  }
0x2f: {  	lr =	sadd.s32 s0, s3;
	s0 =	sld [smem:$0x3FAA]  }
0x30: {  	s3 =	sld [smem:$0x3FAD]  }
0x31: {  	[smem:$0x3FB6] =	sst s10  }
0x32: {  	s10 =	sld [smem:$0x3FB4];
	_ =	sdelay $0x3  }
0x33: {  	p0 =	seq.s32 s10, $0x1;
	s10 =	sld [smem:$0x3FB6];
	_ =	sdelay $0x3  }
0x34: {  	[smem:$0x3FB6] =	sst s10  }
0x35: {  	s10 =	sld [smem:$0x3FB5];
	_ =	sdelay $0x3  }
0x36: {  	p1 =	seq.s32 s10, $0x1;
	s10 =	sld [smem:$0x3FB6];
	_ =	sdelay $0x3  }
0x37: {  	[smem:$0x3FB6] =	sst s10  }
0x38: {  	s10 =	sld [smem:$0x3FB7]  }
0x39: {  	_ = 	snop;
	(pc) =	sbr.ind lr, $3  }
0x3a: {  	_ = 	snop  }
0x3b: {  	_ = 	snop  }
0x3c: {  	p2 =	seq.s32 s10, $0x1;
	s10 =	sld [smem:$0x3FB6]  }
0x3d: {  	_ =	shalt  }
0x3e: {  	_ =	shalt  }
0x3f: {  	_ =	shalt  }
0x40: {  	_ =	shalt  }
0x41: {  	_ =	shalt  }
0x42: {  	_ =	shalt  }
0x43: {  	_ =	shalt  }
0x44: {  	_ =	shalt  }
0x45: {  	_ =	shalt  }
0x46: {  	_ =	shalt  }
0x47: {  	_ =	shalt  }
0x48: {  	_ =	shalt  }
0x49: {  	_ =	shalt  }
0x4a: {  	_ =	shalt  }
0x4b: {  	_ =	shalt  }
0x4c: {  	_ =	shalt  }
0x4d: {  	_ =	shalt  }
0x4e: {  	_ =	shalt  }
0x4f: {  	_ =	shalt  }
0x50: {  	_ =	shalt  }
0x51: {  	_ =	shalt  }
0x52: {  	_ =	shalt  }
0x53: {  	_ =	shalt  }
0x54: {  	_ =	shalt  }
0x55: {  	_ =	shalt  }
0x56: {  	_ =	shalt  }
0x57: {  	_ =	shalt  }
0x58: {  	_ =	shalt  }
0x59: {  	_ =	shalt  }
0x5a: {  	_ =	shalt  }
0x5b: {  	_ =	shalt  }
0x5c: {  	_ =	shalt  }
0x5d: {  	_ =	shalt  }
0x5e: {  	_ =	shalt  }
0x5f: {  	_ =	shalt  }
0x60: {  	_ =	shalt  }
0x61: {  	_ =	shalt  }
0x62: {  	_ =	shalt  }
0x63: {  	_ =	shalt  }
0x64: {  	_ =	shalt  }
0x65: {  	_ =	shalt  }
0x66: {  	_ =	shalt  }
0x67: {  	_ =	shalt  }
0x68: {  	_ =	shalt  }
0x69: {  	_ =	shalt  }
0x6a: {  	_ =	shalt  }
0x6b: {  	_ =	shalt  }
0x6c: {  	_ =	shalt  }
0x6d: {  	_ =	shalt  }
0x6e: {  	_ =	shalt  }
0x6f: {  	_ =	shalt  }
0x70: {  	_ =	shalt  }
0x71: {  	_ =	shalt  }
0x72: {  	_ =	shalt  }
0x73: {  	_ =	shalt  }
0x74: {  	_ =	shalt  }
0x75: {  	_ =	shalt  }
0x76: {  	_ =	shalt  }
0x77: {  	_ =	shalt  }
0x78: {  	_ =	shalt  }
0x79: {  	_ =	shalt  }
0x7a: {  	_ =	shalt  }
0x7b: {  	_ =	shalt  }
0x7c: {  	_ =	shalt  }
0x7d: {  	_ =	shalt  }
0x7e: {  	_ =	shalt  }
0x7f: {  	_ =	shalt  }
0x80: {  	_ =	shalt  }
0x81: {  	_ =	shalt  }
0x82: {  	_ =	shalt  }
0x83: {  	_ =	shalt  }
0x84: {  	_ =	shalt  }
0x85: {  	_ =	shalt  }
0x86: {  	_ =	shalt  }
0x87: {  	_ =	shalt  }
.Lfunc_end0:
.L_simem_size_0:
called_computation_lowered:
.L_overlay_start_0:
0x88: {  	s2 =	sld [smem:$0x3FD9]  }
0x89: {  	s3 =	sld [smem:$0x3FFE];
	_ =	sdelay $0x1  }
0x8a: {  	s1 =	srdreg.scid  }
0x8b: {  	s0 =	sand.u32 $0x1, s1  }
0x8c: {  	s17 =	sshll.u32 s0, $0xA;
	s2 =	sadd.s32 s3, s2  }
0x8d: {  	s2 =	sadd.s32 s2, s17  }
0x8e: {  	[smem:$0x3FC2] =	sst s2  }
0x8f: {  	_ = 	snop  }
0x90: {  	s2 =	sld [smem:$0x3FC9]  }
0x91: {  	s18 =	sld [smem:$0x3FC8]  }
0x92: {  	s4 =	sld [smem:$0x3FC7]  }
0x93: {  	s5 =	sld [smem:$0x3FC6]  }
0x94: {  	s6 =	sld [smem:$0x3FD0];
	(tm) =	ssettm $0x1  }
0x95: {  	s7 =	sld [smem:$0x3FFB];
	_ =	sdelay $0x3  }
0x96: {  	_ =	strace s7  }
0x97: {  	s7 =	sld [smem:$0x3FFC];
	_ =	sdelay $0x3  }
0x98: {  	_ =	strace s7  }
0x99: {  	s7 =	sld [smem:$0x3FFD];
	_ =	sdelay $0x3  }
0x9a: {  	_ =	strace s7  }
0x9b: {  	_ =	strace $0x8FFFFFFF  }
0x9c: {  	s19 =	sld [smem:$0x3FDB];
	_ =	sdelay $0x1  }
0x9d: {  	s8 =	simm.s32 $_scs_section_size  }
0x9e: {  	s9 =	simm.s32 $_size__tile_overlayer_lowered;
	s10 =	simm.s32 $_tile_overlayer_lowered  }
0x9f: {  	s22 =	simm.s32 $0x1BFF;
	s21 =	sshll.u32 s10, $0x1;
	s7 =	sadd.s32 s8, s19  }
0xa0: {  	s11 =	simm.s32 $0x0;
	s20 =	sshll.u32 s9, $0x1;
	s9 =	sadd.s32 s21, s7  }
0xa1: {  	[timem:s11], [sflag:s22] =	dma.local [hbm:s9], s20  }
0xa2: {  	_ =	swait.ge [sflag:s22], s20  }
0xa3: {  	s8 =	ssub.s32 $0x0, s20;
	[sflag:s22] =	ssyncset.done $0x0  }
0xa4: {  	[sflag:s22] =	ssyncadd.s32 s8;
	_ =	sdelay $0x1  }
0xa5: {  	s23 =	simm.s32 $0x1B8B  }
0xa6: {  	_ =	swait.ge [sflag:s23], $0x1  }
0xa7: {  	[sflag:s23] =	ssyncset.done $0x0  }
0xa8: {  	s25 =	simm.s32 $0x1B8E;
	s24 =	sld [smem:$0x3FFE];
	[sflag:s23] =	ssyncadd.s32 $0xFFFFFFFF  }
0xa9: {  	s26 =	simm.s32 $execute0_lowered;
	[smem:$0x3FD2] =	sst s25  }
0xaa: {  	s9 =	sshll.u32 s26, $0x1;
	_ =	strace $0x80000046;
	[dreg:$0x1] =	wrdreg $0xFFFFFFFF  }
0xab: {  	s28 =	simm.s32 $_size_execute0_lowered;
	s7 =	sadd.s32 s7, s9;
	[dreg:$0x0] =	wrdreg $0x0  }
0xac: {  	s9 =	sshll.u32 s28, $0x1;
	[dreg:$0x2] =	wrdreg s7  }
0xad: {  	[dreg:$0x3] =	wrdreg s9  }
0xae: {  	[dreg:$0x4] =	wrdreg $0xC0  }
0xaf: {  	_ =	task [dreg:s11], $0x5FFFF  }
0xb0: {  	[dreg:$0x1] =	wrdreg $0xFFFFFFFF  }
0xb1: {  	[dreg:$0x0] =	wrdreg $0x60  }
0xb2: {  	[dreg:$0x2] =	wrdreg s5  }
0xb3: {  	[dreg:$0x3] =	wrdreg s24  }
0xb4: {  	[dreg:$0x4] =	wrdreg s2  }
0xb5: {  	[dreg:$0x5] =	wrdreg s4  }
0xb6: {  	[dreg:$0x6] =	wrdreg s18  }
0xb7: {  	[dreg:$0x7] =	wrdreg s6  }
0xb8: {  	[dreg:$0x8] =	wrdreg $0x9  }
0xb9: {  	_ =	task.clear_ibuf [dreg:s11], $0x9FFFF;
	_ =	strace $0x90000046  }
0xba: {  	s29 =	simm.s32 $0x9;
	_ =	strace $0x80000048  }
0xbb: {  	_ =	swait.ge [sflag:s29], $0x1  }
0xbc: {  	[sflag:s29] =	ssyncadd.s32 $0xFFFFFFFF  }
0xbd: {  	_ =	strace $0x90000048  }
0xbe: {  	_ =	sfence  }
0xbf: {  	s30 =	sld [smem:$0x0];
	_ =	sdelay $0x2  }
0xc0: {  	s31 =	sshll.u32 s1, $0xD;
	s1 =	sshrl.u32 s1, $0x2  }
0xc1: {  	s3 =	sand.u32 $0x4000, s31;
	s1 =	sadd.s32 s1, s30  }
0xc2: {  	s0 =	sor.u32 s3, s0;
	s1 =	sshll.u32 s1, $0x11  }
0xc3: {  	s0 =	sor.u32 s1, s0  }
0xc4: {  	s0 =	sadd.s32 $0x8F2B, s0  }
0xc5: {  	[sflag:s0] =	ssyncadd.remote.s32 $0x1  }
0xc6: {  	_ =	sfence.sel $0xFFFF  }
0xc7: {  	[dreg:$0x0] =	wrdreg $0xFFFFFFFF;
	(pc) =	sbr.abs _section_cstart, $3  }
0xc8: {  	[dreg:$0x1] =	wrdreg $0xFFFFFFFF  }
0xc9: {  	_ =	task.clear_ibuf [dreg:s11], $0x2FFFF;
	_ =	strace $0x9FFFFFFF  }
0xca: {  	(tm) =	ssettm $0x7FFFFFFF  }
0xcb: {  	_ =	shalt  }
tec
execute0_lowered:
.L_overlay_start_1:
0x0: {  	(tag) =	ssettag $0x1  }
0x1: {  	s0 =	srdreg.scid;
	s1 =	rddreg [dreg:$0x0]  }
0x2: {  	s5 =	rddreg [dreg:$0x1];
	s0 =	sand.u32 $0x1, s0  }
0x3: {  	s3 =	stileid.u32;
	s6 =	rddreg [dreg:$0x2];
	s2 =	sshll.u32 s0, $0x4  }
0x4: {  	s7 =	rddreg [dreg:$0x3];
	s4 =	sand.u32 $0x7, s3;
	s2 =	sor.u32 s3, s2  }
0x5: {  	s8 =	rddreg [dreg:$0x4];
	p1 =	sne.s32 s4, $0x0;
	p0 =	seq.s32 s2, $0x0  }
0x6: {  	s10 =	rddreg [dreg:$0x5];
	s28 =	simm.s32 $0xE300;
	p0 =	por !p1, !p0  }
0x7: {  	s29 =	simm.s32 $0x5;
	s3 =	simm.s32 $0x1;
	p0 =	por !p0, !p0  }
0x8: {  	s13 =	simm.s32 $0x7;
	s9 =	sshrl.u32 s2, $0x3;
	s3 =	simm.s32 @!p0 $0x0  }
0x9: {  	s30 =	simm.s32 $0x4;
	s31 =	simm.s32 $0x8;
	s9 =	ssub.s32 s9, s3  }
0xa: {  	s4 =	sshll.u32 s4, $0xB;
	s0 =	ssub.s32 $0x2, s0;
	s11 =	sshll.u32 s9, $0xC  }
0xb: {  	s14 =	sshrl.u32 s0, $0x1;
	s9 =	sshll.u32 s9, $0x7;
	s11 =	sand.u32 $0xFFFFC000, s11  }
0xc: {  	s0 =	ssub.s32 s0, s14;
	s9 =	sand.u32 $0x180, s9;
	s4 =	sor.u32 s4, s11  }
0xd: {  	s2 =	sshll.u32 s2, $0xD;
	s3 =	simm.s32 $0x0;
	s9 =	sor.u32 s9, s4  }
0xe: {  	s14 =	simm.s32 $0x6;
	[smem:$0x7FF] =	sst s3;
	s9 =	sshrl.u32 s9, $0x3  }
0xf: {  	_ =	strace $0x80000047;
	s4 =	sadd.s32 $0xA00, s5;
	s15 =	sadd.s32 s6, s9  }
0x10: {  	s5 =	simm.s32 $0x1;
	s16 =	sadd.s32 s7, s9;
	[dreg:$0x7] =	wrdreg s15  }
0x11: {  	s17 =	sadd.s32 s8, s9;
	s18 =	sor.u32 $0x40, s9;
	[dreg:$0x8] =	wrdreg s16  }
0x12: {  	s20 =	sor.u32 $0x80, s9;
	[dreg:$0x9] =	wrdreg s17;
	s12 =	sadd.s32 s6, s18  }
0x13: {  	s9 =	sor.u32 $0xC0, s9;
	s19 =	sadd.s32 s7, s18;
	[dreg:$0xa] =	wrdreg s12  }
0x14: {  	s11 =	sadd.s32 s8, s18;
	s21 =	sadd.s32 s6, s20;
	[dreg:$0xb] =	wrdreg s19  }
0x15: {  	s22 =	sadd.s32 s7, s20;
	s23 =	sadd.s32 s8, s20;
	[dreg:$0xc] =	wrdreg s11  }
0x16: {  	s15 =	sadd.s32 s10, s2;
	s24 =	sadd.s32 s6, s9;
	[dreg:$0xd] =	wrdreg s21  }
0x17: {  	s25 =	sadd.s32 s7, s9;
	s26 =	sadd.s32 s8, s9;
	[dreg:$0xe] =	wrdreg s22  }
0x18: {  	s2 =	simm.s32 $0x80;
	s7 =	simm.s32 $0x2;
	[dreg:$0xf] =	wrdreg s23  }
0x19: {  	s8 =	simm.s32 $0x4300;
	s9 =	simm.s32 $0xC0;
	[dreg:$0x10] =	wrdreg s24  }
0x1a: {  	s10 =	simm.s32 $0xC300;
	s6 =	simm.s32 $0x0;
	[dreg:$0x11] =	wrdreg s25  }
0x1b: {  	[dreg:$0x12] =	wrdreg s26;
	s19 =	sadd.s32 $0x800, s15;
	s20 =	sadd.s32 $0x1000, s15  }
0x1c: {  	s21 =	sadd.s32 $0x1800, s15;
	s22 =	smax.u32 s0, $0x1;
	s23 =	simm.s32 $0x100  }
0x1d: {  	s25 =	simm.s32 $0x40;
	s26 =	simm.s32 $0x300;
	s0 =	simm.s32 $0x180  }
0x1e: {  	s24 =	simm.s32 $0x6300;
	s11 =	simm.s32 $0x1C0;
	s12 =	simm.s32 $0x3  }
.LBB2_1:
0x1f: {  	s16 =	rddreg [dreg:$0x7]  }
0x20: {  	[tilespmem:s3], [sflag:$0x1] =	stream.linear.gather [hbm4b:s16+s3], $0x80, $0x38;
	[tilespmem:$0x10300] =	vst v63  }
0x21: {  	s17 =	rddreg [dreg:$0x8]  }
0x22: {  	[tilespmem:s23], [sflag:$0x1] =	stream.linear.gather [hbm4b:s17+s3], $0x80, $0x38;
	[tilespmem:$0x10300] =	vst v63  }
0x23: {  	s18 =	rddreg [dreg:$0x9];
	s17 =	simm.s32 $0x200  }
0x24: {  	[tilespmem:s17], [sflag:$0x1] =	stream.linear.gather [hbm4b:s18+s3], $0x80, $0x38;
	[tilespmem:$0x10300] =	vst v63  }
0x25: {  	_ =	swait.ge [sflag:s5], $0x80  }
0x26: {  	[sflag:s5] =	ssyncset.done $0x0  }
0x27: {  	[sflag:s5] =	ssyncadd.s32 $0xFFFFFF80  }
0x28: {  	_ =	swait.ge [sflag:s5], $0x80  }
0x29: {  	[sflag:s5] =	ssyncset.done $0x0  }
0x2a: {  	[sflag:s5] =	ssyncadd.s32 $0xFFFFFF80  }
0x2b: {  	_ =	swait.ge [sflag:s5], $0x80  }
0x2c: {  	[sflag:s5] =	ssyncset.done $0x0  }
0x2d: {  	[sflag:s5] =	ssyncadd.s32 $0xFFFFFF80  }
0x2e: {  	v0 =	vld [tilespmem:$0x200]  }
0x2f: {  	v1 =	vld [tilespmem:$0x100]  }
0x30: {  	v2 =	vld [tilespmem:$0x210]  }
0x31: {  	v3 =	vld [tilespmem:$0x110]  }
0x32: {  	v4 =	vld [tilespmem:$0x220]  }
0x33: {  	v5 =	vld [tilespmem:$0x120]  }
0x34: {  	v6 =	vld [tilespmem:$0x230]  }
0x35: {  	v7 =	vld [tilespmem:$0x130]  }
0x36: {  	v8 =	vld [tilespmem:$0x240]  }
0x37: {  	v9 =	vld [tilespmem:$0x140]  }
0x38: {  	v10 =	vld [tilespmem:$0x250]  }
0x39: {  	v11 =	vld [tilespmem:$0x150]  }
0x3a: {  	v12 =	vld [tilespmem:$0x260];
	v0 =	vshll.u32 v0, $0xC  }
0x3b: {  	v18 =	vld [tilespmem:$0x160];
	v17 =	vshll.u32 v2, $0xC;
	v0 =	vadd.s32 v1, v0  }
0x3c: {  	v21 =	vld [tilespmem:$0x270];
	v20 =	vshll.u32 v4, $0xC;
	v19 =	vadd.s32 v3, v17;
	[tilespmem:$0x100] =	vst v0  }
0x3d: {  	v24 =	vld [tilespmem:$0x170];
	v23 =	vshll.u32 v6, $0xC;
	v22 =	vadd.s32 v5, v20;
	[tilespmem:$0x110] =	vst v19  }
0x3e: {  	v26 =	vshll.u32 v8, $0xC;
	v25 =	vadd.s32 v7, v23;
	[tilespmem:$0x120] =	vst v22  }
0x3f: {  	v28 =	vshll.u32 v10, $0xC;
	v27 =	vadd.s32 v9, v26;
	[tilespmem:$0x130] =	vst v25  }
0x40: {  	v30 =	vshll.u32 v12, $0xC;
	v29 =	vadd.s32 v11, v28;
	[tilespmem:$0x140] =	vst v27  }
0x41: {  	v32 =	vshll.u32 v21, $0xC;
	v31 =	vadd.s32 v18, v30;
	[tilespmem:$0x150] =	vst v29  }
0x42: {  	v33 =	vadd.s32 v24, v32;
	[tilespmem:$0x160] =	vst v31  }
0x43: {  	[tilespmem:$0x170] =	vst v33  }
0x44: {  	[tilespmem:s26], [sflag:$0x3] =	stream.indirect.gather [hbm4b:s1+s25], $0x80, s3, s25, $0xb8;
	[tilespmem:$0x10300] =	vst v63  }
0x45: {  	s18 =	simm.s32 $0x2300  }
0x46: {  	[tilespmem:s18], [sflag:$0x3] =	stream.indirect.gather [hbm4b:s1+s25], $0x80, s25, s25, $0xb8;
	[tilespmem:$0x10300] =	vst v63  }
0x47: {  	s18 =	simm.s32 $0x8300  }
0x48: {  	[tilespmem:s18], [sflag:$0x5] =	stream.indirect.gather [hbm4b:s4+s25], $0x80, s23, s25, $0xb8;
	[tilespmem:$0x10300] =	vst v63  }
0x49: {  	s16 =	simm.s32 $0x140;
	s18 =	simm.s32 $0xA300  }
0x4a: {  	[tilespmem:s18], [sflag:$0x5] =	stream.indirect.gather [hbm4b:s4+s25], $0x80, s16, s25, $0xb8;
	[tilespmem:$0x10300] =	vst v63  }
0x4b: {  	s18 =	rddreg [dreg:$0xa]  }
0x4c: {  	[tilespmem:s2], [sflag:$0x2] =	stream.linear.gather [hbm4b:s18+s3], $0x80, $0x38;
	[tilespmem:$0x10300] =	vst v63  }
0x4d: {  	s18 =	rddreg [dreg:$0xb]  }
0x4e: {  	[tilespmem:s0], [sflag:$0x2] =	stream.linear.gather [hbm4b:s18+s3], $0x80, $0x38;
	[tilespmem:$0x10300] =	vst v63  }
0x4f: {  	s16 =	rddreg [dreg:$0xc];
	s18 =	simm.s32 $0x280  }
0x50: {  	[tilespmem:s18], [sflag:$0x2] =	stream.linear.gather [hbm4b:s16+s3], $0x80, $0x38;
	[tilespmem:$0x10300] =	vst v63  }
0x51: {  	_ =	swait.ge [sflag:s7], $0x80  }
0x52: {  	[sflag:s7] =	ssyncset.done $0x0  }
0x53: {  	[sflag:s7] =	ssyncadd.s32 $0xFFFFFF80  }
0x54: {  	_ =	swait.ge [sflag:s7], $0x80  }
0x55: {  	[sflag:s7] =	ssyncset.done $0x0  }
0x56: {  	[sflag:s7] =	ssyncadd.s32 $0xFFFFFF80  }
0x57: {  	_ =	swait.ge [sflag:s7], $0x80  }
0x58: {  	[sflag:s7] =	ssyncset.done $0x0  }
0x59: {  	[sflag:s7] =	ssyncadd.s32 $0xFFFFFF80  }
0x5a: {  	v34 =	vld [tilespmem:$0x280]  }
0x5b: {  	v35 =	vld [tilespmem:$0x180]  }
0x5c: {  	v36 =	vld [tilespmem:$0x290]  }
0x5d: {  	v37 =	vld [tilespmem:$0x190]  }
0x5e: {  	v38 =	vld [tilespmem:$0x2A0]  }
0x5f: {  	v39 =	vld [tilespmem:$0x1A0]  }
0x60: {  	v40 =	vld [tilespmem:$0x2B0]  }
0x61: {  	v41 =	vld [tilespmem:$0x1B0]  }
0x62: {  	v42 =	vld [tilespmem:$0x2C0]  }
0x63: {  	v43 =	vld [tilespmem:$0x1C0]  }
0x64: {  	v44 =	vld [tilespmem:$0x2D0]  }
0x65: {  	v45 =	vld [tilespmem:$0x1D0]  }
0x66: {  	v46 =	vld [tilespmem:$0x2E0];
	v0 =	vshll.u32 v34, $0xC  }
0x67: {  	v48 =	vld [tilespmem:$0x1E0];
	v47 =	vshll.u32 v36, $0xC;
	v0 =	vadd.s32 v35, v0  }
0x68: {  	v51 =	vld [tilespmem:$0x2F0];
	v50 =	vshll.u32 v38, $0xC;
	v49 =	vadd.s32 v37, v47;
	[tilespmem:$0x180] =	vst v0  }
0x69: {  	v54 =	vld [tilespmem:$0x1F0];
	v53 =	vshll.u32 v40, $0xC;
	v52 =	vadd.s32 v39, v50;
	[tilespmem:$0x190] =	vst v49  }
0x6a: {  	v56 =	vshll.u32 v42, $0xC;
	v55 =	vadd.s32 v41, v53;
	[tilespmem:$0x1A0] =	vst v52  }
0x6b: {  	v58 =	vshll.u32 v44, $0xC;
	v57 =	vadd.s32 v43, v56;
	[tilespmem:$0x1B0] =	vst v55  }
0x6c: {  	v60 =	vshll.u32 v46, $0xC;
	v59 =	vadd.s32 v45, v58;
	[tilespmem:$0x1C0] =	vst v57  }
0x6d: {  	v62 =	vshll.u32 v51, $0xC;
	v61 =	vadd.s32 v48, v60;
	[tilespmem:$0x1D0] =	vst v59  }
0x6e: {  	v63 =	vadd.s32 v54, v62;
	[tilespmem:$0x1E0] =	vst v61  }
0x6f: {  	[tilespmem:$0x1F0] =	vst v63  }
0x70: {  	[tilespmem:s8], [sflag:$0x4] =	stream.indirect.gather [hbm4b:s1+s25], $0x80, s2, s25, $0xb8;
	[tilespmem:$0x10300] =	vst v63  }
0x71: {  	_ = 	snop  }
0x72: {  	[tilespmem:s24], [sflag:$0x4] =	stream.indirect.gather [hbm4b:s1+s25], $0x80, s9, s25, $0xb8;
	[tilespmem:$0x10300] =	vst v63  }
0x73: {  	_ = 	snop  }
0x74: {  	[tilespmem:s10], [sflag:$0x6] =	stream.indirect.gather [hbm4b:s4+s25], $0x80, s0, s25, $0xb8;
	[tilespmem:$0x10300] =	vst v63  }
0x75: {  	_ = 	snop  }
0x76: {  	[tilespmem:s28], [sflag:$0x6] =	stream.indirect.gather [hbm4b:s4+s25], $0x80, s11, s25, $0xb8;
	[tilespmem:$0x10300] =	vst v63  }
0x77: {  	_ =	swait.ge [sflag:s12], $0x2000  }
0x78: {  	[sflag:s12] =	ssyncset.done $0x0  }
0x79: {  	[sflag:s12] =	ssyncadd.s32 $0xFFFFE000  }
0x7a: {  	_ =	swait.ge [sflag:s12], $0x2000  }
0x7b: {  	[sflag:s12] =	ssyncset.done $0x0  }
0x7c: {  	[sflag:s12] =	ssyncadd.s32 $0xFFFFE000  }
0x7d: {  	_ =	swait.ge [sflag:s29], $0x2000  }
0x7e: {  	[sflag:s29] =	ssyncset.done $0x0  }
0x7f: {  	[sflag:s29] =	ssyncadd.s32 $0xFFFFE000  }
0x80: {  	_ =	swait.ge [sflag:s29], $0x2000  }
0x81: {  	[sflag:s29] =	ssyncset.done $0x0  }
0x82: {  	s18 =	rddreg [dreg:$0xd];
	[sflag:s29] =	ssyncadd.s32 $0xFFFFE000  }
0x83: {  	[tilespmem:s3], [sflag:$0x1] =	stream.linear.gather [hbm4b:s18+s3], $0x80, $0x38;
	[tilespmem:$0x10300] =	vst v63  }
0x84: {  	s18 =	rddreg [dreg:$0xe]  }
0x85: {  	[tilespmem:s23], [sflag:$0x1] =	stream.linear.gather [hbm4b:s18+s3], $0x80, $0x38;
	[tilespmem:$0x10300] =	vst v63  }
0x86: {  	s18 =	rddreg [dreg:$0xf]  }
0x87: {  	[tilespmem:s17], [sflag:$0x1] =	stream.linear.gather [hbm4b:s18+s3], $0x80, $0x38;
	[tilespmem:$0x10300] =	vst v63  }
0x88: {  	s16 =	simm.s32 $0x0;
	s17 =	simm.s32 $0x800  }
.LBB2_2:
0x89: {  	p0 =	sne.s32 s17, $0xF800;
	v0 =	vld [tilespmem:s16+$0x84F0]  }
0x8a: {  	v1 =	vld [tilespmem:s16+$0x8300]  }
0x8b: {  	v2 =	vld [tilespmem:s16+$0x8310]  }
0x8c: {  	v3 =	vld [tilespmem:s16+$0x8320]  }
0x8d: {  	v4 =	vld [tilespmem:s16+$0x8330]  }
0x8e: {  	[tilespmem:s16+$0x4F0] =	vst.add.f32.msk $0xffff, v0  }
0x8f: {  	v0 =	vld [tilespmem:s16+$0x8340]  }
0x90: {  	v5 =	vld [tilespmem:s16+$0x8350]  }
0x91: {  	v6 =	vld [tilespmem:s16+$0x8360]  }
0x92: {  	v7 =	vld [tilespmem:s16+$0x8370]  }
0x93: {  	v8 =	vld [tilespmem:s16+$0x8380]  }
0x94: {  	v9 =	vld [tilespmem:s16+$0x8390]  }
0x95: {  	v10 =	vld [tilespmem:s16+$0x83A0]  }
0x96: {  	v11 =	vld [tilespmem:s16+$0x83B0]  }
0x97: {  	v12 =	vld [tilespmem:s16+$0x83C0]  }
0x98: {  	v13 =	vld [tilespmem:s16+$0x83D0]  }
0x99: {  	v14 =	vld [tilespmem:s16+$0x83E0]  }
0x9a: {  	v15 =	vld [tilespmem:s16+$0x83F0]  }
0x9b: {  	v16 =	vld [tilespmem:s16+$0x8400]  }
0x9c: {  	v17 =	vld [tilespmem:s16+$0x8410]  }
0x9d: {  	v18 =	vld [tilespmem:s16+$0x8420]  }
0x9e: {  	v19 =	vld [tilespmem:s16+$0x8430]  }
0x9f: {  	v20 =	vld [tilespmem:s16+$0x8440]  }
0xa0: {  	v21 =	vld [tilespmem:s16+$0x8450]  }
0xa1: {  	v22 =	vld [tilespmem:s16+$0x8460]  }
0xa2: {  	v23 =	vld [tilespmem:s16+$0x8470]  }
0xa3: {  	v24 =	vld [tilespmem:s16+$0x8480]  }
0xa4: {  	v25 =	vld [tilespmem:s16+$0x8490]  }
0xa5: {  	v26 =	vld [tilespmem:s16+$0x84A0]  }
0xa6: {  	v27 =	vld [tilespmem:s16+$0x84B0]  }
0xa7: {  	v28 =	vld [tilespmem:s16+$0x84C0]  }
0xa8: {  	v29 =	vld [tilespmem:s16+$0x84D0]  }
0xa9: {  	v30 =	vld [tilespmem:s16+$0x84E0]  }
0xaa: {  	[tilespmem:s16+$0x300] =	vst.add.f32.msk $0xffff, v1  }
0xab: {  	[tilespmem:s16+$0x310] =	vst.add.f32.msk $0xffff, v2  }
0xac: {  	[tilespmem:s16+$0x320] =	vst.add.f32.msk $0xffff, v3  }
0xad: {  	[tilespmem:s16+$0x330] =	vst.add.f32.msk $0xffff, v4  }
0xae: {  	[tilespmem:s16+$0x340] =	vst.add.f32.msk $0xffff, v0  }
0xaf: {  	[tilespmem:s16+$0x350] =	vst.add.f32.msk $0xffff, v5  }
0xb0: {  	[tilespmem:s16+$0x360] =	vst.add.f32.msk $0xffff, v6  }
0xb1: {  	[tilespmem:s16+$0x370] =	vst.add.f32.msk $0xffff, v7  }
0xb2: {  	[tilespmem:s16+$0x380] =	vst.add.f32.msk $0xffff, v8  }
0xb3: {  	[tilespmem:s16+$0x390] =	vst.add.f32.msk $0xffff, v9  }
0xb4: {  	[tilespmem:s16+$0x3A0] =	vst.add.f32.msk $0xffff, v10  }
0xb5: {  	[tilespmem:s16+$0x3B0] =	vst.add.f32.msk $0xffff, v11  }
0xb6: {  	[tilespmem:s16+$0x3C0] =	vst.add.f32.msk $0xffff, v12  }
0xb7: {  	[tilespmem:s16+$0x3D0] =	vst.add.f32.msk $0xffff, v13  }
0xb8: {  	[tilespmem:s16+$0x3E0] =	vst.add.f32.msk $0xffff, v14  }
0xb9: {  	[tilespmem:s16+$0x3F0] =	vst.add.f32.msk $0xffff, v15  }
0xba: {  	[tilespmem:s16+$0x400] =	vst.add.f32.msk $0xffff, v16  }
0xbb: {  	[tilespmem:s16+$0x410] =	vst.add.f32.msk $0xffff, v17  }
0xbc: {  	[tilespmem:s16+$0x420] =	vst.add.f32.msk $0xffff, v18  }
0xbd: {  	[tilespmem:s16+$0x430] =	vst.add.f32.msk $0xffff, v19  }
0xbe: {  	[tilespmem:s16+$0x440] =	vst.add.f32.msk $0xffff, v20  }
0xbf: {  	[tilespmem:s16+$0x450] =	vst.add.f32.msk $0xffff, v21  }
0xc0: {  	[tilespmem:s16+$0x460] =	vst.add.f32.msk $0xffff, v22  }
0xc1: {  	[tilespmem:s16+$0x470] =	vst.add.f32.msk $0xffff, v23  }
0xc2: {  	[tilespmem:s16+$0x480] =	vst.add.f32.msk $0xffff, v24  }
0xc3: {  	[tilespmem:s16+$0x490] =	vst.add.f32.msk $0xffff, v25  }
.Ltmp0:
0xc4: {  	[tilespmem:s16+$0x4A0] =	vst.add.f32.msk $0xffff, v26;
	(pc) =	sbr.rel @p0 .LBB2_2-.Ltmp0, $4  }
0xc5: {  	[tilespmem:s16+$0x4B0] =	vst.add.f32.msk $0xffff, v27  }
0xc6: {  	[tilespmem:s16+$0x4C0] =	vst.add.f32.msk $0xffff, v28  }
0xc7: {  	[tilespmem:s16+$0x4D0] =	vst.add.f32.msk $0xffff, v29  }
0xc8: {  	[tilespmem:s16+$0x4E0] =	vst.add.f32.msk $0xffff, v30;
	s16 =	sshra.s32 s17, $0x2;
	s17 =	sadd.s32 $0x800, s17  }
0xc9: {  	v0 =	vld [tilespmem:s16+$0x84F0]  }
0xca: {  	v1 =	vld [tilespmem:s16+$0x8300]  }
0xcb: {  	v2 =	vld [tilespmem:s16+$0x8310]  }
0xcc: {  	v3 =	vld [tilespmem:s16+$0x8320]  }
0xcd: {  	v4 =	vld [tilespmem:s16+$0x8330]  }
0xce: {  	v33 =	vld [tilespmem:s16+$0x8340]  }
0xcf: {  	v5 =	vld [tilespmem:s16+$0x8350]  }
0xd0: {  	v6 =	vld [tilespmem:s16+$0x8360]  }
0xd1: {  	v7 =	vld [tilespmem:s16+$0x8370]  }
0xd2: {  	v8 =	vld [tilespmem:s16+$0x8380]  }
0xd3: {  	v9 =	vld [tilespmem:s16+$0x8390]  }
0xd4: {  	v10 =	vld [tilespmem:s16+$0x83A0]  }
0xd5: {  	v11 =	vld [tilespmem:s16+$0x83B0]  }
0xd6: {  	v12 =	vld [tilespmem:s16+$0x83C0]  }
0xd7: {  	v13 =	vld [tilespmem:s16+$0x83D0]  }
0xd8: {  	v14 =	vld [tilespmem:s16+$0x83E0]  }
0xd9: {  	v15 =	vld [tilespmem:s16+$0x83F0]  }
0xda: {  	v16 =	vld [tilespmem:s16+$0x8400]  }
0xdb: {  	v17 =	vld [tilespmem:s16+$0x8410]  }
0xdc: {  	v18 =	vld [tilespmem:s16+$0x8420]  }
0xdd: {  	v19 =	vld [tilespmem:s16+$0x8430]  }
0xde: {  	v20 =	vld [tilespmem:s16+$0x8440]  }
0xdf: {  	v21 =	vld [tilespmem:s16+$0x8450]  }
0xe0: {  	v22 =	vld [tilespmem:s16+$0x8460]  }
0xe1: {  	v23 =	vld [tilespmem:s16+$0x8470]  }
0xe2: {  	v24 =	vld [tilespmem:s16+$0x8480]  }
0xe3: {  	v25 =	vld [tilespmem:s16+$0x8490]  }
0xe4: {  	v26 =	vld [tilespmem:s16+$0x84A0]  }
0xe5: {  	v27 =	vld [tilespmem:s16+$0x84B0]  }
0xe6: {  	v28 =	vld [tilespmem:s16+$0x84C0]  }
0xe7: {  	v29 =	vld [tilespmem:s16+$0x84D0]  }
0xe8: {  	v30 =	vld [tilespmem:s16+$0x84E0]  }
0xe9: {  	[tilespmem:s16+$0x4F0] =	vst.add.f32.msk $0xffff, v0  }
0xea: {  	[tilespmem:s16+$0x300] =	vst.add.f32.msk $0xffff, v1  }
0xeb: {  	[tilespmem:s16+$0x310] =	vst.add.f32.msk $0xffff, v2  }
0xec: {  	[tilespmem:s16+$0x320] =	vst.add.f32.msk $0xffff, v3  }
0xed: {  	[tilespmem:s16+$0x330] =	vst.add.f32.msk $0xffff, v4  }
0xee: {  	[tilespmem:s16+$0x340] =	vst.add.f32.msk $0xffff, v33  }
0xef: {  	[tilespmem:s16+$0x350] =	vst.add.f32.msk $0xffff, v5  }
0xf0: {  	[tilespmem:s16+$0x360] =	vst.add.f32.msk $0xffff, v6  }
0xf1: {  	[tilespmem:s16+$0x370] =	vst.add.f32.msk $0xffff, v7  }
0xf2: {  	[tilespmem:s16+$0x380] =	vst.add.f32.msk $0xffff, v8  }
0xf3: {  	[tilespmem:s16+$0x390] =	vst.add.f32.msk $0xffff, v9  }
0xf4: {  	[tilespmem:s16+$0x3A0] =	vst.add.f32.msk $0xffff, v10  }
0xf5: {  	[tilespmem:s16+$0x3B0] =	vst.add.f32.msk $0xffff, v11  }
0xf6: {  	[tilespmem:s16+$0x3C0] =	vst.add.f32.msk $0xffff, v12  }
0xf7: {  	[tilespmem:s16+$0x3D0] =	vst.add.f32.msk $0xffff, v13  }
0xf8: {  	[tilespmem:s16+$0x3E0] =	vst.add.f32.msk $0xffff, v14  }
0xf9: {  	[tilespmem:s16+$0x3F0] =	vst.add.f32.msk $0xffff, v15  }
0xfa: {  	[tilespmem:s16+$0x400] =	vst.add.f32.msk $0xffff, v16  }
0xfb: {  	[tilespmem:s16+$0x410] =	vst.add.f32.msk $0xffff, v17  }
0xfc: {  	[tilespmem:s16+$0x420] =	vst.add.f32.msk $0xffff, v18  }
0xfd: {  	[tilespmem:s16+$0x430] =	vst.add.f32.msk $0xffff, v19  }
0xfe: {  	[tilespmem:s16+$0x440] =	vst.add.f32.msk $0xffff, v20  }
0xff: {  	[tilespmem:s16+$0x450] =	vst.add.f32.msk $0xffff, v21  }
0x100: {  	[tilespmem:s16+$0x460] =	vst.add.f32.msk $0xffff, v22  }
0x101: {  	[tilespmem:s16+$0x470] =	vst.add.f32.msk $0xffff, v23  }
0x102: {  	[tilespmem:s16+$0x480] =	vst.add.f32.msk $0xffff, v24  }
0x103: {  	[tilespmem:s16+$0x490] =	vst.add.f32.msk $0xffff, v25  }
0x104: {  	[tilespmem:s16+$0x4A0] =	vst.add.f32.msk $0xffff, v26  }
0x105: {  	[tilespmem:s16+$0x4B0] =	vst.add.f32.msk $0xffff, v27  }
0x106: {  	[tilespmem:s16+$0x4C0] =	vst.add.f32.msk $0xffff, v28  }
0x107: {  	[tilespmem:s16+$0x4D0] =	vst.add.f32.msk $0xffff, v29  }
0x108: {  	[tilespmem:s16+$0x4E0] =	vst.add.f32.msk $0xffff, v30;
	s16 =	simm.s32 $0x0  }
0x109: {  	[hbm4b:s15+s16] =	stream.linear.scatter [tilespmem:s26], [sflag:$0x7], $0x4000, $0x38;
	[tilespmem:$0x10300] =	vst v63  }
0x10a: {  	_ =	swait.ge [sflag:s5], $0x80  }
0x10b: {  	[sflag:s5] =	ssyncset.done $0x0  }
0x10c: {  	[sflag:s5] =	ssyncadd.s32 $0xFFFFFF80  }
0x10d: {  	_ =	swait.ge [sflag:s5], $0x80  }
0x10e: {  	[sflag:s5] =	ssyncset.done $0x0  }
0x10f: {  	[sflag:s5] =	ssyncadd.s32 $0xFFFFFF80  }
0x110: {  	_ =	swait.ge [sflag:s5], $0x80  }
0x111: {  	[sflag:s5] =	ssyncset.done $0x0  }
0x112: {  	[sflag:s5] =	ssyncadd.s32 $0xFFFFFF80  }
0x113: {  	v34 =	vld [tilespmem:$0x200]  }
0x114: {  	v35 =	vld [tilespmem:$0x100]  }
0x115: {  	v36 =	vld [tilespmem:$0x210]  }
0x116: {  	v37 =	vld [tilespmem:$0x110]  }
0x117: {  	v38 =	vld [tilespmem:$0x220]  }
0x118: {  	v39 =	vld [tilespmem:$0x120]  }
0x119: {  	v40 =	vld [tilespmem:$0x230]  }
0x11a: {  	v41 =	vld [tilespmem:$0x130]  }
0x11b: {  	v42 =	vld [tilespmem:$0x240]  }
0x11c: {  	v43 =	vld [tilespmem:$0x140]  }
0x11d: {  	v44 =	vld [tilespmem:$0x250]  }
0x11e: {  	v45 =	vld [tilespmem:$0x150]  }
0x11f: {  	v46 =	vld [tilespmem:$0x260];
	v0 =	vshll.u32 v34, $0xC  }
0x120: {  	v48 =	vld [tilespmem:$0x160];
	v47 =	vshll.u32 v36, $0xC;
	v0 =	vadd.s32 v35, v0  }
0x121: {  	v51 =	vld [tilespmem:$0x270];
	v50 =	vshll.u32 v38, $0xC;
	v49 =	vadd.s32 v37, v47;
	[tilespmem:$0x100] =	vst v0  }
0x122: {  	v54 =	vld [tilespmem:$0x170];
	v53 =	vshll.u32 v40, $0xC;
	v52 =	vadd.s32 v39, v50;
	[tilespmem:$0x110] =	vst v49  }
0x123: {  	v56 =	vshll.u32 v42, $0xC;
	v55 =	vadd.s32 v41, v53;
	[tilespmem:$0x120] =	vst v52  }
0x124: {  	v58 =	vshll.u32 v44, $0xC;
	v57 =	vadd.s32 v43, v56;
	[tilespmem:$0x130] =	vst v55  }
0x125: {  	v60 =	vshll.u32 v46, $0xC;
	v59 =	vadd.s32 v45, v58;
	[tilespmem:$0x140] =	vst v57  }
0x126: {  	v62 =	vshll.u32 v51, $0xC;
	v61 =	vadd.s32 v48, v60;
	[tilespmem:$0x150] =	vst v59  }
0x127: {  	v63 =	vadd.s32 v54, v62;
	[tilespmem:$0x160] =	vst v61  }
0x128: {  	[tilespmem:$0x170] =	vst v63  }
0x129: {  	_ =	swait.ge [sflag:s13], $0x4000  }
0x12a: {  	[sflag:s13] =	ssyncset.done $0x0  }
0x12b: {  	[sflag:s13] =	ssyncadd.s32 $0xFFFFC000  }
0x12c: {  	[tilespmem:s26], [sflag:$0x3] =	stream.indirect.gather [hbm4b:s1+s25], $0x80, s16, s25, $0xb8;
	[tilespmem:$0x10300] =	vst v63  }
0x12d: {  	s17 =	simm.s32 $0x2300  }
0x12e: {  	[tilespmem:s17], [sflag:$0x3] =	stream.indirect.gather [hbm4b:s1+s25], $0x80, s25, s25, $0xb8;
	[tilespmem:$0x10300] =	vst v63  }
0x12f: {  	s18 =	simm.s32 $0x8300  }
0x130: {  	[tilespmem:s18], [sflag:$0x5] =	stream.indirect.gather [hbm4b:s4+s25], $0x80, s23, s25, $0xb8;
	[tilespmem:$0x10300] =	vst v63  }
0x131: {  	s17 =	simm.s32 $0x140;
	s18 =	simm.s32 $0xA300  }
0x132: {  	[tilespmem:s18], [sflag:$0x5] =	stream.indirect.gather [hbm4b:s4+s25], $0x80, s17, s25, $0xb8;
	[tilespmem:$0x10300] =	vst v63  }
0x133: {  	_ =	swait.ge [sflag:s30], $0x2000  }
0x134: {  	[sflag:s30] =	ssyncset.done $0x0  }
0x135: {  	[sflag:s30] =	ssyncadd.s32 $0xFFFFE000  }
0x136: {  	_ =	swait.ge [sflag:s30], $0x2000  }
0x137: {  	[sflag:s30] =	ssyncset.done $0x0  }
0x138: {  	[sflag:s30] =	ssyncadd.s32 $0xFFFFE000  }
0x139: {  	_ =	swait.ge [sflag:s14], $0x2000  }
0x13a: {  	[sflag:s14] =	ssyncset.done $0x0  }
0x13b: {  	[sflag:s14] =	ssyncadd.s32 $0xFFFFE000  }
0x13c: {  	_ =	swait.ge [sflag:s14], $0x2000  }
0x13d: {  	[sflag:s14] =	ssyncset.done $0x0  }
0x13e: {  	s18 =	rddreg [dreg:$0x10];
	[sflag:s14] =	ssyncadd.s32 $0xFFFFE000  }
0x13f: {  	[tilespmem:s2], [sflag:$0x2] =	stream.linear.gather [hbm4b:s18+s16], $0x80, $0x38;
	[tilespmem:$0x10300] =	vst v63  }
0x140: {  	s18 =	rddreg [dreg:$0x11]  }
0x141: {  	[tilespmem:s0], [sflag:$0x2] =	stream.linear.gather [hbm4b:s18+s16], $0x80, $0x38;
	[tilespmem:$0x10300] =	vst v63  }
0x142: {  	s17 =	rddreg [dreg:$0x12];
	s18 =	simm.s32 $0x280  }
0x143: {  	[tilespmem:s18], [sflag:$0x2] =	stream.linear.gather [hbm4b:s17+s16], $0x80, $0x38;
	[tilespmem:$0x10300] =	vst v63  }
0x144: {  	s16 =	simm.s32 $0x0;
	s17 =	simm.s32 $0x800  }
.LBB2_4:
0x145: {  	p0 =	sne.s32 s17, $0xF800;
	v0 =	vld [tilespmem:s16+$0xC4F0]  }
0x146: {  	v1 =	vld [tilespmem:s16+$0xC300]  }
0x147: {  	v2 =	vld [tilespmem:s16+$0xC310]  }
0x148: {  	v3 =	vld [tilespmem:s16+$0xC320]  }
0x149: {  	v4 =	vld [tilespmem:s16+$0xC330]  }
0x14a: {  	[tilespmem:s16+$0x44F0] =	vst.add.f32.msk $0xffff, v0  }
0x14b: {  	v0 =	vld [tilespmem:s16+$0xC340]  }
0x14c: {  	v5 =	vld [tilespmem:s16+$0xC350]  }
0x14d: {  	v6 =	vld [tilespmem:s16+$0xC360]  }
0x14e: {  	v7 =	vld [tilespmem:s16+$0xC370]  }
0x14f: {  	v8 =	vld [tilespmem:s16+$0xC380]  }
0x150: {  	v9 =	vld [tilespmem:s16+$0xC390]  }
0x151: {  	v10 =	vld [tilespmem:s16+$0xC3A0]  }
0x152: {  	v11 =	vld [tilespmem:s16+$0xC3B0]  }
0x153: {  	v12 =	vld [tilespmem:s16+$0xC3C0]  }
0x154: {  	v13 =	vld [tilespmem:s16+$0xC3D0]  }
0x155: {  	v14 =	vld [tilespmem:s16+$0xC3E0]  }
0x156: {  	v15 =	vld [tilespmem:s16+$0xC3F0]  }
0x157: {  	v16 =	vld [tilespmem:s16+$0xC400]  }
0x158: {  	v17 =	vld [tilespmem:s16+$0xC410]  }
0x159: {  	v18 =	vld [tilespmem:s16+$0xC420]  }
0x15a: {  	v19 =	vld [tilespmem:s16+$0xC430]  }
0x15b: {  	v20 =	vld [tilespmem:s16+$0xC440]  }
0x15c: {  	v21 =	vld [tilespmem:s16+$0xC450]  }
0x15d: {  	v22 =	vld [tilespmem:s16+$0xC460]  }
0x15e: {  	v23 =	vld [tilespmem:s16+$0xC470]  }
0x15f: {  	v24 =	vld [tilespmem:s16+$0xC480]  }
0x160: {  	v25 =	vld [tilespmem:s16+$0xC490]  }
0x161: {  	v26 =	vld [tilespmem:s16+$0xC4A0]  }
0x162: {  	v27 =	vld [tilespmem:s16+$0xC4B0]  }
0x163: {  	v28 =	vld [tilespmem:s16+$0xC4C0]  }
0x164: {  	v29 =	vld [tilespmem:s16+$0xC4D0]  }
0x165: {  	v30 =	vld [tilespmem:s16+$0xC4E0]  }
0x166: {  	[tilespmem:s16+$0x4300] =	vst.add.f32.msk $0xffff, v1  }
0x167: {  	[tilespmem:s16+$0x4310] =	vst.add.f32.msk $0xffff, v2  }
0x168: {  	[tilespmem:s16+$0x4320] =	vst.add.f32.msk $0xffff, v3  }
0x169: {  	[tilespmem:s16+$0x4330] =	vst.add.f32.msk $0xffff, v4  }
0x16a: {  	[tilespmem:s16+$0x4340] =	vst.add.f32.msk $0xffff, v0  }
0x16b: {  	[tilespmem:s16+$0x4350] =	vst.add.f32.msk $0xffff, v5  }
0x16c: {  	[tilespmem:s16+$0x4360] =	vst.add.f32.msk $0xffff, v6  }
0x16d: {  	[tilespmem:s16+$0x4370] =	vst.add.f32.msk $0xffff, v7  }
0x16e: {  	[tilespmem:s16+$0x4380] =	vst.add.f32.msk $0xffff, v8  }
0x16f: {  	[tilespmem:s16+$0x4390] =	vst.add.f32.msk $0xffff, v9  }
0x170: {  	[tilespmem:s16+$0x43A0] =	vst.add.f32.msk $0xffff, v10  }
0x171: {  	[tilespmem:s16+$0x43B0] =	vst.add.f32.msk $0xffff, v11  }
0x172: {  	[tilespmem:s16+$0x43C0] =	vst.add.f32.msk $0xffff, v12  }
0x173: {  	[tilespmem:s16+$0x43D0] =	vst.add.f32.msk $0xffff, v13  }
0x174: {  	[tilespmem:s16+$0x43E0] =	vst.add.f32.msk $0xffff, v14  }
0x175: {  	[tilespmem:s16+$0x43F0] =	vst.add.f32.msk $0xffff, v15  }
0x176: {  	[tilespmem:s16+$0x4400] =	vst.add.f32.msk $0xffff, v16  }
0x177: {  	[tilespmem:s16+$0x4410] =	vst.add.f32.msk $0xffff, v17  }
0x178: {  	[tilespmem:s16+$0x4420] =	vst.add.f32.msk $0xffff, v18  }
0x179: {  	[tilespmem:s16+$0x4430] =	vst.add.f32.msk $0xffff, v19  }
0x17a: {  	[tilespmem:s16+$0x4440] =	vst.add.f32.msk $0xffff, v20  }
0x17b: {  	[tilespmem:s16+$0x4450] =	vst.add.f32.msk $0xffff, v21  }
0x17c: {  	[tilespmem:s16+$0x4460] =	vst.add.f32.msk $0xffff, v22  }
0x17d: {  	[tilespmem:s16+$0x4470] =	vst.add.f32.msk $0xffff, v23  }
0x17e: {  	[tilespmem:s16+$0x4480] =	vst.add.f32.msk $0xffff, v24  }
0x17f: {  	[tilespmem:s16+$0x4490] =	vst.add.f32.msk $0xffff, v25  }
.Ltmp1:
0x180: {  	[tilespmem:s16+$0x44A0] =	vst.add.f32.msk $0xffff, v26;
	(pc) =	sbr.rel @p0 .LBB2_4-.Ltmp1, $4  }
0x181: {  	[tilespmem:s16+$0x44B0] =	vst.add.f32.msk $0xffff, v27  }
0x182: {  	[tilespmem:s16+$0x44C0] =	vst.add.f32.msk $0xffff, v28  }
0x183: {  	[tilespmem:s16+$0x44D0] =	vst.add.f32.msk $0xffff, v29  }
0x184: {  	[tilespmem:s16+$0x44E0] =	vst.add.f32.msk $0xffff, v30;
	s16 =	sshra.s32 s17, $0x2;
	s17 =	sadd.s32 $0x800, s17  }
0x185: {  	v0 =	vld [tilespmem:s16+$0xC4F0]  }
0x186: {  	v1 =	vld [tilespmem:s16+$0xC300]  }
0x187: {  	v2 =	vld [tilespmem:s16+$0xC310]  }
0x188: {  	v3 =	vld [tilespmem:s16+$0xC320]  }
0x189: {  	v4 =	vld [tilespmem:s16+$0xC330]  }
0x18a: {  	v33 =	vld [tilespmem:s16+$0xC340]  }
0x18b: {  	v5 =	vld [tilespmem:s16+$0xC350]  }
0x18c: {  	v6 =	vld [tilespmem:s16+$0xC360]  }
0x18d: {  	v7 =	vld [tilespmem:s16+$0xC370]  }
0x18e: {  	v8 =	vld [tilespmem:s16+$0xC380]  }
0x18f: {  	v9 =	vld [tilespmem:s16+$0xC390]  }
0x190: {  	v10 =	vld [tilespmem:s16+$0xC3A0]  }
0x191: {  	v11 =	vld [tilespmem:s16+$0xC3B0]  }
0x192: {  	v12 =	vld [tilespmem:s16+$0xC3C0]  }
0x193: {  	v13 =	vld [tilespmem:s16+$0xC3D0]  }
0x194: {  	v14 =	vld [tilespmem:s16+$0xC3E0]  }
0x195: {  	v15 =	vld [tilespmem:s16+$0xC3F0]  }
0x196: {  	v16 =	vld [tilespmem:s16+$0xC400]  }
0x197: {  	v17 =	vld [tilespmem:s16+$0xC410]  }
0x198: {  	v18 =	vld [tilespmem:s16+$0xC420]  }
0x199: {  	v19 =	vld [tilespmem:s16+$0xC430]  }
0x19a: {  	v20 =	vld [tilespmem:s16+$0xC440]  }
0x19b: {  	v21 =	vld [tilespmem:s16+$0xC450]  }
0x19c: {  	v22 =	vld [tilespmem:s16+$0xC460]  }
0x19d: {  	v23 =	vld [tilespmem:s16+$0xC470]  }
0x19e: {  	v24 =	vld [tilespmem:s16+$0xC480]  }
0x19f: {  	v25 =	vld [tilespmem:s16+$0xC490]  }
0x1a0: {  	v26 =	vld [tilespmem:s16+$0xC4A0]  }
0x1a1: {  	v27 =	vld [tilespmem:s16+$0xC4B0]  }
0x1a2: {  	v28 =	vld [tilespmem:s16+$0xC4C0]  }
0x1a3: {  	v29 =	vld [tilespmem:s16+$0xC4D0]  }
0x1a4: {  	v30 =	vld [tilespmem:s16+$0xC4E0]  }
0x1a5: {  	[tilespmem:s16+$0x44F0] =	vst.add.f32.msk $0xffff, v0  }
0x1a6: {  	[tilespmem:s16+$0x4300] =	vst.add.f32.msk $0xffff, v1  }
0x1a7: {  	[tilespmem:s16+$0x4310] =	vst.add.f32.msk $0xffff, v2  }
0x1a8: {  	[tilespmem:s16+$0x4320] =	vst.add.f32.msk $0xffff, v3  }
0x1a9: {  	[tilespmem:s16+$0x4330] =	vst.add.f32.msk $0xffff, v4  }
0x1aa: {  	[tilespmem:s16+$0x4340] =	vst.add.f32.msk $0xffff, v33  }
0x1ab: {  	[tilespmem:s16+$0x4350] =	vst.add.f32.msk $0xffff, v5  }
0x1ac: {  	[tilespmem:s16+$0x4360] =	vst.add.f32.msk $0xffff, v6  }
0x1ad: {  	[tilespmem:s16+$0x4370] =	vst.add.f32.msk $0xffff, v7  }
0x1ae: {  	[tilespmem:s16+$0x4380] =	vst.add.f32.msk $0xffff, v8  }
0x1af: {  	[tilespmem:s16+$0x4390] =	vst.add.f32.msk $0xffff, v9  }
0x1b0: {  	[tilespmem:s16+$0x43A0] =	vst.add.f32.msk $0xffff, v10  }
0x1b1: {  	[tilespmem:s16+$0x43B0] =	vst.add.f32.msk $0xffff, v11  }
0x1b2: {  	[tilespmem:s16+$0x43C0] =	vst.add.f32.msk $0xffff, v12  }
0x1b3: {  	[tilespmem:s16+$0x43D0] =	vst.add.f32.msk $0xffff, v13  }
0x1b4: {  	[tilespmem:s16+$0x43E0] =	vst.add.f32.msk $0xffff, v14  }
0x1b5: {  	[tilespmem:s16+$0x43F0] =	vst.add.f32.msk $0xffff, v15  }
0x1b6: {  	[tilespmem:s16+$0x4400] =	vst.add.f32.msk $0xffff, v16  }
0x1b7: {  	[tilespmem:s16+$0x4410] =	vst.add.f32.msk $0xffff, v17  }
0x1b8: {  	[tilespmem:s16+$0x4420] =	vst.add.f32.msk $0xffff, v18  }
0x1b9: {  	[tilespmem:s16+$0x4430] =	vst.add.f32.msk $0xffff, v19  }
0x1ba: {  	[tilespmem:s16+$0x4440] =	vst.add.f32.msk $0xffff, v20  }
0x1bb: {  	[tilespmem:s16+$0x4450] =	vst.add.f32.msk $0xffff, v21  }
0x1bc: {  	[tilespmem:s16+$0x4460] =	vst.add.f32.msk $0xffff, v22  }
0x1bd: {  	[tilespmem:s16+$0x4470] =	vst.add.f32.msk $0xffff, v23  }
0x1be: {  	[tilespmem:s16+$0x4480] =	vst.add.f32.msk $0xffff, v24  }
0x1bf: {  	[tilespmem:s16+$0x4490] =	vst.add.f32.msk $0xffff, v25  }
0x1c0: {  	[tilespmem:s16+$0x44A0] =	vst.add.f32.msk $0xffff, v26  }
0x1c1: {  	[tilespmem:s16+$0x44B0] =	vst.add.f32.msk $0xffff, v27  }
0x1c2: {  	[tilespmem:s16+$0x44C0] =	vst.add.f32.msk $0xffff, v28  }
0x1c3: {  	[tilespmem:s16+$0x44D0] =	vst.add.f32.msk $0xffff, v29  }
0x1c4: {  	s18 =	simm.s32 $0x0;
	[tilespmem:s16+$0x44E0] =	vst.add.f32.msk $0xffff, v30  }
0x1c5: {  	[hbm4b:s19+s18] =	stream.linear.scatter [tilespmem:s8], [sflag:$0x8], $0x4000, $0x38;
	[tilespmem:$0x10300] =	vst v63  }
0x1c6: {  	_ =	swait.ge [sflag:s7], $0x80  }
0x1c7: {  	[sflag:s7] =	ssyncset.done $0x0  }
0x1c8: {  	[sflag:s7] =	ssyncadd.s32 $0xFFFFFF80  }
0x1c9: {  	_ =	swait.ge [sflag:s7], $0x80  }
0x1ca: {  	[sflag:s7] =	ssyncset.done $0x0  }
0x1cb: {  	[sflag:s7] =	ssyncadd.s32 $0xFFFFFF80  }
0x1cc: {  	_ =	swait.ge [sflag:s7], $0x80  }
0x1cd: {  	[sflag:s7] =	ssyncset.done $0x0  }
0x1ce: {  	[sflag:s7] =	ssyncadd.s32 $0xFFFFFF80  }
0x1cf: {  	v34 =	vld [tilespmem:$0x280]  }
0x1d0: {  	v35 =	vld [tilespmem:$0x180]  }
0x1d1: {  	v36 =	vld [tilespmem:$0x290]  }
0x1d2: {  	v37 =	vld [tilespmem:$0x190]  }
0x1d3: {  	v38 =	vld [tilespmem:$0x2A0]  }
0x1d4: {  	v39 =	vld [tilespmem:$0x1A0]  }
0x1d5: {  	v40 =	vld [tilespmem:$0x2B0]  }
0x1d6: {  	v41 =	vld [tilespmem:$0x1B0]  }
0x1d7: {  	v42 =	vld [tilespmem:$0x2C0]  }
0x1d8: {  	v43 =	vld [tilespmem:$0x1C0]  }
0x1d9: {  	v44 =	vld [tilespmem:$0x2D0]  }
0x1da: {  	v45 =	vld [tilespmem:$0x1D0]  }
0x1db: {  	v46 =	vld [tilespmem:$0x2E0];
	v0 =	vshll.u32 v34, $0xC  }
0x1dc: {  	v48 =	vld [tilespmem:$0x1E0];
	v47 =	vshll.u32 v36, $0xC;
	v0 =	vadd.s32 v35, v0  }
0x1dd: {  	v51 =	vld [tilespmem:$0x2F0];
	v50 =	vshll.u32 v38, $0xC;
	v49 =	vadd.s32 v37, v47;
	[tilespmem:$0x180] =	vst v0  }
0x1de: {  	v54 =	vld [tilespmem:$0x1F0];
	v53 =	vshll.u32 v40, $0xC;
	v52 =	vadd.s32 v39, v50;
	[tilespmem:$0x190] =	vst v49  }
0x1df: {  	v56 =	vshll.u32 v42, $0xC;
	v55 =	vadd.s32 v41, v53;
	[tilespmem:$0x1A0] =	vst v52  }
0x1e0: {  	v58 =	vshll.u32 v44, $0xC;
	v57 =	vadd.s32 v43, v56;
	[tilespmem:$0x1B0] =	vst v55  }
0x1e1: {  	v60 =	vshll.u32 v46, $0xC;
	v59 =	vadd.s32 v45, v58;
	[tilespmem:$0x1C0] =	vst v57  }
0x1e2: {  	v62 =	vshll.u32 v51, $0xC;
	v61 =	vadd.s32 v48, v60;
	[tilespmem:$0x1D0] =	vst v59  }
0x1e3: {  	v63 =	vadd.s32 v54, v62;
	[tilespmem:$0x1E0] =	vst v61  }
0x1e4: {  	[tilespmem:$0x1F0] =	vst v63  }
0x1e5: {  	_ =	swait.ge [sflag:s31], $0x4000  }
0x1e6: {  	[sflag:s31] =	ssyncset.done $0x0  }
0x1e7: {  	[sflag:s31] =	ssyncadd.s32 $0xFFFFC000  }
0x1e8: {  	[tilespmem:s8], [sflag:$0x4] =	stream.indirect.gather [hbm4b:s1+s25], $0x80, s2, s25, $0xb8;
	[tilespmem:$0x10300] =	vst v63  }
0x1e9: {  	_ = 	snop  }
0x1ea: {  	[tilespmem:s24], [sflag:$0x4] =	stream.indirect.gather [hbm4b:s1+s25], $0x80, s9, s25, $0xb8;
	[tilespmem:$0x10300] =	vst v63  }
0x1eb: {  	_ = 	snop  }
0x1ec: {  	[tilespmem:s10], [sflag:$0x6] =	stream.indirect.gather [hbm4b:s4+s25], $0x80, s0, s25, $0xb8;
	[tilespmem:$0x10300] =	vst v63  }
0x1ed: {  	_ = 	snop  }
0x1ee: {  	[tilespmem:s28], [sflag:$0x6] =	stream.indirect.gather [hbm4b:s4+s25], $0x80, s11, s25, $0xb8;
	[tilespmem:$0x10300] =	vst v63  }
0x1ef: {  	_ =	swait.ge [sflag:s12], $0x2000  }
0x1f0: {  	[sflag:s12] =	ssyncset.done $0x0  }
0x1f1: {  	[sflag:s12] =	ssyncadd.s32 $0xFFFFE000  }
0x1f2: {  	_ =	swait.ge [sflag:s12], $0x2000  }
0x1f3: {  	[sflag:s12] =	ssyncset.done $0x0  }
0x1f4: {  	[sflag:s12] =	ssyncadd.s32 $0xFFFFE000  }
0x1f5: {  	_ =	swait.ge [sflag:s29], $0x2000  }
0x1f6: {  	[sflag:s29] =	ssyncset.done $0x0  }
0x1f7: {  	[sflag:s29] =	ssyncadd.s32 $0xFFFFE000  }
0x1f8: {  	_ =	swait.ge [sflag:s29], $0x2000  }
0x1f9: {  	[sflag:s29] =	ssyncset.done $0x0  }
0x1fa: {  	s17 =	simm.s32 $0x800;
	s16 =	simm.s32 $0x0;
	[sflag:s29] =	ssyncadd.s32 $0xFFFFE000  }
.LBB2_6:
0x1fb: {  	p0 =	sne.s32 s17, $0xF800;
	v0 =	vld [tilespmem:s16+$0x84F0]  }
0x1fc: {  	v1 =	vld [tilespmem:s16+$0x8300]  }
0x1fd: {  	v2 =	vld [tilespmem:s16+$0x8310]  }
0x1fe: {  	v3 =	vld [tilespmem:s16+$0x8320]  }
0x1ff: {  	v4 =	vld [tilespmem:s16+$0x8330]  }
0x200: {  	[tilespmem:s16+$0x4F0] =	vst.add.f32.msk $0xffff, v0  }
0x201: {  	v0 =	vld [tilespmem:s16+$0x8340]  }
0x202: {  	v5 =	vld [tilespmem:s16+$0x8350]  }
0x203: {  	v6 =	vld [tilespmem:s16+$0x8360]  }
0x204: {  	v7 =	vld [tilespmem:s16+$0x8370]  }
0x205: {  	v8 =	vld [tilespmem:s16+$0x8380]  }
0x206: {  	v9 =	vld [tilespmem:s16+$0x8390]  }
0x207: {  	v10 =	vld [tilespmem:s16+$0x83A0]  }
0x208: {  	v11 =	vld [tilespmem:s16+$0x83B0]  }
0x209: {  	v12 =	vld [tilespmem:s16+$0x83C0]  }
0x20a: {  	v13 =	vld [tilespmem:s16+$0x83D0]  }
0x20b: {  	v14 =	vld [tilespmem:s16+$0x83E0]  }
0x20c: {  	v15 =	vld [tilespmem:s16+$0x83F0]  }
0x20d: {  	v16 =	vld [tilespmem:s16+$0x8400]  }
0x20e: {  	v17 =	vld [tilespmem:s16+$0x8410]  }
0x20f: {  	v18 =	vld [tilespmem:s16+$0x8420]  }
0x210: {  	v19 =	vld [tilespmem:s16+$0x8430]  }
0x211: {  	v20 =	vld [tilespmem:s16+$0x8440]  }
0x212: {  	v21 =	vld [tilespmem:s16+$0x8450]  }
0x213: {  	v22 =	vld [tilespmem:s16+$0x8460]  }
0x214: {  	v23 =	vld [tilespmem:s16+$0x8470]  }
0x215: {  	v24 =	vld [tilespmem:s16+$0x8480]  }
0x216: {  	v25 =	vld [tilespmem:s16+$0x8490]  }
0x217: {  	v26 =	vld [tilespmem:s16+$0x84A0]  }
0x218: {  	v27 =	vld [tilespmem:s16+$0x84B0]  }
0x219: {  	v28 =	vld [tilespmem:s16+$0x84C0]  }
0x21a: {  	v29 =	vld [tilespmem:s16+$0x84D0]  }
0x21b: {  	v30 =	vld [tilespmem:s16+$0x84E0]  }
0x21c: {  	[tilespmem:s16+$0x300] =	vst.add.f32.msk $0xffff, v1  }
0x21d: {  	[tilespmem:s16+$0x310] =	vst.add.f32.msk $0xffff, v2  }
0x21e: {  	[tilespmem:s16+$0x320] =	vst.add.f32.msk $0xffff, v3  }
0x21f: {  	[tilespmem:s16+$0x330] =	vst.add.f32.msk $0xffff, v4  }
0x220: {  	[tilespmem:s16+$0x340] =	vst.add.f32.msk $0xffff, v0  }
0x221: {  	[tilespmem:s16+$0x350] =	vst.add.f32.msk $0xffff, v5  }
0x222: {  	[tilespmem:s16+$0x360] =	vst.add.f32.msk $0xffff, v6  }
0x223: {  	[tilespmem:s16+$0x370] =	vst.add.f32.msk $0xffff, v7  }
0x224: {  	[tilespmem:s16+$0x380] =	vst.add.f32.msk $0xffff, v8  }
0x225: {  	[tilespmem:s16+$0x390] =	vst.add.f32.msk $0xffff, v9  }
0x226: {  	[tilespmem:s16+$0x3A0] =	vst.add.f32.msk $0xffff, v10  }
0x227: {  	[tilespmem:s16+$0x3B0] =	vst.add.f32.msk $0xffff, v11  }
0x228: {  	[tilespmem:s16+$0x3C0] =	vst.add.f32.msk $0xffff, v12  }
0x229: {  	[tilespmem:s16+$0x3D0] =	vst.add.f32.msk $0xffff, v13  }
0x22a: {  	[tilespmem:s16+$0x3E0] =	vst.add.f32.msk $0xffff, v14  }
0x22b: {  	[tilespmem:s16+$0x3F0] =	vst.add.f32.msk $0xffff, v15  }
0x22c: {  	[tilespmem:s16+$0x400] =	vst.add.f32.msk $0xffff, v16  }
0x22d: {  	[tilespmem:s16+$0x410] =	vst.add.f32.msk $0xffff, v17  }
0x22e: {  	[tilespmem:s16+$0x420] =	vst.add.f32.msk $0xffff, v18  }
0x22f: {  	[tilespmem:s16+$0x430] =	vst.add.f32.msk $0xffff, v19  }
0x230: {  	[tilespmem:s16+$0x440] =	vst.add.f32.msk $0xffff, v20  }
0x231: {  	[tilespmem:s16+$0x450] =	vst.add.f32.msk $0xffff, v21  }
0x232: {  	[tilespmem:s16+$0x460] =	vst.add.f32.msk $0xffff, v22  }
0x233: {  	[tilespmem:s16+$0x470] =	vst.add.f32.msk $0xffff, v23  }
0x234: {  	[tilespmem:s16+$0x480] =	vst.add.f32.msk $0xffff, v24  }
0x235: {  	[tilespmem:s16+$0x490] =	vst.add.f32.msk $0xffff, v25  }
.Ltmp2:
0x236: {  	[tilespmem:s16+$0x4A0] =	vst.add.f32.msk $0xffff, v26;
	(pc) =	sbr.rel @p0 .LBB2_6-.Ltmp2, $4  }
0x237: {  	[tilespmem:s16+$0x4B0] =	vst.add.f32.msk $0xffff, v27  }
0x238: {  	[tilespmem:s16+$0x4C0] =	vst.add.f32.msk $0xffff, v28  }
0x239: {  	[tilespmem:s16+$0x4D0] =	vst.add.f32.msk $0xffff, v29  }
0x23a: {  	[tilespmem:s16+$0x4E0] =	vst.add.f32.msk $0xffff, v30;
	s16 =	sshra.s32 s17, $0x2;
	s17 =	sadd.s32 $0x800, s17  }
0x23b: {  	v0 =	vld [tilespmem:s16+$0x84F0]  }
0x23c: {  	v1 =	vld [tilespmem:s16+$0x8300]  }
0x23d: {  	v2 =	vld [tilespmem:s16+$0x8310]  }
0x23e: {  	v3 =	vld [tilespmem:s16+$0x8320]  }
0x23f: {  	v4 =	vld [tilespmem:s16+$0x8330]  }
0x240: {  	v63 =	vld [tilespmem:s16+$0x8340]  }
0x241: {  	v5 =	vld [tilespmem:s16+$0x8350]  }
0x242: {  	v6 =	vld [tilespmem:s16+$0x8360]  }
0x243: {  	v7 =	vld [tilespmem:s16+$0x8370]  }
0x244: {  	v8 =	vld [tilespmem:s16+$0x8380]  }
0x245: {  	v9 =	vld [tilespmem:s16+$0x8390]  }
0x246: {  	v10 =	vld [tilespmem:s16+$0x83A0]  }
0x247: {  	v11 =	vld [tilespmem:s16+$0x83B0]  }
0x248: {  	v12 =	vld [tilespmem:s16+$0x83C0]  }
0x249: {  	v13 =	vld [tilespmem:s16+$0x83D0]  }
0x24a: {  	v14 =	vld [tilespmem:s16+$0x83E0]  }
0x24b: {  	v15 =	vld [tilespmem:s16+$0x83F0]  }
0x24c: {  	v16 =	vld [tilespmem:s16+$0x8400]  }
0x24d: {  	v17 =	vld [tilespmem:s16+$0x8410]  }
0x24e: {  	v18 =	vld [tilespmem:s16+$0x8420]  }
0x24f: {  	v19 =	vld [tilespmem:s16+$0x8430]  }
0x250: {  	v20 =	vld [tilespmem:s16+$0x8440]  }
0x251: {  	v21 =	vld [tilespmem:s16+$0x8450]  }
0x252: {  	v22 =	vld [tilespmem:s16+$0x8460]  }
0x253: {  	v23 =	vld [tilespmem:s16+$0x8470]  }
0x254: {  	v24 =	vld [tilespmem:s16+$0x8480]  }
0x255: {  	v25 =	vld [tilespmem:s16+$0x8490]  }
0x256: {  	v26 =	vld [tilespmem:s16+$0x84A0]  }
0x257: {  	v27 =	vld [tilespmem:s16+$0x84B0]  }
0x258: {  	v28 =	vld [tilespmem:s16+$0x84C0]  }
0x259: {  	v29 =	vld [tilespmem:s16+$0x84D0]  }
0x25a: {  	v30 =	vld [tilespmem:s16+$0x84E0]  }
0x25b: {  	[tilespmem:s16+$0x4F0] =	vst.add.f32.msk $0xffff, v0  }
0x25c: {  	[tilespmem:s16+$0x300] =	vst.add.f32.msk $0xffff, v1  }
0x25d: {  	[tilespmem:s16+$0x310] =	vst.add.f32.msk $0xffff, v2  }
0x25e: {  	[tilespmem:s16+$0x320] =	vst.add.f32.msk $0xffff, v3  }
0x25f: {  	[tilespmem:s16+$0x330] =	vst.add.f32.msk $0xffff, v4  }
0x260: {  	[tilespmem:s16+$0x340] =	vst.add.f32.msk $0xffff, v63  }
0x261: {  	[tilespmem:s16+$0x350] =	vst.add.f32.msk $0xffff, v5  }
0x262: {  	[tilespmem:s16+$0x360] =	vst.add.f32.msk $0xffff, v6  }
0x263: {  	[tilespmem:s16+$0x370] =	vst.add.f32.msk $0xffff, v7  }
0x264: {  	[tilespmem:s16+$0x380] =	vst.add.f32.msk $0xffff, v8  }
0x265: {  	[tilespmem:s16+$0x390] =	vst.add.f32.msk $0xffff, v9  }
0x266: {  	[tilespmem:s16+$0x3A0] =	vst.add.f32.msk $0xffff, v10  }
0x267: {  	[tilespmem:s16+$0x3B0] =	vst.add.f32.msk $0xffff, v11  }
0x268: {  	[tilespmem:s16+$0x3C0] =	vst.add.f32.msk $0xffff, v12  }
0x269: {  	[tilespmem:s16+$0x3D0] =	vst.add.f32.msk $0xffff, v13  }
0x26a: {  	[tilespmem:s16+$0x3E0] =	vst.add.f32.msk $0xffff, v14  }
0x26b: {  	[tilespmem:s16+$0x3F0] =	vst.add.f32.msk $0xffff, v15  }
0x26c: {  	[tilespmem:s16+$0x400] =	vst.add.f32.msk $0xffff, v16  }
0x26d: {  	[tilespmem:s16+$0x410] =	vst.add.f32.msk $0xffff, v17  }
0x26e: {  	[tilespmem:s16+$0x420] =	vst.add.f32.msk $0xffff, v18  }
0x26f: {  	[tilespmem:s16+$0x430] =	vst.add.f32.msk $0xffff, v19  }
0x270: {  	[tilespmem:s16+$0x440] =	vst.add.f32.msk $0xffff, v20  }
0x271: {  	[tilespmem:s16+$0x450] =	vst.add.f32.msk $0xffff, v21  }
0x272: {  	[tilespmem:s16+$0x460] =	vst.add.f32.msk $0xffff, v22  }
0x273: {  	[tilespmem:s16+$0x470] =	vst.add.f32.msk $0xffff, v23  }
0x274: {  	[tilespmem:s16+$0x480] =	vst.add.f32.msk $0xffff, v24  }
0x275: {  	[tilespmem:s16+$0x490] =	vst.add.f32.msk $0xffff, v25  }
0x276: {  	[tilespmem:s16+$0x4A0] =	vst.add.f32.msk $0xffff, v26  }
0x277: {  	[tilespmem:s16+$0x4B0] =	vst.add.f32.msk $0xffff, v27  }
0x278: {  	[tilespmem:s16+$0x4C0] =	vst.add.f32.msk $0xffff, v28  }
0x279: {  	[tilespmem:s16+$0x4D0] =	vst.add.f32.msk $0xffff, v29  }
0x27a: {  	s18 =	simm.s32 $0x0;
	[tilespmem:s16+$0x4E0] =	vst.add.f32.msk $0xffff, v30  }
0x27b: {  	[hbm4b:s20+s18] =	stream.linear.scatter [tilespmem:s26], [sflag:$0x7], $0x4000, $0x38;
	[tilespmem:$0x10300] =	vst v63  }
0x27c: {  	_ =	swait.ge [sflag:s30], $0x2000  }
0x27d: {  	[sflag:s30] =	ssyncset.done $0x0  }
0x27e: {  	[sflag:s30] =	ssyncadd.s32 $0xFFFFE000  }
0x27f: {  	_ =	swait.ge [sflag:s30], $0x2000  }
0x280: {  	[sflag:s30] =	ssyncset.done $0x0  }
0x281: {  	[sflag:s30] =	ssyncadd.s32 $0xFFFFE000  }
0x282: {  	_ =	swait.ge [sflag:s14], $0x2000  }
0x283: {  	[sflag:s14] =	ssyncset.done $0x0  }
0x284: {  	[sflag:s14] =	ssyncadd.s32 $0xFFFFE000  }
0x285: {  	_ =	swait.ge [sflag:s14], $0x2000  }
0x286: {  	[sflag:s14] =	ssyncset.done $0x0  }
0x287: {  	s17 =	simm.s32 $0x800;
	s16 =	simm.s32 $0x0;
	[sflag:s14] =	ssyncadd.s32 $0xFFFFE000  }
.LBB2_8:
0x288: {  	p0 =	sne.s32 s17, $0xF800;
	v0 =	vld [tilespmem:s16+$0xC4F0]  }
0x289: {  	v1 =	vld [tilespmem:s16+$0xC300]  }
0x28a: {  	v2 =	vld [tilespmem:s16+$0xC310]  }
0x28b: {  	v3 =	vld [tilespmem:s16+$0xC320]  }
0x28c: {  	v4 =	vld [tilespmem:s16+$0xC330]  }
0x28d: {  	[tilespmem:s16+$0x44F0] =	vst.add.f32.msk $0xffff, v0  }
0x28e: {  	v0 =	vld [tilespmem:s16+$0xC340]  }
0x28f: {  	v5 =	vld [tilespmem:s16+$0xC350]  }
0x290: {  	v6 =	vld [tilespmem:s16+$0xC360]  }
0x291: {  	v7 =	vld [tilespmem:s16+$0xC370]  }
0x292: {  	v8 =	vld [tilespmem:s16+$0xC380]  }
0x293: {  	v9 =	vld [tilespmem:s16+$0xC390]  }
0x294: {  	v10 =	vld [tilespmem:s16+$0xC3A0]  }
0x295: {  	v11 =	vld [tilespmem:s16+$0xC3B0]  }
0x296: {  	v12 =	vld [tilespmem:s16+$0xC3C0]  }
0x297: {  	v13 =	vld [tilespmem:s16+$0xC3D0]  }
0x298: {  	v14 =	vld [tilespmem:s16+$0xC3E0]  }
0x299: {  	v15 =	vld [tilespmem:s16+$0xC3F0]  }
0x29a: {  	v16 =	vld [tilespmem:s16+$0xC400]  }
0x29b: {  	v17 =	vld [tilespmem:s16+$0xC410]  }
0x29c: {  	v18 =	vld [tilespmem:s16+$0xC420]  }
0x29d: {  	v19 =	vld [tilespmem:s16+$0xC430]  }
0x29e: {  	v20 =	vld [tilespmem:s16+$0xC440]  }
0x29f: {  	v21 =	vld [tilespmem:s16+$0xC450]  }
0x2a0: {  	v22 =	vld [tilespmem:s16+$0xC460]  }
0x2a1: {  	v23 =	vld [tilespmem:s16+$0xC470]  }
0x2a2: {  	v24 =	vld [tilespmem:s16+$0xC480]  }
0x2a3: {  	v25 =	vld [tilespmem:s16+$0xC490]  }
0x2a4: {  	v26 =	vld [tilespmem:s16+$0xC4A0]  }
0x2a5: {  	v27 =	vld [tilespmem:s16+$0xC4B0]  }
0x2a6: {  	v28 =	vld [tilespmem:s16+$0xC4C0]  }
0x2a7: {  	v29 =	vld [tilespmem:s16+$0xC4D0]  }
0x2a8: {  	v30 =	vld [tilespmem:s16+$0xC4E0]  }
0x2a9: {  	[tilespmem:s16+$0x4300] =	vst.add.f32.msk $0xffff, v1  }
0x2aa: {  	[tilespmem:s16+$0x4310] =	vst.add.f32.msk $0xffff, v2  }
0x2ab: {  	[tilespmem:s16+$0x4320] =	vst.add.f32.msk $0xffff, v3  }
0x2ac: {  	[tilespmem:s16+$0x4330] =	vst.add.f32.msk $0xffff, v4  }
0x2ad: {  	[tilespmem:s16+$0x4340] =	vst.add.f32.msk $0xffff, v0  }
0x2ae: {  	[tilespmem:s16+$0x4350] =	vst.add.f32.msk $0xffff, v5  }
0x2af: {  	[tilespmem:s16+$0x4360] =	vst.add.f32.msk $0xffff, v6  }
0x2b0: {  	[tilespmem:s16+$0x4370] =	vst.add.f32.msk $0xffff, v7  }
0x2b1: {  	[tilespmem:s16+$0x4380] =	vst.add.f32.msk $0xffff, v8  }
0x2b2: {  	[tilespmem:s16+$0x4390] =	vst.add.f32.msk $0xffff, v9  }
0x2b3: {  	[tilespmem:s16+$0x43A0] =	vst.add.f32.msk $0xffff, v10  }
0x2b4: {  	[tilespmem:s16+$0x43B0] =	vst.add.f32.msk $0xffff, v11  }
0x2b5: {  	[tilespmem:s16+$0x43C0] =	vst.add.f32.msk $0xffff, v12  }
0x2b6: {  	[tilespmem:s16+$0x43D0] =	vst.add.f32.msk $0xffff, v13  }
0x2b7: {  	[tilespmem:s16+$0x43E0] =	vst.add.f32.msk $0xffff, v14  }
0x2b8: {  	[tilespmem:s16+$0x43F0] =	vst.add.f32.msk $0xffff, v15  }
0x2b9: {  	[tilespmem:s16+$0x4400] =	vst.add.f32.msk $0xffff, v16  }
0x2ba: {  	[tilespmem:s16+$0x4410] =	vst.add.f32.msk $0xffff, v17  }
0x2bb: {  	[tilespmem:s16+$0x4420] =	vst.add.f32.msk $0xffff, v18  }
0x2bc: {  	[tilespmem:s16+$0x4430] =	vst.add.f32.msk $0xffff, v19  }
0x2bd: {  	[tilespmem:s16+$0x4440] =	vst.add.f32.msk $0xffff, v20  }
0x2be: {  	[tilespmem:s16+$0x4450] =	vst.add.f32.msk $0xffff, v21  }
0x2bf: {  	[tilespmem:s16+$0x4460] =	vst.add.f32.msk $0xffff, v22  }
0x2c0: {  	[tilespmem:s16+$0x4470] =	vst.add.f32.msk $0xffff, v23  }
0x2c1: {  	[tilespmem:s16+$0x4480] =	vst.add.f32.msk $0xffff, v24  }
0x2c2: {  	[tilespmem:s16+$0x4490] =	vst.add.f32.msk $0xffff, v25  }
.Ltmp3:
0x2c3: {  	[tilespmem:s16+$0x44A0] =	vst.add.f32.msk $0xffff, v26;
	(pc) =	sbr.rel @p0 .LBB2_8-.Ltmp3, $4  }
0x2c4: {  	[tilespmem:s16+$0x44B0] =	vst.add.f32.msk $0xffff, v27  }
0x2c5: {  	[tilespmem:s16+$0x44C0] =	vst.add.f32.msk $0xffff, v28  }
0x2c6: {  	[tilespmem:s16+$0x44D0] =	vst.add.f32.msk $0xffff, v29  }
0x2c7: {  	[tilespmem:s16+$0x44E0] =	vst.add.f32.msk $0xffff, v30;
	s16 =	sshra.s32 s17, $0x2;
	s17 =	sadd.s32 $0x800, s17  }
0x2c8: {  	v0 =	vld [tilespmem:s16+$0xC4F0]  }
0x2c9: {  	v1 =	vld [tilespmem:s16+$0xC300]  }
0x2ca: {  	v2 =	vld [tilespmem:s16+$0xC310]  }
0x2cb: {  	v3 =	vld [tilespmem:s16+$0xC320]  }
0x2cc: {  	v4 =	vld [tilespmem:s16+$0xC330]  }
0x2cd: {  	v63 =	vld [tilespmem:s16+$0xC340]  }
0x2ce: {  	v5 =	vld [tilespmem:s16+$0xC350]  }
0x2cf: {  	v6 =	vld [tilespmem:s16+$0xC360]  }
0x2d0: {  	v7 =	vld [tilespmem:s16+$0xC370]  }
0x2d1: {  	v8 =	vld [tilespmem:s16+$0xC380]  }
0x2d2: {  	v9 =	vld [tilespmem:s16+$0xC390]  }
0x2d3: {  	v10 =	vld [tilespmem:s16+$0xC3A0]  }
0x2d4: {  	v11 =	vld [tilespmem:s16+$0xC3B0]  }
0x2d5: {  	v12 =	vld [tilespmem:s16+$0xC3C0]  }
0x2d6: {  	v13 =	vld [tilespmem:s16+$0xC3D0]  }
0x2d7: {  	v14 =	vld [tilespmem:s16+$0xC3E0]  }
0x2d8: {  	v15 =	vld [tilespmem:s16+$0xC3F0]  }
0x2d9: {  	v16 =	vld [tilespmem:s16+$0xC400]  }
0x2da: {  	v17 =	vld [tilespmem:s16+$0xC410]  }
0x2db: {  	v18 =	vld [tilespmem:s16+$0xC420]  }
0x2dc: {  	v19 =	vld [tilespmem:s16+$0xC430]  }
0x2dd: {  	v20 =	vld [tilespmem:s16+$0xC440]  }
0x2de: {  	v21 =	vld [tilespmem:s16+$0xC450]  }
0x2df: {  	v22 =	vld [tilespmem:s16+$0xC460]  }
0x2e0: {  	v23 =	vld [tilespmem:s16+$0xC470]  }
0x2e1: {  	v24 =	vld [tilespmem:s16+$0xC480]  }
0x2e2: {  	v25 =	vld [tilespmem:s16+$0xC490]  }
0x2e3: {  	v26 =	vld [tilespmem:s16+$0xC4A0]  }
0x2e4: {  	v27 =	vld [tilespmem:s16+$0xC4B0]  }
0x2e5: {  	v28 =	vld [tilespmem:s16+$0xC4C0]  }
0x2e6: {  	v29 =	vld [tilespmem:s16+$0xC4D0]  }
0x2e7: {  	v30 =	vld [tilespmem:s16+$0xC4E0]  }
0x2e8: {  	[tilespmem:s16+$0x44F0] =	vst.add.f32.msk $0xffff, v0  }
0x2e9: {  	[tilespmem:s16+$0x4300] =	vst.add.f32.msk $0xffff, v1  }
0x2ea: {  	[tilespmem:s16+$0x4310] =	vst.add.f32.msk $0xffff, v2  }
0x2eb: {  	[tilespmem:s16+$0x4320] =	vst.add.f32.msk $0xffff, v3  }
0x2ec: {  	[tilespmem:s16+$0x4330] =	vst.add.f32.msk $0xffff, v4  }
0x2ed: {  	[tilespmem:s16+$0x4340] =	vst.add.f32.msk $0xffff, v63  }
0x2ee: {  	[tilespmem:s16+$0x4350] =	vst.add.f32.msk $0xffff, v5  }
0x2ef: {  	[tilespmem:s16+$0x4360] =	vst.add.f32.msk $0xffff, v6  }
0x2f0: {  	[tilespmem:s16+$0x4370] =	vst.add.f32.msk $0xffff, v7  }
0x2f1: {  	[tilespmem:s16+$0x4380] =	vst.add.f32.msk $0xffff, v8  }
0x2f2: {  	[tilespmem:s16+$0x4390] =	vst.add.f32.msk $0xffff, v9  }
0x2f3: {  	[tilespmem:s16+$0x43A0] =	vst.add.f32.msk $0xffff, v10  }
0x2f4: {  	[tilespmem:s16+$0x43B0] =	vst.add.f32.msk $0xffff, v11  }
0x2f5: {  	[tilespmem:s16+$0x43C0] =	vst.add.f32.msk $0xffff, v12  }
0x2f6: {  	[tilespmem:s16+$0x43D0] =	vst.add.f32.msk $0xffff, v13  }
0x2f7: {  	[tilespmem:s16+$0x43E0] =	vst.add.f32.msk $0xffff, v14  }
0x2f8: {  	[tilespmem:s16+$0x43F0] =	vst.add.f32.msk $0xffff, v15  }
0x2f9: {  	[tilespmem:s16+$0x4400] =	vst.add.f32.msk $0xffff, v16  }
0x2fa: {  	[tilespmem:s16+$0x4410] =	vst.add.f32.msk $0xffff, v17  }
0x2fb: {  	[tilespmem:s16+$0x4420] =	vst.add.f32.msk $0xffff, v18  }
0x2fc: {  	[tilespmem:s16+$0x4430] =	vst.add.f32.msk $0xffff, v19  }
0x2fd: {  	[tilespmem:s16+$0x4440] =	vst.add.f32.msk $0xffff, v20  }
0x2fe: {  	[tilespmem:s16+$0x4450] =	vst.add.f32.msk $0xffff, v21  }
0x2ff: {  	[tilespmem:s16+$0x4460] =	vst.add.f32.msk $0xffff, v22  }
0x300: {  	[tilespmem:s16+$0x4470] =	vst.add.f32.msk $0xffff, v23  }
0x301: {  	[tilespmem:s16+$0x4480] =	vst.add.f32.msk $0xffff, v24  }
0x302: {  	[tilespmem:s16+$0x4490] =	vst.add.f32.msk $0xffff, v25  }
0x303: {  	[tilespmem:s16+$0x44A0] =	vst.add.f32.msk $0xffff, v26  }
0x304: {  	[tilespmem:s16+$0x44B0] =	vst.add.f32.msk $0xffff, v27  }
0x305: {  	[tilespmem:s16+$0x44C0] =	vst.add.f32.msk $0xffff, v28  }
0x306: {  	[tilespmem:s16+$0x44D0] =	vst.add.f32.msk $0xffff, v29  }
0x307: {  	s6 =	sadd.s32 $0x1, s6;
	[tilespmem:s16+$0x44E0] =	vst.add.f32.msk $0xffff, v30  }
0x308: {  	[hbm4b:s21+s3] =	stream.linear.scatter [tilespmem:s8], [sflag:$0x8], $0x4000, $0x38;
	[tilespmem:$0x10300] =	vst v63  }
0x309: {  	p0 =	sne.s32 s6, s22;
	_ =	swait.ge [sflag:s13], $0x4000  }
.Ltmp4:
0x30a: {  	[sflag:s13] =	ssyncset.done $0x0;
	(pc) =	sbr.rel @p0 .LBB2_1-.Ltmp4, $4  }
0x30b: {  	[sflag:s13] =	ssyncadd.s32 $0xFFFFC000  }
0x30c: {  	_ =	swait.ge [sflag:s31], $0x4000  }
0x30d: {  	[sflag:s31] =	ssyncset.done $0x0  }
0x30e: {  	[sflag:s31] =	ssyncadd.s32 $0xFFFFC000  }
0x30f: {  	_ =	sfence.sel $0x180000  }
0x310: {  	[bflag:$0x0] =	sbarrier.arrive $0xFFFF  }
0x311: {  	_ =	strace $0x90000047  }
0x312: {  	s0 =	stileid.u32;
	[bflag:$0x2] =	sbarrier.arrive $0xFFFF  }
0x313: {  	p0 =	sne.s32 s0, $0x0;
	s0 =	rddreg [dreg:$0x6]  }
0x314: {  	s0 =	sadd.s32 @!p0 $0x100000, s0  }
0x315: {  	[sflag:s0] =	ssyncadd.tile.s32 @!p0 $0x1;
	_ =	shalt  }
.Lfunc_end2:
_tile_overlayer_lowered:
.L_overlay_start_2:
0x316: {  	(tag) =	ssettag $0x2  }
0x317: {  	s0 =	rddreg [dreg:$0x0];
	s2 =	stileid.u32  }
0x318: {  	s1 =	rddreg [dreg:$0x1];
	p0 =	sne.s32 s2, $0x0  }
0x319: {  	s3 =	rddreg [dreg:$0x2];
	[bflag:$0x3] =	sbarrier.arrive $0xFFFF;
	s2 =	simm.s32 @!p0 $0x1C09  }
0x31a: {  	[timem:s3], [sflag:s2] =	dma.local @!p0 [hbm:s0], s1  }
0x31b: {  	s0 =	simm.s32 @!p0 $0x9  }
0x31c: {  	_ =	swait.ge @!p0 [sflag:s0], s1  }
0x31d: {  	s1 =	ssub.s32 @!p0 $0x0, s1;
	[sflag:s0] =	ssyncset.done @!p0 $0x0  }
0x31e: {  	[sflag:s0] =	ssyncadd.s32 @!p0 s1  }
0x31f: {  	[bflag:$0x3] =	sbarrier.arrive $0xFFFF  }
0x320: {  	_ =	shalt  }

</sc_bundles>
